<compile_context>
chip_gen: v7x
topology: tpu7x:2x2x1
jax: 0.10.2.dev20260603
libtpu: 0.0.44.dev20260713+nightly
codegen_flags: <defaults>
</compile_context>

<pallas_src>
import functools

import jax
import jax.numpy as jnp
from jax import lax
from jax.experimental import pallas as pl
from jax.experimental.pallas import tpu as pltpu
from jax.experimental.pallas import tpu_sc as plsc

NN = 10000
EE = 160000
DD = 128
KO = 64

NC = 2
NS = 16
KC = 128
EPAD = 163840
NCHREL = EPAD // KC
NPAD = 10240
STRIPE = NPAD // NS
DUMMY = NN
MAXCH = NCHREL // NS
NCHPAD = NCHREL
IGRP = 8

_mesh = plsc.VectorSubcoreMesh(
    core_axis_name="c", subcore_axis_name="s", num_cores=NC, num_subcores=NS)


def _seg_body(ntpp, nphases, ytab, src3, dst3, sums,
              srcv, dstv, rows, zidx, acc, sem):
  cid = lax.axis_index("c")
  sid = lax.axis_index("s")

  zvec = jnp.zeros((16,), jnp.float32)
  iot = lax.iota(jnp.int32, 16)

  def zero_row(i, carry0):
    for cc in range(DD // 16):
      rows[i, pl.ds(cc * 16, 16)] = zvec
    return carry0

  def set_zidx(base):
    for v in range(KC // 16):
      zidx[0, pl.ds(v * 16, 16)] = iot + (base + v * 16)

  def one_task(t, carry):
    tt = t % ntpp
    phase = t // ntpp
    is_half = jnp.logical_or(jnp.logical_and(cid == 0, tt == ntpp - 1),
                             jnp.logical_and(cid == 1, tt == 0))
    is_2nd_half = jnp.logical_and(cid == 1, tt == 0)
    nch = jnp.where(is_half, MAXCH // 2, MAXCH)
    rel = tt + (ntpp - 1) * cid + 5 * phase
    c0 = sid * nch + jnp.where(is_2nd_half, NCHREL // 2, 0)
    slot = tt + ntpp * cid + 2 * ntpp * phase

    lax.fori_loop(0, KC, zero_row, 0)
    r0 = sid * STRIPE
    for q in range(STRIPE // KC):
      set_zidx(r0 + q * KC)
      pltpu.sync_copy(rows, acc.at[zidx.at[0]])
    plsc.subcore_barrier()

    def group(g, carry1):
      gb = rel * NCHPAD + c0 + g * IGRP
      pltpu.sync_copy(src3.at[pl.ds(gb, IGRP)], srcv)
      pltpu.sync_copy(dst3.at[pl.ds(gb, IGRP)], dstv)

      def chunk(j, carry2):
        pltpu.async_copy(ytab.at[srcv.at[j]], rows, sem).wait()
        pltpu.sync_copy(rows, acc.at[dstv.at[j]], add=True)
        return carry2

      lax.fori_loop(0, IGRP, chunk, 0)
      return carry1

    lax.fori_loop(0, nch // IGRP, group, 0)
    plsc.subcore_barrier()

    for q in range(STRIPE // KC):
      rq = r0 + q * KC
      set_zidx(rq)
      pltpu.sync_copy(acc.at[zidx.at[0]], rows)
      pltpu.sync_copy(rows, sums.at[pl.ds(slot * NPAD + rq, KC)])
    plsc.subcore_barrier()
    return carry

  lax.fori_loop(0, ntpp * nphases, one_task, 0)


def _make_seg_kernel(ntpp, nphases, nslots, name):
  return pl.kernel(
      functools.partial(_seg_body, ntpp, nphases),
      out_type=jax.ShapeDtypeStruct((nslots * NPAD, DD), jnp.float32),
      mesh=_mesh,
      scratch_types=[
          pltpu.VMEM((IGRP, KC), jnp.int32),
          pltpu.VMEM((IGRP, KC), jnp.int32),
          pltpu.VMEM((KC, DD), jnp.float32),
          pltpu.VMEM((1, KC), jnp.int32),
          pltpu.VMEM_SHARED((NPAD, DD), jnp.float32),
          pltpu.SemaphoreType.DMA,
      ],
      name=name,
  )


_seg_l0 = _make_seg_kernel(3, 2, 12, "seg_sums_l0")

_seg_l1 = _make_seg_kernel(2, 1, 4, "seg_sums_l1")



_BN = 1000


def _stage_a_body(x_ref, w_ref, o_ref):
  o_ref[...] = jnp.dot(x_ref[0], w_ref[0],
                       preferred_element_type=jnp.float32)


def _stage_a(xsrc, w0l):
  nb = NN // _BN
  return pl.pallas_call(
      _stage_a_body,
      grid=(5, nb),
      in_specs=[
          pl.BlockSpec((1, _BN, DD), lambda r, b: (r, b, 0)),
          pl.BlockSpec((1, DD, DD), lambda r, b: (r, 0, 0)),
      ],
      out_specs=pl.BlockSpec((_BN, DD), lambda r, b: (r * nb + b, 0)),
      out_shape=jax.ShapeDtypeStruct((5 * NN, DD), jnp.float32),
  )(xsrc, w0l)


def _stage_c_body(sums_ref, cnts_ref, xs_ref, w_ref, b_ref, y1_ref, z1_ref):
  c = jnp.maximum(cnts_ref[:, :, 0:1], 1.0)
  m_i2f = sums_ref[0] / c[0]
  m_f2f = sums_ref[1] / c[1]
  m_o2f = (sums_ref[2] + sums_ref[3]) / jnp.maximum(
      cnts_ref[2, :, 0:1] + cnts_ref[3, :, 0:1], 1.0)
  m_f2i = sums_ref[4] / c[4]
  m_f2o = sums_ref[5] / c[5]
  x_in, x_fun, x_out = xs_ref[0], xs_ref[1], xs_ref[2]
  dot = lambda a, wi: jnp.dot(a, w_ref[wi],
                              preferred_element_type=jnp.float32)
  f0 = jax.nn.relu(m_i2f + m_f2f + m_o2f + b_ref[0, 0] + dot(x_fun, 0))
  i0 = jax.nn.relu(m_f2i + b_ref[0, 1] + dot(x_in, 1))
  o0 = jax.nn.relu(m_f2o + b_ref[0, 2] + dot(x_out, 2))
  y1_ref[0] = dot(i0, 3)
  y1_ref[1] = dot(f0, 4)
  y1_ref[2] = dot(o0, 5)
  z1_ref[...] = dot(f0, 6) + b_ref[0, 3]


def _stage_c(sums, cnts, xs, wpack, bpack):
  nb = NN // _BN
  return pl.pallas_call(
      _stage_c_body,
      grid=(nb,),
      in_specs=[
          pl.BlockSpec((6, _BN, DD), lambda b: (0, b, 0)),
          pl.BlockSpec((6, _BN, DD), lambda b: (0, b, 0)),
          pl.BlockSpec((3, _BN, DD), lambda b: (0, b, 0)),
          pl.BlockSpec((7, DD, DD), lambda b: (0, 0, 0)),
          pl.BlockSpec((1, 4, DD), lambda b: (0, 0, 0)),
      ],
      out_specs=[
          pl.BlockSpec((3, _BN, DD), lambda b: (0, b, 0)),
          pl.BlockSpec((_BN, DD), lambda b: (b, 0)),
      ],
      out_shape=[
          jax.ShapeDtypeStruct((3, NN, DD), jnp.float32),
          jax.ShapeDtypeStruct((NN, DD), jnp.float32),
      ],
  )(sums, cnts, xs, wpack, bpack)


def _stage_e_body(s1_ref, cnts_ref, z1_ref, w_ref, b_ref, o_ref):
  c_i2f = jnp.maximum(cnts_ref[0, :, 0:1], 1.0)
  c_f2f = jnp.maximum(cnts_ref[1, :, 0:1], 1.0)
  c_o2f = jnp.maximum(cnts_ref[2, :, 0:1] + cnts_ref[3, :, 0:1], 1.0)
  f1 = jax.nn.relu(s1_ref[0] / c_i2f + (s1_ref[1] + s1_ref[2]) / c_f2f +
                   s1_ref[3] / c_o2f + z1_ref[...])
  o_ref[...] = jnp.dot(f1, w_ref[...],
                       preferred_element_type=jnp.float32) + b_ref[...]


def _stage_e(sums1, cnts, z1, linw, linb):
  nb = NN // _BN
  return pl.pallas_call(
      _stage_e_body,
      grid=(nb,),
      in_specs=[
          pl.BlockSpec((4, _BN, DD), lambda b: (0, b, 0)),
          pl.BlockSpec((4, _BN, DD), lambda b: (0, b, 0)),
          pl.BlockSpec((_BN, DD), lambda b: (b, 0)),
          pl.BlockSpec((DD, KO), lambda b: (0, 0)),
          pl.BlockSpec((1, KO), lambda b: (0, 0)),
      ],
      out_specs=pl.BlockSpec((_BN, KO), lambda b: (b, 0)),
      out_shape=jax.ShapeDtypeStruct((NN, KO), jnp.float32),
  )(sums1, cnts, z1, linw, linb)


def kernel(x_input, x_function, x_output, ei_i2f, ei_f2i, ei_f2f, ei_o2f,
           ei_f2o, params):
  eis = [ei_i2f, ei_f2f, ei_o2f, ei_f2i, ei_f2o]
  srcs = jnp.stack([e[0] for e in eis])
  dsts = jnp.stack([e[1] for e in eis])
  pad = EPAD - EE
  chpad = ((0, 0), (0, NCHPAD - NCHREL), (0, 0))
  offs = (jnp.arange(5, dtype=jnp.int32) * NN)[:, None]
  src3 = jnp.pad(
      (jnp.pad(srcs, ((0, 0), (0, pad))) + offs).reshape(5, NCHREL, KC),
      chpad)
  dst3 = jnp.pad(
      jnp.pad(dsts, ((0, 0), (0, pad)),
              constant_values=DUMMY).reshape(5, NCHREL, KC),
      chpad, constant_values=DUMMY)

  p0, p1, lin = params['layer0'], params['layer1'], params['lin']
  rels = ['i2f', 'f2f', 'o2f', 'f2i', 'f2o']
  w0l = jnp.stack([p0[r]['Wl'] for r in rels])
  wpack = jnp.stack([
      p0['i2f']['Wr'] + p0['f2f']['Wr'] + p0['o2f']['Wr'],
      p0['f2i']['Wr'],
      p0['f2o']['Wr'],
      p1['i2f']['Wl'],
      p1['f2f']['Wl'],
      p1['o2f']['Wl'],
      p1['i2f']['Wr'] + p1['f2f']['Wr'] + p1['o2f']['Wr'],
  ])
  bpack = jnp.stack([
      p0['i2f']['bl'] + p0['f2f']['bl'] + p0['o2f']['bl'],
      p0['f2i']['bl'],
      p0['f2o']['bl'],
      p1['i2f']['bl'] + p1['f2f']['bl'] + p1['o2f']['bl'],
  ])[None]

  xs = jnp.stack([x_input, x_function, x_output])
  xsrc = jnp.stack([x_input, x_function, x_output, x_function, x_function])

  src2 = src3.reshape(5 * NCHPAD, KC)
  dst2 = dst3.reshape(5 * NCHPAD, KC)
  src2f = jnp.concatenate([src2, jnp.full_like(src2, 5 * NN)])
  dst2f = jnp.concatenate([dst2, dst2])

  ytab0 = _stage_a(xsrc, w0l)
  ytab0 = jnp.concatenate([ytab0, jnp.ones((8, DD), jnp.float32)])
  out0 = _seg_l0(ytab0, src2f, dst2f)
  sums0 = out0[:6 * NPAD].reshape(6, NPAD, DD)
  cnts = out0[6 * NPAD:].reshape(6, NPAD, DD)
  y1, z1 = _stage_c(sums0, cnts, xs, wpack, bpack)
  sums1 = _seg_l1(y1.reshape(3 * NN, DD), src2[:3 * NCHPAD],
                  dst2[:3 * NCHPAD])
  sums1 = sums1.reshape(4, NPAD, DD)
  return _stage_e(sums1, cnts[:4], z1, lin['W'], lin['b'][None])

# --- scband reference (transcript-rebuilt; emitter-appended) ---
"""Pipeline reference for scband-hetero-gnn-16466904613534 (READ-ONLY COPY).

The authoritative reference and input builder live on the scoring server;
editing this copy changes nothing except your own understanding.
"""

import jax, jax.numpy as jnp
import numpy as np

N = 10000
E = 160000
D = 128
H = 128
OUT = 64
RELS = ['i2f', 'f2i', 'f2f', 'o2f', 'f2o']


def setup_inputs(seed: int = 0) -> dict:
    key = jax.random.key(seed)
    keys = iter(jax.random.split(key, 64))
    inp = {}
    inp['x_input'] = jax.random.normal(next(keys), (N, D), dtype=jnp.float32)
    inp['x_function'] = jax.random.normal(next(keys), (N, D), dtype=jnp.float32)
    inp['x_output'] = jax.random.normal(next(keys), (N, D), dtype=jnp.float32)
    for r in RELS:
        inp['ei_' + r] = jax.random.randint(next(keys), (2, E), 0, N, dtype=jnp.int32)
    params = {}
    for l in range(2):
        lp = {}
        for r in RELS:
            lp[r] = {
                'Wl': jax.random.normal(next(keys), (D, H), dtype=jnp.float32) * (1.0 / np.sqrt(D)),
                'bl': jnp.zeros((H,), dtype=jnp.float32),
                'Wr': jax.random.normal(next(keys), (D, H), dtype=jnp.float32) * (1.0 / np.sqrt(D)),
            }
        params['layer%d' % l] = lp
    params['lin'] = {
        'W': jax.random.normal(next(keys), (H, OUT), dtype=jnp.float32) * (1.0 / np.sqrt(H)),
        'b': jnp.zeros((OUT,), dtype=jnp.float32),
    }
    inp['params'] = params
    return inp


def _sage(x_src, x_dst, ei, p):
    # PyG SAGEConv: out = lin_l(mean_aggr(x_src over incoming edges)) + lin_r(x_dst)
    src, dst = ei[0], ei[1]
    msgs = jnp.take(x_src, src, axis=0)
    n_dst = x_dst.shape[0]
    summed = jax.ops.segment_sum(msgs, dst, num_segments=n_dst)
    cnt = jax.ops.segment_sum(jnp.ones((src.shape[0],), x_src.dtype), dst, num_segments=n_dst)
    mean = summed / jnp.maximum(cnt, 1.0)[:, None]
    return mean @ p['Wl'] + p['bl'] + x_dst @ p['Wr']


def reference(x_input, x_function, x_output, ei_i2f, ei_f2i, ei_f2f, ei_o2f, ei_f2o, params):
    x = {'input': x_input, 'function': x_function, 'output': x_output}
    ei = {'i2f': ei_i2f, 'f2i': ei_f2i, 'f2f': ei_f2f, 'o2f': ei_o2f, 'f2o': ei_f2o}
    for l in range(2):
        p = params['layer%d' % l]
        # HeteroConv with aggr='sum': sum per-relation SAGE outputs grouped by dst node type
        f = (_sage(x['input'], x['function'], ei['i2f'], p['i2f'])
             + _sage(x['function'], x['function'], ei['f2f'], p['f2f'])
             + _sage(x['output'], x['function'], ei['o2f'], p['o2f']))
        i = _sage(x['function'], x['input'], ei['f2i'], p['f2i'])
        o = _sage(x['function'], x['output'], ei['f2o'], p['f2o'])
        x = {'input': jax.nn.relu(i), 'function': jax.nn.relu(f), 'output': jax.nn.relu(o)}
    return x['function'] @ params['lin']['W'] + params['lin']['b']

if __name__ == "__main__":
    import jax
    _d = setup_inputs()
    print(jax.jit(kernel)(*tuple(_d.values())))

</pallas_src>

<mosaic_0001>
#map = affine_map<(d0, d1) -> (0, 0)>
module attributes {stable_mosaic.version = 14 : i64} {
  func.func @seg_sums_l0(%arg0: i32, %arg1: i32, %arg2: memref<50008x128xf32, #tpu.memory_space<hbm>>, %arg3: memref<12800x128xi32, #tpu.memory_space<hbm>>, %arg4: memref<12800x128xi32, #tpu.memory_space<hbm>>, %arg5: memref<122880x128xf32, #tpu.memory_space<hbm>>, %arg6: memref<8x128xi32, #tpu.memory_space<vmem>>, %arg7: memref<8x128xi32, #tpu.memory_space<vmem>>, %arg8: memref<128x128xf32, #tpu.memory_space<vmem>>, %arg9: memref<1x128xi32, #tpu.memory_space<vmem>>, %arg10: memref<10240x128xf32, #tpu.memory_space<vmem_shared>>, %arg11: memref<!tpu.dma_semaphore, #tpu.memory_space<semaphore_mem>>) attributes {dimension_semantics = [#tpu.dimension_semantics<core_parallel>, #tpu.dimension_semantics<subcore_parallel>], iteration_bounds = array<i64: 2, 16>, scalar_prefetch = 0 : i64, scratch_operands = 6 : i64, tpu.core_type = #tpu.core_type<sc_vector_subcore>, window_params = [{transform_indices = #map}, {transform_indices = #map}, {transform_indices = #map}, {transform_indices = #map}]} {
    %broadcast_in_dim3A = arith.constant 0.000000e+00 : f32
    %broadcast_in_dim3A_0 = vector.broadcast %broadcast_in_dim3A : f32 to vector<16xf32>
    %iota3A = tpu.iota {dimensions = array<i32: 0>} : vector<16xi32>
    %scan3A = arith.constant 0 : i32
    %scan3A_1 = arith.constant 0 : i32
    %scan3A_2 = arith.constant 6 : i32
    %scan3A_3 = arith.addi %scan3A_1, %scan3A_2 : i32
    %scan3A_4 = arith.constant 1 : i32
    scf.for %scan3A_6 = %scan3A_1 to %scan3A_3 step %scan3A_4  : i32 {
      %jit3A = arith.constant 3 : i32
      %eq3A = arith.constant 0 : i32
      %eq3A_7 = arith.cmpi eq, %jit3A, %eq3A : i32
      %jit3A_8 = arith.constant 1 : i32
      %select_n3A = arith.select %eq3A_7, %jit3A_8, %jit3A : i32
      %rem3A = arith.remsi %scan3A_6, %select_n3A : i32
      %ne3A = arith.constant 0 : i32
      %ne3A_9 = arith.cmpi ne, %rem3A, %ne3A : i32
      %lt3A = arith.constant 0 : i32
      %lt3A_10 = arith.cmpi slt, %rem3A, %lt3A : i32
      %lt3A_11 = arith.constant 0 : i32
      %lt3A_12 = arith.cmpi slt, %select_n3A, %lt3A_11 : i32
      %ne3A_13 = arith.xori %lt3A_10, %lt3A_12 : i1
      %and3A = arith.andi %ne3A_13, %ne3A_9 : i1
      %add3A = arith.addi %rem3A, %select_n3A : i32
      %select_n3A_14 = arith.select %and3A, %add3A, %rem3A : i32
      %jit3A_15 = arith.constant 3 : i32
      %div3A = arith.divsi %scan3A_6, %jit3A_15 : i32
      %sign3A = arith.constant 0 : i32
      %sign3A_16 = arith.cmpi sgt, %scan3A_6, %sign3A : i32
      %sign3A_17 = arith.extui %sign3A_16 : i1 to i32
      %sign3A_18 = arith.constant 0 : i32
      %sign3A_19 = arith.cmpi slt, %scan3A_6, %sign3A_18 : i32
      %sign3A_20 = arith.extui %sign3A_19 : i1 to i32
      %sign3A_21 = arith.subi %sign3A_17, %sign3A_20 : i32
      %sign3A_22 = arith.constant 0 : i32
      %sign3A_23 = arith.cmpi sgt, %jit3A_15, %sign3A_22 : i32
      %sign3A_24 = arith.extui %sign3A_23 : i1 to i32
      %sign3A_25 = arith.constant 0 : i32
      %sign3A_26 = arith.cmpi slt, %jit3A_15, %sign3A_25 : i32
      %sign3A_27 = arith.extui %sign3A_26 : i1 to i32
      %sign3A_28 = arith.subi %sign3A_24, %sign3A_27 : i32
      %ne3A_29 = arith.cmpi ne, %sign3A_21, %sign3A_28 : i32
      %rem3A_30 = arith.remsi %scan3A_6, %jit3A_15 : i32
      %ne3A_31 = arith.constant 0 : i32
      %ne3A_32 = arith.cmpi ne, %rem3A_30, %ne3A_31 : i32
      %and3A_33 = arith.andi %ne3A_29, %ne3A_32 : i1
      %sub3A = arith.constant 1 : i32
      %sub3A_34 = arith.subi %div3A, %sub3A : i32
      %select_n3A_35 = arith.select %and3A_33, %sub3A_34, %div3A : i32
      %eq3A_36 = arith.constant 0 : i32
      %eq3A_37 = arith.cmpi eq, %arg0, %eq3A_36 : i32
      %eq3A_38 = arith.constant 2 : i32
      %eq3A_39 = arith.cmpi eq, %select_n3A_14, %eq3A_38 : i32
      %and3A_40 = arith.andi %eq3A_37, %eq3A_39 : i1
      %eq3A_41 = arith.constant 1 : i32
      %eq3A_42 = arith.cmpi eq, %arg0, %eq3A_41 : i32
      %eq3A_43 = arith.constant 0 : i32
      %eq3A_44 = arith.cmpi eq, %select_n3A_14, %eq3A_43 : i32
      %and3A_45 = arith.andi %eq3A_42, %eq3A_44 : i1
      %or3A = arith.ori %and3A_40, %and3A_45 : i1
      %eq3A_46 = arith.constant 1 : i32
      %eq3A_47 = arith.cmpi eq, %arg0, %eq3A_46 : i32
      %eq3A_48 = arith.constant 0 : i32
      %eq3A_49 = arith.cmpi eq, %select_n3A_14, %eq3A_48 : i32
      %and3A_50 = arith.andi %eq3A_47, %eq3A_49 : i1
      %jit3A_51 = arith.constant 40 : i32
      %jit3A_52 = arith.constant 80 : i32
      %select_n3A_53 = arith.select %or3A, %jit3A_51, %jit3A_52 : i32
      %mul3A = arith.constant 2 : i32
      %mul3A_54 = arith.muli %mul3A, %arg0 : i32
      %add3A_55 = arith.addi %select_n3A_14, %mul3A_54 : i32
      %mul3A_56 = arith.constant 5 : i32
      %mul3A_57 = arith.muli %mul3A_56, %select_n3A_35 : i32
      %add3A_58 = arith.addi %add3A_55, %mul3A_57 : i32
      %mul3A_59 = arith.muli %arg1, %select_n3A_53 : i32
      %jit3A_60 = arith.constant 640 : i32
      %jit3A_61 = arith.constant 0 : i32
      %select_n3A_62 = arith.select %and3A_50, %jit3A_60, %jit3A_61 : i32
      %add3A_63 = arith.addi %mul3A_59, %select_n3A_62 : i32
      %mul3A_64 = arith.constant 3 : i32
      %mul3A_65 = arith.muli %mul3A_64, %arg0 : i32
      %add3A_66 = arith.addi %select_n3A_14, %mul3A_65 : i32
      %mul3A_67 = arith.constant 6 : i32
      %mul3A_68 = arith.muli %mul3A_67, %select_n3A_35 : i32
      %add3A_69 = arith.addi %add3A_66, %mul3A_68 : i32
      %scan3A_70 = arith.constant 0 : i32
      %scan3A_71 = arith.constant 0 : i32
      %scan3A_72 = arith.constant 128 : i32
      %scan3A_73 = arith.addi %scan3A_71, %scan3A_72 : i32
      %scan3A_74 = arith.constant 1 : i32
      scf.for %scan3A_956 = %scan3A_71 to %scan3A_73 step %scan3A_74  : i32 {
        %swap3A_957 = arith.index_cast %scan3A_956 : i32 to index
        %swap3A_958 = arith.constant 0 : index
        %swap3A_959 = tpu.vector_load %arg8[%swap3A_957, %swap3A_958] {strides = array<i32>} : memref<128x128xf32, #tpu.memory_space<vmem>>, vector<1x16xf32>,
        %swap3A_960 = vector.shape_cast %swap3A_959 : vector<1x16xf32> to vector<16xf32>
        %swap3A_961 = vector.shape_cast %broadcast_in_dim3A_0 : vector<16xf32> to vector<1x16xf32>
        tpu.vector_store %arg8[%swap3A_957, %swap3A_958], %swap3A_961 {strides = array<i32>} : memref<128x128xf32, #tpu.memory_space<vmem>>, vector<1x16xf32>,
        %swap3A_962 = arith.index_cast %scan3A_956 : i32 to index
        %swap3A_963 = arith.constant 16 : index
        %swap3A_964 = tpu.vector_load %arg8[%swap3A_962, %swap3A_963] {strides = array<i32>} : memref<128x128xf32, #tpu.memory_space<vmem>>, vector<1x16xf32>,
        %swap3A_965 = vector.shape_cast %swap3A_964 : vector<1x16xf32> to vector<16xf32>
        %swap3A_966 = vector.shape_cast %broadcast_in_dim3A_0 : vector<16xf32> to vector<1x16xf32>
        tpu.vector_store %arg8[%swap3A_962, %swap3A_963], %swap3A_966 {strides = array<i32>} : memref<128x128xf32, #tpu.memory_space<vmem>>, vector<1x16xf32>,
        %swap3A_967 = arith.index_cast %scan3A_956 : i32 to index
        %swap3A_968 = arith.constant 32 : index
        %swap3A_969 = tpu.vector_load %arg8[%swap3A_967, %swap3A_968] {strides = array<i32>} : memref<128x128xf32, #tpu.memory_space<vmem>>, vector<1x16xf32>,
        %swap3A_970 = vector.shape_cast %swap3A_969 : vector<1x16xf32> to vector<16xf32>
        %swap3A_971 = vector.shape_cast %broadcast_in_dim3A_0 : vector<16xf32> to vector<1x16xf32>
        tpu.vector_store %arg8[%swap3A_967, %swap3A_968], %swap3A_971 {strides = array<i32>} : memref<128x128xf32, #tpu.memory_space<vmem>>, vector<1x16xf32>,
        %swap3A_972 = arith.index_cast %scan3A_956 : i32 to index
        %swap3A_973 = arith.constant 48 : index
        %swap3A_974 = tpu.vector_load %arg8[%swap3A_972, %swap3A_973] {strides = array<i32>} : memref<128x128xf32, #tpu.memory_space<vmem>>, vector<1x16xf32>,
        %swap3A_975 = vector.shape_cast %swap3A_974 : vector<1x16xf32> to vector<16xf32>
        %swap3A_976 = vector.shape_cast %broadcast_in_dim3A_0 : vector<16xf32> to vector<1x16xf32>
        tpu.vector_store %arg8[%swap3A_972, %swap3A_973], %swap3A_976 {strides = array<i32>} : memref<128x128xf32, #tpu.memory_space<vmem>>, vector<1x16xf32>,
        %swap3A_977 = arith.index_cast %scan3A_956 : i32 to index
        %swap3A_978 = arith.constant 64 : index
        %swap3A_979 = tpu.vector_load %arg8[%swap3A_977, %swap3A_978] {strides = array<i32>} : memref<128x128xf32, #tpu.memory_space<vmem>>, vector<1x16xf32>,
        %swap3A_980 = vector.shape_cast %swap3A_979 : vector<1x16xf32> to vector<16xf32>
        %swap3A_981 = vector.shape_cast %broadcast_in_dim3A_0 : vector<16xf32> to vector<1x16xf32>
        tpu.vector_store %arg8[%swap3A_977, %swap3A_978], %swap3A_981 {strides = array<i32>} : memref<128x128xf32, #tpu.memory_space<vmem>>, vector<1x16xf32>,
        %swap3A_982 = arith.index_cast %scan3A_956 : i32 to index
        %swap3A_983 = arith.constant 80 : index
        %swap3A_984 = tpu.vector_load %arg8[%swap3A_982, %swap3A_983] {strides = array<i32>} : memref<128x128xf32, #tpu.memory_space<vmem>>, vector<1x16xf32>,
        %swap3A_985 = vector.shape_cast %swap3A_984 : vector<1x16xf32> to vector<16xf32>
        %swap3A_986 = vector.shape_cast %broadcast_in_dim3A_0 : vector<16xf32> to vector<1x16xf32>
        tpu.vector_store %arg8[%swap3A_982, %swap3A_983], %swap3A_986 {strides = array<i32>} : memref<128x128xf32, #tpu.memory_space<vmem>>, vector<1x16xf32>,
        %swap3A_987 = arith.index_cast %scan3A_956 : i32 to index
        %swap3A_988 = arith.constant 96 : index
        %swap3A_989 = tpu.vector_load %arg8[%swap3A_987, %swap3A_988] {strides = array<i32>} : memref<128x128xf32, #tpu.memory_space<vmem>>, vector<1x16xf32>,
        %swap3A_990 = vector.shape_cast %swap3A_989 : vector<1x16xf32> to vector<16xf32>
        %swap3A_991 = vector.shape_cast %broadcast_in_dim3A_0 : vector<16xf32> to vector<1x16xf32>
        tpu.vector_store %arg8[%swap3A_987, %swap3A_988], %swap3A_991 {strides = array<i32>} : memref<128x128xf32, #tpu.memory_space<vmem>>, vector<1x16xf32>,
        %swap3A_992 = arith.index_cast %scan3A_956 : i32 to index
        %swap3A_993 = arith.constant 112 : index
        %swap3A_994 = tpu.vector_load %arg8[%swap3A_992, %swap3A_993] {strides = array<i32>} : memref<128x128xf32, #tpu.memory_space<vmem>>, vector<1x16xf32>,
        %swap3A_995 = vector.shape_cast %swap3A_994 : vector<1x16xf32> to vector<16xf32>
        %swap3A_996 = vector.shape_cast %broadcast_in_dim3A_0 : vector<16xf32> to vector<1x16xf32>
        tpu.vector_store %arg8[%swap3A_992, %swap3A_993], %swap3A_996 {strides = array<i32>} : memref<128x128xf32, #tpu.memory_space<vmem>>, vector<1x16xf32>,
      }
      %scan3A_75 = arith.constant 128 : i32
      %mul3A_76 = arith.constant 640 : i32
      %mul3A_77 = arith.muli %arg1, %mul3A_76 : i32
      %add3A_78 = arith.constant 0 : i32
      %add3A_79 = arith.addi %mul3A_77, %add3A_78 : i32
      %add3A_80 = arith.constant 0 : i32
      %add3A_81 = arith.addi %add3A_79, %add3A_80 : i32
      %add3A_82 = vector.broadcast %add3A_81 : i32 to vector<16xi32>
      %add3A_83 = arith.addi %iota3A, %add3A_82 : vector<16xi32>
      %swap3A = arith.constant 0 : i32
      %swap3A_84 = arith.index_cast %swap3A : i32 to index
      %swap3A_85 = arith.constant 0 : index
      %swap3A_86 = tpu.vector_load %arg9[%swap3A_84, %swap3A_85] {strides = array<i32>} : memref<1x128xi32, #tpu.memory_space<vmem>>, vector<1x16xi32>,
      %swap3A_87 = vector.shape_cast %swap3A_86 : vector<1x16xi32> to vector<16xi32>
      %swap3A_88 = vector.shape_cast %add3A_83 : vector<16xi32> to vector<1x16xi32>
      tpu.vector_store %arg9[%swap3A_84, %swap3A_85], %swap3A_88 {strides = array<i32>} : memref<1x128xi32, #tpu.memory_space<vmem>>, vector<1x16xi32>,
      %add3A_89 = arith.constant 16 : i32
      %add3A_90 = arith.addi %add3A_79, %add3A_89 : i32
      %add3A_91 = vector.broadcast %add3A_90 : i32 to vector<16xi32>
      %add3A_92 = arith.addi %iota3A, %add3A_91 : vector<16xi32>
      %swap3A_93 = arith.constant 0 : i32
      %swap3A_94 = arith.index_cast %swap3A_93 : i32 to index
      %swap3A_95 = arith.constant 16 : index
      %swap3A_96 = tpu.vector_load %arg9[%swap3A_94, %swap3A_95] {strides = array<i32>} : memref<1x128xi32, #tpu.memory_space<vmem>>, vector<1x16xi32>,
      %swap3A_97 = vector.shape_cast %swap3A_96 : vector<1x16xi32> to vector<16xi32>
      %swap3A_98 = vector.shape_cast %add3A_92 : vector<16xi32> to vector<1x16xi32>
      tpu.vector_store %arg9[%swap3A_94, %swap3A_95], %swap3A_98 {strides = array<i32>} : memref<1x128xi32, #tpu.memory_space<vmem>>, vector<1x16xi32>,
      %add3A_99 = arith.constant 32 : i32
      %add3A_100 = arith.addi %add3A_79, %add3A_99 : i32
      %add3A_101 = vector.broadcast %add3A_100 : i32 to vector<16xi32>
      %add3A_102 = arith.addi %iota3A, %add3A_101 : vector<16xi32>
      %swap3A_103 = arith.constant 0 : i32
      %swap3A_104 = arith.index_cast %swap3A_103 : i32 to index
      %swap3A_105 = arith.constant 32 : index
      %swap3A_106 = tpu.vector_load %arg9[%swap3A_104, %swap3A_105] {strides = array<i32>} : memref<1x128xi32, #tpu.memory_space<vmem>>, vector<1x16xi32>,
      %swap3A_107 = vector.shape_cast %swap3A_106 : vector<1x16xi32> to vector<16xi32>
      %swap3A_108 = vector.shape_cast %add3A_102 : vector<16xi32> to vector<1x16xi32>
      tpu.vector_store %arg9[%swap3A_104, %swap3A_105], %swap3A_108 {strides = array<i32>} : memref<1x128xi32, #tpu.memory_space<vmem>>, vector<1x16xi32>,
      %add3A_109 = arith.constant 48 : i32
      %add3A_110 = arith.addi %add3A_79, %add3A_109 : i32
      %add3A_111 = vector.broadcast %add3A_110 : i32 to vector<16xi32>
      %add3A_112 = arith.addi %iota3A, %add3A_111 : vector<16xi32>
      %swap3A_113 = arith.constant 0 : i32
      %swap3A_114 = arith.index_cast %swap3A_113 : i32 to index
      %swap3A_115 = arith.constant 48 : index
      %swap3A_116 = tpu.vector_load %arg9[%swap3A_114, %swap3A_115] {strides = array<i32>} : memref<1x128xi32, #tpu.memory_space<vmem>>, vector<1x16xi32>,
      %swap3A_117 = vector.shape_cast %swap3A_116 : vector<1x16xi32> to vector<16xi32>
      %swap3A_118 = vector.shape_cast %add3A_112 : vector<16xi32> to vector<1x16xi32>
      tpu.vector_store %arg9[%swap3A_114, %swap3A_115], %swap3A_118 {strides = array<i32>} : memref<1x128xi32, #tpu.memory_space<vmem>>, vector<1x16xi32>,
      %add3A_119 = arith.constant 64 : i32
      %add3A_120 = arith.addi %add3A_79, %add3A_119 : i32
      %add3A_121 = vector.broadcast %add3A_120 : i32 to vector<16xi32>
      %add3A_122 = arith.addi %iota3A, %add3A_121 : vector<16xi32>
      %swap3A_123 = arith.constant 0 : i32
      %swap3A_124 = arith.index_cast %swap3A_123 : i32 to index
      %swap3A_125 = arith.constant 64 : index
      %swap3A_126 = tpu.vector_load %arg9[%swap3A_124, %swap3A_125] {strides = array<i32>} : memref<1x128xi32, #tpu.memory_space<vmem>>, vector<1x16xi32>,
      %swap3A_127 = vector.shape_cast %swap3A_126 : vector<1x16xi32> to vector<16xi32>
      %swap3A_128 = vector.shape_cast %add3A_122 : vector<16xi32> to vector<1x16xi32>
      tpu.vector_store %arg9[%swap3A_124, %swap3A_125], %swap3A_128 {strides = array<i32>} : memref<1x128xi32, #tpu.memory_space<vmem>>, vector<1x16xi32>,
      %add3A_129 = arith.constant 80 : i32
      %add3A_130 = arith.addi %add3A_79, %add3A_129 : i32
      %add3A_131 = vector.broadcast %add3A_130 : i32 to vector<16xi32>
      %add3A_132 = arith.addi %iota3A, %add3A_131 : vector<16xi32>
      %swap3A_133 = arith.constant 0 : i32
      %swap3A_134 = arith.index_cast %swap3A_133 : i32 to index
      %swap3A_135 = arith.constant 80 : index
      %swap3A_136 = tpu.vector_load %arg9[%swap3A_134, %swap3A_135] {strides = array<i32>} : memref<1x128xi32, #tpu.memory_space<vmem>>, vector<1x16xi32>,
      %swap3A_137 = vector.shape_cast %swap3A_136 : vector<1x16xi32> to vector<16xi32>
      %swap3A_138 = vector.shape_cast %add3A_132 : vector<16xi32> to vector<1x16xi32>
      tpu.vector_store %arg9[%swap3A_134, %swap3A_135], %swap3A_138 {strides = array<i32>} : memref<1x128xi32, #tpu.memory_space<vmem>>, vector<1x16xi32>,
      %add3A_139 = arith.constant 96 : i32
      %add3A_140 = arith.addi %add3A_79, %add3A_139 : i32
      %add3A_141 = vector.broadcast %add3A_140 : i32 to vector<16xi32>
      %add3A_142 = arith.addi %iota3A, %add3A_141 : vector<16xi32>
      %swap3A_143 = arith.constant 0 : i32
      %swap3A_144 = arith.index_cast %swap3A_143 : i32 to index
      %swap3A_145 = arith.constant 96 : index
      %swap3A_146 = tpu.vector_load %arg9[%swap3A_144, %swap3A_145] {strides = array<i32>} : memref<1x128xi32, #tpu.memory_space<vmem>>, vector<1x16xi32>,
      %swap3A_147 = vector.shape_cast %swap3A_146 : vector<1x16xi32> to vector<16xi32>
      %swap3A_148 = vector.shape_cast %add3A_142 : vector<16xi32> to vector<1x16xi32>
      tpu.vector_store %arg9[%swap3A_144, %swap3A_145], %swap3A_148 {strides = array<i32>} : memref<1x128xi32, #tpu.memory_space<vmem>>, vector<1x16xi32>,
      %add3A_149 = arith.constant 112 : i32
      %add3A_150 = arith.addi %add3A_79, %add3A_149 : i32
      %add3A_151 = vector.broadcast %add3A_150 : i32 to vector<16xi32>
      %add3A_152 = arith.addi %iota3A, %add3A_151 : vector<16xi32>
      %swap3A_153 = arith.constant 0 : i32
      %swap3A_154 = arith.index_cast %swap3A_153 : i32 to index
      %swap3A_155 = arith.constant 112 : index
      %swap3A_156 = tpu.vector_load %arg9[%swap3A_154, %swap3A_155] {strides = array<i32>} : memref<1x128xi32, #tpu.memory_space<vmem>>, vector<1x16xi32>,
      %swap3A_157 = vector.shape_cast %swap3A_156 : vector<1x16xi32> to vector<16xi32>
      %swap3A_158 = vector.shape_cast %add3A_152 : vector<16xi32> to vector<1x16xi32>
      tpu.vector_store %arg9[%swap3A_154, %swap3A_155], %swap3A_158 {strides = array<i32>} : memref<1x128xi32, #tpu.memory_space<vmem>>, vector<1x16xi32>,
      %run_scoped3A = arith.constant 0 : i32
      "tpu.region"() ({
        %run_scoped3A_956 = tpu.sem_alloc : memref<!tpu.dma_semaphore, #tpu.memory_space<semaphore_mem>>
        %dma_start3A = arith.constant 0 : i32
        %dma_start3A_957 = tpu.memref_slice %arg9[%run_scoped3A, %dma_start3A] : memref<1x128xi32, #tpu.memory_space<vmem>> -> memref<1x128xi32, #tpu.memory_space<vmem>>
        %dma_start3A_958 = tpu.memref_squeeze %dma_start3A_957 : memref<1x128xi32, #tpu.memory_space<vmem>> -> memref<128xi32, #tpu.memory_space<vmem>>
        %dma_start3A_959 = arith.constant 0 : i32
        %dma_start3A_960 = arith.constant 0 : i32
        %dma_start3A_961 = tpu.memref_slice %arg10[%dma_start3A_959, %dma_start3A_960] : memref<10240x128xf32, #tpu.memory_space<vmem_shared>> -> memref<10240x128xf32, #tpu.memory_space<vmem_shared>>
        tpu.enqueue_indirect_dma source(%arg8 : memref<128x128xf32, #tpu.memory_space<vmem>>) target(%dma_start3A_961 : memref<10240x128xf32, #tpu.memory_space<vmem_shared>>) offsets(%dma_start3A_958 : memref<128xi32, #tpu.memory_space<vmem>>) semaphore(%run_scoped3A_956 : memref<!tpu.dma_semaphore, #tpu.memory_space<semaphore_mem>>)
        %dma_wait3A = arith.constant 0 : i32
        %dma_wait3A_962 = tpu.memref_slice %arg9[%run_scoped3A, %dma_wait3A] : memref<1x128xi32, #tpu.memory_space<vmem>> -> memref<1x128xi32, #tpu.memory_space<vmem>>
        %dma_wait3A_963 = tpu.memref_squeeze %dma_wait3A_962 : memref<1x128xi32, #tpu.memory_space<vmem>> -> memref<128xi32, #tpu.memory_space<vmem>>
        %dma_wait3A_964 = arith.constant 0 : i32
        %dma_wait3A_965 = arith.constant 0 : i32
        %dma_wait3A_966 = tpu.memref_slice %arg10[%dma_wait3A_964, %dma_wait3A_965] : memref<10240x128xf32, #tpu.memory_space<vmem_shared>> -> memref<10240x128xf32, #tpu.memory_space<vmem_shared>>
        tpu.wait_indirect_dma semaphore(%run_scoped3A_956 : memref<!tpu.dma_semaphore, #tpu.memory_space<semaphore_mem>>) src(%arg8 : memref<128x128xf32, #tpu.memory_space<vmem>>) dst(%dma_wait3A_966 : memref<10240x128xf32, #tpu.memory_space<vmem_shared>>)
        tpu.yield
      }) : () -> ()
      %add3A_159 = arith.constant 128 : i32
      %add3A_160 = arith.addi %mul3A_77, %add3A_159 : i32
      %add3A_161 = arith.constant 0 : i32
      %add3A_162 = arith.addi %add3A_160, %add3A_161 : i32
      %add3A_163 = vector.broadcast %add3A_162 : i32 to vector<16xi32>
      %add3A_164 = arith.addi %iota3A, %add3A_163 : vector<16xi32>
      %swap3A_165 = arith.constant 0 : i32
      %swap3A_166 = arith.index_cast %swap3A_165 : i32 to index
      %swap3A_167 = arith.constant 0 : index
      %swap3A_168 = tpu.vector_load %arg9[%swap3A_166, %swap3A_167] {strides = array<i32>} : memref<1x128xi32, #tpu.memory_space<vmem>>, vector<1x16xi32>,
      %swap3A_169 = vector.shape_cast %swap3A_168 : vector<1x16xi32> to vector<16xi32>
      %swap3A_170 = vector.shape_cast %add3A_164 : vector<16xi32> to vector<1x16xi32>
      tpu.vector_store %arg9[%swap3A_166, %swap3A_167], %swap3A_170 {strides = array<i32>} : memref<1x128xi32, #tpu.memory_space<vmem>>, vector<1x16xi32>,
      %add3A_171 = arith.constant 16 : i32
      %add3A_172 = arith.addi %add3A_160, %add3A_171 : i32
      %add3A_173 = vector.broadcast %add3A_172 : i32 to vector<16xi32>
      %add3A_174 = arith.addi %iota3A, %add3A_173 : vector<16xi32>
      %swap3A_175 = arith.constant 0 : i32
      %swap3A_176 = arith.index_cast %swap3A_175 : i32 to index
      %swap3A_177 = arith.constant 16 : index
      %swap3A_178 = tpu.vector_load %arg9[%swap3A_176, %swap3A_177] {strides = array<i32>} : memref<1x128xi32, #tpu.memory_space<vmem>>, vector<1x16xi32>,
      %swap3A_179 = vector.shape_cast %swap3A_178 : vector<1x16xi32> to vector<16xi32>
      %swap3A_180 = vector.shape_cast %add3A_174 : vector<16xi32> to vector<1x16xi32>
      tpu.vector_store %arg9[%swap3A_176, %swap3A_177], %swap3A_180 {strides = array<i32>} : memref<1x128xi32, #tpu.memory_space<vmem>>, vector<1x16xi32>,
      %add3A_181 = arith.constant 32 : i32
      %add3A_182 = arith.addi %add3A_160, %add3A_181 : i32
      %add3A_183 = vector.broadcast %add3A_182 : i32 to vector<16xi32>
      %add3A_184 = arith.addi %iota3A, %add3A_183 : vector<16xi32>
      %swap3A_185 = arith.constant 0 : i32
      %swap3A_186 = arith.index_cast %swap3A_185 : i32 to index
      %swap3A_187 = arith.constant 32 : index
      %swap3A_188 = tpu.vector_load %arg9[%swap3A_186, %swap3A_187] {strides = array<i32>} : memref<1x128xi32, #tpu.memory_space<vmem>>, vector<1x16xi32>,
      %swap3A_189 = vector.shape_cast %swap3A_188 : vector<1x16xi32> to vector<16xi32>
      %swap3A_190 = vector.shape_cast %add3A_184 : vector<16xi32> to vector<1x16xi32>
      tpu.vector_store %arg9[%swap3A_186, %swap3A_187], %swap3A_190 {strides = array<i32>} : memref<1x128xi32, #tpu.memory_space<vmem>>, vector<1x16xi32>,
      %add3A_191 = arith.constant 48 : i32
      %add3A_192 = arith.addi %add3A_160, %add3A_191 : i32
      %add3A_193 = vector.broadcast %add3A_192 : i32 to vector<16xi32>
      %add3A_194 = arith.addi %iota3A, %add3A_193 : vector<16xi32>
      %swap3A_195 = arith.constant 0 : i32
      %swap3A_196 = arith.index_cast %swap3A_195 : i32 to index
      %swap3A_197 = arith.constant 48 : index
      %swap3A_198 = tpu.vector_load %arg9[%swap3A_196, %swap3A_197] {strides = array<i32>} : memref<1x128xi32, #tpu.memory_space<vmem>>, vector<1x16xi32>,
      %swap3A_199 = vector.shape_cast %swap3A_198 : vector<1x16xi32> to vector<16xi32>
      %swap3A_200 = vector.shape_cast %add3A_194 : vector<16xi32> to vector<1x16xi32>
      tpu.vector_store %arg9[%swap3A_196, %swap3A_197], %swap3A_200 {strides = array<i32>} : memref<1x128xi32, #tpu.memory_space<vmem>>, vector<1x16xi32>,
      %add3A_201 = arith.constant 64 : i32
      %add3A_202 = arith.addi %add3A_160, %add3A_201 : i32
      %add3A_203 = vector.broadcast %add3A_202 : i32 to vector<16xi32>
      %add3A_204 = arith.addi %iota3A, %add3A_203 : vector<16xi32>
      %swap3A_205 = arith.constant 0 : i32
      %swap3A_206 = arith.index_cast %swap3A_205 : i32 to index
      %swap3A_207 = arith.constant 64 : index
      %swap3A_208 = tpu.vector_load %arg9[%swap3A_206, %swap3A_207] {strides = array<i32>} : memref<1x128xi32, #tpu.memory_space<vmem>>, vector<1x16xi32>,
      %swap3A_209 = vector.shape_cast %swap3A_208 : vector<1x16xi32> to vector<16xi32>
      %swap3A_210 = vector.shape_cast %add3A_204 : vector<16xi32> to vector<1x16xi32>
      tpu.vector_store %arg9[%swap3A_206, %swap3A_207], %swap3A_210 {strides = array<i32>} : memref<1x128xi32, #tpu.memory_space<vmem>>, vector<1x16xi32>,
      %add3A_211 = arith.constant 80 : i32
      %add3A_212 = arith.addi %add3A_160, %add3A_211 : i32
      %add3A_213 = vector.broadcast %add3A_212 : i32 to vector<16xi32>
      %add3A_214 = arith.addi %iota3A, %add3A_213 : vector<16xi32>
      %swap3A_215 = arith.constant 0 : i32
      %swap3A_216 = arith.index_cast %swap3A_215 : i32 to index
      %swap3A_217 = arith.constant 80 : index
      %swap3A_218 = tpu.vector_load %arg9[%swap3A_216, %swap3A_217] {strides = array<i32>} : memref<1x128xi32, #tpu.memory_space<vmem>>, vector<1x16xi32>,
      %swap3A_219 = vector.shape_cast %swap3A_218 : vector<1x16xi32> to vector<16xi32>
      %swap3A_220 = vector.shape_cast %add3A_214 : vector<16xi32> to vector<1x16xi32>
      tpu.vector_store %arg9[%swap3A_216, %swap3A_217], %swap3A_220 {strides = array<i32>} : memref<1x128xi32, #tpu.memory_space<vmem>>, vector<1x16xi32>,
      %add3A_221 = arith.constant 96 : i32
      %add3A_222 = arith.addi %add3A_160, %add3A_221 : i32
      %add3A_223 = vector.broadcast %add3A_222 : i32 to vector<16xi32>
      %add3A_224 = arith.addi %iota3A, %add3A_223 : vector<16xi32>
      %swap3A_225 = arith.constant 0 : i32
      %swap3A_226 = arith.index_cast %swap3A_225 : i32 to index
      %swap3A_227 = arith.constant 96 : index
      %swap3A_228 = tpu.vector_load %arg9[%swap3A_226, %swap3A_227] {strides = array<i32>} : memref<1x128xi32, #tpu.memory_space<vmem>>, vector<1x16xi32>,
      %swap3A_229 = vector.shape_cast %swap3A_228 : vector<1x16xi32> to vector<16xi32>
      %swap3A_230 = vector.shape_cast %add3A_224 : vector<16xi32> to vector<1x16xi32>
      tpu.vector_store %arg9[%swap3A_226, %swap3A_227], %swap3A_230 {strides = array<i32>} : memref<1x128xi32, #tpu.memory_space<vmem>>, vector<1x16xi32>,
      %add3A_231 = arith.constant 112 : i32
      %add3A_232 = arith.addi %add3A_160, %add3A_231 : i32
      %add3A_233 = vector.broadcast %add3A_232 : i32 to vector<16xi32>
      %add3A_234 = arith.addi %iota3A, %add3A_233 : vector<16xi32>
      %swap3A_235 = arith.constant 0 : i32
      %swap3A_236 = arith.index_cast %swap3A_235 : i32 to index
      %swap3A_237 = arith.constant 112 : index
      %swap3A_238 = tpu.vector_load %arg9[%swap3A_236, %swap3A_237] {strides = array<i32>} : memref<1x128xi32, #tpu.memory_space<vmem>>, vector<1x16xi32>,
      %swap3A_239 = vector.shape_cast %swap3A_238 : vector<1x16xi32> to vector<16xi32>
      %swap3A_240 = vector.shape_cast %add3A_234 : vector<16xi32> to vector<1x16xi32>
      tpu.vector_store %arg9[%swap3A_236, %swap3A_237], %swap3A_240 {strides = array<i32>} : memref<1x128xi32, #tpu.memory_space<vmem>>, vector<1x16xi32>,
      %run_scoped3A_241 = arith.constant 0 : i32
      "tpu.region"() ({
        %run_scoped3A_956 = tpu.sem_alloc : memref<!tpu.dma_semaphore, #tpu.memory_space<semaphore_mem>>
        %dma_start3A = arith.constant 0 : i32
        %dma_start3A_957 = tpu.memref_slice %arg9[%run_scoped3A_241, %dma_start3A] : memref<1x128xi32, #tpu.memory_space<vmem>> -> memref<1x128xi32, #tpu.memory_space<vmem>>
        %dma_start3A_958 = tpu.memref_squeeze %dma_start3A_957 : memref<1x128xi32, #tpu.memory_space<vmem>> -> memref<128xi32, #tpu.memory_space<vmem>>
        %dma_start3A_959 = arith.constant 0 : i32
        %dma_start3A_960 = arith.constant 0 : i32
        %dma_start3A_961 = tpu.memref_slice %arg10[%dma_start3A_959, %dma_start3A_960] : memref<10240x128xf32, #tpu.memory_space<vmem_shared>> -> memref<10240x128xf32, #tpu.memory_space<vmem_shared>>
        tpu.enqueue_indirect_dma source(%arg8 : memref<128x128xf32, #tpu.memory_space<vmem>>) target(%dma_start3A_961 : memref<10240x128xf32, #tpu.memory_space<vmem_shared>>) offsets(%dma_start3A_958 : memref<128xi32, #tpu.memory_space<vmem>>) semaphore(%run_scoped3A_956 : memref<!tpu.dma_semaphore, #tpu.memory_space<semaphore_mem>>)
        %dma_wait3A = arith.constant 0 : i32
        %dma_wait3A_962 = tpu.memref_slice %arg9[%run_scoped3A_241, %dma_wait3A] : memref<1x128xi32, #tpu.memory_space<vmem>> -> memref<1x128xi32, #tpu.memory_space<vmem>>
        %dma_wait3A_963 = tpu.memref_squeeze %dma_wait3A_962 : memref<1x128xi32, #tpu.memory_space<vmem>> -> memref<128xi32, #tpu.memory_space<vmem>>
        %dma_wait3A_964 = arith.constant 0 : i32
        %dma_wait3A_965 = arith.constant 0 : i32
        %dma_wait3A_966 = tpu.memref_slice %arg10[%dma_wait3A_964, %dma_wait3A_965] : memref<10240x128xf32, #tpu.memory_space<vmem_shared>> -> memref<10240x128xf32, #tpu.memory_space<vmem_shared>>
        tpu.wait_indirect_dma semaphore(%run_scoped3A_956 : memref<!tpu.dma_semaphore, #tpu.memory_space<semaphore_mem>>) src(%arg8 : memref<128x128xf32, #tpu.memory_space<vmem>>) dst(%dma_wait3A_966 : memref<10240x128xf32, #tpu.memory_space<vmem_shared>>)
        tpu.yield
      }) : () -> ()
      %add3A_242 = arith.constant 256 : i32
      %add3A_243 = arith.addi %mul3A_77, %add3A_242 : i32
      %add3A_244 = arith.constant 0 : i32
      %add3A_245 = arith.addi %add3A_243, %add3A_244 : i32
      %add3A_246 = vector.broadcast %add3A_245 : i32 to vector<16xi32>
      %add3A_247 = arith.addi %iota3A, %add3A_246 : vector<16xi32>
      %swap3A_248 = arith.constant 0 : i32
      %swap3A_249 = arith.index_cast %swap3A_248 : i32 to index
      %swap3A_250 = arith.constant 0 : index
      %swap3A_251 = tpu.vector_load %arg9[%swap3A_249, %swap3A_250] {strides = array<i32>} : memref<1x128xi32, #tpu.memory_space<vmem>>, vector<1x16xi32>,
      %swap3A_252 = vector.shape_cast %swap3A_251 : vector<1x16xi32> to vector<16xi32>
      %swap3A_253 = vector.shape_cast %add3A_247 : vector<16xi32> to vector<1x16xi32>
      tpu.vector_store %arg9[%swap3A_249, %swap3A_250], %swap3A_253 {strides = array<i32>} : memref<1x128xi32, #tpu.memory_space<vmem>>, vector<1x16xi32>,
      %add3A_254 = arith.constant 16 : i32
      %add3A_255 = arith.addi %add3A_243, %add3A_254 : i32
      %add3A_256 = vector.broadcast %add3A_255 : i32 to vector<16xi32>
      %add3A_257 = arith.addi %iota3A, %add3A_256 : vector<16xi32>
      %swap3A_258 = arith.constant 0 : i32
      %swap3A_259 = arith.index_cast %swap3A_258 : i32 to index
      %swap3A_260 = arith.constant 16 : index
      %swap3A_261 = tpu.vector_load %arg9[%swap3A_259, %swap3A_260] {strides = array<i32>} : memref<1x128xi32, #tpu.memory_space<vmem>>, vector<1x16xi32>,
      %swap3A_262 = vector.shape_cast %swap3A_261 : vector<1x16xi32> to vector<16xi32>
      %swap3A_263 = vector.shape_cast %add3A_257 : vector<16xi32> to vector<1x16xi32>
      tpu.vector_store %arg9[%swap3A_259, %swap3A_260], %swap3A_263 {strides = array<i32>} : memref<1x128xi32, #tpu.memory_space<vmem>>, vector<1x16xi32>,
      %add3A_264 = arith.constant 32 : i32
      %add3A_265 = arith.addi %add3A_243, %add3A_264 : i32
      %add3A_266 = vector.broadcast %add3A_265 : i32 to vector<16xi32>
      %add3A_267 = arith.addi %iota3A, %add3A_266 : vector<16xi32>
      %swap3A_268 = arith.constant 0 : i32
      %swap3A_269 = arith.index_cast %swap3A_268 : i32 to index
      %swap3A_270 = arith.constant 32 : index
      %swap3A_271 = tpu.vector_load %arg9[%swap3A_269, %swap3A_270] {strides = array<i32>} : memref<1x128xi32, #tpu.memory_space<vmem>>, vector<1x16xi32>,
      %swap3A_272 = vector.shape_cast %swap3A_271 : vector<1x16xi32> to vector<16xi32>
      %swap3A_273 = vector.shape_cast %add3A_267 : vector<16xi32> to vector<1x16xi32>
      tpu.vector_store %arg9[%swap3A_269, %swap3A_270], %swap3A_273 {strides = array<i32>} : memref<1x128xi32, #tpu.memory_space<vmem>>, vector<1x16xi32>,
      %add3A_274 = arith.constant 48 : i32
      %add3A_275 = arith.addi %add3A_243, %add3A_274 : i32
      %add3A_276 = vector.broadcast %add3A_275 : i32 to vector<16xi32>
      %add3A_277 = arith.addi %iota3A, %add3A_276 : vector<16xi32>
      %swap3A_278 = arith.constant 0 : i32
      %swap3A_279 = arith.index_cast %swap3A_278 : i32 to index
      %swap3A_280 = arith.constant 48 : index
      %swap3A_281 = tpu.vector_load %arg9[%swap3A_279, %swap3A_280] {strides = array<i32>} : memref<1x128xi32, #tpu.memory_space<vmem>>, vector<1x16xi32>,
      %swap3A_282 = vector.shape_cast %swap3A_281 : vector<1x16xi32> to vector<16xi32>
      %swap3A_283 = vector.shape_cast %add3A_277 : vector<16xi32> to vector<1x16xi32>
      tpu.vector_store %arg9[%swap3A_279, %swap3A_280], %swap3A_283 {strides = array<i32>} : memref<1x128xi32, #tpu.memory_space<vmem>>, vector<1x16xi32>,
      %add3A_284 = arith.constant 64 : i32
      %add3A_285 = arith.addi %add3A_243, %add3A_284 : i32
      %add3A_286 = vector.broadcast %add3A_285 : i32 to vector<16xi32>
      %add3A_287 = arith.addi %iota3A, %add3A_286 : vector<16xi32>
      %swap3A_288 = arith.constant 0 : i32
      %swap3A_289 = arith.index_cast %swap3A_288 : i32 to index
      %swap3A_290 = arith.constant 64 : index
      %swap3A_291 = tpu.vector_load %arg9[%swap3A_289, %swap3A_290] {strides = array<i32>} : memref<1x128xi32, #tpu.memory_space<vmem>>, vector<1x16xi32>,
      %swap3A_292 = vector.shape_cast %swap3A_291 : vector<1x16xi32> to vector<16xi32>
      %swap3A_293 = vector.shape_cast %add3A_287 : vector<16xi32> to vector<1x16xi32>
      tpu.vector_store %arg9[%swap3A_289, %swap3A_290], %swap3A_293 {strides = array<i32>} : memref<1x128xi32, #tpu.memory_space<vmem>>, vector<1x16xi32>,
      %add3A_294 = arith.constant 80 : i32
      %add3A_295 = arith.addi %add3A_243, %add3A_294 : i32
      %add3A_296 = vector.broadcast %add3A_295 : i32 to vector<16xi32>
      %add3A_297 = arith.addi %iota3A, %add3A_296 : vector<16xi32>
      %swap3A_298 = arith.constant 0 : i32
      %swap3A_299 = arith.index_cast %swap3A_298 : i32 to index
      %swap3A_300 = arith.constant 80 : index
      %swap3A_301 = tpu.vector_load %arg9[%swap3A_299, %swap3A_300] {strides = array<i32>} : memref<1x128xi32, #tpu.memory_space<vmem>>, vector<1x16xi32>,
      %swap3A_302 = vector.shape_cast %swap3A_301 : vector<1x16xi32> to vector<16xi32>
      %swap3A_303 = vector.shape_cast %add3A_297 : vector<16xi32> to vector<1x16xi32>
      tpu.vector_store %arg9[%swap3A_299, %swap3A_300], %swap3A_303 {strides = array<i32>} : memref<1x128xi32, #tpu.memory_space<vmem>>, vector<1x16xi32>,
      %add3A_304 = arith.constant 96 : i32
      %add3A_305 = arith.addi %add3A_243, %add3A_304 : i32
      %add3A_306 = vector.broadcast %add3A_305 : i32 to vector<16xi32>
      %add3A_307 = arith.addi %iota3A, %add3A_306 : vector<16xi32>
      %swap3A_308 = arith.constant 0 : i32
      %swap3A_309 = arith.index_cast %swap3A_308 : i32 to index
      %swap3A_310 = arith.constant 96 : index
      %swap3A_311 = tpu.vector_load %arg9[%swap3A_309, %swap3A_310] {strides = array<i32>} : memref<1x128xi32, #tpu.memory_space<vmem>>, vector<1x16xi32>,
      %swap3A_312 = vector.shape_cast %swap3A_311 : vector<1x16xi32> to vector<16xi32>
      %swap3A_313 = vector.shape_cast %add3A_307 : vector<16xi32> to vector<1x16xi32>
      tpu.vector_store %arg9[%swap3A_309, %swap3A_310], %swap3A_313 {strides = array<i32>} : memref<1x128xi32, #tpu.memory_space<vmem>>, vector<1x16xi32>,
      %add3A_314 = arith.constant 112 : i32
      %add3A_315 = arith.addi %add3A_243, %add3A_314 : i32
      %add3A_316 = vector.broadcast %add3A_315 : i32 to vector<16xi32>
      %add3A_317 = arith.addi %iota3A, %add3A_316 : vector<16xi32>
      %swap3A_318 = arith.constant 0 : i32
      %swap3A_319 = arith.index_cast %swap3A_318 : i32 to index
      %swap3A_320 = arith.constant 112 : index
      %swap3A_321 = tpu.vector_load %arg9[%swap3A_319, %swap3A_320] {strides = array<i32>} : memref<1x128xi32, #tpu.memory_space<vmem>>, vector<1x16xi32>,
      %swap3A_322 = vector.shape_cast %swap3A_321 : vector<1x16xi32> to vector<16xi32>
      %swap3A_323 = vector.shape_cast %add3A_317 : vector<16xi32> to vector<1x16xi32>
      tpu.vector_store %arg9[%swap3A_319, %swap3A_320], %swap3A_323 {strides = array<i32>} : memref<1x128xi32, #tpu.memory_space<vmem>>, vector<1x16xi32>,
      %run_scoped3A_324 = arith.constant 0 : i32
      "tpu.region"() ({
        %run_scoped3A_956 = tpu.sem_alloc : memref<!tpu.dma_semaphore, #tpu.memory_space<semaphore_mem>>
        %dma_start3A = arith.constant 0 : i32
        %dma_start3A_957 = tpu.memref_slice %arg9[%run_scoped3A_324, %dma_start3A] : memref<1x128xi32, #tpu.memory_space<vmem>> -> memref<1x128xi32, #tpu.memory_space<vmem>>
        %dma_start3A_958 = tpu.memref_squeeze %dma_start3A_957 : memref<1x128xi32, #tpu.memory_space<vmem>> -> memref<128xi32, #tpu.memory_space<vmem>>
        %dma_start3A_959 = arith.constant 0 : i32
        %dma_start3A_960 = arith.constant 0 : i32
        %dma_start3A_961 = tpu.memref_slice %arg10[%dma_start3A_959, %dma_start3A_960] : memref<10240x128xf32, #tpu.memory_space<vmem_shared>> -> memref<10240x128xf32, #tpu.memory_space<vmem_shared>>
        tpu.enqueue_indirect_dma source(%arg8 : memref<128x128xf32, #tpu.memory_space<vmem>>) target(%dma_start3A_961 : memref<10240x128xf32, #tpu.memory_space<vmem_shared>>) offsets(%dma_start3A_958 : memref<128xi32, #tpu.memory_space<vmem>>) semaphore(%run_scoped3A_956 : memref<!tpu.dma_semaphore, #tpu.memory_space<semaphore_mem>>)
        %dma_wait3A = arith.constant 0 : i32
        %dma_wait3A_962 = tpu.memref_slice %arg9[%run_scoped3A_324, %dma_wait3A] : memref<1x128xi32, #tpu.memory_space<vmem>> -> memref<1x128xi32, #tpu.memory_space<vmem>>
        %dma_wait3A_963 = tpu.memref_squeeze %dma_wait3A_962 : memref<1x128xi32, #tpu.memory_space<vmem>> -> memref<128xi32, #tpu.memory_space<vmem>>
        %dma_wait3A_964 = arith.constant 0 : i32
        %dma_wait3A_965 = arith.constant 0 : i32
        %dma_wait3A_966 = tpu.memref_slice %arg10[%dma_wait3A_964, %dma_wait3A_965] : memref<10240x128xf32, #tpu.memory_space<vmem_shared>> -> memref<10240x128xf32, #tpu.memory_space<vmem_shared>>
        tpu.wait_indirect_dma semaphore(%run_scoped3A_956 : memref<!tpu.dma_semaphore, #tpu.memory_space<semaphore_mem>>) src(%arg8 : memref<128x128xf32, #tpu.memory_space<vmem>>) dst(%dma_wait3A_966 : memref<10240x128xf32, #tpu.memory_space<vmem_shared>>)
        tpu.yield
      }) : () -> ()
      %add3A_325 = arith.constant 384 : i32
      %add3A_326 = arith.addi %mul3A_77, %add3A_325 : i32
      %add3A_327 = arith.constant 0 : i32
      %add3A_328 = arith.addi %add3A_326, %add3A_327 : i32
      %add3A_329 = vector.broadcast %add3A_328 : i32 to vector<16xi32>
      %add3A_330 = arith.addi %iota3A, %add3A_329 : vector<16xi32>
      %swap3A_331 = arith.constant 0 : i32
      %swap3A_332 = arith.index_cast %swap3A_331 : i32 to index
      %swap3A_333 = arith.constant 0 : index
      %swap3A_334 = tpu.vector_load %arg9[%swap3A_332, %swap3A_333] {strides = array<i32>} : memref<1x128xi32, #tpu.memory_space<vmem>>, vector<1x16xi32>,
      %swap3A_335 = vector.shape_cast %swap3A_334 : vector<1x16xi32> to vector<16xi32>
      %swap3A_336 = vector.shape_cast %add3A_330 : vector<16xi32> to vector<1x16xi32>
      tpu.vector_store %arg9[%swap3A_332, %swap3A_333], %swap3A_336 {strides = array<i32>} : memref<1x128xi32, #tpu.memory_space<vmem>>, vector<1x16xi32>,
      %add3A_337 = arith.constant 16 : i32
      %add3A_338 = arith.addi %add3A_326, %add3A_337 : i32
      %add3A_339 = vector.broadcast %add3A_338 : i32 to vector<16xi32>
      %add3A_340 = arith.addi %iota3A, %add3A_339 : vector<16xi32>
      %swap3A_341 = arith.constant 0 : i32
      %swap3A_342 = arith.index_cast %swap3A_341 : i32 to index
      %swap3A_343 = arith.constant 16 : index
      %swap3A_344 = tpu.vector_load %arg9[%swap3A_342, %swap3A_343] {strides = array<i32>} : memref<1x128xi32, #tpu.memory_space<vmem>>, vector<1x16xi32>,
      %swap3A_345 = vector.shape_cast %swap3A_344 : vector<1x16xi32> to vector<16xi32>
      %swap3A_346 = vector.shape_cast %add3A_340 : vector<16xi32> to vector<1x16xi32>
      tpu.vector_store %arg9[%swap3A_342, %swap3A_343], %swap3A_346 {strides = array<i32>} : memref<1x128xi32, #tpu.memory_space<vmem>>, vector<1x16xi32>,
      %add3A_347 = arith.constant 32 : i32
      %add3A_348 = arith.addi %add3A_326, %add3A_347 : i32
      %add3A_349 = vector.broadcast %add3A_348 : i32 to vector<16xi32>
      %add3A_350 = arith.addi %iota3A, %add3A_349 : vector<16xi32>
      %swap3A_351 = arith.constant 0 : i32
      %swap3A_352 = arith.index_cast %swap3A_351 : i32 to index
      %swap3A_353 = arith.constant 32 : index
      %swap3A_354 = tpu.vector_load %arg9[%swap3A_352, %swap3A_353] {strides = array<i32>} : memref<1x128xi32, #tpu.memory_space<vmem>>, vector<1x16xi32>,
      %swap3A_355 = vector.shape_cast %swap3A_354 : vector<1x16xi32> to vector<16xi32>
      %swap3A_356 = vector.shape_cast %add3A_350 : vector<16xi32> to vector<1x16xi32>
      tpu.vector_store %arg9[%swap3A_352, %swap3A_353], %swap3A_356 {strides = array<i32>} : memref<1x128xi32, #tpu.memory_space<vmem>>, vector<1x16xi32>,
      %add3A_357 = arith.constant 48 : i32
      %add3A_358 = arith.addi %add3A_326, %add3A_357 : i32
      %add3A_359 = vector.broadcast %add3A_358 : i32 to vector<16xi32>
      %add3A_360 = arith.addi %iota3A, %add3A_359 : vector<16xi32>
      %swap3A_361 = arith.constant 0 : i32
      %swap3A_362 = arith.index_cast %swap3A_361 : i32 to index
      %swap3A_363 = arith.constant 48 : index
      %swap3A_364 = tpu.vector_load %arg9[%swap3A_362, %swap3A_363] {strides = array<i32>} : memref<1x128xi32, #tpu.memory_space<vmem>>, vector<1x16xi32>,
      %swap3A_365 = vector.shape_cast %swap3A_364 : vector<1x16xi32> to vector<16xi32>
      %swap3A_366 = vector.shape_cast %add3A_360 : vector<16xi32> to vector<1x16xi32>
      tpu.vector_store %arg9[%swap3A_362, %swap3A_363], %swap3A_366 {strides = array<i32>} : memref<1x128xi32, #tpu.memory_space<vmem>>, vector<1x16xi32>,
      %add3A_367 = arith.constant 64 : i32
      %add3A_368 = arith.addi %add3A_326, %add3A_367 : i32
      %add3A_369 = vector.broadcast %add3A_368 : i32 to vector<16xi32>
      %add3A_370 = arith.addi %iota3A, %add3A_369 : vector<16xi32>
      %swap3A_371 = arith.constant 0 : i32
      %swap3A_372 = arith.index_cast %swap3A_371 : i32 to index
      %swap3A_373 = arith.constant 64 : index
      %swap3A_374 = tpu.vector_load %arg9[%swap3A_372, %swap3A_373] {strides = array<i32>} : memref<1x128xi32, #tpu.memory_space<vmem>>, vector<1x16xi32>,
      %swap3A_375 = vector.shape_cast %swap3A_374 : vector<1x16xi32> to vector<16xi32>
      %swap3A_376 = vector.shape_cast %add3A_370 : vector<16xi32> to vector<1x16xi32>
      tpu.vector_store %arg9[%swap3A_372, %swap3A_373], %swap3A_376 {strides = array<i32>} : memref<1x128xi32, #tpu.memory_space<vmem>>, vector<1x16xi32>,
      %add3A_377 = arith.constant 80 : i32
      %add3A_378 = arith.addi %add3A_326, %add3A_377 : i32
      %add3A_379 = vector.broadcast %add3A_378 : i32 to vector<16xi32>
      %add3A_380 = arith.addi %iota3A, %add3A_379 : vector<16xi32>
      %swap3A_381 = arith.constant 0 : i32
      %swap3A_382 = arith.index_cast %swap3A_381 : i32 to index
      %swap3A_383 = arith.constant 80 : index
      %swap3A_384 = tpu.vector_load %arg9[%swap3A_382, %swap3A_383] {strides = array<i32>} : memref<1x128xi32, #tpu.memory_space<vmem>>, vector<1x16xi32>,
      %swap3A_385 = vector.shape_cast %swap3A_384 : vector<1x16xi32> to vector<16xi32>
      %swap3A_386 = vector.shape_cast %add3A_380 : vector<16xi32> to vector<1x16xi32>
      tpu.vector_store %arg9[%swap3A_382, %swap3A_383], %swap3A_386 {strides = array<i32>} : memref<1x128xi32, #tpu.memory_space<vmem>>, vector<1x16xi32>,
      %add3A_387 = arith.constant 96 : i32
      %add3A_388 = arith.addi %add3A_326, %add3A_387 : i32
      %add3A_389 = vector.broadcast %add3A_388 : i32 to vector<16xi32>
      %add3A_390 = arith.addi %iota3A, %add3A_389 : vector<16xi32>
      %swap3A_391 = arith.constant 0 : i32
      %swap3A_392 = arith.index_cast %swap3A_391 : i32 to index
      %swap3A_393 = arith.constant 96 : index
      %swap3A_394 = tpu.vector_load %arg9[%swap3A_392, %swap3A_393] {strides = array<i32>} : memref<1x128xi32, #tpu.memory_space<vmem>>, vector<1x16xi32>,
      %swap3A_395 = vector.shape_cast %swap3A_394 : vector<1x16xi32> to vector<16xi32>
      %swap3A_396 = vector.shape_cast %add3A_390 : vector<16xi32> to vector<1x16xi32>
      tpu.vector_store %arg9[%swap3A_392, %swap3A_393], %swap3A_396 {strides = array<i32>} : memref<1x128xi32, #tpu.memory_space<vmem>>, vector<1x16xi32>,
      %add3A_397 = arith.constant 112 : i32
      %add3A_398 = arith.addi %add3A_326, %add3A_397 : i32
      %add3A_399 = vector.broadcast %add3A_398 : i32 to vector<16xi32>
      %add3A_400 = arith.addi %iota3A, %add3A_399 : vector<16xi32>
      %swap3A_401 = arith.constant 0 : i32
      %swap3A_402 = arith.index_cast %swap3A_401 : i32 to index
      %swap3A_403 = arith.constant 112 : index
      %swap3A_404 = tpu.vector_load %arg9[%swap3A_402, %swap3A_403] {strides = array<i32>} : memref<1x128xi32, #tpu.memory_space<vmem>>, vector<1x16xi32>,
      %swap3A_405 = vector.shape_cast %swap3A_404 : vector<1x16xi32> to vector<16xi32>
      %swap3A_406 = vector.shape_cast %add3A_400 : vector<16xi32> to vector<1x16xi32>
      tpu.vector_store %arg9[%swap3A_402, %swap3A_403], %swap3A_406 {strides = array<i32>} : memref<1x128xi32, #tpu.memory_space<vmem>>, vector<1x16xi32>,
      %run_scoped3A_407 = arith.constant 0 : i32
      "tpu.region"() ({
        %run_scoped3A_956 = tpu.sem_alloc : memref<!tpu.dma_semaphore, #tpu.memory_space<semaphore_mem>>
        %dma_start3A = arith.constant 0 : i32
        %dma_start3A_957 = tpu.memref_slice %arg9[%run_scoped3A_407, %dma_start3A] : memref<1x128xi32, #tpu.memory_space<vmem>> -> memref<1x128xi32, #tpu.memory_space<vmem>>
        %dma_start3A_958 = tpu.memref_squeeze %dma_start3A_957 : memref<1x128xi32, #tpu.memory_space<vmem>> -> memref<128xi32, #tpu.memory_space<vmem>>
        %dma_start3A_959 = arith.constant 0 : i32
        %dma_start3A_960 = arith.constant 0 : i32
        %dma_start3A_961 = tpu.memref_slice %arg10[%dma_start3A_959, %dma_start3A_960] : memref<10240x128xf32, #tpu.memory_space<vmem_shared>> -> memref<10240x128xf32, #tpu.memory_space<vmem_shared>>
        tpu.enqueue_indirect_dma source(%arg8 : memref<128x128xf32, #tpu.memory_space<vmem>>) target(%dma_start3A_961 : memref<10240x128xf32, #tpu.memory_space<vmem_shared>>) offsets(%dma_start3A_958 : memref<128xi32, #tpu.memory_space<vmem>>) semaphore(%run_scoped3A_956 : memref<!tpu.dma_semaphore, #tpu.memory_space<semaphore_mem>>)
        %dma_wait3A = arith.constant 0 : i32
        %dma_wait3A_962 = tpu.memref_slice %arg9[%run_scoped3A_407, %dma_wait3A] : memref<1x128xi32, #tpu.memory_space<vmem>> -> memref<1x128xi32, #tpu.memory_space<vmem>>
        %dma_wait3A_963 = tpu.memref_squeeze %dma_wait3A_962 : memref<1x128xi32, #tpu.memory_space<vmem>> -> memref<128xi32, #tpu.memory_space<vmem>>
        %dma_wait3A_964 = arith.constant 0 : i32
        %dma_wait3A_965 = arith.constant 0 : i32
        %dma_wait3A_966 = tpu.memref_slice %arg10[%dma_wait3A_964, %dma_wait3A_965] : memref<10240x128xf32, #tpu.memory_space<vmem_shared>> -> memref<10240x128xf32, #tpu.memory_space<vmem_shared>>
        tpu.wait_indirect_dma semaphore(%run_scoped3A_956 : memref<!tpu.dma_semaphore, #tpu.memory_space<semaphore_mem>>) src(%arg8 : memref<128x128xf32, #tpu.memory_space<vmem>>) dst(%dma_wait3A_966 : memref<10240x128xf32, #tpu.memory_space<vmem_shared>>)
        tpu.yield
      }) : () -> ()
      %add3A_408 = arith.constant 512 : i32
      %add3A_409 = arith.addi %mul3A_77, %add3A_408 : i32
      %add3A_410 = arith.constant 0 : i32
      %add3A_411 = arith.addi %add3A_409, %add3A_410 : i32
      %add3A_412 = vector.broadcast %add3A_411 : i32 to vector<16xi32>
      %add3A_413 = arith.addi %iota3A, %add3A_412 : vector<16xi32>
      %swap3A_414 = arith.constant 0 : i32
      %swap3A_415 = arith.index_cast %swap3A_414 : i32 to index
      %swap3A_416 = arith.constant 0 : index
      %swap3A_417 = tpu.vector_load %arg9[%swap3A_415, %swap3A_416] {strides = array<i32>} : memref<1x128xi32, #tpu.memory_space<vmem>>, vector<1x16xi32>,
      %swap3A_418 = vector.shape_cast %swap3A_417 : vector<1x16xi32> to vector<16xi32>
      %swap3A_419 = vector.shape_cast %add3A_413 : vector<16xi32> to vector<1x16xi32>
      tpu.vector_store %arg9[%swap3A_415, %swap3A_416], %swap3A_419 {strides = array<i32>} : memref<1x128xi32, #tpu.memory_space<vmem>>, vector<1x16xi32>,
      %add3A_420 = arith.constant 16 : i32
      %add3A_421 = arith.addi %add3A_409, %add3A_420 : i32
      %add3A_422 = vector.broadcast %add3A_421 : i32 to vector<16xi32>
      %add3A_423 = arith.addi %iota3A, %add3A_422 : vector<16xi32>
      %swap3A_424 = arith.constant 0 : i32
      %swap3A_425 = arith.index_cast %swap3A_424 : i32 to index
      %swap3A_426 = arith.constant 16 : index
      %swap3A_427 = tpu.vector_load %arg9[%swap3A_425, %swap3A_426] {strides = array<i32>} : memref<1x128xi32, #tpu.memory_space<vmem>>, vector<1x16xi32>,
      %swap3A_428 = vector.shape_cast %swap3A_427 : vector<1x16xi32> to vector<16xi32>
      %swap3A_429 = vector.shape_cast %add3A_423 : vector<16xi32> to vector<1x16xi32>
      tpu.vector_store %arg9[%swap3A_425, %swap3A_426], %swap3A_429 {strides = array<i32>} : memref<1x128xi32, #tpu.memory_space<vmem>>, vector<1x16xi32>,
      %add3A_430 = arith.constant 32 : i32
      %add3A_431 = arith.addi %add3A_409, %add3A_430 : i32
      %add3A_432 = vector.broadcast %add3A_431 : i32 to vector<16xi32>
      %add3A_433 = arith.addi %iota3A, %add3A_432 : vector<16xi32>
      %swap3A_434 = arith.constant 0 : i32
      %swap3A_435 = arith.index_cast %swap3A_434 : i32 to index
      %swap3A_436 = arith.constant 32 : index
      %swap3A_437 = tpu.vector_load %arg9[%swap3A_435, %swap3A_436] {strides = array<i32>} : memref<1x128xi32, #tpu.memory_space<vmem>>, vector<1x16xi32>,
      %swap3A_438 = vector.shape_cast %swap3A_437 : vector<1x16xi32> to vector<16xi32>
      %swap3A_439 = vector.shape_cast %add3A_433 : vector<16xi32> to vector<1x16xi32>
      tpu.vector_store %arg9[%swap3A_435, %swap3A_436], %swap3A_439 {strides = array<i32>} : memref<1x128xi32, #tpu.memory_space<vmem>>, vector<1x16xi32>,
      %add3A_440 = arith.constant 48 : i32
      %add3A_441 = arith.addi %add3A_409, %add3A_440 : i32
      %add3A_442 = vector.broadcast %add3A_441 : i32 to vector<16xi32>
      %add3A_443 = arith.addi %iota3A, %add3A_442 : vector<16xi32>
      %swap3A_444 = arith.constant 0 : i32
      %swap3A_445 = arith.index_cast %swap3A_444 : i32 to index
      %swap3A_446 = arith.constant 48 : index
      %swap3A_447 = tpu.vector_load %arg9[%swap3A_445, %swap3A_446] {strides = array<i32>} : memref<1x128xi32, #tpu.memory_space<vmem>>, vector<1x16xi32>,
      %swap3A_448 = vector.shape_cast %swap3A_447 : vector<1x16xi32> to vector<16xi32>
      %swap3A_449 = vector.shape_cast %add3A_443 : vector<16xi32> to vector<1x16xi32>
      tpu.vector_store %arg9[%swap3A_445, %swap3A_446], %swap3A_449 {strides = array<i32>} : memref<1x128xi32, #tpu.memory_space<vmem>>, vector<1x16xi32>,
      %add3A_450 = arith.constant 64 : i32
      %add3A_451 = arith.addi %add3A_409, %add3A_450 : i32
      %add3A_452 = vector.broadcast %add3A_451 : i32 to vector<16xi32>
      %add3A_453 = arith.addi %iota3A, %add3A_452 : vector<16xi32>
      %swap3A_454 = arith.constant 0 : i32
      %swap3A_455 = arith.index_cast %swap3A_454 : i32 to index
      %swap3A_456 = arith.constant 64 : index
      %swap3A_457 = tpu.vector_load %arg9[%swap3A_455, %swap3A_456] {strides = array<i32>} : memref<1x128xi32, #tpu.memory_space<vmem>>, vector<1x16xi32>,
      %swap3A_458 = vector.shape_cast %swap3A_457 : vector<1x16xi32> to vector<16xi32>
      %swap3A_459 = vector.shape_cast %add3A_453 : vector<16xi32> to vector<1x16xi32>
      tpu.vector_store %arg9[%swap3A_455, %swap3A_456], %swap3A_459 {strides = array<i32>} : memref<1x128xi32, #tpu.memory_space<vmem>>, vector<1x16xi32>,
      %add3A_460 = arith.constant 80 : i32
      %add3A_461 = arith.addi %add3A_409, %add3A_460 : i32
      %add3A_462 = vector.broadcast %add3A_461 : i32 to vector<16xi32>
      %add3A_463 = arith.addi %iota3A, %add3A_462 : vector<16xi32>
      %swap3A_464 = arith.constant 0 : i32
      %swap3A_465 = arith.index_cast %swap3A_464 : i32 to index
      %swap3A_466 = arith.constant 80 : index
      %swap3A_467 = tpu.vector_load %arg9[%swap3A_465, %swap3A_466] {strides = array<i32>} : memref<1x128xi32, #tpu.memory_space<vmem>>, vector<1x16xi32>,
      %swap3A_468 = vector.shape_cast %swap3A_467 : vector<1x16xi32> to vector<16xi32>
      %swap3A_469 = vector.shape_cast %add3A_463 : vector<16xi32> to vector<1x16xi32>
      tpu.vector_store %arg9[%swap3A_465, %swap3A_466], %swap3A_469 {strides = array<i32>} : memref<1x128xi32, #tpu.memory_space<vmem>>, vector<1x16xi32>,
      %add3A_470 = arith.constant 96 : i32
      %add3A_471 = arith.addi %add3A_409, %add3A_470 : i32
      %add3A_472 = vector.broadcast %add3A_471 : i32 to vector<16xi32>
      %add3A_473 = arith.addi %iota3A, %add3A_472 : vector<16xi32>
      %swap3A_474 = arith.constant 0 : i32
      %swap3A_475 = arith.index_cast %swap3A_474 : i32 to index
      %swap3A_476 = arith.constant 96 : index
      %swap3A_477 = tpu.vector_load %arg9[%swap3A_475, %swap3A_476] {strides = array<i32>} : memref<1x128xi32, #tpu.memory_space<vmem>>, vector<1x16xi32>,
      %swap3A_478 = vector.shape_cast %swap3A_477 : vector<1x16xi32> to vector<16xi32>
      %swap3A_479 = vector.shape_cast %add3A_473 : vector<16xi32> to vector<1x16xi32>
      tpu.vector_store %arg9[%swap3A_475, %swap3A_476], %swap3A_479 {strides = array<i32>} : memref<1x128xi32, #tpu.memory_space<vmem>>, vector<1x16xi32>,
      %add3A_480 = arith.constant 112 : i32
      %add3A_481 = arith.addi %add3A_409, %add3A_480 : i32
      %add3A_482 = vector.broadcast %add3A_481 : i32 to vector<16xi32>
      %add3A_483 = arith.addi %iota3A, %add3A_482 : vector<16xi32>
      %swap3A_484 = arith.constant 0 : i32
      %swap3A_485 = arith.index_cast %swap3A_484 : i32 to index
      %swap3A_486 = arith.constant 112 : index
      %swap3A_487 = tpu.vector_load %arg9[%swap3A_485, %swap3A_486] {strides = array<i32>} : memref<1x128xi32, #tpu.memory_space<vmem>>, vector<1x16xi32>,
      %swap3A_488 = vector.shape_cast %swap3A_487 : vector<1x16xi32> to vector<16xi32>
      %swap3A_489 = vector.shape_cast %add3A_483 : vector<16xi32> to vector<1x16xi32>
      tpu.vector_store %arg9[%swap3A_485, %swap3A_486], %swap3A_489 {strides = array<i32>} : memref<1x128xi32, #tpu.memory_space<vmem>>, vector<1x16xi32>,
      %run_scoped3A_490 = arith.constant 0 : i32
      "tpu.region"() ({
        %run_scoped3A_956 = tpu.sem_alloc : memref<!tpu.dma_semaphore, #tpu.memory_space<semaphore_mem>>
        %dma_start3A = arith.constant 0 : i32
        %dma_start3A_957 = tpu.memref_slice %arg9[%run_scoped3A_490, %dma_start3A] : memref<1x128xi32, #tpu.memory_space<vmem>> -> memref<1x128xi32, #tpu.memory_space<vmem>>
        %dma_start3A_958 = tpu.memref_squeeze %dma_start3A_957 : memref<1x128xi32, #tpu.memory_space<vmem>> -> memref<128xi32, #tpu.memory_space<vmem>>
        %dma_start3A_959 = arith.constant 0 : i32
        %dma_start3A_960 = arith.constant 0 : i32
        %dma_start3A_961 = tpu.memref_slice %arg10[%dma_start3A_959, %dma_start3A_960] : memref<10240x128xf32, #tpu.memory_space<vmem_shared>> -> memref<10240x128xf32, #tpu.memory_space<vmem_shared>>
        tpu.enqueue_indirect_dma source(%arg8 : memref<128x128xf32, #tpu.memory_space<vmem>>) target(%dma_start3A_961 : memref<10240x128xf32, #tpu.memory_space<vmem_shared>>) offsets(%dma_start3A_958 : memref<128xi32, #tpu.memory_space<vmem>>) semaphore(%run_scoped3A_956 : memref<!tpu.dma_semaphore, #tpu.memory_space<semaphore_mem>>)
        %dma_wait3A = arith.constant 0 : i32
        %dma_wait3A_962 = tpu.memref_slice %arg9[%run_scoped3A_490, %dma_wait3A] : memref<1x128xi32, #tpu.memory_space<vmem>> -> memref<1x128xi32, #tpu.memory_space<vmem>>
        %dma_wait3A_963 = tpu.memref_squeeze %dma_wait3A_962 : memref<1x128xi32, #tpu.memory_space<vmem>> -> memref<128xi32, #tpu.memory_space<vmem>>
        %dma_wait3A_964 = arith.constant 0 : i32
        %dma_wait3A_965 = arith.constant 0 : i32
        %dma_wait3A_966 = tpu.memref_slice %arg10[%dma_wait3A_964, %dma_wait3A_965] : memref<10240x128xf32, #tpu.memory_space<vmem_shared>> -> memref<10240x128xf32, #tpu.memory_space<vmem_shared>>
        tpu.wait_indirect_dma semaphore(%run_scoped3A_956 : memref<!tpu.dma_semaphore, #tpu.memory_space<semaphore_mem>>) src(%arg8 : memref<128x128xf32, #tpu.memory_space<vmem>>) dst(%dma_wait3A_966 : memref<10240x128xf32, #tpu.memory_space<vmem_shared>>)
        tpu.yield
      }) : () -> ()
      %barrier3A = arith.constant 0 : index
      tpu.barrier barrier_id(%barrier3A)
      %jit3A_491 = arith.constant 8 : i32
      %div3A_492 = arith.divsi %select_n3A_53, %jit3A_491 : i32
      %sign3A_493 = arith.constant 0 : i32
      %sign3A_494 = arith.cmpi sgt, %select_n3A_53, %sign3A_493 : i32
      %sign3A_495 = arith.extui %sign3A_494 : i1 to i32
      %sign3A_496 = arith.constant 0 : i32
      %sign3A_497 = arith.cmpi slt, %select_n3A_53, %sign3A_496 : i32
      %sign3A_498 = arith.extui %sign3A_497 : i1 to i32
      %sign3A_499 = arith.subi %sign3A_495, %sign3A_498 : i32
      %sign3A_500 = arith.constant 0 : i32
      %sign3A_501 = arith.cmpi sgt, %jit3A_491, %sign3A_500 : i32
      %sign3A_502 = arith.extui %sign3A_501 : i1 to i32
      %sign3A_503 = arith.constant 0 : i32
      %sign3A_504 = arith.cmpi slt, %jit3A_491, %sign3A_503 : i32
      %sign3A_505 = arith.extui %sign3A_504 : i1 to i32
      %sign3A_506 = arith.subi %sign3A_502, %sign3A_505 : i32
      %ne3A_507 = arith.cmpi ne, %sign3A_499, %sign3A_506 : i32
      %rem3A_508 = arith.remsi %select_n3A_53, %jit3A_491 : i32
      %ne3A_509 = arith.constant 0 : i32
      %ne3A_510 = arith.cmpi ne, %rem3A_508, %ne3A_509 : i32
      %and3A_511 = arith.andi %ne3A_507, %ne3A_510 : i1
      %sub3A_512 = arith.constant 1 : i32
      %sub3A_513 = arith.subi %div3A_492, %sub3A_512 : i32
      %select_n3A_514 = arith.select %and3A_511, %sub3A_513, %div3A_492 : i32
      %while3A = arith.constant 0 : i32
      %while3A_515 = arith.constant 0 : i32
      %while3A_516 = arith.subi %select_n3A_514, %while3A_515 : i32
      %while3A_517 = arith.addi %while3A_515, %while3A_516 : i32
      %while3A_518 = arith.constant 1 : i32
      %while3A_519 = arith.divsi %while3A_516, %while3A_518 : i32
      %while3A_520 = arith.muli %while3A_519, %while3A_518 : i32
      %while3A_521 = arith.addi %while3A_515, %while3A_520 : i32
      %while3A_522 = arith.constant 1 : i32
      scf.for %while3A_956 = %while3A_515 to %while3A_521 step %while3A_522  : i32 {
        %mul3A_957 = arith.constant 1280 : i32
        %mul3A_958 = arith.muli %add3A_58, %mul3A_957 : i32
        %add3A_959 = arith.addi %mul3A_958, %add3A_63 : i32
        %mul3A_960 = arith.constant 8 : i32
        %mul3A_961 = arith.muli %while3A_956, %mul3A_960 : i32
        %add3A_962 = arith.addi %add3A_959, %mul3A_961 : i32
        "tpu.region"() ({
          %run_scoped3A_969 = tpu.sem_alloc : memref<!tpu.dma_semaphore, #tpu.memory_space<semaphore_mem>>
          %dma_start3A = arith.constant 0 : i32
          %dma_start3A_970 = tpu.memref_slice %arg3[%add3A_962, %dma_start3A] : memref<12800x128xi32, #tpu.memory_space<hbm>> -> memref<8x128xi32, #tpu.memory_space<hbm>>
          %dma_start3A_971 = arith.constant 0 : i32
          %dma_start3A_972 = tpu.memref_slice %arg3[%add3A_962, %dma_start3A_971] : memref<12800x128xi32, #tpu.memory_space<hbm>> -> memref<8x128xi32, #tpu.memory_space<hbm>>
          tpu.enqueue_dma source(%dma_start3A_972 : memref<8x128xi32, #tpu.memory_space<hbm>>) target(%arg6 : memref<8x128xi32, #tpu.memory_space<vmem>>) target_semaphore(%run_scoped3A_969 : memref<!tpu.dma_semaphore, #tpu.memory_space<semaphore_mem>>)
          %dma_wait3A = arith.constant 0 : i32
          %dma_wait3A_973 = tpu.memref_slice %arg3[%add3A_962, %dma_wait3A] : memref<12800x128xi32, #tpu.memory_space<hbm>> -> memref<8x128xi32, #tpu.memory_space<hbm>>
          %dma_wait3A_974 = arith.constant 0 : i32
          %dma_wait3A_975 = tpu.memref_slice %arg3[%add3A_962, %dma_wait3A_974] : memref<12800x128xi32, #tpu.memory_space<hbm>> -> memref<8x128xi32, #tpu.memory_space<hbm>>
          tpu.wait_dma2 semaphore(%run_scoped3A_969 : memref<!tpu.dma_semaphore, #tpu.memory_space<semaphore_mem>>) src(%dma_wait3A_975 : memref<8x128xi32, #tpu.memory_space<hbm>>) dst(%arg6 : memref<8x128xi32, #tpu.memory_space<vmem>>)
          tpu.yield
        }) : () -> ()
        "tpu.region"() ({
          %run_scoped3A_969 = tpu.sem_alloc : memref<!tpu.dma_semaphore, #tpu.memory_space<semaphore_mem>>
          %dma_start3A = arith.constant 0 : i32
          %dma_start3A_970 = tpu.memref_slice %arg4[%add3A_962, %dma_start3A] : memref<12800x128xi32, #tpu.memory_space<hbm>> -> memref<8x128xi32, #tpu.memory_space<hbm>>
          %dma_start3A_971 = arith.constant 0 : i32
          %dma_start3A_972 = tpu.memref_slice %arg4[%add3A_962, %dma_start3A_971] : memref<12800x128xi32, #tpu.memory_space<hbm>> -> memref<8x128xi32, #tpu.memory_space<hbm>>
          tpu.enqueue_dma source(%dma_start3A_972 : memref<8x128xi32, #tpu.memory_space<hbm>>) target(%arg7 : memref<8x128xi32, #tpu.memory_space<vmem>>) target_semaphore(%run_scoped3A_969 : memref<!tpu.dma_semaphore, #tpu.memory_space<semaphore_mem>>)
          %dma_wait3A = arith.constant 0 : i32
          %dma_wait3A_973 = tpu.memref_slice %arg4[%add3A_962, %dma_wait3A] : memref<12800x128xi32, #tpu.memory_space<hbm>> -> memref<8x128xi32, #tpu.memory_space<hbm>>
          %dma_wait3A_974 = arith.constant 0 : i32
          %dma_wait3A_975 = tpu.memref_slice %arg4[%add3A_962, %dma_wait3A_974] : memref<12800x128xi32, #tpu.memory_space<hbm>> -> memref<8x128xi32, #tpu.memory_space<hbm>>
          tpu.wait_dma2 semaphore(%run_scoped3A_969 : memref<!tpu.dma_semaphore, #tpu.memory_space<semaphore_mem>>) src(%dma_wait3A_975 : memref<8x128xi32, #tpu.memory_space<hbm>>) dst(%arg7 : memref<8x128xi32, #tpu.memory_space<vmem>>)
          tpu.yield
        }) : () -> ()
        %scan3A_963 = arith.constant 0 : i32
        %scan3A_964 = arith.constant 0 : i32
        %scan3A_965 = arith.constant 8 : i32
        %scan3A_966 = arith.addi %scan3A_964, %scan3A_965 : i32
        %scan3A_967 = arith.constant 1 : i32
        scf.for %scan3A_969 = %scan3A_964 to %scan3A_966 step %scan3A_967  : i32 {
          %dma_start3A = arith.constant 0 : i32
          %dma_start3A_970 = tpu.memref_slice %arg6[%scan3A_969, %dma_start3A] : memref<8x128xi32, #tpu.memory_space<vmem>> -> memref<1x128xi32, #tpu.memory_space<vmem>>
          %dma_start3A_971 = tpu.memref_squeeze %dma_start3A_970 : memref<1x128xi32, #tpu.memory_space<vmem>> -> memref<128xi32, #tpu.memory_space<vmem>>
          %dma_start3A_972 = arith.constant 0 : i32
          %dma_start3A_973 = arith.constant 0 : i32
          %dma_start3A_974 = tpu.memref_slice %arg2[%dma_start3A_972, %dma_start3A_973] : memref<50008x128xf32, #tpu.memory_space<hbm>> -> memref<50008x128xf32, #tpu.memory_space<hbm>>
          tpu.enqueue_indirect_dma source(%dma_start3A_974 : memref<50008x128xf32, #tpu.memory_space<hbm>>) target(%arg8 : memref<128x128xf32, #tpu.memory_space<vmem>>) offsets(%dma_start3A_971 : memref<128xi32, #tpu.memory_space<vmem>>) semaphore(%arg11 : memref<!tpu.dma_semaphore, #tpu.memory_space<semaphore_mem>>)
          %dma_wait3A = arith.constant 0 : i32
          %dma_wait3A_975 = tpu.memref_slice %arg6[%scan3A_969, %dma_wait3A] : memref<8x128xi32, #tpu.memory_space<vmem>> -> memref<1x128xi32, #tpu.memory_space<vmem>>
          %dma_wait3A_976 = tpu.memref_squeeze %dma_wait3A_975 : memref<1x128xi32, #tpu.memory_space<vmem>> -> memref<128xi32, #tpu.memory_space<vmem>>
          %dma_wait3A_977 = arith.constant 0 : i32
          %dma_wait3A_978 = arith.constant 0 : i32
          %dma_wait3A_979 = tpu.memref_slice %arg2[%dma_wait3A_977, %dma_wait3A_978] : memref<50008x128xf32, #tpu.memory_space<hbm>> -> memref<50008x128xf32, #tpu.memory_space<hbm>>
          tpu.wait_indirect_dma semaphore(%arg11 : memref<!tpu.dma_semaphore, #tpu.memory_space<semaphore_mem>>) src(%dma_wait3A_979 : memref<50008x128xf32, #tpu.memory_space<hbm>>) dst(%arg8 : memref<128x128xf32, #tpu.memory_space<vmem>>)
          "tpu.region"() ({
            %run_scoped3A_980 = tpu.sem_alloc : memref<!tpu.dma_semaphore, #tpu.memory_space<semaphore_mem>>
            %dma_start3A_981 = arith.constant 0 : i32
            %dma_start3A_982 = tpu.memref_slice %arg7[%scan3A_969, %dma_start3A_981] : memref<8x128xi32, #tpu.memory_space<vmem>> -> memref<1x128xi32, #tpu.memory_space<vmem>>
            %dma_start3A_983 = tpu.memref_squeeze %dma_start3A_982 : memref<1x128xi32, #tpu.memory_space<vmem>> -> memref<128xi32, #tpu.memory_space<vmem>>
            %dma_start3A_984 = arith.constant 0 : i32
            %dma_start3A_985 = arith.constant 0 : i32
            %dma_start3A_986 = tpu.memref_slice %arg10[%dma_start3A_984, %dma_start3A_985] : memref<10240x128xf32, #tpu.memory_space<vmem_shared>> -> memref<10240x128xf32, #tpu.memory_space<vmem_shared>>
            tpu.enqueue_indirect_dma source(%arg8 : memref<128x128xf32, #tpu.memory_space<vmem>>) target(%dma_start3A_986 : memref<10240x128xf32, #tpu.memory_space<vmem_shared>>) offsets(%dma_start3A_983 : memref<128xi32, #tpu.memory_space<vmem>>) semaphore(%run_scoped3A_980 : memref<!tpu.dma_semaphore, #tpu.memory_space<semaphore_mem>>) {add = true}
            %dma_wait3A_987 = arith.constant 0 : i32
            %dma_wait3A_988 = tpu.memref_slice %arg7[%scan3A_969, %dma_wait3A_987] : memref<8x128xi32, #tpu.memory_space<vmem>> -> memref<1x128xi32, #tpu.memory_space<vmem>>
            %dma_wait3A_989 = tpu.memref_squeeze %dma_wait3A_988 : memref<1x128xi32, #tpu.memory_space<vmem>> -> memref<128xi32, #tpu.memory_space<vmem>>
            %dma_wait3A_990 = arith.constant 0 : i32
            %dma_wait3A_991 = arith.constant 0 : i32
            %dma_wait3A_992 = tpu.memref_slice %arg10[%dma_wait3A_990, %dma_wait3A_991] : memref<10240x128xf32, #tpu.memory_space<vmem_shared>> -> memref<10240x128xf32, #tpu.memory_space<vmem_shared>>
            tpu.wait_indirect_dma semaphore(%run_scoped3A_980 : memref<!tpu.dma_semaphore, #tpu.memory_space<semaphore_mem>>) src(%arg8 : memref<128x128xf32, #tpu.memory_space<vmem>>) dst(%dma_wait3A_992 : memref<10240x128xf32, #tpu.memory_space<vmem_shared>>)
            tpu.yield
          }) : () -> ()
        }
        %scan3A_968 = arith.constant 8 : i32
      }
      %while3A_523 = arith.constant 1 : i32
      scf.for %while3A_956 = %while3A_521 to %while3A_517 step %while3A_523  : i32 {
        %mul3A_957 = arith.constant 1280 : i32
        %mul3A_958 = arith.muli %add3A_58, %mul3A_957 : i32
        %add3A_959 = arith.addi %mul3A_958, %add3A_63 : i32
        %mul3A_960 = arith.constant 8 : i32
        %mul3A_961 = arith.muli %while3A_956, %mul3A_960 : i32
        %add3A_962 = arith.addi %add3A_959, %mul3A_961 : i32
        "tpu.region"() ({
          %run_scoped3A_969 = tpu.sem_alloc : memref<!tpu.dma_semaphore, #tpu.memory_space<semaphore_mem>>
          %dma_start3A = arith.constant 0 : i32
          %dma_start3A_970 = tpu.memref_slice %arg3[%add3A_962, %dma_start3A] : memref<12800x128xi32, #tpu.memory_space<hbm>> -> memref<8x128xi32, #tpu.memory_space<hbm>>
          %dma_start3A_971 = arith.constant 0 : i32
          %dma_start3A_972 = tpu.memref_slice %arg3[%add3A_962, %dma_start3A_971] : memref<12800x128xi32, #tpu.memory_space<hbm>> -> memref<8x128xi32, #tpu.memory_space<hbm>>
          tpu.enqueue_dma source(%dma_start3A_972 : memref<8x128xi32, #tpu.memory_space<hbm>>) target(%arg6 : memref<8x128xi32, #tpu.memory_space<vmem>>) target_semaphore(%run_scoped3A_969 : memref<!tpu.dma_semaphore, #tpu.memory_space<semaphore_mem>>)
          %dma_wait3A = arith.constant 0 : i32
          %dma_wait3A_973 = tpu.memref_slice %arg3[%add3A_962, %dma_wait3A] : memref<12800x128xi32, #tpu.memory_space<hbm>> -> memref<8x128xi32, #tpu.memory_space<hbm>>
          %dma_wait3A_974 = arith.constant 0 : i32
          %dma_wait3A_975 = tpu.memref_slice %arg3[%add3A_962, %dma_wait3A_974] : memref<12800x128xi32, #tpu.memory_space<hbm>> -> memref<8x128xi32, #tpu.memory_space<hbm>>
          tpu.wait_dma2 semaphore(%run_scoped3A_969 : memref<!tpu.dma_semaphore, #tpu.memory_space<semaphore_mem>>) src(%dma_wait3A_975 : memref<8x128xi32, #tpu.memory_space<hbm>>) dst(%arg6 : memref<8x128xi32, #tpu.memory_space<vmem>>)
          tpu.yield
        }) : () -> ()
        "tpu.region"() ({
          %run_scoped3A_969 = tpu.sem_alloc : memref<!tpu.dma_semaphore, #tpu.memory_space<semaphore_mem>>
          %dma_start3A = arith.constant 0 : i32
          %dma_start3A_970 = tpu.memref_slice %arg4[%add3A_962, %dma_start3A] : memref<12800x128xi32, #tpu.memory_space<hbm>> -> memref<8x128xi32, #tpu.memory_space<hbm>>
          %dma_start3A_971 = arith.constant 0 : i32
          %dma_start3A_972 = tpu.memref_slice %arg4[%add3A_962, %dma_start3A_971] : memref<12800x128xi32, #tpu.memory_space<hbm>> -> memref<8x128xi32, #tpu.memory_space<hbm>>
          tpu.enqueue_dma source(%dma_start3A_972 : memref<8x128xi32, #tpu.memory_space<hbm>>) target(%arg7 : memref<8x128xi32, #tpu.memory_space<vmem>>) target_semaphore(%run_scoped3A_969 : memref<!tpu.dma_semaphore, #tpu.memory_space<semaphore_mem>>)
          %dma_wait3A = arith.constant 0 : i32
          %dma_wait3A_973 = tpu.memref_slice %arg4[%add3A_962, %dma_wait3A] : memref<12800x128xi32, #tpu.memory_space<hbm>> -> memref<8x128xi32, #tpu.memory_space<hbm>>
          %dma_wait3A_974 = arith.constant 0 : i32
          %dma_wait3A_975 = tpu.memref_slice %arg4[%add3A_962, %dma_wait3A_974] : memref<12800x128xi32, #tpu.memory_space<hbm>> -> memref<8x128xi32, #tpu.memory_space<hbm>>
          tpu.wait_dma2 semaphore(%run_scoped3A_969 : memref<!tpu.dma_semaphore, #tpu.memory_space<semaphore_mem>>) src(%dma_wait3A_975 : memref<8x128xi32, #tpu.memory_space<hbm>>) dst(%arg7 : memref<8x128xi32, #tpu.memory_space<vmem>>)
          tpu.yield
        }) : () -> ()
        %scan3A_963 = arith.constant 0 : i32
        %scan3A_964 = arith.constant 0 : i32
        %scan3A_965 = arith.constant 8 : i32
        %scan3A_966 = arith.addi %scan3A_964, %scan3A_965 : i32
        %scan3A_967 = arith.constant 1 : i32
        scf.for %scan3A_969 = %scan3A_964 to %scan3A_966 step %scan3A_967  : i32 {
          %dma_start3A = arith.constant 0 : i32
          %dma_start3A_970 = tpu.memref_slice %arg6[%scan3A_969, %dma_start3A] : memref<8x128xi32, #tpu.memory_space<vmem>> -> memref<1x128xi32, #tpu.memory_space<vmem>>
          %dma_start3A_971 = tpu.memref_squeeze %dma_start3A_970 : memref<1x128xi32, #tpu.memory_space<vmem>> -> memref<128xi32, #tpu.memory_space<vmem>>
          %dma_start3A_972 = arith.constant 0 : i32
          %dma_start3A_973 = arith.constant 0 : i32
          %dma_start3A_974 = tpu.memref_slice %arg2[%dma_start3A_972, %dma_start3A_973] : memref<50008x128xf32, #tpu.memory_space<hbm>> -> memref<50008x128xf32, #tpu.memory_space<hbm>>
          tpu.enqueue_indirect_dma source(%dma_start3A_974 : memref<50008x128xf32, #tpu.memory_space<hbm>>) target(%arg8 : memref<128x128xf32, #tpu.memory_space<vmem>>) offsets(%dma_start3A_971 : memref<128xi32, #tpu.memory_space<vmem>>) semaphore(%arg11 : memref<!tpu.dma_semaphore, #tpu.memory_space<semaphore_mem>>)
          %dma_wait3A = arith.constant 0 : i32
          %dma_wait3A_975 = tpu.memref_slice %arg6[%scan3A_969, %dma_wait3A] : memref<8x128xi32, #tpu.memory_space<vmem>> -> memref<1x128xi32, #tpu.memory_space<vmem>>
          %dma_wait3A_976 = tpu.memref_squeeze %dma_wait3A_975 : memref<1x128xi32, #tpu.memory_space<vmem>> -> memref<128xi32, #tpu.memory_space<vmem>>
          %dma_wait3A_977 = arith.constant 0 : i32
          %dma_wait3A_978 = arith.constant 0 : i32
          %dma_wait3A_979 = tpu.memref_slice %arg2[%dma_wait3A_977, %dma_wait3A_978] : memref<50008x128xf32, #tpu.memory_space<hbm>> -> memref<50008x128xf32, #tpu.memory_space<hbm>>
          tpu.wait_indirect_dma semaphore(%arg11 : memref<!tpu.dma_semaphore, #tpu.memory_space<semaphore_mem>>) src(%dma_wait3A_979 : memref<50008x128xf32, #tpu.memory_space<hbm>>) dst(%arg8 : memref<128x128xf32, #tpu.memory_space<vmem>>)
          "tpu.region"() ({
            %run_scoped3A_980 = tpu.sem_alloc : memref<!tpu.dma_semaphore, #tpu.memory_space<semaphore_mem>>
            %dma_start3A_981 = arith.constant 0 : i32
            %dma_start3A_982 = tpu.memref_slice %arg7[%scan3A_969, %dma_start3A_981] : memref<8x128xi32, #tpu.memory_space<vmem>> -> memref<1x128xi32, #tpu.memory_space<vmem>>
            %dma_start3A_983 = tpu.memref_squeeze %dma_start3A_982 : memref<1x128xi32, #tpu.memory_space<vmem>> -> memref<128xi32, #tpu.memory_space<vmem>>
            %dma_start3A_984 = arith.constant 0 : i32
            %dma_start3A_985 = arith.constant 0 : i32
            %dma_start3A_986 = tpu.memref_slice %arg10[%dma_start3A_984, %dma_start3A_985] : memref<10240x128xf32, #tpu.memory_space<vmem_shared>> -> memref<10240x128xf32, #tpu.memory_space<vmem_shared>>
            tpu.enqueue_indirect_dma source(%arg8 : memref<128x128xf32, #tpu.memory_space<vmem>>) target(%dma_start3A_986 : memref<10240x128xf32, #tpu.memory_space<vmem_shared>>) offsets(%dma_start3A_983 : memref<128xi32, #tpu.memory_space<vmem>>) semaphore(%run_scoped3A_980 : memref<!tpu.dma_semaphore, #tpu.memory_space<semaphore_mem>>) {add = true}
            %dma_wait3A_987 = arith.constant 0 : i32
            %dma_wait3A_988 = tpu.memref_slice %arg7[%scan3A_969, %dma_wait3A_987] : memref<8x128xi32, #tpu.memory_space<vmem>> -> memref<1x128xi32, #tpu.memory_space<vmem>>
            %dma_wait3A_989 = tpu.memref_squeeze %dma_wait3A_988 : memref<1x128xi32, #tpu.memory_space<vmem>> -> memref<128xi32, #tpu.memory_space<vmem>>
            %dma_wait3A_990 = arith.constant 0 : i32
            %dma_wait3A_991 = arith.constant 0 : i32
            %dma_wait3A_992 = tpu.memref_slice %arg10[%dma_wait3A_990, %dma_wait3A_991] : memref<10240x128xf32, #tpu.memory_space<vmem_shared>> -> memref<10240x128xf32, #tpu.memory_space<vmem_shared>>
            tpu.wait_indirect_dma semaphore(%run_scoped3A_980 : memref<!tpu.dma_semaphore, #tpu.memory_space<semaphore_mem>>) src(%arg8 : memref<128x128xf32, #tpu.memory_space<vmem>>) dst(%dma_wait3A_992 : memref<10240x128xf32, #tpu.memory_space<vmem_shared>>)
            tpu.yield
          }) : () -> ()
        }
        %scan3A_968 = arith.constant 8 : i32
      }
      %barrier3A_524 = arith.constant 0 : index
      tpu.barrier barrier_id(%barrier3A_524)
      %add3A_525 = arith.constant 0 : i32
      %add3A_526 = arith.addi %mul3A_77, %add3A_525 : i32
      %add3A_527 = arith.constant 0 : i32
      %add3A_528 = arith.addi %add3A_526, %add3A_527 : i32
      %add3A_529 = vector.broadcast %add3A_528 : i32 to vector<16xi32>
      %add3A_530 = arith.addi %iota3A, %add3A_529 : vector<16xi32>
      %swap3A_531 = arith.constant 0 : i32
      %swap3A_532 = arith.index_cast %swap3A_531 : i32 to index
      %swap3A_533 = arith.constant 0 : index
      %swap3A_534 = tpu.vector_load %arg9[%swap3A_532, %swap3A_533] {strides = array<i32>} : memref<1x128xi32, #tpu.memory_space<vmem>>, vector<1x16xi32>,
      %swap3A_535 = vector.shape_cast %swap3A_534 : vector<1x16xi32> to vector<16xi32>
      %swap3A_536 = vector.shape_cast %add3A_530 : vector<16xi32> to vector<1x16xi32>
      tpu.vector_store %arg9[%swap3A_532, %swap3A_533], %swap3A_536 {strides = array<i32>} : memref<1x128xi32, #tpu.memory_space<vmem>>, vector<1x16xi32>,
      %add3A_537 = arith.constant 16 : i32
      %add3A_538 = arith.addi %add3A_526, %add3A_537 : i32
      %add3A_539 = vector.broadcast %add3A_538 : i32 to vector<16xi32>
      %add3A_540 = arith.addi %iota3A, %add3A_539 : vector<16xi32>
      %swap3A_541 = arith.constant 0 : i32
      %swap3A_542 = arith.index_cast %swap3A_541 : i32 to index
      %swap3A_543 = arith.constant 16 : index
      %swap3A_544 = tpu.vector_load %arg9[%swap3A_542, %swap3A_543] {strides = array<i32>} : memref<1x128xi32, #tpu.memory_space<vmem>>, vector<1x16xi32>,
      %swap3A_545 = vector.shape_cast %swap3A_544 : vector<1x16xi32> to vector<16xi32>
      %swap3A_546 = vector.shape_cast %add3A_540 : vector<16xi32> to vector<1x16xi32>
      tpu.vector_store %arg9[%swap3A_542, %swap3A_543], %swap3A_546 {strides = array<i32>} : memref<1x128xi32, #tpu.memory_space<vmem>>, vector<1x16xi32>,
      %add3A_547 = arith.constant 32 : i32
      %add3A_548 = arith.addi %add3A_526, %add3A_547 : i32
      %add3A_549 = vector.broadcast %add3A_548 : i32 to vector<16xi32>
      %add3A_550 = arith.addi %iota3A, %add3A_549 : vector<16xi32>
      %swap3A_551 = arith.constant 0 : i32
      %swap3A_552 = arith.index_cast %swap3A_551 : i32 to index
      %swap3A_553 = arith.constant 32 : index
      %swap3A_554 = tpu.vector_load %arg9[%swap3A_552, %swap3A_553] {strides = array<i32>} : memref<1x128xi32, #tpu.memory_space<vmem>>, vector<1x16xi32>,
      %swap3A_555 = vector.shape_cast %swap3A_554 : vector<1x16xi32> to vector<16xi32>
      %swap3A_556 = vector.shape_cast %add3A_550 : vector<16xi32> to vector<1x16xi32>
      tpu.vector_store %arg9[%swap3A_552, %swap3A_553], %swap3A_556 {strides = array<i32>} : memref<1x128xi32, #tpu.memory_space<vmem>>, vector<1x16xi32>,
      %add3A_557 = arith.constant 48 : i32
      %add3A_558 = arith.addi %add3A_526, %add3A_557 : i32
      %add3A_559 = vector.broadcast %add3A_558 : i32 to vector<16xi32>
      %add3A_560 = arith.addi %iota3A, %add3A_559 : vector<16xi32>
      %swap3A_561 = arith.constant 0 : i32
      %swap3A_562 = arith.index_cast %swap3A_561 : i32 to index
      %swap3A_563 = arith.constant 48 : index
      %swap3A_564 = tpu.vector_load %arg9[%swap3A_562, %swap3A_563] {strides = array<i32>} : memref<1x128xi32, #tpu.memory_space<vmem>>, vector<1x16xi32>,
      %swap3A_565 = vector.shape_cast %swap3A_564 : vector<1x16xi32> to vector<16xi32>
      %swap3A_566 = vector.shape_cast %add3A_560 : vector<16xi32> to vector<1x16xi32>
      tpu.vector_store %arg9[%swap3A_562, %swap3A_563], %swap3A_566 {strides = array<i32>} : memref<1x128xi32, #tpu.memory_space<vmem>>, vector<1x16xi32>,
      %add3A_567 = arith.constant 64 : i32
      %add3A_568 = arith.addi %add3A_526, %add3A_567 : i32
      %add3A_569 = vector.broadcast %add3A_568 : i32 to vector<16xi32>
      %add3A_570 = arith.addi %iota3A, %add3A_569 : vector<16xi32>
      %swap3A_571 = arith.constant 0 : i32
      %swap3A_572 = arith.index_cast %swap3A_571 : i32 to index
      %swap3A_573 = arith.constant 64 : index
      %swap3A_574 = tpu.vector_load %arg9[%swap3A_572, %swap3A_573] {strides = array<i32>} : memref<1x128xi32, #tpu.memory_space<vmem>>, vector<1x16xi32>,
      %swap3A_575 = vector.shape_cast %swap3A_574 : vector<1x16xi32> to vector<16xi32>
      %swap3A_576 = vector.shape_cast %add3A_570 : vector<16xi32> to vector<1x16xi32>
      tpu.vector_store %arg9[%swap3A_572, %swap3A_573], %swap3A_576 {strides = array<i32>} : memref<1x128xi32, #tpu.memory_space<vmem>>, vector<1x16xi32>,
      %add3A_577 = arith.constant 80 : i32
      %add3A_578 = arith.addi %add3A_526, %add3A_577 : i32
      %add3A_579 = vector.broadcast %add3A_578 : i32 to vector<16xi32>
      %add3A_580 = arith.addi %iota3A, %add3A_579 : vector<16xi32>
      %swap3A_581 = arith.constant 0 : i32
      %swap3A_582 = arith.index_cast %swap3A_581 : i32 to index
      %swap3A_583 = arith.constant 80 : index
      %swap3A_584 = tpu.vector_load %arg9[%swap3A_582, %swap3A_583] {strides = array<i32>} : memref<1x128xi32, #tpu.memory_space<vmem>>, vector<1x16xi32>,
      %swap3A_585 = vector.shape_cast %swap3A_584 : vector<1x16xi32> to vector<16xi32>
      %swap3A_586 = vector.shape_cast %add3A_580 : vector<16xi32> to vector<1x16xi32>
      tpu.vector_store %arg9[%swap3A_582, %swap3A_583], %swap3A_586 {strides = array<i32>} : memref<1x128xi32, #tpu.memory_space<vmem>>, vector<1x16xi32>,
      %add3A_587 = arith.constant 96 : i32
      %add3A_588 = arith.addi %add3A_526, %add3A_587 : i32
      %add3A_589 = vector.broadcast %add3A_588 : i32 to vector<16xi32>
      %add3A_590 = arith.addi %iota3A, %add3A_589 : vector<16xi32>
      %swap3A_591 = arith.constant 0 : i32
      %swap3A_592 = arith.index_cast %swap3A_591 : i32 to index
      %swap3A_593 = arith.constant 96 : index
      %swap3A_594 = tpu.vector_load %arg9[%swap3A_592, %swap3A_593] {strides = array<i32>} : memref<1x128xi32, #tpu.memory_space<vmem>>, vector<1x16xi32>,
      %swap3A_595 = vector.shape_cast %swap3A_594 : vector<1x16xi32> to vector<16xi32>
      %swap3A_596 = vector.shape_cast %add3A_590 : vector<16xi32> to vector<1x16xi32>
      tpu.vector_store %arg9[%swap3A_592, %swap3A_593], %swap3A_596 {strides = array<i32>} : memref<1x128xi32, #tpu.memory_space<vmem>>, vector<1x16xi32>,
      %add3A_597 = arith.constant 112 : i32
      %add3A_598 = arith.addi %add3A_526, %add3A_597 : i32
      %add3A_599 = vector.broadcast %add3A_598 : i32 to vector<16xi32>
      %add3A_600 = arith.addi %iota3A, %add3A_599 : vector<16xi32>
      %swap3A_601 = arith.constant 0 : i32
      %swap3A_602 = arith.index_cast %swap3A_601 : i32 to index
      %swap3A_603 = arith.constant 112 : index
      %swap3A_604 = tpu.vector_load %arg9[%swap3A_602, %swap3A_603] {strides = array<i32>} : memref<1x128xi32, #tpu.memory_space<vmem>>, vector<1x16xi32>,
      %swap3A_605 = vector.shape_cast %swap3A_604 : vector<1x16xi32> to vector<16xi32>
      %swap3A_606 = vector.shape_cast %add3A_600 : vector<16xi32> to vector<1x16xi32>
      tpu.vector_store %arg9[%swap3A_602, %swap3A_603], %swap3A_606 {strides = array<i32>} : memref<1x128xi32, #tpu.memory_space<vmem>>, vector<1x16xi32>,
      %run_scoped3A_607 = arith.constant 0 : i32
      "tpu.region"() ({
        %run_scoped3A_956 = tpu.sem_alloc : memref<!tpu.dma_semaphore, #tpu.memory_space<semaphore_mem>>
        %dma_start3A = arith.constant 0 : i32
        %dma_start3A_957 = tpu.memref_slice %arg9[%run_scoped3A_607, %dma_start3A] : memref<1x128xi32, #tpu.memory_space<vmem>> -> memref<1x128xi32, #tpu.memory_space<vmem>>
        %dma_start3A_958 = tpu.memref_squeeze %dma_start3A_957 : memref<1x128xi32, #tpu.memory_space<vmem>> -> memref<128xi32, #tpu.memory_space<vmem>>
        %dma_start3A_959 = arith.constant 0 : i32
        %dma_start3A_960 = arith.constant 0 : i32
        %dma_start3A_961 = tpu.memref_slice %arg10[%dma_start3A_959, %dma_start3A_960] : memref<10240x128xf32, #tpu.memory_space<vmem_shared>> -> memref<10240x128xf32, #tpu.memory_space<vmem_shared>>
        tpu.enqueue_indirect_dma source(%dma_start3A_961 : memref<10240x128xf32, #tpu.memory_space<vmem_shared>>) target(%arg8 : memref<128x128xf32, #tpu.memory_space<vmem>>) offsets(%dma_start3A_958 : memref<128xi32, #tpu.memory_space<vmem>>) semaphore(%run_scoped3A_956 : memref<!tpu.dma_semaphore, #tpu.memory_space<semaphore_mem>>)
        %dma_wait3A = arith.constant 0 : i32
        %dma_wait3A_962 = tpu.memref_slice %arg9[%run_scoped3A_607, %dma_wait3A] : memref<1x128xi32, #tpu.memory_space<vmem>> -> memref<1x128xi32, #tpu.memory_space<vmem>>
        %dma_wait3A_963 = tpu.memref_squeeze %dma_wait3A_962 : memref<1x128xi32, #tpu.memory_space<vmem>> -> memref<128xi32, #tpu.memory_space<vmem>>
        %dma_wait3A_964 = arith.constant 0 : i32
        %dma_wait3A_965 = arith.constant 0 : i32
        %dma_wait3A_966 = tpu.memref_slice %arg10[%dma_wait3A_964, %dma_wait3A_965] : memref<10240x128xf32, #tpu.memory_space<vmem_shared>> -> memref<10240x128xf32, #tpu.memory_space<vmem_shared>>
        tpu.wait_indirect_dma semaphore(%run_scoped3A_956 : memref<!tpu.dma_semaphore, #tpu.memory_space<semaphore_mem>>) src(%dma_wait3A_966 : memref<10240x128xf32, #tpu.memory_space<vmem_shared>>) dst(%arg8 : memref<128x128xf32, #tpu.memory_space<vmem>>)
        tpu.yield
      }) : () -> ()
      %mul3A_608 = arith.constant 10240 : i32
      %mul3A_609 = arith.muli %add3A_69, %mul3A_608 : i32
      %add3A_610 = arith.addi %mul3A_609, %add3A_526 : i32
      "tpu.region"() ({
        %run_scoped3A_956 = tpu.sem_alloc : memref<!tpu.dma_semaphore, #tpu.memory_space<semaphore_mem>>
        %dma_start3A = arith.constant 0 : i32
        %dma_start3A_957 = tpu.memref_slice %arg5[%add3A_610, %dma_start3A] : memref<122880x128xf32, #tpu.memory_space<hbm>> -> memref<128x128xf32, #tpu.memory_space<hbm>>
        %dma_start3A_958 = arith.constant 0 : i32
        %dma_start3A_959 = tpu.memref_slice %arg5[%add3A_610, %dma_start3A_958] : memref<122880x128xf32, #tpu.memory_space<hbm>> -> memref<128x128xf32, #tpu.memory_space<hbm>>
        tpu.enqueue_dma source(%arg8 : memref<128x128xf32, #tpu.memory_space<vmem>>) target(%dma_start3A_959 : memref<128x128xf32, #tpu.memory_space<hbm>>) target_semaphore(%run_scoped3A_956 : memref<!tpu.dma_semaphore, #tpu.memory_space<semaphore_mem>>)
        %dma_wait3A = arith.constant 0 : i32
        %dma_wait3A_960 = tpu.memref_slice %arg5[%add3A_610, %dma_wait3A] : memref<122880x128xf32, #tpu.memory_space<hbm>> -> memref<128x128xf32, #tpu.memory_space<hbm>>
        %dma_wait3A_961 = arith.constant 0 : i32
        %dma_wait3A_962 = tpu.memref_slice %arg5[%add3A_610, %dma_wait3A_961] : memref<122880x128xf32, #tpu.memory_space<hbm>> -> memref<128x128xf32, #tpu.memory_space<hbm>>
        tpu.wait_dma2 semaphore(%run_scoped3A_956 : memref<!tpu.dma_semaphore, #tpu.memory_space<semaphore_mem>>) src(%arg8 : memref<128x128xf32, #tpu.memory_space<vmem>>) dst(%dma_wait3A_962 : memref<128x128xf32, #tpu.memory_space<hbm>>)
        tpu.yield
      }) : () -> ()
      %add3A_611 = arith.constant 128 : i32
      %add3A_612 = arith.addi %mul3A_77, %add3A_611 : i32
      %add3A_613 = arith.constant 0 : i32
      %add3A_614 = arith.addi %add3A_612, %add3A_613 : i32
      %add3A_615 = vector.broadcast %add3A_614 : i32 to vector<16xi32>
      %add3A_616 = arith.addi %iota3A, %add3A_615 : vector<16xi32>
      %swap3A_617 = arith.constant 0 : i32
      %swap3A_618 = arith.index_cast %swap3A_617 : i32 to index
      %swap3A_619 = arith.constant 0 : index
      %swap3A_620 = tpu.vector_load %arg9[%swap3A_618, %swap3A_619] {strides = array<i32>} : memref<1x128xi32, #tpu.memory_space<vmem>>, vector<1x16xi32>,
      %swap3A_621 = vector.shape_cast %swap3A_620 : vector<1x16xi32> to vector<16xi32>
      %swap3A_622 = vector.shape_cast %add3A_616 : vector<16xi32> to vector<1x16xi32>
      tpu.vector_store %arg9[%swap3A_618, %swap3A_619], %swap3A_622 {strides = array<i32>} : memref<1x128xi32, #tpu.memory_space<vmem>>, vector<1x16xi32>,
      %add3A_623 = arith.constant 16 : i32
      %add3A_624 = arith.addi %add3A_612, %add3A_623 : i32
      %add3A_625 = vector.broadcast %add3A_624 : i32 to vector<16xi32>
      %add3A_626 = arith.addi %iota3A, %add3A_625 : vector<16xi32>
      %swap3A_627 = arith.constant 0 : i32
      %swap3A_628 = arith.index_cast %swap3A_627 : i32 to index
      %swap3A_629 = arith.constant 16 : index
      %swap3A_630 = tpu.vector_load %arg9[%swap3A_628, %swap3A_629] {strides = array<i32>} : memref<1x128xi32, #tpu.memory_space<vmem>>, vector<1x16xi32>,
      %swap3A_631 = vector.shape_cast %swap3A_630 : vector<1x16xi32> to vector<16xi32>
      %swap3A_632 = vector.shape_cast %add3A_626 : vector<16xi32> to vector<1x16xi32>
      tpu.vector_store %arg9[%swap3A_628, %swap3A_629], %swap3A_632 {strides = array<i32>} : memref<1x128xi32, #tpu.memory_space<vmem>>, vector<1x16xi32>,
      %add3A_633 = arith.constant 32 : i32
      %add3A_634 = arith.addi %add3A_612, %add3A_633 : i32
      %add3A_635 = vector.broadcast %add3A_634 : i32 to vector<16xi32>
      %add3A_636 = arith.addi %iota3A, %add3A_635 : vector<16xi32>
      %swap3A_637 = arith.constant 0 : i32
      %swap3A_638 = arith.index_cast %swap3A_637 : i32 to index
      %swap3A_639 = arith.constant 32 : index
      %swap3A_640 = tpu.vector_load %arg9[%swap3A_638, %swap3A_639] {strides = array<i32>} : memref<1x128xi32, #tpu.memory_space<vmem>>, vector<1x16xi32>,
      %swap3A_641 = vector.shape_cast %swap3A_640 : vector<1x16xi32> to vector<16xi32>
      %swap3A_642 = vector.shape_cast %add3A_636 : vector<16xi32> to vector<1x16xi32>
      tpu.vector_store %arg9[%swap3A_638, %swap3A_639], %swap3A_642 {strides = array<i32>} : memref<1x128xi32, #tpu.memory_space<vmem>>, vector<1x16xi32>,
      %add3A_643 = arith.constant 48 : i32
      %add3A_644 = arith.addi %add3A_612, %add3A_643 : i32
      %add3A_645 = vector.broadcast %add3A_644 : i32 to vector<16xi32>
      %add3A_646 = arith.addi %iota3A, %add3A_645 : vector<16xi32>
      %swap3A_647 = arith.constant 0 : i32
      %swap3A_648 = arith.index_cast %swap3A_647 : i32 to index
      %swap3A_649 = arith.constant 48 : index
      %swap3A_650 = tpu.vector_load %arg9[%swap3A_648, %swap3A_649] {strides = array<i32>} : memref<1x128xi32, #tpu.memory_space<vmem>>, vector<1x16xi32>,
      %swap3A_651 = vector.shape_cast %swap3A_650 : vector<1x16xi32> to vector<16xi32>
      %swap3A_652 = vector.shape_cast %add3A_646 : vector<16xi32> to vector<1x16xi32>
      tpu.vector_store %arg9[%swap3A_648, %swap3A_649], %swap3A_652 {strides = array<i32>} : memref<1x128xi32, #tpu.memory_space<vmem>>, vector<1x16xi32>,
      %add3A_653 = arith.constant 64 : i32
      %add3A_654 = arith.addi %add3A_612, %add3A_653 : i32
      %add3A_655 = vector.broadcast %add3A_654 : i32 to vector<16xi32>
      %add3A_656 = arith.addi %iota3A, %add3A_655 : vector<16xi32>
      %swap3A_657 = arith.constant 0 : i32
      %swap3A_658 = arith.index_cast %swap3A_657 : i32 to index
      %swap3A_659 = arith.constant 64 : index
      %swap3A_660 = tpu.vector_load %arg9[%swap3A_658, %swap3A_659] {strides = array<i32>} : memref<1x128xi32, #tpu.memory_space<vmem>>, vector<1x16xi32>,
      %swap3A_661 = vector.shape_cast %swap3A_660 : vector<1x16xi32> to vector<16xi32>
      %swap3A_662 = vector.shape_cast %add3A_656 : vector<16xi32> to vector<1x16xi32>
      tpu.vector_store %arg9[%swap3A_658, %swap3A_659], %swap3A_662 {strides = array<i32>} : memref<1x128xi32, #tpu.memory_space<vmem>>, vector<1x16xi32>,
      %add3A_663 = arith.constant 80 : i32
      %add3A_664 = arith.addi %add3A_612, %add3A_663 : i32
      %add3A_665 = vector.broadcast %add3A_664 : i32 to vector<16xi32>
      %add3A_666 = arith.addi %iota3A, %add3A_665 : vector<16xi32>
      %swap3A_667 = arith.constant 0 : i32
      %swap3A_668 = arith.index_cast %swap3A_667 : i32 to index
      %swap3A_669 = arith.constant 80 : index
      %swap3A_670 = tpu.vector_load %arg9[%swap3A_668, %swap3A_669] {strides = array<i32>} : memref<1x128xi32, #tpu.memory_space<vmem>>, vector<1x16xi32>,
      %swap3A_671 = vector.shape_cast %swap3A_670 : vector<1x16xi32> to vector<16xi32>
      %swap3A_672 = vector.shape_cast %add3A_666 : vector<16xi32> to vector<1x16xi32>
      tpu.vector_store %arg9[%swap3A_668, %swap3A_669], %swap3A_672 {strides = array<i32>} : memref<1x128xi32, #tpu.memory_space<vmem>>, vector<1x16xi32>,
      %add3A_673 = arith.constant 96 : i32
      %add3A_674 = arith.addi %add3A_612, %add3A_673 : i32
      %add3A_675 = vector.broadcast %add3A_674 : i32 to vector<16xi32>
      %add3A_676 = arith.addi %iota3A, %add3A_675 : vector<16xi32>
      %swap3A_677 = arith.constant 0 : i32
      %swap3A_678 = arith.index_cast %swap3A_677 : i32 to index
      %swap3A_679 = arith.constant 96 : index
      %swap3A_680 = tpu.vector_load %arg9[%swap3A_678, %swap3A_679] {strides = array<i32>} : memref<1x128xi32, #tpu.memory_space<vmem>>, vector<1x16xi32>,
      %swap3A_681 = vector.shape_cast %swap3A_680 : vector<1x16xi32> to vector<16xi32>
      %swap3A_682 = vector.shape_cast %add3A_676 : vector<16xi32> to vector<1x16xi32>
      tpu.vector_store %arg9[%swap3A_678, %swap3A_679], %swap3A_682 {strides = array<i32>} : memref<1x128xi32, #tpu.memory_space<vmem>>, vector<1x16xi32>,
      %add3A_683 = arith.constant 112 : i32
      %add3A_684 = arith.addi %add3A_612, %add3A_683 : i32
      %add3A_685 = vector.broadcast %add3A_684 : i32 to vector<16xi32>
      %add3A_686 = arith.addi %iota3A, %add3A_685 : vector<16xi32>
      %swap3A_687 = arith.constant 0 : i32
      %swap3A_688 = arith.index_cast %swap3A_687 : i32 to index
      %swap3A_689 = arith.constant 112 : index
      %swap3A_690 = tpu.vector_load %arg9[%swap3A_688, %swap3A_689] {strides = array<i32>} : memref<1x128xi32, #tpu.memory_space<vmem>>, vector<1x16xi32>,
      %swap3A_691 = vector.shape_cast %swap3A_690 : vector<1x16xi32> to vector<16xi32>
      %swap3A_692 = vector.shape_cast %add3A_686 : vector<16xi32> to vector<1x16xi32>
      tpu.vector_store %arg9[%swap3A_688, %swap3A_689], %swap3A_692 {strides = array<i32>} : memref<1x128xi32, #tpu.memory_space<vmem>>, vector<1x16xi32>,
      %run_scoped3A_693 = arith.constant 0 : i32
      "tpu.region"() ({
        %run_scoped3A_956 = tpu.sem_alloc : memref<!tpu.dma_semaphore, #tpu.memory_space<semaphore_mem>>
        %dma_start3A = arith.constant 0 : i32
        %dma_start3A_957 = tpu.memref_slice %arg9[%run_scoped3A_693, %dma_start3A] : memref<1x128xi32, #tpu.memory_space<vmem>> -> memref<1x128xi32, #tpu.memory_space<vmem>>
        %dma_start3A_958 = tpu.memref_squeeze %dma_start3A_957 : memref<1x128xi32, #tpu.memory_space<vmem>> -> memref<128xi32, #tpu.memory_space<vmem>>
        %dma_start3A_959 = arith.constant 0 : i32
        %dma_start3A_960 = arith.constant 0 : i32
        %dma_start3A_961 = tpu.memref_slice %arg10[%dma_start3A_959, %dma_start3A_960] : memref<10240x128xf32, #tpu.memory_space<vmem_shared>> -> memref<10240x128xf32, #tpu.memory_space<vmem_shared>>
        tpu.enqueue_indirect_dma source(%dma_start3A_961 : memref<10240x128xf32, #tpu.memory_space<vmem_shared>>) target(%arg8 : memref<128x128xf32, #tpu.memory_space<vmem>>) offsets(%dma_start3A_958 : memref<128xi32, #tpu.memory_space<vmem>>) semaphore(%run_scoped3A_956 : memref<!tpu.dma_semaphore, #tpu.memory_space<semaphore_mem>>)
        %dma_wait3A = arith.constant 0 : i32
        %dma_wait3A_962 = tpu.memref_slice %arg9[%run_scoped3A_693, %dma_wait3A] : memref<1x128xi32, #tpu.memory_space<vmem>> -> memref<1x128xi32, #tpu.memory_space<vmem>>
        %dma_wait3A_963 = tpu.memref_squeeze %dma_wait3A_962 : memref<1x128xi32, #tpu.memory_space<vmem>> -> memref<128xi32, #tpu.memory_space<vmem>>
        %dma_wait3A_964 = arith.constant 0 : i32
        %dma_wait3A_965 = arith.constant 0 : i32
        %dma_wait3A_966 = tpu.memref_slice %arg10[%dma_wait3A_964, %dma_wait3A_965] : memref<10240x128xf32, #tpu.memory_space<vmem_shared>> -> memref<10240x128xf32, #tpu.memory_space<vmem_shared>>
        tpu.wait_indirect_dma semaphore(%run_scoped3A_956 : memref<!tpu.dma_semaphore, #tpu.memory_space<semaphore_mem>>) src(%dma_wait3A_966 : memref<10240x128xf32, #tpu.memory_space<vmem_shared>>) dst(%arg8 : memref<128x128xf32, #tpu.memory_space<vmem>>)
        tpu.yield
      }) : () -> ()
      %mul3A_694 = arith.constant 10240 : i32
      %mul3A_695 = arith.muli %add3A_69, %mul3A_694 : i32
      %add3A_696 = arith.addi %mul3A_695, %add3A_612 : i32
      "tpu.region"() ({
        %run_scoped3A_956 = tpu.sem_alloc : memref<!tpu.dma_semaphore, #tpu.memory_space<semaphore_mem>>
        %dma_start3A = arith.constant 0 : i32
        %dma_start3A_957 = tpu.memref_slice %arg5[%add3A_696, %dma_start3A] : memref<122880x128xf32, #tpu.memory_space<hbm>> -> memref<128x128xf32, #tpu.memory_space<hbm>>
        %dma_start3A_958 = arith.constant 0 : i32
        %dma_start3A_959 = tpu.memref_slice %arg5[%add3A_696, %dma_start3A_958] : memref<122880x128xf32, #tpu.memory_space<hbm>> -> memref<128x128xf32, #tpu.memory_space<hbm>>
        tpu.enqueue_dma source(%arg8 : memref<128x128xf32, #tpu.memory_space<vmem>>) target(%dma_start3A_959 : memref<128x128xf32, #tpu.memory_space<hbm>>) target_semaphore(%run_scoped3A_956 : memref<!tpu.dma_semaphore, #tpu.memory_space<semaphore_mem>>)
        %dma_wait3A = arith.constant 0 : i32
        %dma_wait3A_960 = tpu.memref_slice %arg5[%add3A_696, %dma_wait3A] : memref<122880x128xf32, #tpu.memory_space<hbm>> -> memref<128x128xf32, #tpu.memory_space<hbm>>
        %dma_wait3A_961 = arith.constant 0 : i32
        %dma_wait3A_962 = tpu.memref_slice %arg5[%add3A_696, %dma_wait3A_961] : memref<122880x128xf32, #tpu.memory_space<hbm>> -> memref<128x128xf32, #tpu.memory_space<hbm>>
        tpu.wait_dma2 semaphore(%run_scoped3A_956 : memref<!tpu.dma_semaphore, #tpu.memory_space<semaphore_mem>>) src(%arg8 : memref<128x128xf32, #tpu.memory_space<vmem>>) dst(%dma_wait3A_962 : memref<128x128xf32, #tpu.memory_space<hbm>>)
        tpu.yield
      }) : () -> ()
      %add3A_697 = arith.constant 256 : i32
      %add3A_698 = arith.addi %mul3A_77, %add3A_697 : i32
      %add3A_699 = arith.constant 0 : i32
      %add3A_700 = arith.addi %add3A_698, %add3A_699 : i32
      %add3A_701 = vector.broadcast %add3A_700 : i32 to vector<16xi32>
      %add3A_702 = arith.addi %iota3A, %add3A_701 : vector<16xi32>
      %swap3A_703 = arith.constant 0 : i32
      %swap3A_704 = arith.index_cast %swap3A_703 : i32 to index
      %swap3A_705 = arith.constant 0 : index
      %swap3A_706 = tpu.vector_load %arg9[%swap3A_704, %swap3A_705] {strides = array<i32>} : memref<1x128xi32, #tpu.memory_space<vmem>>, vector<1x16xi32>,
      %swap3A_707 = vector.shape_cast %swap3A_706 : vector<1x16xi32> to vector<16xi32>
      %swap3A_708 = vector.shape_cast %add3A_702 : vector<16xi32> to vector<1x16xi32>
      tpu.vector_store %arg9[%swap3A_704, %swap3A_705], %swap3A_708 {strides = array<i32>} : memref<1x128xi32, #tpu.memory_space<vmem>>, vector<1x16xi32>,
      %add3A_709 = arith.constant 16 : i32
      %add3A_710 = arith.addi %add3A_698, %add3A_709 : i32
      %add3A_711 = vector.broadcast %add3A_710 : i32 to vector<16xi32>
      %add3A_712 = arith.addi %iota3A, %add3A_711 : vector<16xi32>
      %swap3A_713 = arith.constant 0 : i32
      %swap3A_714 = arith.index_cast %swap3A_713 : i32 to index
      %swap3A_715 = arith.constant 16 : index
      %swap3A_716 = tpu.vector_load %arg9[%swap3A_714, %swap3A_715] {strides = array<i32>} : memref<1x128xi32, #tpu.memory_space<vmem>>, vector<1x16xi32>,
      %swap3A_717 = vector.shape_cast %swap3A_716 : vector<1x16xi32> to vector<16xi32>
      %swap3A_718 = vector.shape_cast %add3A_712 : vector<16xi32> to vector<1x16xi32>
      tpu.vector_store %arg9[%swap3A_714, %swap3A_715], %swap3A_718 {strides = array<i32>} : memref<1x128xi32, #tpu.memory_space<vmem>>, vector<1x16xi32>,
      %add3A_719 = arith.constant 32 : i32
      %add3A_720 = arith.addi %add3A_698, %add3A_719 : i32
      %add3A_721 = vector.broadcast %add3A_720 : i32 to vector<16xi32>
      %add3A_722 = arith.addi %iota3A, %add3A_721 : vector<16xi32>
      %swap3A_723 = arith.constant 0 : i32
      %swap3A_724 = arith.index_cast %swap3A_723 : i32 to index
      %swap3A_725 = arith.constant 32 : index
      %swap3A_726 = tpu.vector_load %arg9[%swap3A_724, %swap3A_725] {strides = array<i32>} : memref<1x128xi32, #tpu.memory_space<vmem>>, vector<1x16xi32>,
      %swap3A_727 = vector.shape_cast %swap3A_726 : vector<1x16xi32> to vector<16xi32>
      %swap3A_728 = vector.shape_cast %add3A_722 : vector<16xi32> to vector<1x16xi32>
      tpu.vector_store %arg9[%swap3A_724, %swap3A_725], %swap3A_728 {strides = array<i32>} : memref<1x128xi32, #tpu.memory_space<vmem>>, vector<1x16xi32>,
      %add3A_729 = arith.constant 48 : i32
      %add3A_730 = arith.addi %add3A_698, %add3A_729 : i32
      %add3A_731 = vector.broadcast %add3A_730 : i32 to vector<16xi32>
      %add3A_732 = arith.addi %iota3A, %add3A_731 : vector<16xi32>
      %swap3A_733 = arith.constant 0 : i32
      %swap3A_734 = arith.index_cast %swap3A_733 : i32 to index
      %swap3A_735 = arith.constant 48 : index
      %swap3A_736 = tpu.vector_load %arg9[%swap3A_734, %swap3A_735] {strides = array<i32>} : memref<1x128xi32, #tpu.memory_space<vmem>>, vector<1x16xi32>,
      %swap3A_737 = vector.shape_cast %swap3A_736 : vector<1x16xi32> to vector<16xi32>
      %swap3A_738 = vector.shape_cast %add3A_732 : vector<16xi32> to vector<1x16xi32>
      tpu.vector_store %arg9[%swap3A_734, %swap3A_735], %swap3A_738 {strides = array<i32>} : memref<1x128xi32, #tpu.memory_space<vmem>>, vector<1x16xi32>,
      %add3A_739 = arith.constant 64 : i32
      %add3A_740 = arith.addi %add3A_698, %add3A_739 : i32
      %add3A_741 = vector.broadcast %add3A_740 : i32 to vector<16xi32>
      %add3A_742 = arith.addi %iota3A, %add3A_741 : vector<16xi32>
      %swap3A_743 = arith.constant 0 : i32
      %swap3A_744 = arith.index_cast %swap3A_743 : i32 to index
      %swap3A_745 = arith.constant 64 : index
      %swap3A_746 = tpu.vector_load %arg9[%swap3A_744, %swap3A_745] {strides = array<i32>} : memref<1x128xi32, #tpu.memory_space<vmem>>, vector<1x16xi32>,
      %swap3A_747 = vector.shape_cast %swap3A_746 : vector<1x16xi32> to vector<16xi32>
      %swap3A_748 = vector.shape_cast %add3A_742 : vector<16xi32> to vector<1x16xi32>
      tpu.vector_store %arg9[%swap3A_744, %swap3A_745], %swap3A_748 {strides = array<i32>} : memref<1x128xi32, #tpu.memory_space<vmem>>, vector<1x16xi32>,
      %add3A_749 = arith.constant 80 : i32
      %add3A_750 = arith.addi %add3A_698, %add3A_749 : i32
      %add3A_751 = vector.broadcast %add3A_750 : i32 to vector<16xi32>
      %add3A_752 = arith.addi %iota3A, %add3A_751 : vector<16xi32>
      %swap3A_753 = arith.constant 0 : i32
      %swap3A_754 = arith.index_cast %swap3A_753 : i32 to index
      %swap3A_755 = arith.constant 80 : index
      %swap3A_756 = tpu.vector_load %arg9[%swap3A_754, %swap3A_755] {strides = array<i32>} : memref<1x128xi32, #tpu.memory_space<vmem>>, vector<1x16xi32>,
      %swap3A_757 = vector.shape_cast %swap3A_756 : vector<1x16xi32> to vector<16xi32>
      %swap3A_758 = vector.shape_cast %add3A_752 : vector<16xi32> to vector<1x16xi32>
      tpu.vector_store %arg9[%swap3A_754, %swap3A_755], %swap3A_758 {strides = array<i32>} : memref<1x128xi32, #tpu.memory_space<vmem>>, vector<1x16xi32>,
      %add3A_759 = arith.constant 96 : i32
      %add3A_760 = arith.addi %add3A_698, %add3A_759 : i32
      %add3A_761 = vector.broadcast %add3A_760 : i32 to vector<16xi32>
      %add3A_762 = arith.addi %iota3A, %add3A_761 : vector<16xi32>
      %swap3A_763 = arith.constant 0 : i32
      %swap3A_764 = arith.index_cast %swap3A_763 : i32 to index
      %swap3A_765 = arith.constant 96 : index
      %swap3A_766 = tpu.vector_load %arg9[%swap3A_764, %swap3A_765] {strides = array<i32>} : memref<1x128xi32, #tpu.memory_space<vmem>>, vector<1x16xi32>,
      %swap3A_767 = vector.shape_cast %swap3A_766 : vector<1x16xi32> to vector<16xi32>
      %swap3A_768 = vector.shape_cast %add3A_762 : vector<16xi32> to vector<1x16xi32>
      tpu.vector_store %arg9[%swap3A_764, %swap3A_765], %swap3A_768 {strides = array<i32>} : memref<1x128xi32, #tpu.memory_space<vmem>>, vector<1x16xi32>,
      %add3A_769 = arith.constant 112 : i32
      %add3A_770 = arith.addi %add3A_698, %add3A_769 : i32
      %add3A_771 = vector.broadcast %add3A_770 : i32 to vector<16xi32>
      %add3A_772 = arith.addi %iota3A, %add3A_771 : vector<16xi32>
      %swap3A_773 = arith.constant 0 : i32
      %swap3A_774 = arith.index_cast %swap3A_773 : i32 to index
      %swap3A_775 = arith.constant 112 : index
      %swap3A_776 = tpu.vector_load %arg9[%swap3A_774, %swap3A_775] {strides = array<i32>} : memref<1x128xi32, #tpu.memory_space<vmem>>, vector<1x16xi32>,
      %swap3A_777 = vector.shape_cast %swap3A_776 : vector<1x16xi32> to vector<16xi32>
      %swap3A_778 = vector.shape_cast %add3A_772 : vector<16xi32> to vector<1x16xi32>
      tpu.vector_store %arg9[%swap3A_774, %swap3A_775], %swap3A_778 {strides = array<i32>} : memref<1x128xi32, #tpu.memory_space<vmem>>, vector<1x16xi32>,
      %run_scoped3A_779 = arith.constant 0 : i32
      "tpu.region"() ({
        %run_scoped3A_956 = tpu.sem_alloc : memref<!tpu.dma_semaphore, #tpu.memory_space<semaphore_mem>>
        %dma_start3A = arith.constant 0 : i32
        %dma_start3A_957 = tpu.memref_slice %arg9[%run_scoped3A_779, %dma_start3A] : memref<1x128xi32, #tpu.memory_space<vmem>> -> memref<1x128xi32, #tpu.memory_space<vmem>>
        %dma_start3A_958 = tpu.memref_squeeze %dma_start3A_957 : memref<1x128xi32, #tpu.memory_space<vmem>> -> memref<128xi32, #tpu.memory_space<vmem>>
        %dma_start3A_959 = arith.constant 0 : i32
        %dma_start3A_960 = arith.constant 0 : i32
        %dma_start3A_961 = tpu.memref_slice %arg10[%dma_start3A_959, %dma_start3A_960] : memref<10240x128xf32, #tpu.memory_space<vmem_shared>> -> memref<10240x128xf32, #tpu.memory_space<vmem_shared>>
        tpu.enqueue_indirect_dma source(%dma_start3A_961 : memref<10240x128xf32, #tpu.memory_space<vmem_shared>>) target(%arg8 : memref<128x128xf32, #tpu.memory_space<vmem>>) offsets(%dma_start3A_958 : memref<128xi32, #tpu.memory_space<vmem>>) semaphore(%run_scoped3A_956 : memref<!tpu.dma_semaphore, #tpu.memory_space<semaphore_mem>>)
        %dma_wait3A = arith.constant 0 : i32
        %dma_wait3A_962 = tpu.memref_slice %arg9[%run_scoped3A_779, %dma_wait3A] : memref<1x128xi32, #tpu.memory_space<vmem>> -> memref<1x128xi32, #tpu.memory_space<vmem>>
        %dma_wait3A_963 = tpu.memref_squeeze %dma_wait3A_962 : memref<1x128xi32, #tpu.memory_space<vmem>> -> memref<128xi32, #tpu.memory_space<vmem>>
        %dma_wait3A_964 = arith.constant 0 : i32
        %dma_wait3A_965 = arith.constant 0 : i32
        %dma_wait3A_966 = tpu.memref_slice %arg10[%dma_wait3A_964, %dma_wait3A_965] : memref<10240x128xf32, #tpu.memory_space<vmem_shared>> -> memref<10240x128xf32, #tpu.memory_space<vmem_shared>>
        tpu.wait_indirect_dma semaphore(%run_scoped3A_956 : memref<!tpu.dma_semaphore, #tpu.memory_space<semaphore_mem>>) src(%dma_wait3A_966 : memref<10240x128xf32, #tpu.memory_space<vmem_shared>>) dst(%arg8 : memref<128x128xf32, #tpu.memory_space<vmem>>)
        tpu.yield
      }) : () -> ()
      %mul3A_780 = arith.constant 10240 : i32
      %mul3A_781 = arith.muli %add3A_69, %mul3A_780 : i32
      %add3A_782 = arith.addi %mul3A_781, %add3A_698 : i32
      "tpu.region"() ({
        %run_scoped3A_956 = tpu.sem_alloc : memref<!tpu.dma_semaphore, #tpu.memory_space<semaphore_mem>>
        %dma_start3A = arith.constant 0 : i32
        %dma_start3A_957 = tpu.memref_slice %arg5[%add3A_782, %dma_start3A] : memref<122880x128xf32, #tpu.memory_space<hbm>> -> memref<128x128xf32, #tpu.memory_space<hbm>>
        %dma_start3A_958 = arith.constant 0 : i32
        %dma_start3A_959 = tpu.memref_slice %arg5[%add3A_782, %dma_start3A_958] : memref<122880x128xf32, #tpu.memory_space<hbm>> -> memref<128x128xf32, #tpu.memory_space<hbm>>
        tpu.enqueue_dma source(%arg8 : memref<128x128xf32, #tpu.memory_space<vmem>>) target(%dma_start3A_959 : memref<128x128xf32, #tpu.memory_space<hbm>>) target_semaphore(%run_scoped3A_956 : memref<!tpu.dma_semaphore, #tpu.memory_space<semaphore_mem>>)
        %dma_wait3A = arith.constant 0 : i32
        %dma_wait3A_960 = tpu.memref_slice %arg5[%add3A_782, %dma_wait3A] : memref<122880x128xf32, #tpu.memory_space<hbm>> -> memref<128x128xf32, #tpu.memory_space<hbm>>
        %dma_wait3A_961 = arith.constant 0 : i32
        %dma_wait3A_962 = tpu.memref_slice %arg5[%add3A_782, %dma_wait3A_961] : memref<122880x128xf32, #tpu.memory_space<hbm>> -> memref<128x128xf32, #tpu.memory_space<hbm>>
        tpu.wait_dma2 semaphore(%run_scoped3A_956 : memref<!tpu.dma_semaphore, #tpu.memory_space<semaphore_mem>>) src(%arg8 : memref<128x128xf32, #tpu.memory_space<vmem>>) dst(%dma_wait3A_962 : memref<128x128xf32, #tpu.memory_space<hbm>>)
        tpu.yield
      }) : () -> ()
      %add3A_783 = arith.constant 384 : i32
      %add3A_784 = arith.addi %mul3A_77, %add3A_783 : i32
      %add3A_785 = arith.constant 0 : i32
      %add3A_786 = arith.addi %add3A_784, %add3A_785 : i32
      %add3A_787 = vector.broadcast %add3A_786 : i32 to vector<16xi32>
      %add3A_788 = arith.addi %iota3A, %add3A_787 : vector<16xi32>
      %swap3A_789 = arith.constant 0 : i32
      %swap3A_790 = arith.index_cast %swap3A_789 : i32 to index
      %swap3A_791 = arith.constant 0 : index
      %swap3A_792 = tpu.vector_load %arg9[%swap3A_790, %swap3A_791] {strides = array<i32>} : memref<1x128xi32, #tpu.memory_space<vmem>>, vector<1x16xi32>,
      %swap3A_793 = vector.shape_cast %swap3A_792 : vector<1x16xi32> to vector<16xi32>
      %swap3A_794 = vector.shape_cast %add3A_788 : vector<16xi32> to vector<1x16xi32>
      tpu.vector_store %arg9[%swap3A_790, %swap3A_791], %swap3A_794 {strides = array<i32>} : memref<1x128xi32, #tpu.memory_space<vmem>>, vector<1x16xi32>,
      %add3A_795 = arith.constant 16 : i32
      %add3A_796 = arith.addi %add3A_784, %add3A_795 : i32
      %add3A_797 = vector.broadcast %add3A_796 : i32 to vector<16xi32>
      %add3A_798 = arith.addi %iota3A, %add3A_797 : vector<16xi32>
      %swap3A_799 = arith.constant 0 : i32
      %swap3A_800 = arith.index_cast %swap3A_799 : i32 to index
      %swap3A_801 = arith.constant 16 : index
      %swap3A_802 = tpu.vector_load %arg9[%swap3A_800, %swap3A_801] {strides = array<i32>} : memref<1x128xi32, #tpu.memory_space<vmem>>, vector<1x16xi32>,
      %swap3A_803 = vector.shape_cast %swap3A_802 : vector<1x16xi32> to vector<16xi32>
      %swap3A_804 = vector.shape_cast %add3A_798 : vector<16xi32> to vector<1x16xi32>
      tpu.vector_store %arg9[%swap3A_800, %swap3A_801], %swap3A_804 {strides = array<i32>} : memref<1x128xi32, #tpu.memory_space<vmem>>, vector<1x16xi32>,
      %add3A_805 = arith.constant 32 : i32
      %add3A_806 = arith.addi %add3A_784, %add3A_805 : i32
      %add3A_807 = vector.broadcast %add3A_806 : i32 to vector<16xi32>
      %add3A_808 = arith.addi %iota3A, %add3A_807 : vector<16xi32>
      %swap3A_809 = arith.constant 0 : i32
      %swap3A_810 = arith.index_cast %swap3A_809 : i32 to index
      %swap3A_811 = arith.constant 32 : index
      %swap3A_812 = tpu.vector_load %arg9[%swap3A_810, %swap3A_811] {strides = array<i32>} : memref<1x128xi32, #tpu.memory_space<vmem>>, vector<1x16xi32>,
      %swap3A_813 = vector.shape_cast %swap3A_812 : vector<1x16xi32> to vector<16xi32>
      %swap3A_814 = vector.shape_cast %add3A_808 : vector<16xi32> to vector<1x16xi32>
      tpu.vector_store %arg9[%swap3A_810, %swap3A_811], %swap3A_814 {strides = array<i32>} : memref<1x128xi32, #tpu.memory_space<vmem>>, vector<1x16xi32>,
      %add3A_815 = arith.constant 48 : i32
      %add3A_816 = arith.addi %add3A_784, %add3A_815 : i32
      %add3A_817 = vector.broadcast %add3A_816 : i32 to vector<16xi32>
      %add3A_818 = arith.addi %iota3A, %add3A_817 : vector<16xi32>
      %swap3A_819 = arith.constant 0 : i32
      %swap3A_820 = arith.index_cast %swap3A_819 : i32 to index
      %swap3A_821 = arith.constant 48 : index
      %swap3A_822 = tpu.vector_load %arg9[%swap3A_820, %swap3A_821] {strides = array<i32>} : memref<1x128xi32, #tpu.memory_space<vmem>>, vector<1x16xi32>,
      %swap3A_823 = vector.shape_cast %swap3A_822 : vector<1x16xi32> to vector<16xi32>
      %swap3A_824 = vector.shape_cast %add3A_818 : vector<16xi32> to vector<1x16xi32>
      tpu.vector_store %arg9[%swap3A_820, %swap3A_821], %swap3A_824 {strides = array<i32>} : memref<1x128xi32, #tpu.memory_space<vmem>>, vector<1x16xi32>,
      %add3A_825 = arith.constant 64 : i32
      %add3A_826 = arith.addi %add3A_784, %add3A_825 : i32
      %add3A_827 = vector.broadcast %add3A_826 : i32 to vector<16xi32>
      %add3A_828 = arith.addi %iota3A, %add3A_827 : vector<16xi32>
      %swap3A_829 = arith.constant 0 : i32
      %swap3A_830 = arith.index_cast %swap3A_829 : i32 to index
      %swap3A_831 = arith.constant 64 : index
      %swap3A_832 = tpu.vector_load %arg9[%swap3A_830, %swap3A_831] {strides = array<i32>} : memref<1x128xi32, #tpu.memory_space<vmem>>, vector<1x16xi32>,
      %swap3A_833 = vector.shape_cast %swap3A_832 : vector<1x16xi32> to vector<16xi32>
      %swap3A_834 = vector.shape_cast %add3A_828 : vector<16xi32> to vector<1x16xi32>
      tpu.vector_store %arg9[%swap3A_830, %swap3A_831], %swap3A_834 {strides = array<i32>} : memref<1x128xi32, #tpu.memory_space<vmem>>, vector<1x16xi32>,
      %add3A_835 = arith.constant 80 : i32
      %add3A_836 = arith.addi %add3A_784, %add3A_835 : i32
      %add3A_837 = vector.broadcast %add3A_836 : i32 to vector<16xi32>
      %add3A_838 = arith.addi %iota3A, %add3A_837 : vector<16xi32>
      %swap3A_839 = arith.constant 0 : i32
      %swap3A_840 = arith.index_cast %swap3A_839 : i32 to index
      %swap3A_841 = arith.constant 80 : index
      %swap3A_842 = tpu.vector_load %arg9[%swap3A_840, %swap3A_841] {strides = array<i32>} : memref<1x128xi32, #tpu.memory_space<vmem>>, vector<1x16xi32>,
      %swap3A_843 = vector.shape_cast %swap3A_842 : vector<1x16xi32> to vector<16xi32>
      %swap3A_844 = vector.shape_cast %add3A_838 : vector<16xi32> to vector<1x16xi32>
      tpu.vector_store %arg9[%swap3A_840, %swap3A_841], %swap3A_844 {strides = array<i32>} : memref<1x128xi32, #tpu.memory_space<vmem>>, vector<1x16xi32>,
      %add3A_845 = arith.constant 96 : i32
      %add3A_846 = arith.addi %add3A_784, %add3A_845 : i32
      %add3A_847 = vector.broadcast %add3A_846 : i32 to vector<16xi32>
      %add3A_848 = arith.addi %iota3A, %add3A_847 : vector<16xi32>
      %swap3A_849 = arith.constant 0 : i32
      %swap3A_850 = arith.index_cast %swap3A_849 : i32 to index
      %swap3A_851 = arith.constant 96 : index
      %swap3A_852 = tpu.vector_load %arg9[%swap3A_850, %swap3A_851] {strides = array<i32>} : memref<1x128xi32, #tpu.memory_space<vmem>>, vector<1x16xi32>,
      %swap3A_853 = vector.shape_cast %swap3A_852 : vector<1x16xi32> to vector<16xi32>
      %swap3A_854 = vector.shape_cast %add3A_848 : vector<16xi32> to vector<1x16xi32>
      tpu.vector_store %arg9[%swap3A_850, %swap3A_851], %swap3A_854 {strides = array<i32>} : memref<1x128xi32, #tpu.memory_space<vmem>>, vector<1x16xi32>,
      %add3A_855 = arith.constant 112 : i32
      %add3A_856 = arith.addi %add3A_784, %add3A_855 : i32
      %add3A_857 = vector.broadcast %add3A_856 : i32 to vector<16xi32>
      %add3A_858 = arith.addi %iota3A, %add3A_857 : vector<16xi32>
      %swap3A_859 = arith.constant 0 : i32
      %swap3A_860 = arith.index_cast %swap3A_859 : i32 to index
      %swap3A_861 = arith.constant 112 : index
      %swap3A_862 = tpu.vector_load %arg9[%swap3A_860, %swap3A_861] {strides = array<i32>} : memref<1x128xi32, #tpu.memory_space<vmem>>, vector<1x16xi32>,
      %swap3A_863 = vector.shape_cast %swap3A_862 : vector<1x16xi32> to vector<16xi32>
      %swap3A_864 = vector.shape_cast %add3A_858 : vector<16xi32> to vector<1x16xi32>
      tpu.vector_store %arg9[%swap3A_860, %swap3A_861], %swap3A_864 {strides = array<i32>} : memref<1x128xi32, #tpu.memory_space<vmem>>, vector<1x16xi32>,
      %run_scoped3A_865 = arith.constant 0 : i32
      "tpu.region"() ({
        %run_scoped3A_956 = tpu.sem_alloc : memref<!tpu.dma_semaphore, #tpu.memory_space<semaphore_mem>>
        %dma_start3A = arith.constant 0 : i32
        %dma_start3A_957 = tpu.memref_slice %arg9[%run_scoped3A_865, %dma_start3A] : memref<1x128xi32, #tpu.memory_space<vmem>> -> memref<1x128xi32, #tpu.memory_space<vmem>>
        %dma_start3A_958 = tpu.memref_squeeze %dma_start3A_957 : memref<1x128xi32, #tpu.memory_space<vmem>> -> memref<128xi32, #tpu.memory_space<vmem>>
        %dma_start3A_959 = arith.constant 0 : i32
        %dma_start3A_960 = arith.constant 0 : i32
        %dma_start3A_961 = tpu.memref_slice %arg10[%dma_start3A_959, %dma_start3A_960] : memref<10240x128xf32, #tpu.memory_space<vmem_shared>> -> memref<10240x128xf32, #tpu.memory_space<vmem_shared>>
        tpu.enqueue_indirect_dma source(%dma_start3A_961 : memref<10240x128xf32, #tpu.memory_space<vmem_shared>>) target(%arg8 : memref<128x128xf32, #tpu.memory_space<vmem>>) offsets(%dma_start3A_958 : memref<128xi32, #tpu.memory_space<vmem>>) semaphore(%run_scoped3A_956 : memref<!tpu.dma_semaphore, #tpu.memory_space<semaphore_mem>>)
        %dma_wait3A = arith.constant 0 : i32
        %dma_wait3A_962 = tpu.memref_slice %arg9[%run_scoped3A_865, %dma_wait3A] : memref<1x128xi32, #tpu.memory_space<vmem>> -> memref<1x128xi32, #tpu.memory_space<vmem>>
        %dma_wait3A_963 = tpu.memref_squeeze %dma_wait3A_962 : memref<1x128xi32, #tpu.memory_space<vmem>> -> memref<128xi32, #tpu.memory_space<vmem>>
        %dma_wait3A_964 = arith.constant 0 : i32
        %dma_wait3A_965 = arith.constant 0 : i32
        %dma_wait3A_966 = tpu.memref_slice %arg10[%dma_wait3A_964, %dma_wait3A_965] : memref<10240x128xf32, #tpu.memory_space<vmem_shared>> -> memref<10240x128xf32, #tpu.memory_space<vmem_shared>>
        tpu.wait_indirect_dma semaphore(%run_scoped3A_956 : memref<!tpu.dma_semaphore, #tpu.memory_space<semaphore_mem>>) src(%dma_wait3A_966 : memref<10240x128xf32, #tpu.memory_space<vmem_shared>>) dst(%arg8 : memref<128x128xf32, #tpu.memory_space<vmem>>)
        tpu.yield
      }) : () -> ()
      %mul3A_866 = arith.constant 10240 : i32
      %mul3A_867 = arith.muli %add3A_69, %mul3A_866 : i32
      %add3A_868 = arith.addi %mul3A_867, %add3A_784 : i32
      "tpu.region"() ({
        %run_scoped3A_956 = tpu.sem_alloc : memref<!tpu.dma_semaphore, #tpu.memory_space<semaphore_mem>>
        %dma_start3A = arith.constant 0 : i32
        %dma_start3A_957 = tpu.memref_slice %arg5[%add3A_868, %dma_start3A] : memref<122880x128xf32, #tpu.memory_space<hbm>> -> memref<128x128xf32, #tpu.memory_space<hbm>>
        %dma_start3A_958 = arith.constant 0 : i32
        %dma_start3A_959 = tpu.memref_slice %arg5[%add3A_868, %dma_start3A_958] : memref<122880x128xf32, #tpu.memory_space<hbm>> -> memref<128x128xf32, #tpu.memory_space<hbm>>
        tpu.enqueue_dma source(%arg8 : memref<128x128xf32, #tpu.memory_space<vmem>>) target(%dma_start3A_959 : memref<128x128xf32, #tpu.memory_space<hbm>>) target_semaphore(%run_scoped3A_956 : memref<!tpu.dma_semaphore, #tpu.memory_space<semaphore_mem>>)
        %dma_wait3A = arith.constant 0 : i32
        %dma_wait3A_960 = tpu.memref_slice %arg5[%add3A_868, %dma_wait3A] : memref<122880x128xf32, #tpu.memory_space<hbm>> -> memref<128x128xf32, #tpu.memory_space<hbm>>
        %dma_wait3A_961 = arith.constant 0 : i32
        %dma_wait3A_962 = tpu.memref_slice %arg5[%add3A_868, %dma_wait3A_961] : memref<122880x128xf32, #tpu.memory_space<hbm>> -> memref<128x128xf32, #tpu.memory_space<hbm>>
        tpu.wait_dma2 semaphore(%run_scoped3A_956 : memref<!tpu.dma_semaphore, #tpu.memory_space<semaphore_mem>>) src(%arg8 : memref<128x128xf32, #tpu.memory_space<vmem>>) dst(%dma_wait3A_962 : memref<128x128xf32, #tpu.memory_space<hbm>>)
        tpu.yield
      }) : () -> ()
      %add3A_869 = arith.constant 512 : i32
      %add3A_870 = arith.addi %mul3A_77, %add3A_869 : i32
      %add3A_871 = arith.constant 0 : i32
      %add3A_872 = arith.addi %add3A_870, %add3A_871 : i32
      %add3A_873 = vector.broadcast %add3A_872 : i32 to vector<16xi32>
      %add3A_874 = arith.addi %iota3A, %add3A_873 : vector<16xi32>
      %swap3A_875 = arith.constant 0 : i32
      %swap3A_876 = arith.index_cast %swap3A_875 : i32 to index
      %swap3A_877 = arith.constant 0 : index
      %swap3A_878 = tpu.vector_load %arg9[%swap3A_876, %swap3A_877] {strides = array<i32>} : memref<1x128xi32, #tpu.memory_space<vmem>>, vector<1x16xi32>,
      %swap3A_879 = vector.shape_cast %swap3A_878 : vector<1x16xi32> to vector<16xi32>
      %swap3A_880 = vector.shape_cast %add3A_874 : vector<16xi32> to vector<1x16xi32>
      tpu.vector_store %arg9[%swap3A_876, %swap3A_877], %swap3A_880 {strides = array<i32>} : memref<1x128xi32, #tpu.memory_space<vmem>>, vector<1x16xi32>,
      %add3A_881 = arith.constant 16 : i32
      %add3A_882 = arith.addi %add3A_870, %add3A_881 : i32
      %add3A_883 = vector.broadcast %add3A_882 : i32 to vector<16xi32>
      %add3A_884 = arith.addi %iota3A, %add3A_883 : vector<16xi32>
      %swap3A_885 = arith.constant 0 : i32
      %swap3A_886 = arith.index_cast %swap3A_885 : i32 to index
      %swap3A_887 = arith.constant 16 : index
      %swap3A_888 = tpu.vector_load %arg9[%swap3A_886, %swap3A_887] {strides = array<i32>} : memref<1x128xi32, #tpu.memory_space<vmem>>, vector<1x16xi32>,
      %swap3A_889 = vector.shape_cast %swap3A_888 : vector<1x16xi32> to vector<16xi32>
      %swap3A_890 = vector.shape_cast %add3A_884 : vector<16xi32> to vector<1x16xi32>
      tpu.vector_store %arg9[%swap3A_886, %swap3A_887], %swap3A_890 {strides = array<i32>} : memref<1x128xi32, #tpu.memory_space<vmem>>, vector<1x16xi32>,
      %add3A_891 = arith.constant 32 : i32
      %add3A_892 = arith.addi %add3A_870, %add3A_891 : i32
      %add3A_893 = vector.broadcast %add3A_892 : i32 to vector<16xi32>
      %add3A_894 = arith.addi %iota3A, %add3A_893 : vector<16xi32>
      %swap3A_895 = arith.constant 0 : i32
      %swap3A_896 = arith.index_cast %swap3A_895 : i32 to index
      %swap3A_897 = arith.constant 32 : index
      %swap3A_898 = tpu.vector_load %arg9[%swap3A_896, %swap3A_897] {strides = array<i32>} : memref<1x128xi32, #tpu.memory_space<vmem>>, vector<1x16xi32>,
      %swap3A_899 = vector.shape_cast %swap3A_898 : vector<1x16xi32> to vector<16xi32>
      %swap3A_900 = vector.shape_cast %add3A_894 : vector<16xi32> to vector<1x16xi32>
      tpu.vector_store %arg9[%swap3A_896, %swap3A_897], %swap3A_900 {strides = array<i32>} : memref<1x128xi32, #tpu.memory_space<vmem>>, vector<1x16xi32>,
      %add3A_901 = arith.constant 48 : i32
      %add3A_902 = arith.addi %add3A_870, %add3A_901 : i32
      %add3A_903 = vector.broadcast %add3A_902 : i32 to vector<16xi32>
      %add3A_904 = arith.addi %iota3A, %add3A_903 : vector<16xi32>
      %swap3A_905 = arith.constant 0 : i32
      %swap3A_906 = arith.index_cast %swap3A_905 : i32 to index
      %swap3A_907 = arith.constant 48 : index
      %swap3A_908 = tpu.vector_load %arg9[%swap3A_906, %swap3A_907] {strides = array<i32>} : memref<1x128xi32, #tpu.memory_space<vmem>>, vector<1x16xi32>,
      %swap3A_909 = vector.shape_cast %swap3A_908 : vector<1x16xi32> to vector<16xi32>
      %swap3A_910 = vector.shape_cast %add3A_904 : vector<16xi32> to vector<1x16xi32>
      tpu.vector_store %arg9[%swap3A_906, %swap3A_907], %swap3A_910 {strides = array<i32>} : memref<1x128xi32, #tpu.memory_space<vmem>>, vector<1x16xi32>,
      %add3A_911 = arith.constant 64 : i32
      %add3A_912 = arith.addi %add3A_870, %add3A_911 : i32
      %add3A_913 = vector.broadcast %add3A_912 : i32 to vector<16xi32>
      %add3A_914 = arith.addi %iota3A, %add3A_913 : vector<16xi32>
      %swap3A_915 = arith.constant 0 : i32
      %swap3A_916 = arith.index_cast %swap3A_915 : i32 to index
      %swap3A_917 = arith.constant 64 : index
      %swap3A_918 = tpu.vector_load %arg9[%swap3A_916, %swap3A_917] {strides = array<i32>} : memref<1x128xi32, #tpu.memory_space<vmem>>, vector<1x16xi32>,
      %swap3A_919 = vector.shape_cast %swap3A_918 : vector<1x16xi32> to vector<16xi32>
      %swap3A_920 = vector.shape_cast %add3A_914 : vector<16xi32> to vector<1x16xi32>
      tpu.vector_store %arg9[%swap3A_916, %swap3A_917], %swap3A_920 {strides = array<i32>} : memref<1x128xi32, #tpu.memory_space<vmem>>, vector<1x16xi32>,
      %add3A_921 = arith.constant 80 : i32
      %add3A_922 = arith.addi %add3A_870, %add3A_921 : i32
      %add3A_923 = vector.broadcast %add3A_922 : i32 to vector<16xi32>
      %add3A_924 = arith.addi %iota3A, %add3A_923 : vector<16xi32>
      %swap3A_925 = arith.constant 0 : i32
      %swap3A_926 = arith.index_cast %swap3A_925 : i32 to index
      %swap3A_927 = arith.constant 80 : index
      %swap3A_928 = tpu.vector_load %arg9[%swap3A_926, %swap3A_927] {strides = array<i32>} : memref<1x128xi32, #tpu.memory_space<vmem>>, vector<1x16xi32>,
      %swap3A_929 = vector.shape_cast %swap3A_928 : vector<1x16xi32> to vector<16xi32>
      %swap3A_930 = vector.shape_cast %add3A_924 : vector<16xi32> to vector<1x16xi32>
      tpu.vector_store %arg9[%swap3A_926, %swap3A_927], %swap3A_930 {strides = array<i32>} : memref<1x128xi32, #tpu.memory_space<vmem>>, vector<1x16xi32>,
      %add3A_931 = arith.constant 96 : i32
      %add3A_932 = arith.addi %add3A_870, %add3A_931 : i32
      %add3A_933 = vector.broadcast %add3A_932 : i32 to vector<16xi32>
      %add3A_934 = arith.addi %iota3A, %add3A_933 : vector<16xi32>
      %swap3A_935 = arith.constant 0 : i32
      %swap3A_936 = arith.index_cast %swap3A_935 : i32 to index
      %swap3A_937 = arith.constant 96 : index
      %swap3A_938 = tpu.vector_load %arg9[%swap3A_936, %swap3A_937] {strides = array<i32>} : memref<1x128xi32, #tpu.memory_space<vmem>>, vector<1x16xi32>,
      %swap3A_939 = vector.shape_cast %swap3A_938 : vector<1x16xi32> to vector<16xi32>
      %swap3A_940 = vector.shape_cast %add3A_934 : vector<16xi32> to vector<1x16xi32>
      tpu.vector_store %arg9[%swap3A_936, %swap3A_937], %swap3A_940 {strides = array<i32>} : memref<1x128xi32, #tpu.memory_space<vmem>>, vector<1x16xi32>,
      %add3A_941 = arith.constant 112 : i32
      %add3A_942 = arith.addi %add3A_870, %add3A_941 : i32
      %add3A_943 = vector.broadcast %add3A_942 : i32 to vector<16xi32>
      %add3A_944 = arith.addi %iota3A, %add3A_943 : vector<16xi32>
      %swap3A_945 = arith.constant 0 : i32
      %swap3A_946 = arith.index_cast %swap3A_945 : i32 to index
      %swap3A_947 = arith.constant 112 : index
      %swap3A_948 = tpu.vector_load %arg9[%swap3A_946, %swap3A_947] {strides = array<i32>} : memref<1x128xi32, #tpu.memory_space<vmem>>, vector<1x16xi32>,
      %swap3A_949 = vector.shape_cast %swap3A_948 : vector<1x16xi32> to vector<16xi32>
      %swap3A_950 = vector.shape_cast %add3A_944 : vector<16xi32> to vector<1x16xi32>
      tpu.vector_store %arg9[%swap3A_946, %swap3A_947], %swap3A_950 {strides = array<i32>} : memref<1x128xi32, #tpu.memory_space<vmem>>, vector<1x16xi32>,
      %run_scoped3A_951 = arith.constant 0 : i32
      "tpu.region"() ({
        %run_scoped3A_956 = tpu.sem_alloc : memref<!tpu.dma_semaphore, #tpu.memory_space<semaphore_mem>>
        %dma_start3A = arith.constant 0 : i32
        %dma_start3A_957 = tpu.memref_slice %arg9[%run_scoped3A_951, %dma_start3A] : memref<1x128xi32, #tpu.memory_space<vmem>> -> memref<1x128xi32, #tpu.memory_space<vmem>>
        %dma_start3A_958 = tpu.memref_squeeze %dma_start3A_957 : memref<1x128xi32, #tpu.memory_space<vmem>> -> memref<128xi32, #tpu.memory_space<vmem>>
        %dma_start3A_959 = arith.constant 0 : i32
        %dma_start3A_960 = arith.constant 0 : i32
        %dma_start3A_961 = tpu.memref_slice %arg10[%dma_start3A_959, %dma_start3A_960] : memref<10240x128xf32, #tpu.memory_space<vmem_shared>> -> memref<10240x128xf32, #tpu.memory_space<vmem_shared>>
        tpu.enqueue_indirect_dma source(%dma_start3A_961 : memref<10240x128xf32, #tpu.memory_space<vmem_shared>>) target(%arg8 : memref<128x128xf32, #tpu.memory_space<vmem>>) offsets(%dma_start3A_958 : memref<128xi32, #tpu.memory_space<vmem>>) semaphore(%run_scoped3A_956 : memref<!tpu.dma_semaphore, #tpu.memory_space<semaphore_mem>>)
        %dma_wait3A = arith.constant 0 : i32
        %dma_wait3A_962 = tpu.memref_slice %arg9[%run_scoped3A_951, %dma_wait3A] : memref<1x128xi32, #tpu.memory_space<vmem>> -> memref<1x128xi32, #tpu.memory_space<vmem>>
        %dma_wait3A_963 = tpu.memref_squeeze %dma_wait3A_962 : memref<1x128xi32, #tpu.memory_space<vmem>> -> memref<128xi32, #tpu.memory_space<vmem>>
        %dma_wait3A_964 = arith.constant 0 : i32
        %dma_wait3A_965 = arith.constant 0 : i32
        %dma_wait3A_966 = tpu.memref_slice %arg10[%dma_wait3A_964, %dma_wait3A_965] : memref<10240x128xf32, #tpu.memory_space<vmem_shared>> -> memref<10240x128xf32, #tpu.memory_space<vmem_shared>>
        tpu.wait_indirect_dma semaphore(%run_scoped3A_956 : memref<!tpu.dma_semaphore, #tpu.memory_space<semaphore_mem>>) src(%dma_wait3A_966 : memref<10240x128xf32, #tpu.memory_space<vmem_shared>>) dst(%arg8 : memref<128x128xf32, #tpu.memory_space<vmem>>)
        tpu.yield
      }) : () -> ()
      %mul3A_952 = arith.constant 10240 : i32
      %mul3A_953 = arith.muli %add3A_69, %mul3A_952 : i32
      %add3A_954 = arith.addi %mul3A_953, %add3A_870 : i32
      "tpu.region"() ({
        %run_scoped3A_956 = tpu.sem_alloc : memref<!tpu.dma_semaphore, #tpu.memory_space<semaphore_mem>>
        %dma_start3A = arith.constant 0 : i32
        %dma_start3A_957 = tpu.memref_slice %arg5[%add3A_954, %dma_start3A] : memref<122880x128xf32, #tpu.memory_space<hbm>> -> memref<128x128xf32, #tpu.memory_space<hbm>>
        %dma_start3A_958 = arith.constant 0 : i32
        %dma_start3A_959 = tpu.memref_slice %arg5[%add3A_954, %dma_start3A_958] : memref<122880x128xf32, #tpu.memory_space<hbm>> -> memref<128x128xf32, #tpu.memory_space<hbm>>
        tpu.enqueue_dma source(%arg8 : memref<128x128xf32, #tpu.memory_space<vmem>>) target(%dma_start3A_959 : memref<128x128xf32, #tpu.memory_space<hbm>>) target_semaphore(%run_scoped3A_956 : memref<!tpu.dma_semaphore, #tpu.memory_space<semaphore_mem>>)
        %dma_wait3A = arith.constant 0 : i32
        %dma_wait3A_960 = tpu.memref_slice %arg5[%add3A_954, %dma_wait3A] : memref<122880x128xf32, #tpu.memory_space<hbm>> -> memref<128x128xf32, #tpu.memory_space<hbm>>
        %dma_wait3A_961 = arith.constant 0 : i32
        %dma_wait3A_962 = tpu.memref_slice %arg5[%add3A_954, %dma_wait3A_961] : memref<122880x128xf32, #tpu.memory_space<hbm>> -> memref<128x128xf32, #tpu.memory_space<hbm>>
        tpu.wait_dma2 semaphore(%run_scoped3A_956 : memref<!tpu.dma_semaphore, #tpu.memory_space<semaphore_mem>>) src(%arg8 : memref<128x128xf32, #tpu.memory_space<vmem>>) dst(%dma_wait3A_962 : memref<128x128xf32, #tpu.memory_space<hbm>>)
        tpu.yield
      }) : () -> ()
      %barrier3A_955 = arith.constant 0 : index
      tpu.barrier barrier_id(%barrier3A_955)
    }
    %scan3A_5 = arith.constant 6 : i32
    return
  }
}

#map = affine_map<(d0, d1) -> (0, 0)>
module attributes {stable_mosaic.version = 14 : i64} {
  func.func @seg_sums_l1(%arg0: i32, %arg1: i32, %arg2: memref<30000x128xf32, #tpu.memory_space<hbm>>, %arg3: memref<3840x128xi32, #tpu.memory_space<hbm>>, %arg4: memref<3840x128xi32, #tpu.memory_space<hbm>>, %arg5: memref<40960x128xf32, #tpu.memory_space<hbm>>, %arg6: memref<8x128xi32, #tpu.memory_space<vmem>>, %arg7: memref<8x128xi32, #tpu.memory_space<vmem>>, %arg8: memref<128x128xf32, #tpu.memory_space<vmem>>, %arg9: memref<1x128xi32, #tpu.memory_space<vmem>>, %arg10: memref<10240x128xf32, #tpu.memory_space<vmem_shared>>, %arg11: memref<!tpu.dma_semaphore, #tpu.memory_space<semaphore_mem>>) attributes {dimension_semantics = [#tpu.dimension_semantics<core_parallel>, #tpu.dimension_semantics<subcore_parallel>], iteration_bounds = array<i64: 2, 16>, scalar_prefetch = 0 : i64, scratch_operands = 6 : i64, tpu.core_type = #tpu.core_type<sc_vector_subcore>, window_params = [{transform_indices = #map}, {transform_indices = #map}, {transform_indices = #map}, {transform_indices = #map}]} {
    %broadcast_in_dim3A = arith.constant 0.000000e+00 : f32
    %broadcast_in_dim3A_0 = vector.broadcast %broadcast_in_dim3A : f32 to vector<16xf32>
    %iota3A = tpu.iota {dimensions = array<i32: 0>} : vector<16xi32>
    %scan3A = arith.constant 0 : i32
    %scan3A_1 = arith.constant 0 : i32
    %scan3A_2 = arith.constant 2 : i32
    %scan3A_3 = arith.addi %scan3A_1, %scan3A_2 : i32
    %scan3A_4 = arith.constant 1 : i32
    scf.for %scan3A_6 = %scan3A_1 to %scan3A_3 step %scan3A_4  : i32 {
      %jit3A = arith.constant 2 : i32
      %eq3A = arith.constant 0 : i32
      %eq3A_7 = arith.cmpi eq, %jit3A, %eq3A : i32
      %jit3A_8 = arith.constant 1 : i32
      %select_n3A = arith.select %eq3A_7, %jit3A_8, %jit3A : i32
      %rem3A = arith.remsi %scan3A_6, %select_n3A : i32
      %ne3A = arith.constant 0 : i32
      %ne3A_9 = arith.cmpi ne, %rem3A, %ne3A : i32
      %lt3A = arith.constant 0 : i32
      %lt3A_10 = arith.cmpi slt, %rem3A, %lt3A : i32
      %lt3A_11 = arith.constant 0 : i32
      %lt3A_12 = arith.cmpi slt, %select_n3A, %lt3A_11 : i32
      %ne3A_13 = arith.xori %lt3A_10, %lt3A_12 : i1
      %and3A = arith.andi %ne3A_13, %ne3A_9 : i1
      %add3A = arith.addi %rem3A, %select_n3A : i32
      %select_n3A_14 = arith.select %and3A, %add3A, %rem3A : i32
      %jit3A_15 = arith.constant 2 : i32
      %div3A = arith.divsi %scan3A_6, %jit3A_15 : i32
      %sign3A = arith.constant 0 : i32
      %sign3A_16 = arith.cmpi sgt, %scan3A_6, %sign3A : i32
      %sign3A_17 = arith.extui %sign3A_16 : i1 to i32
      %sign3A_18 = arith.constant 0 : i32
      %sign3A_19 = arith.cmpi slt, %scan3A_6, %sign3A_18 : i32
      %sign3A_20 = arith.extui %sign3A_19 : i1 to i32
      %sign3A_21 = arith.subi %sign3A_17, %sign3A_20 : i32
      %sign3A_22 = arith.constant 0 : i32
      %sign3A_23 = arith.cmpi sgt, %jit3A_15, %sign3A_22 : i32
      %sign3A_24 = arith.extui %sign3A_23 : i1 to i32
      %sign3A_25 = arith.constant 0 : i32
      %sign3A_26 = arith.cmpi slt, %jit3A_15, %sign3A_25 : i32
      %sign3A_27 = arith.extui %sign3A_26 : i1 to i32
      %sign3A_28 = arith.subi %sign3A_24, %sign3A_27 : i32
      %ne3A_29 = arith.cmpi ne, %sign3A_21, %sign3A_28 : i32
      %rem3A_30 = arith.remsi %scan3A_6, %jit3A_15 : i32
      %ne3A_31 = arith.constant 0 : i32
      %ne3A_32 = arith.cmpi ne, %rem3A_30, %ne3A_31 : i32
      %and3A_33 = arith.andi %ne3A_29, %ne3A_32 : i1
      %sub3A = arith.constant 1 : i32
      %sub3A_34 = arith.subi %div3A, %sub3A : i32
      %select_n3A_35 = arith.select %and3A_33, %sub3A_34, %div3A : i32
      %eq3A_36 = arith.constant 0 : i32
      %eq3A_37 = arith.cmpi eq, %arg0, %eq3A_36 : i32
      %eq3A_38 = arith.constant 1 : i32
      %eq3A_39 = arith.cmpi eq, %select_n3A_14, %eq3A_38 : i32
      %and3A_40 = arith.andi %eq3A_37, %eq3A_39 : i1
      %eq3A_41 = arith.constant 1 : i32
      %eq3A_42 = arith.cmpi eq, %arg0, %eq3A_41 : i32
      %eq3A_43 = arith.constant 0 : i32
      %eq3A_44 = arith.cmpi eq, %select_n3A_14, %eq3A_43 : i32
      %and3A_45 = arith.andi %eq3A_42, %eq3A_44 : i1
      %or3A = arith.ori %and3A_40, %and3A_45 : i1
      %eq3A_46 = arith.constant 1 : i32
      %eq3A_47 = arith.cmpi eq, %arg0, %eq3A_46 : i32
      %eq3A_48 = arith.constant 0 : i32
      %eq3A_49 = arith.cmpi eq, %select_n3A_14, %eq3A_48 : i32
      %and3A_50 = arith.andi %eq3A_47, %eq3A_49 : i1
      %jit3A_51 = arith.constant 40 : i32
      %jit3A_52 = arith.constant 80 : i32
      %select_n3A_53 = arith.select %or3A, %jit3A_51, %jit3A_52 : i32
      %mul3A = arith.constant 1 : i32
      %mul3A_54 = arith.muli %mul3A, %arg0 : i32
      %add3A_55 = arith.addi %select_n3A_14, %mul3A_54 : i32
      %mul3A_56 = arith.constant 5 : i32
      %mul3A_57 = arith.muli %mul3A_56, %select_n3A_35 : i32
      %add3A_58 = arith.addi %add3A_55, %mul3A_57 : i32
      %mul3A_59 = arith.muli %arg1, %select_n3A_53 : i32
      %jit3A_60 = arith.constant 640 : i32
      %jit3A_61 = arith.constant 0 : i32
      %select_n3A_62 = arith.select %and3A_50, %jit3A_60, %jit3A_61 : i32
      %add3A_63 = arith.addi %mul3A_59, %select_n3A_62 : i32
      %mul3A_64 = arith.constant 2 : i32
      %mul3A_65 = arith.muli %mul3A_64, %arg0 : i32
      %add3A_66 = arith.addi %select_n3A_14, %mul3A_65 : i32
      %mul3A_67 = arith.constant 4 : i32
      %mul3A_68 = arith.muli %mul3A_67, %select_n3A_35 : i32
      %add3A_69 = arith.addi %add3A_66, %mul3A_68 : i32
      %scan3A_70 = arith.constant 0 : i32
      %scan3A_71 = arith.constant 0 : i32
      %scan3A_72 = arith.constant 128 : i32
      %scan3A_73 = arith.addi %scan3A_71, %scan3A_72 : i32
      %scan3A_74 = arith.constant 1 : i32
      scf.for %scan3A_956 = %scan3A_71 to %scan3A_73 step %scan3A_74  : i32 {
        %swap3A_957 = arith.index_cast %scan3A_956 : i32 to index
        %swap3A_958 = arith.constant 0 : index
        %swap3A_959 = tpu.vector_load %arg8[%swap3A_957, %swap3A_958] {strides = array<i32>} : memref<128x128xf32, #tpu.memory_space<vmem>>, vector<1x16xf32>,
        %swap3A_960 = vector.shape_cast %swap3A_959 : vector<1x16xf32> to vector<16xf32>
        %swap3A_961 = vector.shape_cast %broadcast_in_dim3A_0 : vector<16xf32> to vector<1x16xf32>
        tpu.vector_store %arg8[%swap3A_957, %swap3A_958], %swap3A_961 {strides = array<i32>} : memref<128x128xf32, #tpu.memory_space<vmem>>, vector<1x16xf32>,
        %swap3A_962 = arith.index_cast %scan3A_956 : i32 to index
        %swap3A_963 = arith.constant 16 : index
        %swap3A_964 = tpu.vector_load %arg8[%swap3A_962, %swap3A_963] {strides = array<i32>} : memref<128x128xf32, #tpu.memory_space<vmem>>, vector<1x16xf32>,
        %swap3A_965 = vector.shape_cast %swap3A_964 : vector<1x16xf32> to vector<16xf32>
        %swap3A_966 = vector.shape_cast %broadcast_in_dim3A_0 : vector<16xf32> to vector<1x16xf32>
        tpu.vector_store %arg8[%swap3A_962, %swap3A_963], %swap3A_966 {strides = array<i32>} : memref<128x128xf32, #tpu.memory_space<vmem>>, vector<1x16xf32>,
        %swap3A_967 = arith.index_cast %scan3A_956 : i32 to index
        %swap3A_968 = arith.constant 32 : index
        %swap3A_969 = tpu.vector_load %arg8[%swap3A_967, %swap3A_968] {strides = array<i32>} : memref<128x128xf32, #tpu.memory_space<vmem>>, vector<1x16xf32>,
        %swap3A_970 = vector.shape_cast %swap3A_969 : vector<1x16xf32> to vector<16xf32>
        %swap3A_971 = vector.shape_cast %broadcast_in_dim3A_0 : vector<16xf32> to vector<1x16xf32>
        tpu.vector_store %arg8[%swap3A_967, %swap3A_968], %swap3A_971 {strides = array<i32>} : memref<128x128xf32, #tpu.memory_space<vmem>>, vector<1x16xf32>,
        %swap3A_972 = arith.index_cast %scan3A_956 : i32 to index
        %swap3A_973 = arith.constant 48 : index
        %swap3A_974 = tpu.vector_load %arg8[%swap3A_972, %swap3A_973] {strides = array<i32>} : memref<128x128xf32, #tpu.memory_space<vmem>>, vector<1x16xf32>,
        %swap3A_975 = vector.shape_cast %swap3A_974 : vector<1x16xf32> to vector<16xf32>
        %swap3A_976 = vector.shape_cast %broadcast_in_dim3A_0 : vector<16xf32> to vector<1x16xf32>
        tpu.vector_store %arg8[%swap3A_972, %swap3A_973], %swap3A_976 {strides = array<i32>} : memref<128x128xf32, #tpu.memory_space<vmem>>, vector<1x16xf32>,
        %swap3A_977 = arith.index_cast %scan3A_956 : i32 to index
        %swap3A_978 = arith.constant 64 : index
        %swap3A_979 = tpu.vector_load %arg8[%swap3A_977, %swap3A_978] {strides = array<i32>} : memref<128x128xf32, #tpu.memory_space<vmem>>, vector<1x16xf32>,
        %swap3A_980 = vector.shape_cast %swap3A_979 : vector<1x16xf32> to vector<16xf32>
        %swap3A_981 = vector.shape_cast %broadcast_in_dim3A_0 : vector<16xf32> to vector<1x16xf32>
        tpu.vector_store %arg8[%swap3A_977, %swap3A_978], %swap3A_981 {strides = array<i32>} : memref<128x128xf32, #tpu.memory_space<vmem>>, vector<1x16xf32>,
        %swap3A_982 = arith.index_cast %scan3A_956 : i32 to index
        %swap3A_983 = arith.constant 80 : index
        %swap3A_984 = tpu.vector_load %arg8[%swap3A_982, %swap3A_983] {strides = array<i32>} : memref<128x128xf32, #tpu.memory_space<vmem>>, vector<1x16xf32>,
        %swap3A_985 = vector.shape_cast %swap3A_984 : vector<1x16xf32> to vector<16xf32>
        %swap3A_986 = vector.shape_cast %broadcast_in_dim3A_0 : vector<16xf32> to vector<1x16xf32>
        tpu.vector_store %arg8[%swap3A_982, %swap3A_983], %swap3A_986 {strides = array<i32>} : memref<128x128xf32, #tpu.memory_space<vmem>>, vector<1x16xf32>,
        %swap3A_987 = arith.index_cast %scan3A_956 : i32 to index
        %swap3A_988 = arith.constant 96 : index
        %swap3A_989 = tpu.vector_load %arg8[%swap3A_987, %swap3A_988] {strides = array<i32>} : memref<128x128xf32, #tpu.memory_space<vmem>>, vector<1x16xf32>,
        %swap3A_990 = vector.shape_cast %swap3A_989 : vector<1x16xf32> to vector<16xf32>
        %swap3A_991 = vector.shape_cast %broadcast_in_dim3A_0 : vector<16xf32> to vector<1x16xf32>
        tpu.vector_store %arg8[%swap3A_987, %swap3A_988], %swap3A_991 {strides = array<i32>} : memref<128x128xf32, #tpu.memory_space<vmem>>, vector<1x16xf32>,
        %swap3A_992 = arith.index_cast %scan3A_956 : i32 to index
        %swap3A_993 = arith.constant 112 : index
        %swap3A_994 = tpu.vector_load %arg8[%swap3A_992, %swap3A_993] {strides = array<i32>} : memref<128x128xf32, #tpu.memory_space<vmem>>, vector<1x16xf32>,
        %swap3A_995 = vector.shape_cast %swap3A_994 : vector<1x16xf32> to vector<16xf32>
        %swap3A_996 = vector.shape_cast %broadcast_in_dim3A_0 : vector<16xf32> to vector<1x16xf32>
        tpu.vector_store %arg8[%swap3A_992, %swap3A_993], %swap3A_996 {strides = array<i32>} : memref<128x128xf32, #tpu.memory_space<vmem>>, vector<1x16xf32>,
      }
      %scan3A_75 = arith.constant 128 : i32
      %mul3A_76 = arith.constant 640 : i32
      %mul3A_77 = arith.muli %arg1, %mul3A_76 : i32
      %add3A_78 = arith.constant 0 : i32
      %add3A_79 = arith.addi %mul3A_77, %add3A_78 : i32
      %add3A_80 = arith.constant 0 : i32
      %add3A_81 = arith.addi %add3A_79, %add3A_80 : i32
      %add3A_82 = vector.broadcast %add3A_81 : i32 to vector<16xi32>
      %add3A_83 = arith.addi %iota3A, %add3A_82 : vector<16xi32>
      %swap3A = arith.constant 0 : i32
      %swap3A_84 = arith.index_cast %swap3A : i32 to index
      %swap3A_85 = arith.constant 0 : index
      %swap3A_86 = tpu.vector_load %arg9[%swap3A_84, %swap3A_85] {strides = array<i32>} : memref<1x128xi32, #tpu.memory_space<vmem>>, vector<1x16xi32>,
      %swap3A_87 = vector.shape_cast %swap3A_86 : vector<1x16xi32> to vector<16xi32>
      %swap3A_88 = vector.shape_cast %add3A_83 : vector<16xi32> to vector<1x16xi32>
      tpu.vector_store %arg9[%swap3A_84, %swap3A_85], %swap3A_88 {strides = array<i32>} : memref<1x128xi32, #tpu.memory_space<vmem>>, vector<1x16xi32>,
      %add3A_89 = arith.constant 16 : i32
      %add3A_90 = arith.addi %add3A_79, %add3A_89 : i32
      %add3A_91 = vector.broadcast %add3A_90 : i32 to vector<16xi32>
      %add3A_92 = arith.addi %iota3A, %add3A_91 : vector<16xi32>
      %swap3A_93 = arith.constant 0 : i32
      %swap3A_94 = arith.index_cast %swap3A_93 : i32 to index
      %swap3A_95 = arith.constant 16 : index
      %swap3A_96 = tpu.vector_load %arg9[%swap3A_94, %swap3A_95] {strides = array<i32>} : memref<1x128xi32, #tpu.memory_space<vmem>>, vector<1x16xi32>,
      %swap3A_97 = vector.shape_cast %swap3A_96 : vector<1x16xi32> to vector<16xi32>
      %swap3A_98 = vector.shape_cast %add3A_92 : vector<16xi32> to vector<1x16xi32>
      tpu.vector_store %arg9[%swap3A_94, %swap3A_95], %swap3A_98 {strides = array<i32>} : memref<1x128xi32, #tpu.memory_space<vmem>>, vector<1x16xi32>,
      %add3A_99 = arith.constant 32 : i32
      %add3A_100 = arith.addi %add3A_79, %add3A_99 : i32
      %add3A_101 = vector.broadcast %add3A_100 : i32 to vector<16xi32>
      %add3A_102 = arith.addi %iota3A, %add3A_101 : vector<16xi32>
      %swap3A_103 = arith.constant 0 : i32
      %swap3A_104 = arith.index_cast %swap3A_103 : i32 to index
      %swap3A_105 = arith.constant 32 : index
      %swap3A_106 = tpu.vector_load %arg9[%swap3A_104, %swap3A_105] {strides = array<i32>} : memref<1x128xi32, #tpu.memory_space<vmem>>, vector<1x16xi32>,
      %swap3A_107 = vector.shape_cast %swap3A_106 : vector<1x16xi32> to vector<16xi32>
      %swap3A_108 = vector.shape_cast %add3A_102 : vector<16xi32> to vector<1x16xi32>
      tpu.vector_store %arg9[%swap3A_104, %swap3A_105], %swap3A_108 {strides = array<i32>} : memref<1x128xi32, #tpu.memory_space<vmem>>, vector<1x16xi32>,
      %add3A_109 = arith.constant 48 : i32
      %add3A_110 = arith.addi %add3A_79, %add3A_109 : i32
      %add3A_111 = vector.broadcast %add3A_110 : i32 to vector<16xi32>
      %add3A_112 = arith.addi %iota3A, %add3A_111 : vector<16xi32>
      %swap3A_113 = arith.constant 0 : i32
      %swap3A_114 = arith.index_cast %swap3A_113 : i32 to index
      %swap3A_115 = arith.constant 48 : index
      %swap3A_116 = tpu.vector_load %arg9[%swap3A_114, %swap3A_115] {strides = array<i32>} : memref<1x128xi32, #tpu.memory_space<vmem>>, vector<1x16xi32>,
      %swap3A_117 = vector.shape_cast %swap3A_116 : vector<1x16xi32> to vector<16xi32>
      %swap3A_118 = vector.shape_cast %add3A_112 : vector<16xi32> to vector<1x16xi32>
      tpu.vector_store %arg9[%swap3A_114, %swap3A_115], %swap3A_118 {strides = array<i32>} : memref<1x128xi32, #tpu.memory_space<vmem>>, vector<1x16xi32>,
      %add3A_119 = arith.constant 64 : i32
      %add3A_120 = arith.addi %add3A_79, %add3A_119 : i32
      %add3A_121 = vector.broadcast %add3A_120 : i32 to vector<16xi32>
      %add3A_122 = arith.addi %iota3A, %add3A_121 : vector<16xi32>
      %swap3A_123 = arith.constant 0 : i32
      %swap3A_124 = arith.index_cast %swap3A_123 : i32 to index
      %swap3A_125 = arith.constant 64 : index
      %swap3A_126 = tpu.vector_load %arg9[%swap3A_124, %swap3A_125] {strides = array<i32>} : memref<1x128xi32, #tpu.memory_space<vmem>>, vector<1x16xi32>,
      %swap3A_127 = vector.shape_cast %swap3A_126 : vector<1x16xi32> to vector<16xi32>
      %swap3A_128 = vector.shape_cast %add3A_122 : vector<16xi32> to vector<1x16xi32>
      tpu.vector_store %arg9[%swap3A_124, %swap3A_125], %swap3A_128 {strides = array<i32>} : memref<1x128xi32, #tpu.memory_space<vmem>>, vector<1x16xi32>,
      %add3A_129 = arith.constant 80 : i32
      %add3A_130 = arith.addi %add3A_79, %add3A_129 : i32
      %add3A_131 = vector.broadcast %add3A_130 : i32 to vector<16xi32>
      %add3A_132 = arith.addi %iota3A, %add3A_131 : vector<16xi32>
      %swap3A_133 = arith.constant 0 : i32
      %swap3A_134 = arith.index_cast %swap3A_133 : i32 to index
      %swap3A_135 = arith.constant 80 : index
      %swap3A_136 = tpu.vector_load %arg9[%swap3A_134, %swap3A_135] {strides = array<i32>} : memref<1x128xi32, #tpu.memory_space<vmem>>, vector<1x16xi32>,
      %swap3A_137 = vector.shape_cast %swap3A_136 : vector<1x16xi32> to vector<16xi32>
      %swap3A_138 = vector.shape_cast %add3A_132 : vector<16xi32> to vector<1x16xi32>
      tpu.vector_store %arg9[%swap3A_134, %swap3A_135], %swap3A_138 {strides = array<i32>} : memref<1x128xi32, #tpu.memory_space<vmem>>, vector<1x16xi32>,
      %add3A_139 = arith.constant 96 : i32
      %add3A_140 = arith.addi %add3A_79, %add3A_139 : i32
      %add3A_141 = vector.broadcast %add3A_140 : i32 to vector<16xi32>
      %add3A_142 = arith.addi %iota3A, %add3A_141 : vector<16xi32>
      %swap3A_143 = arith.constant 0 : i32
      %swap3A_144 = arith.index_cast %swap3A_143 : i32 to index
      %swap3A_145 = arith.constant 96 : index
      %swap3A_146 = tpu.vector_load %arg9[%swap3A_144, %swap3A_145] {strides = array<i32>} : memref<1x128xi32, #tpu.memory_space<vmem>>, vector<1x16xi32>,
      %swap3A_147 = vector.shape_cast %swap3A_146 : vector<1x16xi32> to vector<16xi32>
      %swap3A_148 = vector.shape_cast %add3A_142 : vector<16xi32> to vector<1x16xi32>
      tpu.vector_store %arg9[%swap3A_144, %swap3A_145], %swap3A_148 {strides = array<i32>} : memref<1x128xi32, #tpu.memory_space<vmem>>, vector<1x16xi32>,
      %add3A_149 = arith.constant 112 : i32
      %add3A_150 = arith.addi %add3A_79, %add3A_149 : i32
      %add3A_151 = vector.broadcast %add3A_150 : i32 to vector<16xi32>
      %add3A_152 = arith.addi %iota3A, %add3A_151 : vector<16xi32>
      %swap3A_153 = arith.constant 0 : i32
      %swap3A_154 = arith.index_cast %swap3A_153 : i32 to index
      %swap3A_155 = arith.constant 112 : index
      %swap3A_156 = tpu.vector_load %arg9[%swap3A_154, %swap3A_155] {strides = array<i32>} : memref<1x128xi32, #tpu.memory_space<vmem>>, vector<1x16xi32>,
      %swap3A_157 = vector.shape_cast %swap3A_156 : vector<1x16xi32> to vector<16xi32>
      %swap3A_158 = vector.shape_cast %add3A_152 : vector<16xi32> to vector<1x16xi32>
      tpu.vector_store %arg9[%swap3A_154, %swap3A_155], %swap3A_158 {strides = array<i32>} : memref<1x128xi32, #tpu.memory_space<vmem>>, vector<1x16xi32>,
      %run_scoped3A = arith.constant 0 : i32
      "tpu.region"() ({
        %run_scoped3A_956 = tpu.sem_alloc : memref<!tpu.dma_semaphore, #tpu.memory_space<semaphore_mem>>
        %dma_start3A = arith.constant 0 : i32
        %dma_start3A_957 = tpu.memref_slice %arg9[%run_scoped3A, %dma_start3A] : memref<1x128xi32, #tpu.memory_space<vmem>> -> memref<1x128xi32, #tpu.memory_space<vmem>>
        %dma_start3A_958 = tpu.memref_squeeze %dma_start3A_957 : memref<1x128xi32, #tpu.memory_space<vmem>> -> memref<128xi32, #tpu.memory_space<vmem>>
        %dma_start3A_959 = arith.constant 0 : i32
        %dma_start3A_960 = arith.constant 0 : i32
        %dma_start3A_961 = tpu.memref_slice %arg10[%dma_start3A_959, %dma_start3A_960] : memref<10240x128xf32, #tpu.memory_space<vmem_shared>> -> memref<10240x128xf32, #tpu.memory_space<vmem_shared>>
        tpu.enqueue_indirect_dma source(%arg8 : memref<128x128xf32, #tpu.memory_space<vmem>>) target(%dma_start3A_961 : memref<10240x128xf32, #tpu.memory_space<vmem_shared>>) offsets(%dma_start3A_958 : memref<128xi32, #tpu.memory_space<vmem>>) semaphore(%run_scoped3A_956 : memref<!tpu.dma_semaphore, #tpu.memory_space<semaphore_mem>>)
        %dma_wait3A = arith.constant 0 : i32
        %dma_wait3A_962 = tpu.memref_slice %arg9[%run_scoped3A, %dma_wait3A] : memref<1x128xi32, #tpu.memory_space<vmem>> -> memref<1x128xi32, #tpu.memory_space<vmem>>
        %dma_wait3A_963 = tpu.memref_squeeze %dma_wait3A_962 : memref<1x128xi32, #tpu.memory_space<vmem>> -> memref<128xi32, #tpu.memory_space<vmem>>
        %dma_wait3A_964 = arith.constant 0 : i32
        %dma_wait3A_965 = arith.constant 0 : i32
        %dma_wait3A_966 = tpu.memref_slice %arg10[%dma_wait3A_964, %dma_wait3A_965] : memref<10240x128xf32, #tpu.memory_space<vmem_shared>> -> memref<10240x128xf32, #tpu.memory_space<vmem_shared>>
        tpu.wait_indirect_dma semaphore(%run_scoped3A_956 : memref<!tpu.dma_semaphore, #tpu.memory_space<semaphore_mem>>) src(%arg8 : memref<128x128xf32, #tpu.memory_space<vmem>>) dst(%dma_wait3A_966 : memref<10240x128xf32, #tpu.memory_space<vmem_shared>>)
        tpu.yield
      }) : () -> ()
      %add3A_159 = arith.constant 128 : i32
      %add3A_160 = arith.addi %mul3A_77, %add3A_159 : i32
      %add3A_161 = arith.constant 0 : i32
      %add3A_162 = arith.addi %add3A_160, %add3A_161 : i32
      %add3A_163 = vector.broadcast %add3A_162 : i32 to vector<16xi32>
      %add3A_164 = arith.addi %iota3A, %add3A_163 : vector<16xi32>
      %swap3A_165 = arith.constant 0 : i32
      %swap3A_166 = arith.index_cast %swap3A_165 : i32 to index
      %swap3A_167 = arith.constant 0 : index
      %swap3A_168 = tpu.vector_load %arg9[%swap3A_166, %swap3A_167] {strides = array<i32>} : memref<1x128xi32, #tpu.memory_space<vmem>>, vector<1x16xi32>,
      %swap3A_169 = vector.shape_cast %swap3A_168 : vector<1x16xi32> to vector<16xi32>
      %swap3A_170 = vector.shape_cast %add3A_164 : vector<16xi32> to vector<1x16xi32>
      tpu.vector_store %arg9[%swap3A_166, %swap3A_167], %swap3A_170 {strides = array<i32>} : memref<1x128xi32, #tpu.memory_space<vmem>>, vector<1x16xi32>,
      %add3A_171 = arith.constant 16 : i32
      %add3A_172 = arith.addi %add3A_160, %add3A_171 : i32
      %add3A_173 = vector.broadcast %add3A_172 : i32 to vector<16xi32>
      %add3A_174 = arith.addi %iota3A, %add3A_173 : vector<16xi32>
      %swap3A_175 = arith.constant 0 : i32
      %swap3A_176 = arith.index_cast %swap3A_175 : i32 to index
      %swap3A_177 = arith.constant 16 : index
      %swap3A_178 = tpu.vector_load %arg9[%swap3A_176, %swap3A_177] {strides = array<i32>} : memref<1x128xi32, #tpu.memory_space<vmem>>, vector<1x16xi32>,
      %swap3A_179 = vector.shape_cast %swap3A_178 : vector<1x16xi32> to vector<16xi32>
      %swap3A_180 = vector.shape_cast %add3A_174 : vector<16xi32> to vector<1x16xi32>
      tpu.vector_store %arg9[%swap3A_176, %swap3A_177], %swap3A_180 {strides = array<i32>} : memref<1x128xi32, #tpu.memory_space<vmem>>, vector<1x16xi32>,
      %add3A_181 = arith.constant 32 : i32
      %add3A_182 = arith.addi %add3A_160, %add3A_181 : i32
      %add3A_183 = vector.broadcast %add3A_182 : i32 to vector<16xi32>
      %add3A_184 = arith.addi %iota3A, %add3A_183 : vector<16xi32>
      %swap3A_185 = arith.constant 0 : i32
      %swap3A_186 = arith.index_cast %swap3A_185 : i32 to index
      %swap3A_187 = arith.constant 32 : index
      %swap3A_188 = tpu.vector_load %arg9[%swap3A_186, %swap3A_187] {strides = array<i32>} : memref<1x128xi32, #tpu.memory_space<vmem>>, vector<1x16xi32>,
      %swap3A_189 = vector.shape_cast %swap3A_188 : vector<1x16xi32> to vector<16xi32>
      %swap3A_190 = vector.shape_cast %add3A_184 : vector<16xi32> to vector<1x16xi32>
      tpu.vector_store %arg9[%swap3A_186, %swap3A_187], %swap3A_190 {strides = array<i32>} : memref<1x128xi32, #tpu.memory_space<vmem>>, vector<1x16xi32>,
      %add3A_191 = arith.constant 48 : i32
      %add3A_192 = arith.addi %add3A_160, %add3A_191 : i32
      %add3A_193 = vector.broadcast %add3A_192 : i32 to vector<16xi32>
      %add3A_194 = arith.addi %iota3A, %add3A_193 : vector<16xi32>
      %swap3A_195 = arith.constant 0 : i32
      %swap3A_196 = arith.index_cast %swap3A_195 : i32 to index
      %swap3A_197 = arith.constant 48 : index
      %swap3A_198 = tpu.vector_load %arg9[%swap3A_196, %swap3A_197] {strides = array<i32>} : memref<1x128xi32, #tpu.memory_space<vmem>>, vector<1x16xi32>,
      %swap3A_199 = vector.shape_cast %swap3A_198 : vector<1x16xi32> to vector<16xi32>
      %swap3A_200 = vector.shape_cast %add3A_194 : vector<16xi32> to vector<1x16xi32>
      tpu.vector_store %arg9[%swap3A_196, %swap3A_197], %swap3A_200 {strides = array<i32>} : memref<1x128xi32, #tpu.memory_space<vmem>>, vector<1x16xi32>,
      %add3A_201 = arith.constant 64 : i32
      %add3A_202 = arith.addi %add3A_160, %add3A_201 : i32
      %add3A_203 = vector.broadcast %add3A_202 : i32 to vector<16xi32>
      %add3A_204 = arith.addi %iota3A, %add3A_203 : vector<16xi32>
      %swap3A_205 = arith.constant 0 : i32
      %swap3A_206 = arith.index_cast %swap3A_205 : i32 to index
      %swap3A_207 = arith.constant 64 : index
      %swap3A_208 = tpu.vector_load %arg9[%swap3A_206, %swap3A_207] {strides = array<i32>} : memref<1x128xi32, #tpu.memory_space<vmem>>, vector<1x16xi32>,
      %swap3A_209 = vector.shape_cast %swap3A_208 : vector<1x16xi32> to vector<16xi32>
      %swap3A_210 = vector.shape_cast %add3A_204 : vector<16xi32> to vector<1x16xi32>
      tpu.vector_store %arg9[%swap3A_206, %swap3A_207], %swap3A_210 {strides = array<i32>} : memref<1x128xi32, #tpu.memory_space<vmem>>, vector<1x16xi32>,
      %add3A_211 = arith.constant 80 : i32
      %add3A_212 = arith.addi %add3A_160, %add3A_211 : i32
      %add3A_213 = vector.broadcast %add3A_212 : i32 to vector<16xi32>
      %add3A_214 = arith.addi %iota3A, %add3A_213 : vector<16xi32>
      %swap3A_215 = arith.constant 0 : i32
      %swap3A_216 = arith.index_cast %swap3A_215 : i32 to index
      %swap3A_217 = arith.constant 80 : index
      %swap3A_218 = tpu.vector_load %arg9[%swap3A_216, %swap3A_217] {strides = array<i32>} : memref<1x128xi32, #tpu.memory_space<vmem>>, vector<1x16xi32>,
      %swap3A_219 = vector.shape_cast %swap3A_218 : vector<1x16xi32> to vector<16xi32>
      %swap3A_220 = vector.shape_cast %add3A_214 : vector<16xi32> to vector<1x16xi32>
      tpu.vector_store %arg9[%swap3A_216, %swap3A_217], %swap3A_220 {strides = array<i32>} : memref<1x128xi32, #tpu.memory_space<vmem>>, vector<1x16xi32>,
      %add3A_221 = arith.constant 96 : i32
      %add3A_222 = arith.addi %add3A_160, %add3A_221 : i32
      %add3A_223 = vector.broadcast %add3A_222 : i32 to vector<16xi32>
      %add3A_224 = arith.addi %iota3A, %add3A_223 : vector<16xi32>
      %swap3A_225 = arith.constant 0 : i32
      %swap3A_226 = arith.index_cast %swap3A_225 : i32 to index
      %swap3A_227 = arith.constant 96 : index
      %swap3A_228 = tpu.vector_load %arg9[%swap3A_226, %swap3A_227] {strides = array<i32>} : memref<1x128xi32, #tpu.memory_space<vmem>>, vector<1x16xi32>,
      %swap3A_229 = vector.shape_cast %swap3A_228 : vector<1x16xi32> to vector<16xi32>
      %swap3A_230 = vector.shape_cast %add3A_224 : vector<16xi32> to vector<1x16xi32>
      tpu.vector_store %arg9[%swap3A_226, %swap3A_227], %swap3A_230 {strides = array<i32>} : memref<1x128xi32, #tpu.memory_space<vmem>>, vector<1x16xi32>,
      %add3A_231 = arith.constant 112 : i32
      %add3A_232 = arith.addi %add3A_160, %add3A_231 : i32
      %add3A_233 = vector.broadcast %add3A_232 : i32 to vector<16xi32>
      %add3A_234 = arith.addi %iota3A, %add3A_233 : vector<16xi32>
      %swap3A_235 = arith.constant 0 : i32
      %swap3A_236 = arith.index_cast %swap3A_235 : i32 to index
      %swap3A_237 = arith.constant 112 : index
      %swap3A_238 = tpu.vector_load %arg9[%swap3A_236, %swap3A_237] {strides = array<i32>} : memref<1x128xi32, #tpu.memory_space<vmem>>, vector<1x16xi32>,
      %swap3A_239 = vector.shape_cast %swap3A_238 : vector<1x16xi32> to vector<16xi32>
      %swap3A_240 = vector.shape_cast %add3A_234 : vector<16xi32> to vector<1x16xi32>
      tpu.vector_store %arg9[%swap3A_236, %swap3A_237], %swap3A_240 {strides = array<i32>} : memref<1x128xi32, #tpu.memory_space<vmem>>, vector<1x16xi32>,
      %run_scoped3A_241 = arith.constant 0 : i32
      "tpu.region"() ({
        %run_scoped3A_956 = tpu.sem_alloc : memref<!tpu.dma_semaphore, #tpu.memory_space<semaphore_mem>>
        %dma_start3A = arith.constant 0 : i32
        %dma_start3A_957 = tpu.memref_slice %arg9[%run_scoped3A_241, %dma_start3A] : memref<1x128xi32, #tpu.memory_space<vmem>> -> memref<1x128xi32, #tpu.memory_space<vmem>>
        %dma_start3A_958 = tpu.memref_squeeze %dma_start3A_957 : memref<1x128xi32, #tpu.memory_space<vmem>> -> memref<128xi32, #tpu.memory_space<vmem>>
        %dma_start3A_959 = arith.constant 0 : i32
        %dma_start3A_960 = arith.constant 0 : i32
        %dma_start3A_961 = tpu.memref_slice %arg10[%dma_start3A_959, %dma_start3A_960] : memref<10240x128xf32, #tpu.memory_space<vmem_shared>> -> memref<10240x128xf32, #tpu.memory_space<vmem_shared>>
        tpu.enqueue_indirect_dma source(%arg8 : memref<128x128xf32, #tpu.memory_space<vmem>>) target(%dma_start3A_961 : memref<10240x128xf32, #tpu.memory_space<vmem_shared>>) offsets(%dma_start3A_958 : memref<128xi32, #tpu.memory_space<vmem>>) semaphore(%run_scoped3A_956 : memref<!tpu.dma_semaphore, #tpu.memory_space<semaphore_mem>>)
        %dma_wait3A = arith.constant 0 : i32
        %dma_wait3A_962 = tpu.memref_slice %arg9[%run_scoped3A_241, %dma_wait3A] : memref<1x128xi32, #tpu.memory_space<vmem>> -> memref<1x128xi32, #tpu.memory_space<vmem>>
        %dma_wait3A_963 = tpu.memref_squeeze %dma_wait3A_962 : memref<1x128xi32, #tpu.memory_space<vmem>> -> memref<128xi32, #tpu.memory_space<vmem>>
        %dma_wait3A_964 = arith.constant 0 : i32
        %dma_wait3A_965 = arith.constant 0 : i32
        %dma_wait3A_966 = tpu.memref_slice %arg10[%dma_wait3A_964, %dma_wait3A_965] : memref<10240x128xf32, #tpu.memory_space<vmem_shared>> -> memref<10240x128xf32, #tpu.memory_space<vmem_shared>>
        tpu.wait_indirect_dma semaphore(%run_scoped3A_956 : memref<!tpu.dma_semaphore, #tpu.memory_space<semaphore_mem>>) src(%arg8 : memref<128x128xf32, #tpu.memory_space<vmem>>) dst(%dma_wait3A_966 : memref<10240x128xf32, #tpu.memory_space<vmem_shared>>)
        tpu.yield
      }) : () -> ()
      %add3A_242 = arith.constant 256 : i32
      %add3A_243 = arith.addi %mul3A_77, %add3A_242 : i32
      %add3A_244 = arith.constant 0 : i32
      %add3A_245 = arith.addi %add3A_243, %add3A_244 : i32
      %add3A_246 = vector.broadcast %add3A_245 : i32 to vector<16xi32>
      %add3A_247 = arith.addi %iota3A, %add3A_246 : vector<16xi32>
      %swap3A_248 = arith.constant 0 : i32
      %swap3A_249 = arith.index_cast %swap3A_248 : i32 to index
      %swap3A_250 = arith.constant 0 : index
      %swap3A_251 = tpu.vector_load %arg9[%swap3A_249, %swap3A_250] {strides = array<i32>} : memref<1x128xi32, #tpu.memory_space<vmem>>, vector<1x16xi32>,
      %swap3A_252 = vector.shape_cast %swap3A_251 : vector<1x16xi32> to vector<16xi32>
      %swap3A_253 = vector.shape_cast %add3A_247 : vector<16xi32> to vector<1x16xi32>
      tpu.vector_store %arg9[%swap3A_249, %swap3A_250], %swap3A_253 {strides = array<i32>} : memref<1x128xi32, #tpu.memory_space<vmem>>, vector<1x16xi32>,
      %add3A_254 = arith.constant 16 : i32
      %add3A_255 = arith.addi %add3A_243, %add3A_254 : i32
      %add3A_256 = vector.broadcast %add3A_255 : i32 to vector<16xi32>
      %add3A_257 = arith.addi %iota3A, %add3A_256 : vector<16xi32>
      %swap3A_258 = arith.constant 0 : i32
      %swap3A_259 = arith.index_cast %swap3A_258 : i32 to index
      %swap3A_260 = arith.constant 16 : index
      %swap3A_261 = tpu.vector_load %arg9[%swap3A_259, %swap3A_260] {strides = array<i32>} : memref<1x128xi32, #tpu.memory_space<vmem>>, vector<1x16xi32>,
      %swap3A_262 = vector.shape_cast %swap3A_261 : vector<1x16xi32> to vector<16xi32>
      %swap3A_263 = vector.shape_cast %add3A_257 : vector<16xi32> to vector<1x16xi32>
      tpu.vector_store %arg9[%swap3A_259, %swap3A_260], %swap3A_263 {strides = array<i32>} : memref<1x128xi32, #tpu.memory_space<vmem>>, vector<1x16xi32>,
      %add3A_264 = arith.constant 32 : i32
      %add3A_265 = arith.addi %add3A_243, %add3A_264 : i32
      %add3A_266 = vector.broadcast %add3A_265 : i32 to vector<16xi32>
      %add3A_267 = arith.addi %iota3A, %add3A_266 : vector<16xi32>
      %swap3A_268 = arith.constant 0 : i32
      %swap3A_269 = arith.index_cast %swap3A_268 : i32 to index
      %swap3A_270 = arith.constant 32 : index
      %swap3A_271 = tpu.vector_load %arg9[%swap3A_269, %swap3A_270] {strides = array<i32>} : memref<1x128xi32, #tpu.memory_space<vmem>>, vector<1x16xi32>,
      %swap3A_272 = vector.shape_cast %swap3A_271 : vector<1x16xi32> to vector<16xi32>
      %swap3A_273 = vector.shape_cast %add3A_267 : vector<16xi32> to vector<1x16xi32>
      tpu.vector_store %arg9[%swap3A_269, %swap3A_270], %swap3A_273 {strides = array<i32>} : memref<1x128xi32, #tpu.memory_space<vmem>>, vector<1x16xi32>,
      %add3A_274 = arith.constant 48 : i32
      %add3A_275 = arith.addi %add3A_243, %add3A_274 : i32
      %add3A_276 = vector.broadcast %add3A_275 : i32 to vector<16xi32>
      %add3A_277 = arith.addi %iota3A, %add3A_276 : vector<16xi32>
      %swap3A_278 = arith.constant 0 : i32
      %swap3A_279 = arith.index_cast %swap3A_278 : i32 to index
      %swap3A_280 = arith.constant 48 : index
      %swap3A_281 = tpu.vector_load %arg9[%swap3A_279, %swap3A_280] {strides = array<i32>} : memref<1x128xi32, #tpu.memory_space<vmem>>, vector<1x16xi32>,
      %swap3A_282 = vector.shape_cast %swap3A_281 : vector<1x16xi32> to vector<16xi32>
      %swap3A_283 = vector.shape_cast %add3A_277 : vector<16xi32> to vector<1x16xi32>
      tpu.vector_store %arg9[%swap3A_279, %swap3A_280], %swap3A_283 {strides = array<i32>} : memref<1x128xi32, #tpu.memory_space<vmem>>, vector<1x16xi32>,
      %add3A_284 = arith.constant 64 : i32
      %add3A_285 = arith.addi %add3A_243, %add3A_284 : i32
      %add3A_286 = vector.broadcast %add3A_285 : i32 to vector<16xi32>
      %add3A_287 = arith.addi %iota3A, %add3A_286 : vector<16xi32>
      %swap3A_288 = arith.constant 0 : i32
      %swap3A_289 = arith.index_cast %swap3A_288 : i32 to index
      %swap3A_290 = arith.constant 64 : index
      %swap3A_291 = tpu.vector_load %arg9[%swap3A_289, %swap3A_290] {strides = array<i32>} : memref<1x128xi32, #tpu.memory_space<vmem>>, vector<1x16xi32>,
      %swap3A_292 = vector.shape_cast %swap3A_291 : vector<1x16xi32> to vector<16xi32>
      %swap3A_293 = vector.shape_cast %add3A_287 : vector<16xi32> to vector<1x16xi32>
      tpu.vector_store %arg9[%swap3A_289, %swap3A_290], %swap3A_293 {strides = array<i32>} : memref<1x128xi32, #tpu.memory_space<vmem>>, vector<1x16xi32>,
      %add3A_294 = arith.constant 80 : i32
      %add3A_295 = arith.addi %add3A_243, %add3A_294 : i32
      %add3A_296 = vector.broadcast %add3A_295 : i32 to vector<16xi32>
      %add3A_297 = arith.addi %iota3A, %add3A_296 : vector<16xi32>
      %swap3A_298 = arith.constant 0 : i32
      %swap3A_299 = arith.index_cast %swap3A_298 : i32 to index
      %swap3A_300 = arith.constant 80 : index
      %swap3A_301 = tpu.vector_load %arg9[%swap3A_299, %swap3A_300] {strides = array<i32>} : memref<1x128xi32, #tpu.memory_space<vmem>>, vector<1x16xi32>,
      %swap3A_302 = vector.shape_cast %swap3A_301 : vector<1x16xi32> to vector<16xi32>
      %swap3A_303 = vector.shape_cast %add3A_297 : vector<16xi32> to vector<1x16xi32>
      tpu.vector_store %arg9[%swap3A_299, %swap3A_300], %swap3A_303 {strides = array<i32>} : memref<1x128xi32, #tpu.memory_space<vmem>>, vector<1x16xi32>,
      %add3A_304 = arith.constant 96 : i32
      %add3A_305 = arith.addi %add3A_243, %add3A_304 : i32
      %add3A_306 = vector.broadcast %add3A_305 : i32 to vector<16xi32>
      %add3A_307 = arith.addi %iota3A, %add3A_306 : vector<16xi32>
      %swap3A_308 = arith.constant 0 : i32
      %swap3A_309 = arith.index_cast %swap3A_308 : i32 to index
      %swap3A_310 = arith.constant 96 : index
      %swap3A_311 = tpu.vector_load %arg9[%swap3A_309, %swap3A_310] {strides = array<i32>} : memref<1x128xi32, #tpu.memory_space<vmem>>, vector<1x16xi32>,
      %swap3A_312 = vector.shape_cast %swap3A_311 : vector<1x16xi32> to vector<16xi32>
      %swap3A_313 = vector.shape_cast %add3A_307 : vector<16xi32> to vector<1x16xi32>
      tpu.vector_store %arg9[%swap3A_309, %swap3A_310], %swap3A_313 {strides = array<i32>} : memref<1x128xi32, #tpu.memory_space<vmem>>, vector<1x16xi32>,
      %add3A_314 = arith.constant 112 : i32
      %add3A_315 = arith.addi %add3A_243, %add3A_314 : i32
      %add3A_316 = vector.broadcast %add3A_315 : i32 to vector<16xi32>
      %add3A_317 = arith.addi %iota3A, %add3A_316 : vector<16xi32>
      %swap3A_318 = arith.constant 0 : i32
      %swap3A_319 = arith.index_cast %swap3A_318 : i32 to index
      %swap3A_320 = arith.constant 112 : index
      %swap3A_321 = tpu.vector_load %arg9[%swap3A_319, %swap3A_320] {strides = array<i32>} : memref<1x128xi32, #tpu.memory_space<vmem>>, vector<1x16xi32>,
      %swap3A_322 = vector.shape_cast %swap3A_321 : vector<1x16xi32> to vector<16xi32>
      %swap3A_323 = vector.shape_cast %add3A_317 : vector<16xi32> to vector<1x16xi32>
      tpu.vector_store %arg9[%swap3A_319, %swap3A_320], %swap3A_323 {strides = array<i32>} : memref<1x128xi32, #tpu.memory_space<vmem>>, vector<1x16xi32>,
      %run_scoped3A_324 = arith.constant 0 : i32
      "tpu.region"() ({
        %run_scoped3A_956 = tpu.sem_alloc : memref<!tpu.dma_semaphore, #tpu.memory_space<semaphore_mem>>
        %dma_start3A = arith.constant 0 : i32
        %dma_start3A_957 = tpu.memref_slice %arg9[%run_scoped3A_324, %dma_start3A] : memref<1x128xi32, #tpu.memory_space<vmem>> -> memref<1x128xi32, #tpu.memory_space<vmem>>
        %dma_start3A_958 = tpu.memref_squeeze %dma_start3A_957 : memref<1x128xi32, #tpu.memory_space<vmem>> -> memref<128xi32, #tpu.memory_space<vmem>>
        %dma_start3A_959 = arith.constant 0 : i32
        %dma_start3A_960 = arith.constant 0 : i32
        %dma_start3A_961 = tpu.memref_slice %arg10[%dma_start3A_959, %dma_start3A_960] : memref<10240x128xf32, #tpu.memory_space<vmem_shared>> -> memref<10240x128xf32, #tpu.memory_space<vmem_shared>>
        tpu.enqueue_indirect_dma source(%arg8 : memref<128x128xf32, #tpu.memory_space<vmem>>) target(%dma_start3A_961 : memref<10240x128xf32, #tpu.memory_space<vmem_shared>>) offsets(%dma_start3A_958 : memref<128xi32, #tpu.memory_space<vmem>>) semaphore(%run_scoped3A_956 : memref<!tpu.dma_semaphore, #tpu.memory_space<semaphore_mem>>)
        %dma_wait3A = arith.constant 0 : i32
        %dma_wait3A_962 = tpu.memref_slice %arg9[%run_scoped3A_324, %dma_wait3A] : memref<1x128xi32, #tpu.memory_space<vmem>> -> memref<1x128xi32, #tpu.memory_space<vmem>>
        %dma_wait3A_963 = tpu.memref_squeeze %dma_wait3A_962 : memref<1x128xi32, #tpu.memory_space<vmem>> -> memref<128xi32, #tpu.memory_space<vmem>>
        %dma_wait3A_964 = arith.constant 0 : i32
        %dma_wait3A_965 = arith.constant 0 : i32
        %dma_wait3A_966 = tpu.memref_slice %arg10[%dma_wait3A_964, %dma_wait3A_965] : memref<10240x128xf32, #tpu.memory_space<vmem_shared>> -> memref<10240x128xf32, #tpu.memory_space<vmem_shared>>
        tpu.wait_indirect_dma semaphore(%run_scoped3A_956 : memref<!tpu.dma_semaphore, #tpu.memory_space<semaphore_mem>>) src(%arg8 : memref<128x128xf32, #tpu.memory_space<vmem>>) dst(%dma_wait3A_966 : memref<10240x128xf32, #tpu.memory_space<vmem_shared>>)
        tpu.yield
      }) : () -> ()
      %add3A_325 = arith.constant 384 : i32
      %add3A_326 = arith.addi %mul3A_77, %add3A_325 : i32
      %add3A_327 = arith.constant 0 : i32
      %add3A_328 = arith.addi %add3A_326, %add3A_327 : i32
      %add3A_329 = vector.broadcast %add3A_328 : i32 to vector<16xi32>
      %add3A_330 = arith.addi %iota3A, %add3A_329 : vector<16xi32>
      %swap3A_331 = arith.constant 0 : i32
      %swap3A_332 = arith.index_cast %swap3A_331 : i32 to index
      %swap3A_333 = arith.constant 0 : index
      %swap3A_334 = tpu.vector_load %arg9[%swap3A_332, %swap3A_333] {strides = array<i32>} : memref<1x128xi32, #tpu.memory_space<vmem>>, vector<1x16xi32>,
      %swap3A_335 = vector.shape_cast %swap3A_334 : vector<1x16xi32> to vector<16xi32>
      %swap3A_336 = vector.shape_cast %add3A_330 : vector<16xi32> to vector<1x16xi32>
      tpu.vector_store %arg9[%swap3A_332, %swap3A_333], %swap3A_336 {strides = array<i32>} : memref<1x128xi32, #tpu.memory_space<vmem>>, vector<1x16xi32>,
      %add3A_337 = arith.constant 16 : i32
      %add3A_338 = arith.addi %add3A_326, %add3A_337 : i32
      %add3A_339 = vector.broadcast %add3A_338 : i32 to vector<16xi32>
      %add3A_340 = arith.addi %iota3A, %add3A_339 : vector<16xi32>
      %swap3A_341 = arith.constant 0 : i32
      %swap3A_342 = arith.index_cast %swap3A_341 : i32 to index
      %swap3A_343 = arith.constant 16 : index
      %swap3A_344 = tpu.vector_load %arg9[%swap3A_342, %swap3A_343] {strides = array<i32>} : memref<1x128xi32, #tpu.memory_space<vmem>>, vector<1x16xi32>,
      %swap3A_345 = vector.shape_cast %swap3A_344 : vector<1x16xi32> to vector<16xi32>
      %swap3A_346 = vector.shape_cast %add3A_340 : vector<16xi32> to vector<1x16xi32>
      tpu.vector_store %arg9[%swap3A_342, %swap3A_343], %swap3A_346 {strides = array<i32>} : memref<1x128xi32, #tpu.memory_space<vmem>>, vector<1x16xi32>,
      %add3A_347 = arith.constant 32 : i32
      %add3A_348 = arith.addi %add3A_326, %add3A_347 : i32
      %add3A_349 = vector.broadcast %add3A_348 : i32 to vector<16xi32>
      %add3A_350 = arith.addi %iota3A, %add3A_349 : vector<16xi32>
      %swap3A_351 = arith.constant 0 : i32
      %swap3A_352 = arith.index_cast %swap3A_351 : i32 to index
      %swap3A_353 = arith.constant 32 : index
      %swap3A_354 = tpu.vector_load %arg9[%swap3A_352, %swap3A_353] {strides = array<i32>} : memref<1x128xi32, #tpu.memory_space<vmem>>, vector<1x16xi32>,
      %swap3A_355 = vector.shape_cast %swap3A_354 : vector<1x16xi32> to vector<16xi32>
      %swap3A_356 = vector.shape_cast %add3A_350 : vector<16xi32> to vector<1x16xi32>
      tpu.vector_store %arg9[%swap3A_352, %swap3A_353], %swap3A_356 {strides = array<i32>} : memref<1x128xi32, #tpu.memory_space<vmem>>, vector<1x16xi32>,
      %add3A_357 = arith.constant 48 : i32
      %add3A_358 = arith.addi %add3A_326, %add3A_357 : i32
      %add3A_359 = vector.broadcast %add3A_358 : i32 to vector<16xi32>
      %add3A_360 = arith.addi %iota3A, %add3A_359 : vector<16xi32>
      %swap3A_361 = arith.constant 0 : i32
      %swap3A_362 = arith.index_cast %swap3A_361 : i32 to index
      %swap3A_363 = arith.constant 48 : index
      %swap3A_364 = tpu.vector_load %arg9[%swap3A_362, %swap3A_363] {strides = array<i32>} : memref<1x128xi32, #tpu.memory_space<vmem>>, vector<1x16xi32>,
      %swap3A_365 = vector.shape_cast %swap3A_364 : vector<1x16xi32> to vector<16xi32>
      %swap3A_366 = vector.shape_cast %add3A_360 : vector<16xi32> to vector<1x16xi32>
      tpu.vector_store %arg9[%swap3A_362, %swap3A_363], %swap3A_366 {strides = array<i32>} : memref<1x128xi32, #tpu.memory_space<vmem>>, vector<1x16xi32>,
      %add3A_367 = arith.constant 64 : i32
      %add3A_368 = arith.addi %add3A_326, %add3A_367 : i32
      %add3A_369 = vector.broadcast %add3A_368 : i32 to vector<16xi32>
      %add3A_370 = arith.addi %iota3A, %add3A_369 : vector<16xi32>
      %swap3A_371 = arith.constant 0 : i32
      %swap3A_372 = arith.index_cast %swap3A_371 : i32 to index
      %swap3A_373 = arith.constant 64 : index
      %swap3A_374 = tpu.vector_load %arg9[%swap3A_372, %swap3A_373] {strides = array<i32>} : memref<1x128xi32, #tpu.memory_space<vmem>>, vector<1x16xi32>,
      %swap3A_375 = vector.shape_cast %swap3A_374 : vector<1x16xi32> to vector<16xi32>
      %swap3A_376 = vector.shape_cast %add3A_370 : vector<16xi32> to vector<1x16xi32>
      tpu.vector_store %arg9[%swap3A_372, %swap3A_373], %swap3A_376 {strides = array<i32>} : memref<1x128xi32, #tpu.memory_space<vmem>>, vector<1x16xi32>,
      %add3A_377 = arith.constant 80 : i32
      %add3A_378 = arith.addi %add3A_326, %add3A_377 : i32
      %add3A_379 = vector.broadcast %add3A_378 : i32 to vector<16xi32>
      %add3A_380 = arith.addi %iota3A, %add3A_379 : vector<16xi32>
      %swap3A_381 = arith.constant 0 : i32
      %swap3A_382 = arith.index_cast %swap3A_381 : i32 to index
      %swap3A_383 = arith.constant 80 : index
      %swap3A_384 = tpu.vector_load %arg9[%swap3A_382, %swap3A_383] {strides = array<i32>} : memref<1x128xi32, #tpu.memory_space<vmem>>, vector<1x16xi32>,
      %swap3A_385 = vector.shape_cast %swap3A_384 : vector<1x16xi32> to vector<16xi32>
      %swap3A_386 = vector.shape_cast %add3A_380 : vector<16xi32> to vector<1x16xi32>
      tpu.vector_store %arg9[%swap3A_382, %swap3A_383], %swap3A_386 {strides = array<i32>} : memref<1x128xi32, #tpu.memory_space<vmem>>, vector<1x16xi32>,
      %add3A_387 = arith.constant 96 : i32
      %add3A_388 = arith.addi %add3A_326, %add3A_387 : i32
      %add3A_389 = vector.broadcast %add3A_388 : i32 to vector<16xi32>
      %add3A_390 = arith.addi %iota3A, %add3A_389 : vector<16xi32>
      %swap3A_391 = arith.constant 0 : i32
      %swap3A_392 = arith.index_cast %swap3A_391 : i32 to index
      %swap3A_393 = arith.constant 96 : index
      %swap3A_394 = tpu.vector_load %arg9[%swap3A_392, %swap3A_393] {strides = array<i32>} : memref<1x128xi32, #tpu.memory_space<vmem>>, vector<1x16xi32>,
      %swap3A_395 = vector.shape_cast %swap3A_394 : vector<1x16xi32> to vector<16xi32>
      %swap3A_396 = vector.shape_cast %add3A_390 : vector<16xi32> to vector<1x16xi32>
      tpu.vector_store %arg9[%swap3A_392, %swap3A_393], %swap3A_396 {strides = array<i32>} : memref<1x128xi32, #tpu.memory_space<vmem>>, vector<1x16xi32>,
      %add3A_397 = arith.constant 112 : i32
      %add3A_398 = arith.addi %add3A_326, %add3A_397 : i32
      %add3A_399 = vector.broadcast %add3A_398 : i32 to vector<16xi32>
      %add3A_400 = arith.addi %iota3A, %add3A_399 : vector<16xi32>
      %swap3A_401 = arith.constant 0 : i32
      %swap3A_402 = arith.index_cast %swap3A_401 : i32 to index
      %swap3A_403 = arith.constant 112 : index
      %swap3A_404 = tpu.vector_load %arg9[%swap3A_402, %swap3A_403] {strides = array<i32>} : memref<1x128xi32, #tpu.memory_space<vmem>>, vector<1x16xi32>,
      %swap3A_405 = vector.shape_cast %swap3A_404 : vector<1x16xi32> to vector<16xi32>
      %swap3A_406 = vector.shape_cast %add3A_400 : vector<16xi32> to vector<1x16xi32>
      tpu.vector_store %arg9[%swap3A_402, %swap3A_403], %swap3A_406 {strides = array<i32>} : memref<1x128xi32, #tpu.memory_space<vmem>>, vector<1x16xi32>,
      %run_scoped3A_407 = arith.constant 0 : i32
      "tpu.region"() ({
        %run_scoped3A_956 = tpu.sem_alloc : memref<!tpu.dma_semaphore, #tpu.memory_space<semaphore_mem>>
        %dma_start3A = arith.constant 0 : i32
        %dma_start3A_957 = tpu.memref_slice %arg9[%run_scoped3A_407, %dma_start3A] : memref<1x128xi32, #tpu.memory_space<vmem>> -> memref<1x128xi32, #tpu.memory_space<vmem>>
        %dma_start3A_958 = tpu.memref_squeeze %dma_start3A_957 : memref<1x128xi32, #tpu.memory_space<vmem>> -> memref<128xi32, #tpu.memory_space<vmem>>
        %dma_start3A_959 = arith.constant 0 : i32
        %dma_start3A_960 = arith.constant 0 : i32
        %dma_start3A_961 = tpu.memref_slice %arg10[%dma_start3A_959, %dma_start3A_960] : memref<10240x128xf32, #tpu.memory_space<vmem_shared>> -> memref<10240x128xf32, #tpu.memory_space<vmem_shared>>
        tpu.enqueue_indirect_dma source(%arg8 : memref<128x128xf32, #tpu.memory_space<vmem>>) target(%dma_start3A_961 : memref<10240x128xf32, #tpu.memory_space<vmem_shared>>) offsets(%dma_start3A_958 : memref<128xi32, #tpu.memory_space<vmem>>) semaphore(%run_scoped3A_956 : memref<!tpu.dma_semaphore, #tpu.memory_space<semaphore_mem>>)
        %dma_wait3A = arith.constant 0 : i32
        %dma_wait3A_962 = tpu.memref_slice %arg9[%run_scoped3A_407, %dma_wait3A] : memref<1x128xi32, #tpu.memory_space<vmem>> -> memref<1x128xi32, #tpu.memory_space<vmem>>
        %dma_wait3A_963 = tpu.memref_squeeze %dma_wait3A_962 : memref<1x128xi32, #tpu.memory_space<vmem>> -> memref<128xi32, #tpu.memory_space<vmem>>
        %dma_wait3A_964 = arith.constant 0 : i32
        %dma_wait3A_965 = arith.constant 0 : i32
        %dma_wait3A_966 = tpu.memref_slice %arg10[%dma_wait3A_964, %dma_wait3A_965] : memref<10240x128xf32, #tpu.memory_space<vmem_shared>> -> memref<10240x128xf32, #tpu.memory_space<vmem_shared>>
        tpu.wait_indirect_dma semaphore(%run_scoped3A_956 : memref<!tpu.dma_semaphore, #tpu.memory_space<semaphore_mem>>) src(%arg8 : memref<128x128xf32, #tpu.memory_space<vmem>>) dst(%dma_wait3A_966 : memref<10240x128xf32, #tpu.memory_space<vmem_shared>>)
        tpu.yield
      }) : () -> ()
      %add3A_408 = arith.constant 512 : i32
      %add3A_409 = arith.addi %mul3A_77, %add3A_408 : i32
      %add3A_410 = arith.constant 0 : i32
      %add3A_411 = arith.addi %add3A_409, %add3A_410 : i32
      %add3A_412 = vector.broadcast %add3A_411 : i32 to vector<16xi32>
      %add3A_413 = arith.addi %iota3A, %add3A_412 : vector<16xi32>
      %swap3A_414 = arith.constant 0 : i32
      %swap3A_415 = arith.index_cast %swap3A_414 : i32 to index
      %swap3A_416 = arith.constant 0 : index
      %swap3A_417 = tpu.vector_load %arg9[%swap3A_415, %swap3A_416] {strides = array<i32>} : memref<1x128xi32, #tpu.memory_space<vmem>>, vector<1x16xi32>,
      %swap3A_418 = vector.shape_cast %swap3A_417 : vector<1x16xi32> to vector<16xi32>
      %swap3A_419 = vector.shape_cast %add3A_413 : vector<16xi32> to vector<1x16xi32>
      tpu.vector_store %arg9[%swap3A_415, %swap3A_416], %swap3A_419 {strides = array<i32>} : memref<1x128xi32, #tpu.memory_space<vmem>>, vector<1x16xi32>,
      %add3A_420 = arith.constant 16 : i32
      %add3A_421 = arith.addi %add3A_409, %add3A_420 : i32
      %add3A_422 = vector.broadcast %add3A_421 : i32 to vector<16xi32>
      %add3A_423 = arith.addi %iota3A, %add3A_422 : vector<16xi32>
      %swap3A_424 = arith.constant 0 : i32
      %swap3A_425 = arith.index_cast %swap3A_424 : i32 to index
      %swap3A_426 = arith.constant 16 : index
      %swap3A_427 = tpu.vector_load %arg9[%swap3A_425, %swap3A_426] {strides = array<i32>} : memref<1x128xi32, #tpu.memory_space<vmem>>, vector<1x16xi32>,
      %swap3A_428 = vector.shape_cast %swap3A_427 : vector<1x16xi32> to vector<16xi32>
      %swap3A_429 = vector.shape_cast %add3A_423 : vector<16xi32> to vector<1x16xi32>
      tpu.vector_store %arg9[%swap3A_425, %swap3A_426], %swap3A_429 {strides = array<i32>} : memref<1x128xi32, #tpu.memory_space<vmem>>, vector<1x16xi32>,
      %add3A_430 = arith.constant 32 : i32
      %add3A_431 = arith.addi %add3A_409, %add3A_430 : i32
      %add3A_432 = vector.broadcast %add3A_431 : i32 to vector<16xi32>
      %add3A_433 = arith.addi %iota3A, %add3A_432 : vector<16xi32>
      %swap3A_434 = arith.constant 0 : i32
      %swap3A_435 = arith.index_cast %swap3A_434 : i32 to index
      %swap3A_436 = arith.constant 32 : index
      %swap3A_437 = tpu.vector_load %arg9[%swap3A_435, %swap3A_436] {strides = array<i32>} : memref<1x128xi32, #tpu.memory_space<vmem>>, vector<1x16xi32>,
      %swap3A_438 = vector.shape_cast %swap3A_437 : vector<1x16xi32> to vector<16xi32>
      %swap3A_439 = vector.shape_cast %add3A_433 : vector<16xi32> to vector<1x16xi32>
      tpu.vector_store %arg9[%swap3A_435, %swap3A_436], %swap3A_439 {strides = array<i32>} : memref<1x128xi32, #tpu.memory_space<vmem>>, vector<1x16xi32>,
      %add3A_440 = arith.constant 48 : i32
      %add3A_441 = arith.addi %add3A_409, %add3A_440 : i32
      %add3A_442 = vector.broadcast %add3A_441 : i32 to vector<16xi32>
      %add3A_443 = arith.addi %iota3A, %add3A_442 : vector<16xi32>
      %swap3A_444 = arith.constant 0 : i32
      %swap3A_445 = arith.index_cast %swap3A_444 : i32 to index
      %swap3A_446 = arith.constant 48 : index
      %swap3A_447 = tpu.vector_load %arg9[%swap3A_445, %swap3A_446] {strides = array<i32>} : memref<1x128xi32, #tpu.memory_space<vmem>>, vector<1x16xi32>,
      %swap3A_448 = vector.shape_cast %swap3A_447 : vector<1x16xi32> to vector<16xi32>
      %swap3A_449 = vector.shape_cast %add3A_443 : vector<16xi32> to vector<1x16xi32>
      tpu.vector_store %arg9[%swap3A_445, %swap3A_446], %swap3A_449 {strides = array<i32>} : memref<1x128xi32, #tpu.memory_space<vmem>>, vector<1x16xi32>,
      %add3A_450 = arith.constant 64 : i32
      %add3A_451 = arith.addi %add3A_409, %add3A_450 : i32
      %add3A_452 = vector.broadcast %add3A_451 : i32 to vector<16xi32>
      %add3A_453 = arith.addi %iota3A, %add3A_452 : vector<16xi32>
      %swap3A_454 = arith.constant 0 : i32
      %swap3A_455 = arith.index_cast %swap3A_454 : i32 to index
      %swap3A_456 = arith.constant 64 : index
      %swap3A_457 = tpu.vector_load %arg9[%swap3A_455, %swap3A_456] {strides = array<i32>} : memref<1x128xi32, #tpu.memory_space<vmem>>, vector<1x16xi32>,
      %swap3A_458 = vector.shape_cast %swap3A_457 : vector<1x16xi32> to vector<16xi32>
      %swap3A_459 = vector.shape_cast %add3A_453 : vector<16xi32> to vector<1x16xi32>
      tpu.vector_store %arg9[%swap3A_455, %swap3A_456], %swap3A_459 {strides = array<i32>} : memref<1x128xi32, #tpu.memory_space<vmem>>, vector<1x16xi32>,
      %add3A_460 = arith.constant 80 : i32
      %add3A_461 = arith.addi %add3A_409, %add3A_460 : i32
      %add3A_462 = vector.broadcast %add3A_461 : i32 to vector<16xi32>
      %add3A_463 = arith.addi %iota3A, %add3A_462 : vector<16xi32>
      %swap3A_464 = arith.constant 0 : i32
      %swap3A_465 = arith.index_cast %swap3A_464 : i32 to index
      %swap3A_466 = arith.constant 80 : index
      %swap3A_467 = tpu.vector_load %arg9[%swap3A_465, %swap3A_466] {strides = array<i32>} : memref<1x128xi32, #tpu.memory_space<vmem>>, vector<1x16xi32>,
      %swap3A_468 = vector.shape_cast %swap3A_467 : vector<1x16xi32> to vector<16xi32>
      %swap3A_469 = vector.shape_cast %add3A_463 : vector<16xi32> to vector<1x16xi32>
      tpu.vector_store %arg9[%swap3A_465, %swap3A_466], %swap3A_469 {strides = array<i32>} : memref<1x128xi32, #tpu.memory_space<vmem>>, vector<1x16xi32>,
      %add3A_470 = arith.constant 96 : i32
      %add3A_471 = arith.addi %add3A_409, %add3A_470 : i32
      %add3A_472 = vector.broadcast %add3A_471 : i32 to vector<16xi32>
      %add3A_473 = arith.addi %iota3A, %add3A_472 : vector<16xi32>
      %swap3A_474 = arith.constant 0 : i32
      %swap3A_475 = arith.index_cast %swap3A_474 : i32 to index
      %swap3A_476 = arith.constant 96 : index
      %swap3A_477 = tpu.vector_load %arg9[%swap3A_475, %swap3A_476] {strides = array<i32>} : memref<1x128xi32, #tpu.memory_space<vmem>>, vector<1x16xi32>,
      %swap3A_478 = vector.shape_cast %swap3A_477 : vector<1x16xi32> to vector<16xi32>
      %swap3A_479 = vector.shape_cast %add3A_473 : vector<16xi32> to vector<1x16xi32>
      tpu.vector_store %arg9[%swap3A_475, %swap3A_476], %swap3A_479 {strides = array<i32>} : memref<1x128xi32, #tpu.memory_space<vmem>>, vector<1x16xi32>,
      %add3A_480 = arith.constant 112 : i32
      %add3A_481 = arith.addi %add3A_409, %add3A_480 : i32
      %add3A_482 = vector.broadcast %add3A_481 : i32 to vector<16xi32>
      %add3A_483 = arith.addi %iota3A, %add3A_482 : vector<16xi32>
      %swap3A_484 = arith.constant 0 : i32
      %swap3A_485 = arith.index_cast %swap3A_484 : i32 to index
      %swap3A_486 = arith.constant 112 : index
      %swap3A_487 = tpu.vector_load %arg9[%swap3A_485, %swap3A_486] {strides = array<i32>} : memref<1x128xi32, #tpu.memory_space<vmem>>, vector<1x16xi32>,
      %swap3A_488 = vector.shape_cast %swap3A_487 : vector<1x16xi32> to vector<16xi32>
      %swap3A_489 = vector.shape_cast %add3A_483 : vector<16xi32> to vector<1x16xi32>
      tpu.vector_store %arg9[%swap3A_485, %swap3A_486], %swap3A_489 {strides = array<i32>} : memref<1x128xi32, #tpu.memory_space<vmem>>, vector<1x16xi32>,
      %run_scoped3A_490 = arith.constant 0 : i32
      "tpu.region"() ({
        %run_scoped3A_956 = tpu.sem_alloc : memref<!tpu.dma_semaphore, #tpu.memory_space<semaphore_mem>>
        %dma_start3A = arith.constant 0 : i32
        %dma_start3A_957 = tpu.memref_slice %arg9[%run_scoped3A_490, %dma_start3A] : memref<1x128xi32, #tpu.memory_space<vmem>> -> memref<1x128xi32, #tpu.memory_space<vmem>>
        %dma_start3A_958 = tpu.memref_squeeze %dma_start3A_957 : memref<1x128xi32, #tpu.memory_space<vmem>> -> memref<128xi32, #tpu.memory_space<vmem>>
        %dma_start3A_959 = arith.constant 0 : i32
        %dma_start3A_960 = arith.constant 0 : i32
        %dma_start3A_961 = tpu.memref_slice %arg10[%dma_start3A_959, %dma_start3A_960] : memref<10240x128xf32, #tpu.memory_space<vmem_shared>> -> memref<10240x128xf32, #tpu.memory_space<vmem_shared>>
        tpu.enqueue_indirect_dma source(%arg8 : memref<128x128xf32, #tpu.memory_space<vmem>>) target(%dma_start3A_961 : memref<10240x128xf32, #tpu.memory_space<vmem_shared>>) offsets(%dma_start3A_958 : memref<128xi32, #tpu.memory_space<vmem>>) semaphore(%run_scoped3A_956 : memref<!tpu.dma_semaphore, #tpu.memory_space<semaphore_mem>>)
        %dma_wait3A = arith.constant 0 : i32
        %dma_wait3A_962 = tpu.memref_slice %arg9[%run_scoped3A_490, %dma_wait3A] : memref<1x128xi32, #tpu.memory_space<vmem>> -> memref<1x128xi32, #tpu.memory_space<vmem>>
        %dma_wait3A_963 = tpu.memref_squeeze %dma_wait3A_962 : memref<1x128xi32, #tpu.memory_space<vmem>> -> memref<128xi32, #tpu.memory_space<vmem>>
        %dma_wait3A_964 = arith.constant 0 : i32
        %dma_wait3A_965 = arith.constant 0 : i32
        %dma_wait3A_966 = tpu.memref_slice %arg10[%dma_wait3A_964, %dma_wait3A_965] : memref<10240x128xf32, #tpu.memory_space<vmem_shared>> -> memref<10240x128xf32, #tpu.memory_space<vmem_shared>>
        tpu.wait_indirect_dma semaphore(%run_scoped3A_956 : memref<!tpu.dma_semaphore, #tpu.memory_space<semaphore_mem>>) src(%arg8 : memref<128x128xf32, #tpu.memory_space<vmem>>) dst(%dma_wait3A_966 : memref<10240x128xf32, #tpu.memory_space<vmem_shared>>)
        tpu.yield
      }) : () -> ()
      %barrier3A = arith.constant 0 : index
      tpu.barrier barrier_id(%barrier3A)
      %jit3A_491 = arith.constant 8 : i32
      %div3A_492 = arith.divsi %select_n3A_53, %jit3A_491 : i32
      %sign3A_493 = arith.constant 0 : i32
      %sign3A_494 = arith.cmpi sgt, %select_n3A_53, %sign3A_493 : i32
      %sign3A_495 = arith.extui %sign3A_494 : i1 to i32
      %sign3A_496 = arith.constant 0 : i32
      %sign3A_497 = arith.cmpi slt, %select_n3A_53, %sign3A_496 : i32
      %sign3A_498 = arith.extui %sign3A_497 : i1 to i32
      %sign3A_499 = arith.subi %sign3A_495, %sign3A_498 : i32
      %sign3A_500 = arith.constant 0 : i32
      %sign3A_501 = arith.cmpi sgt, %jit3A_491, %sign3A_500 : i32
      %sign3A_502 = arith.extui %sign3A_501 : i1 to i32
      %sign3A_503 = arith.constant 0 : i32
      %sign3A_504 = arith.cmpi slt, %jit3A_491, %sign3A_503 : i32
      %sign3A_505 = arith.extui %sign3A_504 : i1 to i32
      %sign3A_506 = arith.subi %sign3A_502, %sign3A_505 : i32
      %ne3A_507 = arith.cmpi ne, %sign3A_499, %sign3A_506 : i32
      %rem3A_508 = arith.remsi %select_n3A_53, %jit3A_491 : i32
      %ne3A_509 = arith.constant 0 : i32
      %ne3A_510 = arith.cmpi ne, %rem3A_508, %ne3A_509 : i32
      %and3A_511 = arith.andi %ne3A_507, %ne3A_510 : i1
      %sub3A_512 = arith.constant 1 : i32
      %sub3A_513 = arith.subi %div3A_492, %sub3A_512 : i32
      %select_n3A_514 = arith.select %and3A_511, %sub3A_513, %div3A_492 : i32
      %while3A = arith.constant 0 : i32
      %while3A_515 = arith.constant 0 : i32
      %while3A_516 = arith.subi %select_n3A_514, %while3A_515 : i32
      %while3A_517 = arith.addi %while3A_515, %while3A_516 : i32
      %while3A_518 = arith.constant 1 : i32
      %while3A_519 = arith.divsi %while3A_516, %while3A_518 : i32
      %while3A_520 = arith.muli %while3A_519, %while3A_518 : i32
      %while3A_521 = arith.addi %while3A_515, %while3A_520 : i32
      %while3A_522 = arith.constant 1 : i32
      scf.for %while3A_956 = %while3A_515 to %while3A_521 step %while3A_522  : i32 {
        %mul3A_957 = arith.constant 1280 : i32
        %mul3A_958 = arith.muli %add3A_58, %mul3A_957 : i32
        %add3A_959 = arith.addi %mul3A_958, %add3A_63 : i32
        %mul3A_960 = arith.constant 8 : i32
        %mul3A_961 = arith.muli %while3A_956, %mul3A_960 : i32
        %add3A_962 = arith.addi %add3A_959, %mul3A_961 : i32
        "tpu.region"() ({
          %run_scoped3A_969 = tpu.sem_alloc : memref<!tpu.dma_semaphore, #tpu.memory_space<semaphore_mem>>
          %dma_start3A = arith.constant 0 : i32
          %dma_start3A_970 = tpu.memref_slice %arg3[%add3A_962, %dma_start3A] : memref<3840x128xi32, #tpu.memory_space<hbm>> -> memref<8x128xi32, #tpu.memory_space<hbm>>
          %dma_start3A_971 = arith.constant 0 : i32
          %dma_start3A_972 = tpu.memref_slice %arg3[%add3A_962, %dma_start3A_971] : memref<3840x128xi32, #tpu.memory_space<hbm>> -> memref<8x128xi32, #tpu.memory_space<hbm>>
          tpu.enqueue_dma source(%dma_start3A_972 : memref<8x128xi32, #tpu.memory_space<hbm>>) target(%arg6 : memref<8x128xi32, #tpu.memory_space<vmem>>) target_semaphore(%run_scoped3A_969 : memref<!tpu.dma_semaphore, #tpu.memory_space<semaphore_mem>>)
          %dma_wait3A = arith.constant 0 : i32
          %dma_wait3A_973 = tpu.memref_slice %arg3[%add3A_962, %dma_wait3A] : memref<3840x128xi32, #tpu.memory_space<hbm>> -> memref<8x128xi32, #tpu.memory_space<hbm>>
          %dma_wait3A_974 = arith.constant 0 : i32
          %dma_wait3A_975 = tpu.memref_slice %arg3[%add3A_962, %dma_wait3A_974] : memref<3840x128xi32, #tpu.memory_space<hbm>> -> memref<8x128xi32, #tpu.memory_space<hbm>>
          tpu.wait_dma2 semaphore(%run_scoped3A_969 : memref<!tpu.dma_semaphore, #tpu.memory_space<semaphore_mem>>) src(%dma_wait3A_975 : memref<8x128xi32, #tpu.memory_space<hbm>>) dst(%arg6 : memref<8x128xi32, #tpu.memory_space<vmem>>)
          tpu.yield
        }) : () -> ()
        "tpu.region"() ({
          %run_scoped3A_969 = tpu.sem_alloc : memref<!tpu.dma_semaphore, #tpu.memory_space<semaphore_mem>>
          %dma_start3A = arith.constant 0 : i32
          %dma_start3A_970 = tpu.memref_slice %arg4[%add3A_962, %dma_start3A] : memref<3840x128xi32, #tpu.memory_space<hbm>> -> memref<8x128xi32, #tpu.memory_space<hbm>>
          %dma_start3A_971 = arith.constant 0 : i32
          %dma_start3A_972 = tpu.memref_slice %arg4[%add3A_962, %dma_start3A_971] : memref<3840x128xi32, #tpu.memory_space<hbm>> -> memref<8x128xi32, #tpu.memory_space<hbm>>
          tpu.enqueue_dma source(%dma_start3A_972 : memref<8x128xi32, #tpu.memory_space<hbm>>) target(%arg7 : memref<8x128xi32, #tpu.memory_space<vmem>>) target_semaphore(%run_scoped3A_969 : memref<!tpu.dma_semaphore, #tpu.memory_space<semaphore_mem>>)
          %dma_wait3A = arith.constant 0 : i32
          %dma_wait3A_973 = tpu.memref_slice %arg4[%add3A_962, %dma_wait3A] : memref<3840x128xi32, #tpu.memory_space<hbm>> -> memref<8x128xi32, #tpu.memory_space<hbm>>
          %dma_wait3A_974 = arith.constant 0 : i32
          %dma_wait3A_975 = tpu.memref_slice %arg4[%add3A_962, %dma_wait3A_974] : memref<3840x128xi32, #tpu.memory_space<hbm>> -> memref<8x128xi32, #tpu.memory_space<hbm>>
          tpu.wait_dma2 semaphore(%run_scoped3A_969 : memref<!tpu.dma_semaphore, #tpu.memory_space<semaphore_mem>>) src(%dma_wait3A_975 : memref<8x128xi32, #tpu.memory_space<hbm>>) dst(%arg7 : memref<8x128xi32, #tpu.memory_space<vmem>>)
          tpu.yield
        }) : () -> ()
        %scan3A_963 = arith.constant 0 : i32
        %scan3A_964 = arith.constant 0 : i32
        %scan3A_965 = arith.constant 8 : i32
        %scan3A_966 = arith.addi %scan3A_964, %scan3A_965 : i32
        %scan3A_967 = arith.constant 1 : i32
        scf.for %scan3A_969 = %scan3A_964 to %scan3A_966 step %scan3A_967  : i32 {
          %dma_start3A = arith.constant 0 : i32
          %dma_start3A_970 = tpu.memref_slice %arg6[%scan3A_969, %dma_start3A] : memref<8x128xi32, #tpu.memory_space<vmem>> -> memref<1x128xi32, #tpu.memory_space<vmem>>
          %dma_start3A_971 = tpu.memref_squeeze %dma_start3A_970 : memref<1x128xi32, #tpu.memory_space<vmem>> -> memref<128xi32, #tpu.memory_space<vmem>>
          %dma_start3A_972 = arith.constant 0 : i32
          %dma_start3A_973 = arith.constant 0 : i32
          %dma_start3A_974 = tpu.memref_slice %arg2[%dma_start3A_972, %dma_start3A_973] : memref<30000x128xf32, #tpu.memory_space<hbm>> -> memref<30000x128xf32, #tpu.memory_space<hbm>>
          tpu.enqueue_indirect_dma source(%dma_start3A_974 : memref<30000x128xf32, #tpu.memory_space<hbm>>) target(%arg8 : memref<128x128xf32, #tpu.memory_space<vmem>>) offsets(%dma_start3A_971 : memref<128xi32, #tpu.memory_space<vmem>>) semaphore(%arg11 : memref<!tpu.dma_semaphore, #tpu.memory_space<semaphore_mem>>)
          %dma_wait3A = arith.constant 0 : i32
          %dma_wait3A_975 = tpu.memref_slice %arg6[%scan3A_969, %dma_wait3A] : memref<8x128xi32, #tpu.memory_space<vmem>> -> memref<1x128xi32, #tpu.memory_space<vmem>>
          %dma_wait3A_976 = tpu.memref_squeeze %dma_wait3A_975 : memref<1x128xi32, #tpu.memory_space<vmem>> -> memref<128xi32, #tpu.memory_space<vmem>>
          %dma_wait3A_977 = arith.constant 0 : i32
          %dma_wait3A_978 = arith.constant 0 : i32
          %dma_wait3A_979 = tpu.memref_slice %arg2[%dma_wait3A_977, %dma_wait3A_978] : memref<30000x128xf32, #tpu.memory_space<hbm>> -> memref<30000x128xf32, #tpu.memory_space<hbm>>
          tpu.wait_indirect_dma semaphore(%arg11 : memref<!tpu.dma_semaphore, #tpu.memory_space<semaphore_mem>>) src(%dma_wait3A_979 : memref<30000x128xf32, #tpu.memory_space<hbm>>) dst(%arg8 : memref<128x128xf32, #tpu.memory_space<vmem>>)
          "tpu.region"() ({
            %run_scoped3A_980 = tpu.sem_alloc : memref<!tpu.dma_semaphore, #tpu.memory_space<semaphore_mem>>
            %dma_start3A_981 = arith.constant 0 : i32
            %dma_start3A_982 = tpu.memref_slice %arg7[%scan3A_969, %dma_start3A_981] : memref<8x128xi32, #tpu.memory_space<vmem>> -> memref<1x128xi32, #tpu.memory_space<vmem>>
            %dma_start3A_983 = tpu.memref_squeeze %dma_start3A_982 : memref<1x128xi32, #tpu.memory_space<vmem>> -> memref<128xi32, #tpu.memory_space<vmem>>
            %dma_start3A_984 = arith.constant 0 : i32
            %dma_start3A_985 = arith.constant 0 : i32
            %dma_start3A_986 = tpu.memref_slice %arg10[%dma_start3A_984, %dma_start3A_985] : memref<10240x128xf32, #tpu.memory_space<vmem_shared>> -> memref<10240x128xf32, #tpu.memory_space<vmem_shared>>
            tpu.enqueue_indirect_dma source(%arg8 : memref<128x128xf32, #tpu.memory_space<vmem>>) target(%dma_start3A_986 : memref<10240x128xf32, #tpu.memory_space<vmem_shared>>) offsets(%dma_start3A_983 : memref<128xi32, #tpu.memory_space<vmem>>) semaphore(%run_scoped3A_980 : memref<!tpu.dma_semaphore, #tpu.memory_space<semaphore_mem>>) {add = true}
            %dma_wait3A_987 = arith.constant 0 : i32
            %dma_wait3A_988 = tpu.memref_slice %arg7[%scan3A_969, %dma_wait3A_987] : memref<8x128xi32, #tpu.memory_space<vmem>> -> memref<1x128xi32, #tpu.memory_space<vmem>>
            %dma_wait3A_989 = tpu.memref_squeeze %dma_wait3A_988 : memref<1x128xi32, #tpu.memory_space<vmem>> -> memref<128xi32, #tpu.memory_space<vmem>>
            %dma_wait3A_990 = arith.constant 0 : i32
            %dma_wait3A_991 = arith.constant 0 : i32
            %dma_wait3A_992 = tpu.memref_slice %arg10[%dma_wait3A_990, %dma_wait3A_991] : memref<10240x128xf32, #tpu.memory_space<vmem_shared>> -> memref<10240x128xf32, #tpu.memory_space<vmem_shared>>
            tpu.wait_indirect_dma semaphore(%run_scoped3A_980 : memref<!tpu.dma_semaphore, #tpu.memory_space<semaphore_mem>>) src(%arg8 : memref<128x128xf32, #tpu.memory_space<vmem>>) dst(%dma_wait3A_992 : memref<10240x128xf32, #tpu.memory_space<vmem_shared>>)
            tpu.yield
          }) : () -> ()
        }
        %scan3A_968 = arith.constant 8 : i32
      }
      %while3A_523 = arith.constant 1 : i32
      scf.for %while3A_956 = %while3A_521 to %while3A_517 step %while3A_523  : i32 {
        %mul3A_957 = arith.constant 1280 : i32
        %mul3A_958 = arith.muli %add3A_58, %mul3A_957 : i32
        %add3A_959 = arith.addi %mul3A_958, %add3A_63 : i32
        %mul3A_960 = arith.constant 8 : i32
        %mul3A_961 = arith.muli %while3A_956, %mul3A_960 : i32
        %add3A_962 = arith.addi %add3A_959, %mul3A_961 : i32
        "tpu.region"() ({
          %run_scoped3A_969 = tpu.sem_alloc : memref<!tpu.dma_semaphore, #tpu.memory_space<semaphore_mem>>
          %dma_start3A = arith.constant 0 : i32
          %dma_start3A_970 = tpu.memref_slice %arg3[%add3A_962, %dma_start3A] : memref<3840x128xi32, #tpu.memory_space<hbm>> -> memref<8x128xi32, #tpu.memory_space<hbm>>
          %dma_start3A_971 = arith.constant 0 : i32
          %dma_start3A_972 = tpu.memref_slice %arg3[%add3A_962, %dma_start3A_971] : memref<3840x128xi32, #tpu.memory_space<hbm>> -> memref<8x128xi32, #tpu.memory_space<hbm>>
          tpu.enqueue_dma source(%dma_start3A_972 : memref<8x128xi32, #tpu.memory_space<hbm>>) target(%arg6 : memref<8x128xi32, #tpu.memory_space<vmem>>) target_semaphore(%run_scoped3A_969 : memref<!tpu.dma_semaphore, #tpu.memory_space<semaphore_mem>>)
          %dma_wait3A = arith.constant 0 : i32
          %dma_wait3A_973 = tpu.memref_slice %arg3[%add3A_962, %dma_wait3A] : memref<3840x128xi32, #tpu.memory_space<hbm>> -> memref<8x128xi32, #tpu.memory_space<hbm>>
          %dma_wait3A_974 = arith.constant 0 : i32
          %dma_wait3A_975 = tpu.memref_slice %arg3[%add3A_962, %dma_wait3A_974] : memref<3840x128xi32, #tpu.memory_space<hbm>> -> memref<8x128xi32, #tpu.memory_space<hbm>>
          tpu.wait_dma2 semaphore(%run_scoped3A_969 : memref<!tpu.dma_semaphore, #tpu.memory_space<semaphore_mem>>) src(%dma_wait3A_975 : memref<8x128xi32, #tpu.memory_space<hbm>>) dst(%arg6 : memref<8x128xi32, #tpu.memory_space<vmem>>)
          tpu.yield
        }) : () -> ()
        "tpu.region"() ({
          %run_scoped3A_969 = tpu.sem_alloc : memref<!tpu.dma_semaphore, #tpu.memory_space<semaphore_mem>>
          %dma_start3A = arith.constant 0 : i32
          %dma_start3A_970 = tpu.memref_slice %arg4[%add3A_962, %dma_start3A] : memref<3840x128xi32, #tpu.memory_space<hbm>> -> memref<8x128xi32, #tpu.memory_space<hbm>>
          %dma_start3A_971 = arith.constant 0 : i32
          %dma_start3A_972 = tpu.memref_slice %arg4[%add3A_962, %dma_start3A_971] : memref<3840x128xi32, #tpu.memory_space<hbm>> -> memref<8x128xi32, #tpu.memory_space<hbm>>
          tpu.enqueue_dma source(%dma_start3A_972 : memref<8x128xi32, #tpu.memory_space<hbm>>) target(%arg7 : memref<8x128xi32, #tpu.memory_space<vmem>>) target_semaphore(%run_scoped3A_969 : memref<!tpu.dma_semaphore, #tpu.memory_space<semaphore_mem>>)
          %dma_wait3A = arith.constant 0 : i32
          %dma_wait3A_973 = tpu.memref_slice %arg4[%add3A_962, %dma_wait3A] : memref<3840x128xi32, #tpu.memory_space<hbm>> -> memref<8x128xi32, #tpu.memory_space<hbm>>
          %dma_wait3A_974 = arith.constant 0 : i32
          %dma_wait3A_975 = tpu.memref_slice %arg4[%add3A_962, %dma_wait3A_974] : memref<3840x128xi32, #tpu.memory_space<hbm>> -> memref<8x128xi32, #tpu.memory_space<hbm>>
          tpu.wait_dma2 semaphore(%run_scoped3A_969 : memref<!tpu.dma_semaphore, #tpu.memory_space<semaphore_mem>>) src(%dma_wait3A_975 : memref<8x128xi32, #tpu.memory_space<hbm>>) dst(%arg7 : memref<8x128xi32, #tpu.memory_space<vmem>>)
          tpu.yield
        }) : () -> ()
        %scan3A_963 = arith.constant 0 : i32
        %scan3A_964 = arith.constant 0 : i32
        %scan3A_965 = arith.constant 8 : i32
        %scan3A_966 = arith.addi %scan3A_964, %scan3A_965 : i32
        %scan3A_967 = arith.constant 1 : i32
        scf.for %scan3A_969 = %scan3A_964 to %scan3A_966 step %scan3A_967  : i32 {
          %dma_start3A = arith.constant 0 : i32
          %dma_start3A_970 = tpu.memref_slice %arg6[%scan3A_969, %dma_start3A] : memref<8x128xi32, #tpu.memory_space<vmem>> -> memref<1x128xi32, #tpu.memory_space<vmem>>
          %dma_start3A_971 = tpu.memref_squeeze %dma_start3A_970 : memref<1x128xi32, #tpu.memory_space<vmem>> -> memref<128xi32, #tpu.memory_space<vmem>>
          %dma_start3A_972 = arith.constant 0 : i32
          %dma_start3A_973 = arith.constant 0 : i32
          %dma_start3A_974 = tpu.memref_slice %arg2[%dma_start3A_972, %dma_start3A_973] : memref<30000x128xf32, #tpu.memory_space<hbm>> -> memref<30000x128xf32, #tpu.memory_space<hbm>>
          tpu.enqueue_indirect_dma source(%dma_start3A_974 : memref<30000x128xf32, #tpu.memory_space<hbm>>) target(%arg8 : memref<128x128xf32, #tpu.memory_space<vmem>>) offsets(%dma_start3A_971 : memref<128xi32, #tpu.memory_space<vmem>>) semaphore(%arg11 : memref<!tpu.dma_semaphore, #tpu.memory_space<semaphore_mem>>)
          %dma_wait3A = arith.constant 0 : i32
          %dma_wait3A_975 = tpu.memref_slice %arg6[%scan3A_969, %dma_wait3A] : memref<8x128xi32, #tpu.memory_space<vmem>> -> memref<1x128xi32, #tpu.memory_space<vmem>>
          %dma_wait3A_976 = tpu.memref_squeeze %dma_wait3A_975 : memref<1x128xi32, #tpu.memory_space<vmem>> -> memref<128xi32, #tpu.memory_space<vmem>>
          %dma_wait3A_977 = arith.constant 0 : i32
          %dma_wait3A_978 = arith.constant 0 : i32
          %dma_wait3A_979 = tpu.memref_slice %arg2[%dma_wait3A_977, %dma_wait3A_978] : memref<30000x128xf32, #tpu.memory_space<hbm>> -> memref<30000x128xf32, #tpu.memory_space<hbm>>
          tpu.wait_indirect_dma semaphore(%arg11 : memref<!tpu.dma_semaphore, #tpu.memory_space<semaphore_mem>>) src(%dma_wait3A_979 : memref<30000x128xf32, #tpu.memory_space<hbm>>) dst(%arg8 : memref<128x128xf32, #tpu.memory_space<vmem>>)
          "tpu.region"() ({
            %run_scoped3A_980 = tpu.sem_alloc : memref<!tpu.dma_semaphore, #tpu.memory_space<semaphore_mem>>
            %dma_start3A_981 = arith.constant 0 : i32
            %dma_start3A_982 = tpu.memref_slice %arg7[%scan3A_969, %dma_start3A_981] : memref<8x128xi32, #tpu.memory_space<vmem>> -> memref<1x128xi32, #tpu.memory_space<vmem>>
            %dma_start3A_983 = tpu.memref_squeeze %dma_start3A_982 : memref<1x128xi32, #tpu.memory_space<vmem>> -> memref<128xi32, #tpu.memory_space<vmem>>
            %dma_start3A_984 = arith.constant 0 : i32
            %dma_start3A_985 = arith.constant 0 : i32
            %dma_start3A_986 = tpu.memref_slice %arg10[%dma_start3A_984, %dma_start3A_985] : memref<10240x128xf32, #tpu.memory_space<vmem_shared>> -> memref<10240x128xf32, #tpu.memory_space<vmem_shared>>
            tpu.enqueue_indirect_dma source(%arg8 : memref<128x128xf32, #tpu.memory_space<vmem>>) target(%dma_start3A_986 : memref<10240x128xf32, #tpu.memory_space<vmem_shared>>) offsets(%dma_start3A_983 : memref<128xi32, #tpu.memory_space<vmem>>) semaphore(%run_scoped3A_980 : memref<!tpu.dma_semaphore, #tpu.memory_space<semaphore_mem>>) {add = true}
            %dma_wait3A_987 = arith.constant 0 : i32
            %dma_wait3A_988 = tpu.memref_slice %arg7[%scan3A_969, %dma_wait3A_987] : memref<8x128xi32, #tpu.memory_space<vmem>> -> memref<1x128xi32, #tpu.memory_space<vmem>>
            %dma_wait3A_989 = tpu.memref_squeeze %dma_wait3A_988 : memref<1x128xi32, #tpu.memory_space<vmem>> -> memref<128xi32, #tpu.memory_space<vmem>>
            %dma_wait3A_990 = arith.constant 0 : i32
            %dma_wait3A_991 = arith.constant 0 : i32
            %dma_wait3A_992 = tpu.memref_slice %arg10[%dma_wait3A_990, %dma_wait3A_991] : memref<10240x128xf32, #tpu.memory_space<vmem_shared>> -> memref<10240x128xf32, #tpu.memory_space<vmem_shared>>
            tpu.wait_indirect_dma semaphore(%run_scoped3A_980 : memref<!tpu.dma_semaphore, #tpu.memory_space<semaphore_mem>>) src(%arg8 : memref<128x128xf32, #tpu.memory_space<vmem>>) dst(%dma_wait3A_992 : memref<10240x128xf32, #tpu.memory_space<vmem_shared>>)
            tpu.yield
          }) : () -> ()
        }
        %scan3A_968 = arith.constant 8 : i32
      }
      %barrier3A_524 = arith.constant 0 : index
      tpu.barrier barrier_id(%barrier3A_524)
      %add3A_525 = arith.constant 0 : i32
      %add3A_526 = arith.addi %mul3A_77, %add3A_525 : i32
      %add3A_527 = arith.constant 0 : i32
      %add3A_528 = arith.addi %add3A_526, %add3A_527 : i32
      %add3A_529 = vector.broadcast %add3A_528 : i32 to vector<16xi32>
      %add3A_530 = arith.addi %iota3A, %add3A_529 : vector<16xi32>
      %swap3A_531 = arith.constant 0 : i32
      %swap3A_532 = arith.index_cast %swap3A_531 : i32 to index
      %swap3A_533 = arith.constant 0 : index
      %swap3A_534 = tpu.vector_load %arg9[%swap3A_532, %swap3A_533] {strides = array<i32>} : memref<1x128xi32, #tpu.memory_space<vmem>>, vector<1x16xi32>,
      %swap3A_535 = vector.shape_cast %swap3A_534 : vector<1x16xi32> to vector<16xi32>
      %swap3A_536 = vector.shape_cast %add3A_530 : vector<16xi32> to vector<1x16xi32>
      tpu.vector_store %arg9[%swap3A_532, %swap3A_533], %swap3A_536 {strides = array<i32>} : memref<1x128xi32, #tpu.memory_space<vmem>>, vector<1x16xi32>,
      %add3A_537 = arith.constant 16 : i32
      %add3A_538 = arith.addi %add3A_526, %add3A_537 : i32
      %add3A_539 = vector.broadcast %add3A_538 : i32 to vector<16xi32>
      %add3A_540 = arith.addi %iota3A, %add3A_539 : vector<16xi32>
      %swap3A_541 = arith.constant 0 : i32
      %swap3A_542 = arith.index_cast %swap3A_541 : i32 to index
      %swap3A_543 = arith.constant 16 : index
      %swap3A_544 = tpu.vector_load %arg9[%swap3A_542, %swap3A_543] {strides = array<i32>} : memref<1x128xi32, #tpu.memory_space<vmem>>, vector<1x16xi32>,
      %swap3A_545 = vector.shape_cast %swap3A_544 : vector<1x16xi32> to vector<16xi32>
      %swap3A_546 = vector.shape_cast %add3A_540 : vector<16xi32> to vector<1x16xi32>
      tpu.vector_store %arg9[%swap3A_542, %swap3A_543], %swap3A_546 {strides = array<i32>} : memref<1x128xi32, #tpu.memory_space<vmem>>, vector<1x16xi32>,
      %add3A_547 = arith.constant 32 : i32
      %add3A_548 = arith.addi %add3A_526, %add3A_547 : i32
      %add3A_549 = vector.broadcast %add3A_548 : i32 to vector<16xi32>
      %add3A_550 = arith.addi %iota3A, %add3A_549 : vector<16xi32>
      %swap3A_551 = arith.constant 0 : i32
      %swap3A_552 = arith.index_cast %swap3A_551 : i32 to index
      %swap3A_553 = arith.constant 32 : index
      %swap3A_554 = tpu.vector_load %arg9[%swap3A_552, %swap3A_553] {strides = array<i32>} : memref<1x128xi32, #tpu.memory_space<vmem>>, vector<1x16xi32>,
      %swap3A_555 = vector.shape_cast %swap3A_554 : vector<1x16xi32> to vector<16xi32>
      %swap3A_556 = vector.shape_cast %add3A_550 : vector<16xi32> to vector<1x16xi32>
      tpu.vector_store %arg9[%swap3A_552, %swap3A_553], %swap3A_556 {strides = array<i32>} : memref<1x128xi32, #tpu.memory_space<vmem>>, vector<1x16xi32>,
      %add3A_557 = arith.constant 48 : i32
      %add3A_558 = arith.addi %add3A_526, %add3A_557 : i32
      %add3A_559 = vector.broadcast %add3A_558 : i32 to vector<16xi32>
      %add3A_560 = arith.addi %iota3A, %add3A_559 : vector<16xi32>
      %swap3A_561 = arith.constant 0 : i32
      %swap3A_562 = arith.index_cast %swap3A_561 : i32 to index
      %swap3A_563 = arith.constant 48 : index
      %swap3A_564 = tpu.vector_load %arg9[%swap3A_562, %swap3A_563] {strides = array<i32>} : memref<1x128xi32, #tpu.memory_space<vmem>>, vector<1x16xi32>,
      %swap3A_565 = vector.shape_cast %swap3A_564 : vector<1x16xi32> to vector<16xi32>
      %swap3A_566 = vector.shape_cast %add3A_560 : vector<16xi32> to vector<1x16xi32>
      tpu.vector_store %arg9[%swap3A_562, %swap3A_563], %swap3A_566 {strides = array<i32>} : memref<1x128xi32, #tpu.memory_space<vmem>>, vector<1x16xi32>,
      %add3A_567 = arith.constant 64 : i32
      %add3A_568 = arith.addi %add3A_526, %add3A_567 : i32
      %add3A_569 = vector.broadcast %add3A_568 : i32 to vector<16xi32>
      %add3A_570 = arith.addi %iota3A, %add3A_569 : vector<16xi32>
      %swap3A_571 = arith.constant 0 : i32
      %swap3A_572 = arith.index_cast %swap3A_571 : i32 to index
      %swap3A_573 = arith.constant 64 : index
      %swap3A_574 = tpu.vector_load %arg9[%swap3A_572, %swap3A_573] {strides = array<i32>} : memref<1x128xi32, #tpu.memory_space<vmem>>, vector<1x16xi32>,
      %swap3A_575 = vector.shape_cast %swap3A_574 : vector<1x16xi32> to vector<16xi32>
      %swap3A_576 = vector.shape_cast %add3A_570 : vector<16xi32> to vector<1x16xi32>
      tpu.vector_store %arg9[%swap3A_572, %swap3A_573], %swap3A_576 {strides = array<i32>} : memref<1x128xi32, #tpu.memory_space<vmem>>, vector<1x16xi32>,
      %add3A_577 = arith.constant 80 : i32
      %add3A_578 = arith.addi %add3A_526, %add3A_577 : i32
      %add3A_579 = vector.broadcast %add3A_578 : i32 to vector<16xi32>
      %add3A_580 = arith.addi %iota3A, %add3A_579 : vector<16xi32>
      %swap3A_581 = arith.constant 0 : i32
      %swap3A_582 = arith.index_cast %swap3A_581 : i32 to index
      %swap3A_583 = arith.constant 80 : index
      %swap3A_584 = tpu.vector_load %arg9[%swap3A_582, %swap3A_583] {strides = array<i32>} : memref<1x128xi32, #tpu.memory_space<vmem>>, vector<1x16xi32>,
      %swap3A_585 = vector.shape_cast %swap3A_584 : vector<1x16xi32> to vector<16xi32>
      %swap3A_586 = vector.shape_cast %add3A_580 : vector<16xi32> to vector<1x16xi32>
      tpu.vector_store %arg9[%swap3A_582, %swap3A_583], %swap3A_586 {strides = array<i32>} : memref<1x128xi32, #tpu.memory_space<vmem>>, vector<1x16xi32>,
      %add3A_587 = arith.constant 96 : i32
      %add3A_588 = arith.addi %add3A_526, %add3A_587 : i32
      %add3A_589 = vector.broadcast %add3A_588 : i32 to vector<16xi32>
      %add3A_590 = arith.addi %iota3A, %add3A_589 : vector<16xi32>
      %swap3A_591 = arith.constant 0 : i32
      %swap3A_592 = arith.index_cast %swap3A_591 : i32 to index
      %swap3A_593 = arith.constant 96 : index
      %swap3A_594 = tpu.vector_load %arg9[%swap3A_592, %swap3A_593] {strides = array<i32>} : memref<1x128xi32, #tpu.memory_space<vmem>>, vector<1x16xi32>,
      %swap3A_595 = vector.shape_cast %swap3A_594 : vector<1x16xi32> to vector<16xi32>
      %swap3A_596 = vector.shape_cast %add3A_590 : vector<16xi32> to vector<1x16xi32>
      tpu.vector_store %arg9[%swap3A_592, %swap3A_593], %swap3A_596 {strides = array<i32>} : memref<1x128xi32, #tpu.memory_space<vmem>>, vector<1x16xi32>,
      %add3A_597 = arith.constant 112 : i32
      %add3A_598 = arith.addi %add3A_526, %add3A_597 : i32
      %add3A_599 = vector.broadcast %add3A_598 : i32 to vector<16xi32>
      %add3A_600 = arith.addi %iota3A, %add3A_599 : vector<16xi32>
      %swap3A_601 = arith.constant 0 : i32
      %swap3A_602 = arith.index_cast %swap3A_601 : i32 to index
      %swap3A_603 = arith.constant 112 : index
      %swap3A_604 = tpu.vector_load %arg9[%swap3A_602, %swap3A_603] {strides = array<i32>} : memref<1x128xi32, #tpu.memory_space<vmem>>, vector<1x16xi32>,
      %swap3A_605 = vector.shape_cast %swap3A_604 : vector<1x16xi32> to vector<16xi32>
      %swap3A_606 = vector.shape_cast %add3A_600 : vector<16xi32> to vector<1x16xi32>
      tpu.vector_store %arg9[%swap3A_602, %swap3A_603], %swap3A_606 {strides = array<i32>} : memref<1x128xi32, #tpu.memory_space<vmem>>, vector<1x16xi32>,
      %run_scoped3A_607 = arith.constant 0 : i32
      "tpu.region"() ({
        %run_scoped3A_956 = tpu.sem_alloc : memref<!tpu.dma_semaphore, #tpu.memory_space<semaphore_mem>>
        %dma_start3A = arith.constant 0 : i32
        %dma_start3A_957 = tpu.memref_slice %arg9[%run_scoped3A_607, %dma_start3A] : memref<1x128xi32, #tpu.memory_space<vmem>> -> memref<1x128xi32, #tpu.memory_space<vmem>>
        %dma_start3A_958 = tpu.memref_squeeze %dma_start3A_957 : memref<1x128xi32, #tpu.memory_space<vmem>> -> memref<128xi32, #tpu.memory_space<vmem>>
        %dma_start3A_959 = arith.constant 0 : i32
        %dma_start3A_960 = arith.constant 0 : i32
        %dma_start3A_961 = tpu.memref_slice %arg10[%dma_start3A_959, %dma_start3A_960] : memref<10240x128xf32, #tpu.memory_space<vmem_shared>> -> memref<10240x128xf32, #tpu.memory_space<vmem_shared>>
        tpu.enqueue_indirect_dma source(%dma_start3A_961 : memref<10240x128xf32, #tpu.memory_space<vmem_shared>>) target(%arg8 : memref<128x128xf32, #tpu.memory_space<vmem>>) offsets(%dma_start3A_958 : memref<128xi32, #tpu.memory_space<vmem>>) semaphore(%run_scoped3A_956 : memref<!tpu.dma_semaphore, #tpu.memory_space<semaphore_mem>>)
        %dma_wait3A = arith.constant 0 : i32
        %dma_wait3A_962 = tpu.memref_slice %arg9[%run_scoped3A_607, %dma_wait3A] : memref<1x128xi32, #tpu.memory_space<vmem>> -> memref<1x128xi32, #tpu.memory_space<vmem>>
        %dma_wait3A_963 = tpu.memref_squeeze %dma_wait3A_962 : memref<1x128xi32, #tpu.memory_space<vmem>> -> memref<128xi32, #tpu.memory_space<vmem>>
        %dma_wait3A_964 = arith.constant 0 : i32
        %dma_wait3A_965 = arith.constant 0 : i32
        %dma_wait3A_966 = tpu.memref_slice %arg10[%dma_wait3A_964, %dma_wait3A_965] : memref<10240x128xf32, #tpu.memory_space<vmem_shared>> -> memref<10240x128xf32, #tpu.memory_space<vmem_shared>>
        tpu.wait_indirect_dma semaphore(%run_scoped3A_956 : memref<!tpu.dma_semaphore, #tpu.memory_space<semaphore_mem>>) src(%dma_wait3A_966 : memref<10240x128xf32, #tpu.memory_space<vmem_shared>>) dst(%arg8 : memref<128x128xf32, #tpu.memory_space<vmem>>)
        tpu.yield
      }) : () -> ()
      %mul3A_608 = arith.constant 10240 : i32
      %mul3A_609 = arith.muli %add3A_69, %mul3A_608 : i32
      %add3A_610 = arith.addi %mul3A_609, %add3A_526 : i32
      "tpu.region"() ({
        %run_scoped3A_956 = tpu.sem_alloc : memref<!tpu.dma_semaphore, #tpu.memory_space<semaphore_mem>>
        %dma_start3A = arith.constant 0 : i32
        %dma_start3A_957 = tpu.memref_slice %arg5[%add3A_610, %dma_start3A] : memref<40960x128xf32, #tpu.memory_space<hbm>> -> memref<128x128xf32, #tpu.memory_space<hbm>>
        %dma_start3A_958 = arith.constant 0 : i32
        %dma_start3A_959 = tpu.memref_slice %arg5[%add3A_610, %dma_start3A_958] : memref<40960x128xf32, #tpu.memory_space<hbm>> -> memref<128x128xf32, #tpu.memory_space<hbm>>
        tpu.enqueue_dma source(%arg8 : memref<128x128xf32, #tpu.memory_space<vmem>>) target(%dma_start3A_959 : memref<128x128xf32, #tpu.memory_space<hbm>>) target_semaphore(%run_scoped3A_956 : memref<!tpu.dma_semaphore, #tpu.memory_space<semaphore_mem>>)
        %dma_wait3A = arith.constant 0 : i32
        %dma_wait3A_960 = tpu.memref_slice %arg5[%add3A_610, %dma_wait3A] : memref<40960x128xf32, #tpu.memory_space<hbm>> -> memref<128x128xf32, #tpu.memory_space<hbm>>
        %dma_wait3A_961 = arith.constant 0 : i32
        %dma_wait3A_962 = tpu.memref_slice %arg5[%add3A_610, %dma_wait3A_961] : memref<40960x128xf32, #tpu.memory_space<hbm>> -> memref<128x128xf32, #tpu.memory_space<hbm>>
        tpu.wait_dma2 semaphore(%run_scoped3A_956 : memref<!tpu.dma_semaphore, #tpu.memory_space<semaphore_mem>>) src(%arg8 : memref<128x128xf32, #tpu.memory_space<vmem>>) dst(%dma_wait3A_962 : memref<128x128xf32, #tpu.memory_space<hbm>>)
        tpu.yield
      }) : () -> ()
      %add3A_611 = arith.constant 128 : i32
      %add3A_612 = arith.addi %mul3A_77, %add3A_611 : i32
      %add3A_613 = arith.constant 0 : i32
      %add3A_614 = arith.addi %add3A_612, %add3A_613 : i32
      %add3A_615 = vector.broadcast %add3A_614 : i32 to vector<16xi32>
      %add3A_616 = arith.addi %iota3A, %add3A_615 : vector<16xi32>
      %swap3A_617 = arith.constant 0 : i32
      %swap3A_618 = arith.index_cast %swap3A_617 : i32 to index
      %swap3A_619 = arith.constant 0 : index
      %swap3A_620 = tpu.vector_load %arg9[%swap3A_618, %swap3A_619] {strides = array<i32>} : memref<1x128xi32, #tpu.memory_space<vmem>>, vector<1x16xi32>,
      %swap3A_621 = vector.shape_cast %swap3A_620 : vector<1x16xi32> to vector<16xi32>
      %swap3A_622 = vector.shape_cast %add3A_616 : vector<16xi32> to vector<1x16xi32>
      tpu.vector_store %arg9[%swap3A_618, %swap3A_619], %swap3A_622 {strides = array<i32>} : memref<1x128xi32, #tpu.memory_space<vmem>>, vector<1x16xi32>,
      %add3A_623 = arith.constant 16 : i32
      %add3A_624 = arith.addi %add3A_612, %add3A_623 : i32
      %add3A_625 = vector.broadcast %add3A_624 : i32 to vector<16xi32>
      %add3A_626 = arith.addi %iota3A, %add3A_625 : vector<16xi32>
      %swap3A_627 = arith.constant 0 : i32
      %swap3A_628 = arith.index_cast %swap3A_627 : i32 to index
      %swap3A_629 = arith.constant 16 : index
      %swap3A_630 = tpu.vector_load %arg9[%swap3A_628, %swap3A_629] {strides = array<i32>} : memref<1x128xi32, #tpu.memory_space<vmem>>, vector<1x16xi32>,
      %swap3A_631 = vector.shape_cast %swap3A_630 : vector<1x16xi32> to vector<16xi32>
      %swap3A_632 = vector.shape_cast %add3A_626 : vector<16xi32> to vector<1x16xi32>
      tpu.vector_store %arg9[%swap3A_628, %swap3A_629], %swap3A_632 {strides = array<i32>} : memref<1x128xi32, #tpu.memory_space<vmem>>, vector<1x16xi32>,
      %add3A_633 = arith.constant 32 : i32
      %add3A_634 = arith.addi %add3A_612, %add3A_633 : i32
      %add3A_635 = vector.broadcast %add3A_634 : i32 to vector<16xi32>
      %add3A_636 = arith.addi %iota3A, %add3A_635 : vector<16xi32>
      %swap3A_637 = arith.constant 0 : i32
      %swap3A_638 = arith.index_cast %swap3A_637 : i32 to index
      %swap3A_639 = arith.constant 32 : index
      %swap3A_640 = tpu.vector_load %arg9[%swap3A_638, %swap3A_639] {strides = array<i32>} : memref<1x128xi32, #tpu.memory_space<vmem>>, vector<1x16xi32>,
      %swap3A_641 = vector.shape_cast %swap3A_640 : vector<1x16xi32> to vector<16xi32>
      %swap3A_642 = vector.shape_cast %add3A_636 : vector<16xi32> to vector<1x16xi32>
      tpu.vector_store %arg9[%swap3A_638, %swap3A_639], %swap3A_642 {strides = array<i32>} : memref<1x128xi32, #tpu.memory_space<vmem>>, vector<1x16xi32>,
      %add3A_643 = arith.constant 48 : i32
      %add3A_644 = arith.addi %add3A_612, %add3A_643 : i32
      %add3A_645 = vector.broadcast %add3A_644 : i32 to vector<16xi32>
      %add3A_646 = arith.addi %iota3A, %add3A_645 : vector<16xi32>
      %swap3A_647 = arith.constant 0 : i32
      %swap3A_648 = arith.index_cast %swap3A_647 : i32 to index
      %swap3A_649 = arith.constant 48 : index
      %swap3A_650 = tpu.vector_load %arg9[%swap3A_648, %swap3A_649] {strides = array<i32>} : memref<1x128xi32, #tpu.memory_space<vmem>>, vector<1x16xi32>,
      %swap3A_651 = vector.shape_cast %swap3A_650 : vector<1x16xi32> to vector<16xi32>
      %swap3A_652 = vector.shape_cast %add3A_646 : vector<16xi32> to vector<1x16xi32>
      tpu.vector_store %arg9[%swap3A_648, %swap3A_649], %swap3A_652 {strides = array<i32>} : memref<1x128xi32, #tpu.memory_space<vmem>>, vector<1x16xi32>,
      %add3A_653 = arith.constant 64 : i32
      %add3A_654 = arith.addi %add3A_612, %add3A_653 : i32
      %add3A_655 = vector.broadcast %add3A_654 : i32 to vector<16xi32>
      %add3A_656 = arith.addi %iota3A, %add3A_655 : vector<16xi32>
      %swap3A_657 = arith.constant 0 : i32
      %swap3A_658 = arith.index_cast %swap3A_657 : i32 to index
      %swap3A_659 = arith.constant 64 : index
      %swap3A_660 = tpu.vector_load %arg9[%swap3A_658, %swap3A_659] {strides = array<i32>} : memref<1x128xi32, #tpu.memory_space<vmem>>, vector<1x16xi32>,
      %swap3A_661 = vector.shape_cast %swap3A_660 : vector<1x16xi32> to vector<16xi32>
      %swap3A_662 = vector.shape_cast %add3A_656 : vector<16xi32> to vector<1x16xi32>
      tpu.vector_store %arg9[%swap3A_658, %swap3A_659], %swap3A_662 {strides = array<i32>} : memref<1x128xi32, #tpu.memory_space<vmem>>, vector<1x16xi32>,
      %add3A_663 = arith.constant 80 : i32
      %add3A_664 = arith.addi %add3A_612, %add3A_663 : i32
      %add3A_665 = vector.broadcast %add3A_664 : i32 to vector<16xi32>
      %add3A_666 = arith.addi %iota3A, %add3A_665 : vector<16xi32>
      %swap3A_667 = arith.constant 0 : i32
      %swap3A_668 = arith.index_cast %swap3A_667 : i32 to index
      %swap3A_669 = arith.constant 80 : index
      %swap3A_670 = tpu.vector_load %arg9[%swap3A_668, %swap3A_669] {strides = array<i32>} : memref<1x128xi32, #tpu.memory_space<vmem>>, vector<1x16xi32>,
      %swap3A_671 = vector.shape_cast %swap3A_670 : vector<1x16xi32> to vector<16xi32>
      %swap3A_672 = vector.shape_cast %add3A_666 : vector<16xi32> to vector<1x16xi32>
      tpu.vector_store %arg9[%swap3A_668, %swap3A_669], %swap3A_672 {strides = array<i32>} : memref<1x128xi32, #tpu.memory_space<vmem>>, vector<1x16xi32>,
      %add3A_673 = arith.constant 96 : i32
      %add3A_674 = arith.addi %add3A_612, %add3A_673 : i32
      %add3A_675 = vector.broadcast %add3A_674 : i32 to vector<16xi32>
      %add3A_676 = arith.addi %iota3A, %add3A_675 : vector<16xi32>
      %swap3A_677 = arith.constant 0 : i32
      %swap3A_678 = arith.index_cast %swap3A_677 : i32 to index
      %swap3A_679 = arith.constant 96 : index
      %swap3A_680 = tpu.vector_load %arg9[%swap3A_678, %swap3A_679] {strides = array<i32>} : memref<1x128xi32, #tpu.memory_space<vmem>>, vector<1x16xi32>,
      %swap3A_681 = vector.shape_cast %swap3A_680 : vector<1x16xi32> to vector<16xi32>
      %swap3A_682 = vector.shape_cast %add3A_676 : vector<16xi32> to vector<1x16xi32>
      tpu.vector_store %arg9[%swap3A_678, %swap3A_679], %swap3A_682 {strides = array<i32>} : memref<1x128xi32, #tpu.memory_space<vmem>>, vector<1x16xi32>,
      %add3A_683 = arith.constant 112 : i32
      %add3A_684 = arith.addi %add3A_612, %add3A_683 : i32
      %add3A_685 = vector.broadcast %add3A_684 : i32 to vector<16xi32>
      %add3A_686 = arith.addi %iota3A, %add3A_685 : vector<16xi32>
      %swap3A_687 = arith.constant 0 : i32
      %swap3A_688 = arith.index_cast %swap3A_687 : i32 to index
      %swap3A_689 = arith.constant 112 : index
      %swap3A_690 = tpu.vector_load %arg9[%swap3A_688, %swap3A_689] {strides = array<i32>} : memref<1x128xi32, #tpu.memory_space<vmem>>, vector<1x16xi32>,
      %swap3A_691 = vector.shape_cast %swap3A_690 : vector<1x16xi32> to vector<16xi32>
      %swap3A_692 = vector.shape_cast %add3A_686 : vector<16xi32> to vector<1x16xi32>
      tpu.vector_store %arg9[%swap3A_688, %swap3A_689], %swap3A_692 {strides = array<i32>} : memref<1x128xi32, #tpu.memory_space<vmem>>, vector<1x16xi32>,
      %run_scoped3A_693 = arith.constant 0 : i32
      "tpu.region"() ({
        %run_scoped3A_956 = tpu.sem_alloc : memref<!tpu.dma_semaphore, #tpu.memory_space<semaphore_mem>>
        %dma_start3A = arith.constant 0 : i32
        %dma_start3A_957 = tpu.memref_slice %arg9[%run_scoped3A_693, %dma_start3A] : memref<1x128xi32, #tpu.memory_space<vmem>> -> memref<1x128xi32, #tpu.memory_space<vmem>>
        %dma_start3A_958 = tpu.memref_squeeze %dma_start3A_957 : memref<1x128xi32, #tpu.memory_space<vmem>> -> memref<128xi32, #tpu.memory_space<vmem>>
        %dma_start3A_959 = arith.constant 0 : i32
        %dma_start3A_960 = arith.constant 0 : i32
        %dma_start3A_961 = tpu.memref_slice %arg10[%dma_start3A_959, %dma_start3A_960] : memref<10240x128xf32, #tpu.memory_space<vmem_shared>> -> memref<10240x128xf32, #tpu.memory_space<vmem_shared>>
        tpu.enqueue_indirect_dma source(%dma_start3A_961 : memref<10240x128xf32, #tpu.memory_space<vmem_shared>>) target(%arg8 : memref<128x128xf32, #tpu.memory_space<vmem>>) offsets(%dma_start3A_958 : memref<128xi32, #tpu.memory_space<vmem>>) semaphore(%run_scoped3A_956 : memref<!tpu.dma_semaphore, #tpu.memory_space<semaphore_mem>>)
        %dma_wait3A = arith.constant 0 : i32
        %dma_wait3A_962 = tpu.memref_slice %arg9[%run_scoped3A_693, %dma_wait3A] : memref<1x128xi32, #tpu.memory_space<vmem>> -> memref<1x128xi32, #tpu.memory_space<vmem>>
        %dma_wait3A_963 = tpu.memref_squeeze %dma_wait3A_962 : memref<1x128xi32, #tpu.memory_space<vmem>> -> memref<128xi32, #tpu.memory_space<vmem>>
        %dma_wait3A_964 = arith.constant 0 : i32
        %dma_wait3A_965 = arith.constant 0 : i32
        %dma_wait3A_966 = tpu.memref_slice %arg10[%dma_wait3A_964, %dma_wait3A_965] : memref<10240x128xf32, #tpu.memory_space<vmem_shared>> -> memref<10240x128xf32, #tpu.memory_space<vmem_shared>>
        tpu.wait_indirect_dma semaphore(%run_scoped3A_956 : memref<!tpu.dma_semaphore, #tpu.memory_space<semaphore_mem>>) src(%dma_wait3A_966 : memref<10240x128xf32, #tpu.memory_space<vmem_shared>>) dst(%arg8 : memref<128x128xf32, #tpu.memory_space<vmem>>)
        tpu.yield
      }) : () -> ()
      %mul3A_694 = arith.constant 10240 : i32
      %mul3A_695 = arith.muli %add3A_69, %mul3A_694 : i32
      %add3A_696 = arith.addi %mul3A_695, %add3A_612 : i32
      "tpu.region"() ({
        %run_scoped3A_956 = tpu.sem_alloc : memref<!tpu.dma_semaphore, #tpu.memory_space<semaphore_mem>>
        %dma_start3A = arith.constant 0 : i32
        %dma_start3A_957 = tpu.memref_slice %arg5[%add3A_696, %dma_start3A] : memref<40960x128xf32, #tpu.memory_space<hbm>> -> memref<128x128xf32, #tpu.memory_space<hbm>>
        %dma_start3A_958 = arith.constant 0 : i32
        %dma_start3A_959 = tpu.memref_slice %arg5[%add3A_696, %dma_start3A_958] : memref<40960x128xf32, #tpu.memory_space<hbm>> -> memref<128x128xf32, #tpu.memory_space<hbm>>
        tpu.enqueue_dma source(%arg8 : memref<128x128xf32, #tpu.memory_space<vmem>>) target(%dma_start3A_959 : memref<128x128xf32, #tpu.memory_space<hbm>>) target_semaphore(%run_scoped3A_956 : memref<!tpu.dma_semaphore, #tpu.memory_space<semaphore_mem>>)
        %dma_wait3A = arith.constant 0 : i32
        %dma_wait3A_960 = tpu.memref_slice %arg5[%add3A_696, %dma_wait3A] : memref<40960x128xf32, #tpu.memory_space<hbm>> -> memref<128x128xf32, #tpu.memory_space<hbm>>
        %dma_wait3A_961 = arith.constant 0 : i32
        %dma_wait3A_962 = tpu.memref_slice %arg5[%add3A_696, %dma_wait3A_961] : memref<40960x128xf32, #tpu.memory_space<hbm>> -> memref<128x128xf32, #tpu.memory_space<hbm>>
        tpu.wait_dma2 semaphore(%run_scoped3A_956 : memref<!tpu.dma_semaphore, #tpu.memory_space<semaphore_mem>>) src(%arg8 : memref<128x128xf32, #tpu.memory_space<vmem>>) dst(%dma_wait3A_962 : memref<128x128xf32, #tpu.memory_space<hbm>>)
        tpu.yield
      }) : () -> ()
      %add3A_697 = arith.constant 256 : i32
      %add3A_698 = arith.addi %mul3A_77, %add3A_697 : i32
      %add3A_699 = arith.constant 0 : i32
      %add3A_700 = arith.addi %add3A_698, %add3A_699 : i32
      %add3A_701 = vector.broadcast %add3A_700 : i32 to vector<16xi32>
      %add3A_702 = arith.addi %iota3A, %add3A_701 : vector<16xi32>
      %swap3A_703 = arith.constant 0 : i32
      %swap3A_704 = arith.index_cast %swap3A_703 : i32 to index
      %swap3A_705 = arith.constant 0 : index
      %swap3A_706 = tpu.vector_load %arg9[%swap3A_704, %swap3A_705] {strides = array<i32>} : memref<1x128xi32, #tpu.memory_space<vmem>>, vector<1x16xi32>,
      %swap3A_707 = vector.shape_cast %swap3A_706 : vector<1x16xi32> to vector<16xi32>
      %swap3A_708 = vector.shape_cast %add3A_702 : vector<16xi32> to vector<1x16xi32>
      tpu.vector_store %arg9[%swap3A_704, %swap3A_705], %swap3A_708 {strides = array<i32>} : memref<1x128xi32, #tpu.memory_space<vmem>>, vector<1x16xi32>,
      %add3A_709 = arith.constant 16 : i32
      %add3A_710 = arith.addi %add3A_698, %add3A_709 : i32
      %add3A_711 = vector.broadcast %add3A_710 : i32 to vector<16xi32>
      %add3A_712 = arith.addi %iota3A, %add3A_711 : vector<16xi32>
      %swap3A_713 = arith.constant 0 : i32
      %swap3A_714 = arith.index_cast %swap3A_713 : i32 to index
      %swap3A_715 = arith.constant 16 : index
      %swap3A_716 = tpu.vector_load %arg9[%swap3A_714, %swap3A_715] {strides = array<i32>} : memref<1x128xi32, #tpu.memory_space<vmem>>, vector<1x16xi32>,
      %swap3A_717 = vector.shape_cast %swap3A_716 : vector<1x16xi32> to vector<16xi32>
      %swap3A_718 = vector.shape_cast %add3A_712 : vector<16xi32> to vector<1x16xi32>
      tpu.vector_store %arg9[%swap3A_714, %swap3A_715], %swap3A_718 {strides = array<i32>} : memref<1x128xi32, #tpu.memory_space<vmem>>, vector<1x16xi32>,
      %add3A_719 = arith.constant 32 : i32
      %add3A_720 = arith.addi %add3A_698, %add3A_719 : i32
      %add3A_721 = vector.broadcast %add3A_720 : i32 to vector<16xi32>
      %add3A_722 = arith.addi %iota3A, %add3A_721 : vector<16xi32>
      %swap3A_723 = arith.constant 0 : i32
      %swap3A_724 = arith.index_cast %swap3A_723 : i32 to index
      %swap3A_725 = arith.constant 32 : index
      %swap3A_726 = tpu.vector_load %arg9[%swap3A_724, %swap3A_725] {strides = array<i32>} : memref<1x128xi32, #tpu.memory_space<vmem>>, vector<1x16xi32>,
      %swap3A_727 = vector.shape_cast %swap3A_726 : vector<1x16xi32> to vector<16xi32>
      %swap3A_728 = vector.shape_cast %add3A_722 : vector<16xi32> to vector<1x16xi32>
      tpu.vector_store %arg9[%swap3A_724, %swap3A_725], %swap3A_728 {strides = array<i32>} : memref<1x128xi32, #tpu.memory_space<vmem>>, vector<1x16xi32>,
      %add3A_729 = arith.constant 48 : i32
      %add3A_730 = arith.addi %add3A_698, %add3A_729 : i32
      %add3A_731 = vector.broadcast %add3A_730 : i32 to vector<16xi32>
      %add3A_732 = arith.addi %iota3A, %add3A_731 : vector<16xi32>
      %swap3A_733 = arith.constant 0 : i32
      %swap3A_734 = arith.index_cast %swap3A_733 : i32 to index
      %swap3A_735 = arith.constant 48 : index
      %swap3A_736 = tpu.vector_load %arg9[%swap3A_734, %swap3A_735] {strides = array<i32>} : memref<1x128xi32, #tpu.memory_space<vmem>>, vector<1x16xi32>,
      %swap3A_737 = vector.shape_cast %swap3A_736 : vector<1x16xi32> to vector<16xi32>
      %swap3A_738 = vector.shape_cast %add3A_732 : vector<16xi32> to vector<1x16xi32>
      tpu.vector_store %arg9[%swap3A_734, %swap3A_735], %swap3A_738 {strides = array<i32>} : memref<1x128xi32, #tpu.memory_space<vmem>>, vector<1x16xi32>,
      %add3A_739 = arith.constant 64 : i32
      %add3A_740 = arith.addi %add3A_698, %add3A_739 : i32
      %add3A_741 = vector.broadcast %add3A_740 : i32 to vector<16xi32>
      %add3A_742 = arith.addi %iota3A, %add3A_741 : vector<16xi32>
      %swap3A_743 = arith.constant 0 : i32
      %swap3A_744 = arith.index_cast %swap3A_743 : i32 to index
      %swap3A_745 = arith.constant 64 : index
      %swap3A_746 = tpu.vector_load %arg9[%swap3A_744, %swap3A_745] {strides = array<i32>} : memref<1x128xi32, #tpu.memory_space<vmem>>, vector<1x16xi32>,
      %swap3A_747 = vector.shape_cast %swap3A_746 : vector<1x16xi32> to vector<16xi32>
      %swap3A_748 = vector.shape_cast %add3A_742 : vector<16xi32> to vector<1x16xi32>
      tpu.vector_store %arg9[%swap3A_744, %swap3A_745], %swap3A_748 {strides = array<i32>} : memref<1x128xi32, #tpu.memory_space<vmem>>, vector<1x16xi32>,
      %add3A_749 = arith.constant 80 : i32
      %add3A_750 = arith.addi %add3A_698, %add3A_749 : i32
      %add3A_751 = vector.broadcast %add3A_750 : i32 to vector<16xi32>
      %add3A_752 = arith.addi %iota3A, %add3A_751 : vector<16xi32>
      %swap3A_753 = arith.constant 0 : i32
      %swap3A_754 = arith.index_cast %swap3A_753 : i32 to index
      %swap3A_755 = arith.constant 80 : index
      %swap3A_756 = tpu.vector_load %arg9[%swap3A_754, %swap3A_755] {strides = array<i32>} : memref<1x128xi32, #tpu.memory_space<vmem>>, vector<1x16xi32>,
      %swap3A_757 = vector.shape_cast %swap3A_756 : vector<1x16xi32> to vector<16xi32>
      %swap3A_758 = vector.shape_cast %add3A_752 : vector<16xi32> to vector<1x16xi32>
      tpu.vector_store %arg9[%swap3A_754, %swap3A_755], %swap3A_758 {strides = array<i32>} : memref<1x128xi32, #tpu.memory_space<vmem>>, vector<1x16xi32>,
      %add3A_759 = arith.constant 96 : i32
      %add3A_760 = arith.addi %add3A_698, %add3A_759 : i32
      %add3A_761 = vector.broadcast %add3A_760 : i32 to vector<16xi32>
      %add3A_762 = arith.addi %iota3A, %add3A_761 : vector<16xi32>
      %swap3A_763 = arith.constant 0 : i32
      %swap3A_764 = arith.index_cast %swap3A_763 : i32 to index
      %swap3A_765 = arith.constant 96 : index
      %swap3A_766 = tpu.vector_load %arg9[%swap3A_764, %swap3A_765] {strides = array<i32>} : memref<1x128xi32, #tpu.memory_space<vmem>>, vector<1x16xi32>,
      %swap3A_767 = vector.shape_cast %swap3A_766 : vector<1x16xi32> to vector<16xi32>
      %swap3A_768 = vector.shape_cast %add3A_762 : vector<16xi32> to vector<1x16xi32>
      tpu.vector_store %arg9[%swap3A_764, %swap3A_765], %swap3A_768 {strides = array<i32>} : memref<1x128xi32, #tpu.memory_space<vmem>>, vector<1x16xi32>,
      %add3A_769 = arith.constant 112 : i32
      %add3A_770 = arith.addi %add3A_698, %add3A_769 : i32
      %add3A_771 = vector.broadcast %add3A_770 : i32 to vector<16xi32>
      %add3A_772 = arith.addi %iota3A, %add3A_771 : vector<16xi32>
      %swap3A_773 = arith.constant 0 : i32
      %swap3A_774 = arith.index_cast %swap3A_773 : i32 to index
      %swap3A_775 = arith.constant 112 : index
      %swap3A_776 = tpu.vector_load %arg9[%swap3A_774, %swap3A_775] {strides = array<i32>} : memref<1x128xi32, #tpu.memory_space<vmem>>, vector<1x16xi32>,
      %swap3A_777 = vector.shape_cast %swap3A_776 : vector<1x16xi32> to vector<16xi32>
      %swap3A_778 = vector.shape_cast %add3A_772 : vector<16xi32> to vector<1x16xi32>
      tpu.vector_store %arg9[%swap3A_774, %swap3A_775], %swap3A_778 {strides = array<i32>} : memref<1x128xi32, #tpu.memory_space<vmem>>, vector<1x16xi32>,
      %run_scoped3A_779 = arith.constant 0 : i32
      "tpu.region"() ({
        %run_scoped3A_956 = tpu.sem_alloc : memref<!tpu.dma_semaphore, #tpu.memory_space<semaphore_mem>>
        %dma_start3A = arith.constant 0 : i32
        %dma_start3A_957 = tpu.memref_slice %arg9[%run_scoped3A_779, %dma_start3A] : memref<1x128xi32, #tpu.memory_space<vmem>> -> memref<1x128xi32, #tpu.memory_space<vmem>>
        %dma_start3A_958 = tpu.memref_squeeze %dma_start3A_957 : memref<1x128xi32, #tpu.memory_space<vmem>> -> memref<128xi32, #tpu.memory_space<vmem>>
        %dma_start3A_959 = arith.constant 0 : i32
        %dma_start3A_960 = arith.constant 0 : i32
        %dma_start3A_961 = tpu.memref_slice %arg10[%dma_start3A_959, %dma_start3A_960] : memref<10240x128xf32, #tpu.memory_space<vmem_shared>> -> memref<10240x128xf32, #tpu.memory_space<vmem_shared>>
        tpu.enqueue_indirect_dma source(%dma_start3A_961 : memref<10240x128xf32, #tpu.memory_space<vmem_shared>>) target(%arg8 : memref<128x128xf32, #tpu.memory_space<vmem>>) offsets(%dma_start3A_958 : memref<128xi32, #tpu.memory_space<vmem>>) semaphore(%run_scoped3A_956 : memref<!tpu.dma_semaphore, #tpu.memory_space<semaphore_mem>>)
        %dma_wait3A = arith.constant 0 : i32
        %dma_wait3A_962 = tpu.memref_slice %arg9[%run_scoped3A_779, %dma_wait3A] : memref<1x128xi32, #tpu.memory_space<vmem>> -> memref<1x128xi32, #tpu.memory_space<vmem>>
        %dma_wait3A_963 = tpu.memref_squeeze %dma_wait3A_962 : memref<1x128xi32, #tpu.memory_space<vmem>> -> memref<128xi32, #tpu.memory_space<vmem>>
        %dma_wait3A_964 = arith.constant 0 : i32
        %dma_wait3A_965 = arith.constant 0 : i32
        %dma_wait3A_966 = tpu.memref_slice %arg10[%dma_wait3A_964, %dma_wait3A_965] : memref<10240x128xf32, #tpu.memory_space<vmem_shared>> -> memref<10240x128xf32, #tpu.memory_space<vmem_shared>>
        tpu.wait_indirect_dma semaphore(%run_scoped3A_956 : memref<!tpu.dma_semaphore, #tpu.memory_space<semaphore_mem>>) src(%dma_wait3A_966 : memref<10240x128xf32, #tpu.memory_space<vmem_shared>>) dst(%arg8 : memref<128x128xf32, #tpu.memory_space<vmem>>)
        tpu.yield
      }) : () -> ()
      %mul3A_780 = arith.constant 10240 : i32
      %mul3A_781 = arith.muli %add3A_69, %mul3A_780 : i32
      %add3A_782 = arith.addi %mul3A_781, %add3A_698 : i32
      "tpu.region"() ({
        %run_scoped3A_956 = tpu.sem_alloc : memref<!tpu.dma_semaphore, #tpu.memory_space<semaphore_mem>>
        %dma_start3A = arith.constant 0 : i32
        %dma_start3A_957 = tpu.memref_slice %arg5[%add3A_782, %dma_start3A] : memref<40960x128xf32, #tpu.memory_space<hbm>> -> memref<128x128xf32, #tpu.memory_space<hbm>>
        %dma_start3A_958 = arith.constant 0 : i32
        %dma_start3A_959 = tpu.memref_slice %arg5[%add3A_782, %dma_start3A_958] : memref<40960x128xf32, #tpu.memory_space<hbm>> -> memref<128x128xf32, #tpu.memory_space<hbm>>
        tpu.enqueue_dma source(%arg8 : memref<128x128xf32, #tpu.memory_space<vmem>>) target(%dma_start3A_959 : memref<128x128xf32, #tpu.memory_space<hbm>>) target_semaphore(%run_scoped3A_956 : memref<!tpu.dma_semaphore, #tpu.memory_space<semaphore_mem>>)
        %dma_wait3A = arith.constant 0 : i32
        %dma_wait3A_960 = tpu.memref_slice %arg5[%add3A_782, %dma_wait3A] : memref<40960x128xf32, #tpu.memory_space<hbm>> -> memref<128x128xf32, #tpu.memory_space<hbm>>
        %dma_wait3A_961 = arith.constant 0 : i32
        %dma_wait3A_962 = tpu.memref_slice %arg5[%add3A_782, %dma_wait3A_961] : memref<40960x128xf32, #tpu.memory_space<hbm>> -> memref<128x128xf32, #tpu.memory_space<hbm>>
        tpu.wait_dma2 semaphore(%run_scoped3A_956 : memref<!tpu.dma_semaphore, #tpu.memory_space<semaphore_mem>>) src(%arg8 : memref<128x128xf32, #tpu.memory_space<vmem>>) dst(%dma_wait3A_962 : memref<128x128xf32, #tpu.memory_space<hbm>>)
        tpu.yield
      }) : () -> ()
      %add3A_783 = arith.constant 384 : i32
      %add3A_784 = arith.addi %mul3A_77, %add3A_783 : i32
      %add3A_785 = arith.constant 0 : i32
      %add3A_786 = arith.addi %add3A_784, %add3A_785 : i32
      %add3A_787 = vector.broadcast %add3A_786 : i32 to vector<16xi32>
      %add3A_788 = arith.addi %iota3A, %add3A_787 : vector<16xi32>
      %swap3A_789 = arith.constant 0 : i32
      %swap3A_790 = arith.index_cast %swap3A_789 : i32 to index
      %swap3A_791 = arith.constant 0 : index
      %swap3A_792 = tpu.vector_load %arg9[%swap3A_790, %swap3A_791] {strides = array<i32>} : memref<1x128xi32, #tpu.memory_space<vmem>>, vector<1x16xi32>,
      %swap3A_793 = vector.shape_cast %swap3A_792 : vector<1x16xi32> to vector<16xi32>
      %swap3A_794 = vector.shape_cast %add3A_788 : vector<16xi32> to vector<1x16xi32>
      tpu.vector_store %arg9[%swap3A_790, %swap3A_791], %swap3A_794 {strides = array<i32>} : memref<1x128xi32, #tpu.memory_space<vmem>>, vector<1x16xi32>,
      %add3A_795 = arith.constant 16 : i32
      %add3A_796 = arith.addi %add3A_784, %add3A_795 : i32
      %add3A_797 = vector.broadcast %add3A_796 : i32 to vector<16xi32>
      %add3A_798 = arith.addi %iota3A, %add3A_797 : vector<16xi32>
      %swap3A_799 = arith.constant 0 : i32
      %swap3A_800 = arith.index_cast %swap3A_799 : i32 to index
      %swap3A_801 = arith.constant 16 : index
      %swap3A_802 = tpu.vector_load %arg9[%swap3A_800, %swap3A_801] {strides = array<i32>} : memref<1x128xi32, #tpu.memory_space<vmem>>, vector<1x16xi32>,
      %swap3A_803 = vector.shape_cast %swap3A_802 : vector<1x16xi32> to vector<16xi32>
      %swap3A_804 = vector.shape_cast %add3A_798 : vector<16xi32> to vector<1x16xi32>
      tpu.vector_store %arg9[%swap3A_800, %swap3A_801], %swap3A_804 {strides = array<i32>} : memref<1x128xi32, #tpu.memory_space<vmem>>, vector<1x16xi32>,
      %add3A_805 = arith.constant 32 : i32
      %add3A_806 = arith.addi %add3A_784, %add3A_805 : i32
      %add3A_807 = vector.broadcast %add3A_806 : i32 to vector<16xi32>
      %add3A_808 = arith.addi %iota3A, %add3A_807 : vector<16xi32>
      %swap3A_809 = arith.constant 0 : i32
      %swap3A_810 = arith.index_cast %swap3A_809 : i32 to index
      %swap3A_811 = arith.constant 32 : index
      %swap3A_812 = tpu.vector_load %arg9[%swap3A_810, %swap3A_811] {strides = array<i32>} : memref<1x128xi32, #tpu.memory_space<vmem>>, vector<1x16xi32>,
      %swap3A_813 = vector.shape_cast %swap3A_812 : vector<1x16xi32> to vector<16xi32>
      %swap3A_814 = vector.shape_cast %add3A_808 : vector<16xi32> to vector<1x16xi32>
      tpu.vector_store %arg9[%swap3A_810, %swap3A_811], %swap3A_814 {strides = array<i32>} : memref<1x128xi32, #tpu.memory_space<vmem>>, vector<1x16xi32>,
      %add3A_815 = arith.constant 48 : i32
      %add3A_816 = arith.addi %add3A_784, %add3A_815 : i32
      %add3A_817 = vector.broadcast %add3A_816 : i32 to vector<16xi32>
      %add3A_818 = arith.addi %iota3A, %add3A_817 : vector<16xi32>
      %swap3A_819 = arith.constant 0 : i32
      %swap3A_820 = arith.index_cast %swap3A_819 : i32 to index
      %swap3A_821 = arith.constant 48 : index
      %swap3A_822 = tpu.vector_load %arg9[%swap3A_820, %swap3A_821] {strides = array<i32>} : memref<1x128xi32, #tpu.memory_space<vmem>>, vector<1x16xi32>,
      %swap3A_823 = vector.shape_cast %swap3A_822 : vector<1x16xi32> to vector<16xi32>
      %swap3A_824 = vector.shape_cast %add3A_818 : vector<16xi32> to vector<1x16xi32>
      tpu.vector_store %arg9[%swap3A_820, %swap3A_821], %swap3A_824 {strides = array<i32>} : memref<1x128xi32, #tpu.memory_space<vmem>>, vector<1x16xi32>,
      %add3A_825 = arith.constant 64 : i32
      %add3A_826 = arith.addi %add3A_784, %add3A_825 : i32
      %add3A_827 = vector.broadcast %add3A_826 : i32 to vector<16xi32>
      %add3A_828 = arith.addi %iota3A, %add3A_827 : vector<16xi32>
      %swap3A_829 = arith.constant 0 : i32
      %swap3A_830 = arith.index_cast %swap3A_829 : i32 to index
      %swap3A_831 = arith.constant 64 : index
      %swap3A_832 = tpu.vector_load %arg9[%swap3A_830, %swap3A_831] {strides = array<i32>} : memref<1x128xi32, #tpu.memory_space<vmem>>, vector<1x16xi32>,
      %swap3A_833 = vector.shape_cast %swap3A_832 : vector<1x16xi32> to vector<16xi32>
      %swap3A_834 = vector.shape_cast %add3A_828 : vector<16xi32> to vector<1x16xi32>
      tpu.vector_store %arg9[%swap3A_830, %swap3A_831], %swap3A_834 {strides = array<i32>} : memref<1x128xi32, #tpu.memory_space<vmem>>, vector<1x16xi32>,
      %add3A_835 = arith.constant 80 : i32
      %add3A_836 = arith.addi %add3A_784, %add3A_835 : i32
      %add3A_837 = vector.broadcast %add3A_836 : i32 to vector<16xi32>
      %add3A_838 = arith.addi %iota3A, %add3A_837 : vector<16xi32>
      %swap3A_839 = arith.constant 0 : i32
      %swap3A_840 = arith.index_cast %swap3A_839 : i32 to index
      %swap3A_841 = arith.constant 80 : index
      %swap3A_842 = tpu.vector_load %arg9[%swap3A_840, %swap3A_841] {strides = array<i32>} : memref<1x128xi32, #tpu.memory_space<vmem>>, vector<1x16xi32>,
      %swap3A_843 = vector.shape_cast %swap3A_842 : vector<1x16xi32> to vector<16xi32>
      %swap3A_844 = vector.shape_cast %add3A_838 : vector<16xi32> to vector<1x16xi32>
      tpu.vector_store %arg9[%swap3A_840, %swap3A_841], %swap3A_844 {strides = array<i32>} : memref<1x128xi32, #tpu.memory_space<vmem>>, vector<1x16xi32>,
      %add3A_845 = arith.constant 96 : i32
      %add3A_846 = arith.addi %add3A_784, %add3A_845 : i32
      %add3A_847 = vector.broadcast %add3A_846 : i32 to vector<16xi32>
      %add3A_848 = arith.addi %iota3A, %add3A_847 : vector<16xi32>
      %swap3A_849 = arith.constant 0 : i32
      %swap3A_850 = arith.index_cast %swap3A_849 : i32 to index
      %swap3A_851 = arith.constant 96 : index
      %swap3A_852 = tpu.vector_load %arg9[%swap3A_850, %swap3A_851] {strides = array<i32>} : memref<1x128xi32, #tpu.memory_space<vmem>>, vector<1x16xi32>,
      %swap3A_853 = vector.shape_cast %swap3A_852 : vector<1x16xi32> to vector<16xi32>
      %swap3A_854 = vector.shape_cast %add3A_848 : vector<16xi32> to vector<1x16xi32>
      tpu.vector_store %arg9[%swap3A_850, %swap3A_851], %swap3A_854 {strides = array<i32>} : memref<1x128xi32, #tpu.memory_space<vmem>>, vector<1x16xi32>,
      %add3A_855 = arith.constant 112 : i32
      %add3A_856 = arith.addi %add3A_784, %add3A_855 : i32
      %add3A_857 = vector.broadcast %add3A_856 : i32 to vector<16xi32>
      %add3A_858 = arith.addi %iota3A, %add3A_857 : vector<16xi32>
      %swap3A_859 = arith.constant 0 : i32
      %swap3A_860 = arith.index_cast %swap3A_859 : i32 to index
      %swap3A_861 = arith.constant 112 : index
      %swap3A_862 = tpu.vector_load %arg9[%swap3A_860, %swap3A_861] {strides = array<i32>} : memref<1x128xi32, #tpu.memory_space<vmem>>, vector<1x16xi32>,
      %swap3A_863 = vector.shape_cast %swap3A_862 : vector<1x16xi32> to vector<16xi32>
      %swap3A_864 = vector.shape_cast %add3A_858 : vector<16xi32> to vector<1x16xi32>
      tpu.vector_store %arg9[%swap3A_860, %swap3A_861], %swap3A_864 {strides = array<i32>} : memref<1x128xi32, #tpu.memory_space<vmem>>, vector<1x16xi32>,
      %run_scoped3A_865 = arith.constant 0 : i32
      "tpu.region"() ({
        %run_scoped3A_956 = tpu.sem_alloc : memref<!tpu.dma_semaphore, #tpu.memory_space<semaphore_mem>>
        %dma_start3A = arith.constant 0 : i32
        %dma_start3A_957 = tpu.memref_slice %arg9[%run_scoped3A_865, %dma_start3A] : memref<1x128xi32, #tpu.memory_space<vmem>> -> memref<1x128xi32, #tpu.memory_space<vmem>>
        %dma_start3A_958 = tpu.memref_squeeze %dma_start3A_957 : memref<1x128xi32, #tpu.memory_space<vmem>> -> memref<128xi32, #tpu.memory_space<vmem>>
        %dma_start3A_959 = arith.constant 0 : i32
        %dma_start3A_960 = arith.constant 0 : i32
        %dma_start3A_961 = tpu.memref_slice %arg10[%dma_start3A_959, %dma_start3A_960] : memref<10240x128xf32, #tpu.memory_space<vmem_shared>> -> memref<10240x128xf32, #tpu.memory_space<vmem_shared>>
        tpu.enqueue_indirect_dma source(%dma_start3A_961 : memref<10240x128xf32, #tpu.memory_space<vmem_shared>>) target(%arg8 : memref<128x128xf32, #tpu.memory_space<vmem>>) offsets(%dma_start3A_958 : memref<128xi32, #tpu.memory_space<vmem>>) semaphore(%run_scoped3A_956 : memref<!tpu.dma_semaphore, #tpu.memory_space<semaphore_mem>>)
        %dma_wait3A = arith.constant 0 : i32
        %dma_wait3A_962 = tpu.memref_slice %arg9[%run_scoped3A_865, %dma_wait3A] : memref<1x128xi32, #tpu.memory_space<vmem>> -> memref<1x128xi32, #tpu.memory_space<vmem>>
        %dma_wait3A_963 = tpu.memref_squeeze %dma_wait3A_962 : memref<1x128xi32, #tpu.memory_space<vmem>> -> memref<128xi32, #tpu.memory_space<vmem>>
        %dma_wait3A_964 = arith.constant 0 : i32
        %dma_wait3A_965 = arith.constant 0 : i32
        %dma_wait3A_966 = tpu.memref_slice %arg10[%dma_wait3A_964, %dma_wait3A_965] : memref<10240x128xf32, #tpu.memory_space<vmem_shared>> -> memref<10240x128xf32, #tpu.memory_space<vmem_shared>>
        tpu.wait_indirect_dma semaphore(%run_scoped3A_956 : memref<!tpu.dma_semaphore, #tpu.memory_space<semaphore_mem>>) src(%dma_wait3A_966 : memref<10240x128xf32, #tpu.memory_space<vmem_shared>>) dst(%arg8 : memref<128x128xf32, #tpu.memory_space<vmem>>)
        tpu.yield
      }) : () -> ()
      %mul3A_866 = arith.constant 10240 : i32
      %mul3A_867 = arith.muli %add3A_69, %mul3A_866 : i32
      %add3A_868 = arith.addi %mul3A_867, %add3A_784 : i32
      "tpu.region"() ({
        %run_scoped3A_956 = tpu.sem_alloc : memref<!tpu.dma_semaphore, #tpu.memory_space<semaphore_mem>>
        %dma_start3A = arith.constant 0 : i32
        %dma_start3A_957 = tpu.memref_slice %arg5[%add3A_868, %dma_start3A] : memref<40960x128xf32, #tpu.memory_space<hbm>> -> memref<128x128xf32, #tpu.memory_space<hbm>>
        %dma_start3A_958 = arith.constant 0 : i32
        %dma_start3A_959 = tpu.memref_slice %arg5[%add3A_868, %dma_start3A_958] : memref<40960x128xf32, #tpu.memory_space<hbm>> -> memref<128x128xf32, #tpu.memory_space<hbm>>
        tpu.enqueue_dma source(%arg8 : memref<128x128xf32, #tpu.memory_space<vmem>>) target(%dma_start3A_959 : memref<128x128xf32, #tpu.memory_space<hbm>>) target_semaphore(%run_scoped3A_956 : memref<!tpu.dma_semaphore, #tpu.memory_space<semaphore_mem>>)
        %dma_wait3A = arith.constant 0 : i32
        %dma_wait3A_960 = tpu.memref_slice %arg5[%add3A_868, %dma_wait3A] : memref<40960x128xf32, #tpu.memory_space<hbm>> -> memref<128x128xf32, #tpu.memory_space<hbm>>
        %dma_wait3A_961 = arith.constant 0 : i32
        %dma_wait3A_962 = tpu.memref_slice %arg5[%add3A_868, %dma_wait3A_961] : memref<40960x128xf32, #tpu.memory_space<hbm>> -> memref<128x128xf32, #tpu.memory_space<hbm>>
        tpu.wait_dma2 semaphore(%run_scoped3A_956 : memref<!tpu.dma_semaphore, #tpu.memory_space<semaphore_mem>>) src(%arg8 : memref<128x128xf32, #tpu.memory_space<vmem>>) dst(%dma_wait3A_962 : memref<128x128xf32, #tpu.memory_space<hbm>>)
        tpu.yield
      }) : () -> ()
      %add3A_869 = arith.constant 512 : i32
      %add3A_870 = arith.addi %mul3A_77, %add3A_869 : i32
      %add3A_871 = arith.constant 0 : i32
      %add3A_872 = arith.addi %add3A_870, %add3A_871 : i32
      %add3A_873 = vector.broadcast %add3A_872 : i32 to vector<16xi32>
      %add3A_874 = arith.addi %iota3A, %add3A_873 : vector<16xi32>
      %swap3A_875 = arith.constant 0 : i32
      %swap3A_876 = arith.index_cast %swap3A_875 : i32 to index
      %swap3A_877 = arith.constant 0 : index
      %swap3A_878 = tpu.vector_load %arg9[%swap3A_876, %swap3A_877] {strides = array<i32>} : memref<1x128xi32, #tpu.memory_space<vmem>>, vector<1x16xi32>,
      %swap3A_879 = vector.shape_cast %swap3A_878 : vector<1x16xi32> to vector<16xi32>
      %swap3A_880 = vector.shape_cast %add3A_874 : vector<16xi32> to vector<1x16xi32>
      tpu.vector_store %arg9[%swap3A_876, %swap3A_877], %swap3A_880 {strides = array<i32>} : memref<1x128xi32, #tpu.memory_space<vmem>>, vector<1x16xi32>,
      %add3A_881 = arith.constant 16 : i32
      %add3A_882 = arith.addi %add3A_870, %add3A_881 : i32
      %add3A_883 = vector.broadcast %add3A_882 : i32 to vector<16xi32>
      %add3A_884 = arith.addi %iota3A, %add3A_883 : vector<16xi32>
      %swap3A_885 = arith.constant 0 : i32
      %swap3A_886 = arith.index_cast %swap3A_885 : i32 to index
      %swap3A_887 = arith.constant 16 : index
      %swap3A_888 = tpu.vector_load %arg9[%swap3A_886, %swap3A_887] {strides = array<i32>} : memref<1x128xi32, #tpu.memory_space<vmem>>, vector<1x16xi32>,
      %swap3A_889 = vector.shape_cast %swap3A_888 : vector<1x16xi32> to vector<16xi32>
      %swap3A_890 = vector.shape_cast %add3A_884 : vector<16xi32> to vector<1x16xi32>
      tpu.vector_store %arg9[%swap3A_886, %swap3A_887], %swap3A_890 {strides = array<i32>} : memref<1x128xi32, #tpu.memory_space<vmem>>, vector<1x16xi32>,
      %add3A_891 = arith.constant 32 : i32
      %add3A_892 = arith.addi %add3A_870, %add3A_891 : i32
      %add3A_893 = vector.broadcast %add3A_892 : i32 to vector<16xi32>
      %add3A_894 = arith.addi %iota3A, %add3A_893 : vector<16xi32>
      %swap3A_895 = arith.constant 0 : i32
      %swap3A_896 = arith.index_cast %swap3A_895 : i32 to index
      %swap3A_897 = arith.constant 32 : index
      %swap3A_898 = tpu.vector_load %arg9[%swap3A_896, %swap3A_897] {strides = array<i32>} : memref<1x128xi32, #tpu.memory_space<vmem>>, vector<1x16xi32>,
      %swap3A_899 = vector.shape_cast %swap3A_898 : vector<1x16xi32> to vector<16xi32>
      %swap3A_900 = vector.shape_cast %add3A_894 : vector<16xi32> to vector<1x16xi32>
      tpu.vector_store %arg9[%swap3A_896, %swap3A_897], %swap3A_900 {strides = array<i32>} : memref<1x128xi32, #tpu.memory_space<vmem>>, vector<1x16xi32>,
      %add3A_901 = arith.constant 48 : i32
      %add3A_902 = arith.addi %add3A_870, %add3A_901 : i32
      %add3A_903 = vector.broadcast %add3A_902 : i32 to vector<16xi32>
      %add3A_904 = arith.addi %iota3A, %add3A_903 : vector<16xi32>
      %swap3A_905 = arith.constant 0 : i32
      %swap3A_906 = arith.index_cast %swap3A_905 : i32 to index
      %swap3A_907 = arith.constant 48 : index
      %swap3A_908 = tpu.vector_load %arg9[%swap3A_906, %swap3A_907] {strides = array<i32>} : memref<1x128xi32, #tpu.memory_space<vmem>>, vector<1x16xi32>,
      %swap3A_909 = vector.shape_cast %swap3A_908 : vector<1x16xi32> to vector<16xi32>
      %swap3A_910 = vector.shape_cast %add3A_904 : vector<16xi32> to vector<1x16xi32>
      tpu.vector_store %arg9[%swap3A_906, %swap3A_907], %swap3A_910 {strides = array<i32>} : memref<1x128xi32, #tpu.memory_space<vmem>>, vector<1x16xi32>,
      %add3A_911 = arith.constant 64 : i32
      %add3A_912 = arith.addi %add3A_870, %add3A_911 : i32
      %add3A_913 = vector.broadcast %add3A_912 : i32 to vector<16xi32>
      %add3A_914 = arith.addi %iota3A, %add3A_913 : vector<16xi32>
      %swap3A_915 = arith.constant 0 : i32
      %swap3A_916 = arith.index_cast %swap3A_915 : i32 to index
      %swap3A_917 = arith.constant 64 : index
      %swap3A_918 = tpu.vector_load %arg9[%swap3A_916, %swap3A_917] {strides = array<i32>} : memref<1x128xi32, #tpu.memory_space<vmem>>, vector<1x16xi32>,
      %swap3A_919 = vector.shape_cast %swap3A_918 : vector<1x16xi32> to vector<16xi32>
      %swap3A_920 = vector.shape_cast %add3A_914 : vector<16xi32> to vector<1x16xi32>
      tpu.vector_store %arg9[%swap3A_916, %swap3A_917], %swap3A_920 {strides = array<i32>} : memref<1x128xi32, #tpu.memory_space<vmem>>, vector<1x16xi32>,
      %add3A_921 = arith.constant 80 : i32
      %add3A_922 = arith.addi %add3A_870, %add3A_921 : i32
      %add3A_923 = vector.broadcast %add3A_922 : i32 to vector<16xi32>
      %add3A_924 = arith.addi %iota3A, %add3A_923 : vector<16xi32>
      %swap3A_925 = arith.constant 0 : i32
      %swap3A_926 = arith.index_cast %swap3A_925 : i32 to index
      %swap3A_927 = arith.constant 80 : index
      %swap3A_928 = tpu.vector_load %arg9[%swap3A_926, %swap3A_927] {strides = array<i32>} : memref<1x128xi32, #tpu.memory_space<vmem>>, vector<1x16xi32>,
      %swap3A_929 = vector.shape_cast %swap3A_928 : vector<1x16xi32> to vector<16xi32>
      %swap3A_930 = vector.shape_cast %add3A_924 : vector<16xi32> to vector<1x16xi32>
      tpu.vector_store %arg9[%swap3A_926, %swap3A_927], %swap3A_930 {strides = array<i32>} : memref<1x128xi32, #tpu.memory_space<vmem>>, vector<1x16xi32>,
      %add3A_931 = arith.constant 96 : i32
      %add3A_932 = arith.addi %add3A_870, %add3A_931 : i32
      %add3A_933 = vector.broadcast %add3A_932 : i32 to vector<16xi32>
      %add3A_934 = arith.addi %iota3A, %add3A_933 : vector<16xi32>
      %swap3A_935 = arith.constant 0 : i32
      %swap3A_936 = arith.index_cast %swap3A_935 : i32 to index
      %swap3A_937 = arith.constant 96 : index
      %swap3A_938 = tpu.vector_load %arg9[%swap3A_936, %swap3A_937] {strides = array<i32>} : memref<1x128xi32, #tpu.memory_space<vmem>>, vector<1x16xi32>,
      %swap3A_939 = vector.shape_cast %swap3A_938 : vector<1x16xi32> to vector<16xi32>
      %swap3A_940 = vector.shape_cast %add3A_934 : vector<16xi32> to vector<1x16xi32>
      tpu.vector_store %arg9[%swap3A_936, %swap3A_937], %swap3A_940 {strides = array<i32>} : memref<1x128xi32, #tpu.memory_space<vmem>>, vector<1x16xi32>,
      %add3A_941 = arith.constant 112 : i32
      %add3A_942 = arith.addi %add3A_870, %add3A_941 : i32
      %add3A_943 = vector.broadcast %add3A_942 : i32 to vector<16xi32>
      %add3A_944 = arith.addi %iota3A, %add3A_943 : vector<16xi32>
      %swap3A_945 = arith.constant 0 : i32
      %swap3A_946 = arith.index_cast %swap3A_945 : i32 to index
      %swap3A_947 = arith.constant 112 : index
      %swap3A_948 = tpu.vector_load %arg9[%swap3A_946, %swap3A_947] {strides = array<i32>} : memref<1x128xi32, #tpu.memory_space<vmem>>, vector<1x16xi32>,
      %swap3A_949 = vector.shape_cast %swap3A_948 : vector<1x16xi32> to vector<16xi32>
      %swap3A_950 = vector.shape_cast %add3A_944 : vector<16xi32> to vector<1x16xi32>
      tpu.vector_store %arg9[%swap3A_946, %swap3A_947], %swap3A_950 {strides = array<i32>} : memref<1x128xi32, #tpu.memory_space<vmem>>, vector<1x16xi32>,
      %run_scoped3A_951 = arith.constant 0 : i32
      "tpu.region"() ({
        %run_scoped3A_956 = tpu.sem_alloc : memref<!tpu.dma_semaphore, #tpu.memory_space<semaphore_mem>>
        %dma_start3A = arith.constant 0 : i32
        %dma_start3A_957 = tpu.memref_slice %arg9[%run_scoped3A_951, %dma_start3A] : memref<1x128xi32, #tpu.memory_space<vmem>> -> memref<1x128xi32, #tpu.memory_space<vmem>>
        %dma_start3A_958 = tpu.memref_squeeze %dma_start3A_957 : memref<1x128xi32, #tpu.memory_space<vmem>> -> memref<128xi32, #tpu.memory_space<vmem>>
        %dma_start3A_959 = arith.constant 0 : i32
        %dma_start3A_960 = arith.constant 0 : i32
        %dma_start3A_961 = tpu.memref_slice %arg10[%dma_start3A_959, %dma_start3A_960] : memref<10240x128xf32, #tpu.memory_space<vmem_shared>> -> memref<10240x128xf32, #tpu.memory_space<vmem_shared>>
        tpu.enqueue_indirect_dma source(%dma_start3A_961 : memref<10240x128xf32, #tpu.memory_space<vmem_shared>>) target(%arg8 : memref<128x128xf32, #tpu.memory_space<vmem>>) offsets(%dma_start3A_958 : memref<128xi32, #tpu.memory_space<vmem>>) semaphore(%run_scoped3A_956 : memref<!tpu.dma_semaphore, #tpu.memory_space<semaphore_mem>>)
        %dma_wait3A = arith.constant 0 : i32
        %dma_wait3A_962 = tpu.memref_slice %arg9[%run_scoped3A_951, %dma_wait3A] : memref<1x128xi32, #tpu.memory_space<vmem>> -> memref<1x128xi32, #tpu.memory_space<vmem>>
        %dma_wait3A_963 = tpu.memref_squeeze %dma_wait3A_962 : memref<1x128xi32, #tpu.memory_space<vmem>> -> memref<128xi32, #tpu.memory_space<vmem>>
        %dma_wait3A_964 = arith.constant 0 : i32
        %dma_wait3A_965 = arith.constant 0 : i32
        %dma_wait3A_966 = tpu.memref_slice %arg10[%dma_wait3A_964, %dma_wait3A_965] : memref<10240x128xf32, #tpu.memory_space<vmem_shared>> -> memref<10240x128xf32, #tpu.memory_space<vmem_shared>>
        tpu.wait_indirect_dma semaphore(%run_scoped3A_956 : memref<!tpu.dma_semaphore, #tpu.memory_space<semaphore_mem>>) src(%dma_wait3A_966 : memref<10240x128xf32, #tpu.memory_space<vmem_shared>>) dst(%arg8 : memref<128x128xf32, #tpu.memory_space<vmem>>)
        tpu.yield
      }) : () -> ()
      %mul3A_952 = arith.constant 10240 : i32
      %mul3A_953 = arith.muli %add3A_69, %mul3A_952 : i32
      %add3A_954 = arith.addi %mul3A_953, %add3A_870 : i32
      "tpu.region"() ({
        %run_scoped3A_956 = tpu.sem_alloc : memref<!tpu.dma_semaphore, #tpu.memory_space<semaphore_mem>>
        %dma_start3A = arith.constant 0 : i32
        %dma_start3A_957 = tpu.memref_slice %arg5[%add3A_954, %dma_start3A] : memref<40960x128xf32, #tpu.memory_space<hbm>> -> memref<128x128xf32, #tpu.memory_space<hbm>>
        %dma_start3A_958 = arith.constant 0 : i32
        %dma_start3A_959 = tpu.memref_slice %arg5[%add3A_954, %dma_start3A_958] : memref<40960x128xf32, #tpu.memory_space<hbm>> -> memref<128x128xf32, #tpu.memory_space<hbm>>
        tpu.enqueue_dma source(%arg8 : memref<128x128xf32, #tpu.memory_space<vmem>>) target(%dma_start3A_959 : memref<128x128xf32, #tpu.memory_space<hbm>>) target_semaphore(%run_scoped3A_956 : memref<!tpu.dma_semaphore, #tpu.memory_space<semaphore_mem>>)
        %dma_wait3A = arith.constant 0 : i32
        %dma_wait3A_960 = tpu.memref_slice %arg5[%add3A_954, %dma_wait3A] : memref<40960x128xf32, #tpu.memory_space<hbm>> -> memref<128x128xf32, #tpu.memory_space<hbm>>
        %dma_wait3A_961 = arith.constant 0 : i32
        %dma_wait3A_962 = tpu.memref_slice %arg5[%add3A_954, %dma_wait3A_961] : memref<40960x128xf32, #tpu.memory_space<hbm>> -> memref<128x128xf32, #tpu.memory_space<hbm>>
        tpu.wait_dma2 semaphore(%run_scoped3A_956 : memref<!tpu.dma_semaphore, #tpu.memory_space<semaphore_mem>>) src(%arg8 : memref<128x128xf32, #tpu.memory_space<vmem>>) dst(%dma_wait3A_962 : memref<128x128xf32, #tpu.memory_space<hbm>>)
        tpu.yield
      }) : () -> ()
      %barrier3A_955 = arith.constant 0 : index
      tpu.barrier barrier_id(%barrier3A_955)
    }
    %scan3A_5 = arith.constant 2 : i32
    return
  }
}

module attributes {stable_mosaic.version = 14 : i64} {
  func.func @_stage_a_body(%arg0: i32, %arg1: i32, %arg2: memref<1x1000x128xf32, #tpu.memory_space<vmem>>, %arg3: memref<1x128x128xf32, #tpu.memory_space<vmem>>, %arg4: memref<1000x128xf32, #tpu.memory_space<vmem>>) attributes {dimension_semantics = [#tpu.dimension_semantics<arbitrary>, #tpu.dimension_semantics<arbitrary>], iteration_bounds = array<i64: 5, 10>, scalar_prefetch = 0 : i64, scratch_operands = 0 : i64, tpu.core_type = #tpu.core_type<tc>, window_params = [{transform_indices = @transform_0, window_bounds = array<i64: 1, 1000, 128>}, {transform_indices = @transform_1, window_bounds = array<i64: 1, 128, 128>}, {transform_indices = @transform_2, window_bounds = array<i64: 1000, 128>}]} {
    %get3A = arith.constant 0 : index
    %get3A_0 = arith.constant 0 : index
    %get3A_1 = arith.constant 0 : index
    %get3A_2 = vector.load %arg2[%get3A, %get3A_0, %get3A_1] : memref<1x1000x128xf32, #tpu.memory_space<vmem>>, vector<1x1000x128xf32>
    %get3A_3 = vector.shape_cast %get3A_2 : vector<1x1000x128xf32> to vector<1000x128xf32>
    %get3A_4 = arith.constant 0 : index
    %get3A_5 = arith.constant 0 : index
    %get3A_6 = arith.constant 0 : index
    %get3A_7 = vector.load %arg3[%get3A_4, %get3A_5, %get3A_6] : memref<1x128x128xf32, #tpu.memory_space<vmem>>, vector<1x128x128xf32>
    %get3A_8 = vector.shape_cast %get3A_7 : vector<1x128x128xf32> to vector<128x128xf32>
    %dot_general3A = arith.constant dense<0.000000e+00> : vector<1000x128xf32>
    %dot_general3A_9 = tpu.matmul %get3A_3, %get3A_8, %dot_general3A {dimension_numbers = #tpu.dot_dimension_numbers<[1], [0], [0], [1], [0, 0, 1, 1], [], []>, transpose_lhs_hint = false} : vector<1000x128xf32>, vector<128x128xf32>, vector<1000x128xf32> -> vector<1000x128xf32>
    %swap3A = arith.constant 0 : index
    %swap3A_10 = arith.constant 0 : index
    %swap3A_11 = vector.load %arg4[%swap3A, %swap3A_10] : memref<1000x128xf32, #tpu.memory_space<vmem>>, vector<1000x128xf32>
    tpu.vector_store %arg4[%swap3A, %swap3A_10], %dot_general3A_9 {strides = array<i32>} : memref<1000x128xf32, #tpu.memory_space<vmem>>, vector<1000x128xf32>,
    return
  }
  func.func @transform_0(%arg0: i32, %arg1: i32) -> (i32, i32, i32) {
    %c0_i32 = arith.constant 0 : i32
    %c0_i32_0 = arith.constant 0 : i32
    return %arg0, %arg1, %c0_i32 : i32, i32, i32
  }
  func.func @transform_1(%arg0: i32, %arg1: i32) -> (i32, i32, i32) {
    %c0_i32 = arith.constant 0 : i32
    %c0_i32_0 = arith.constant 0 : i32
    %c0_i32_1 = arith.constant 0 : i32
    return %arg0, %c0_i32, %c0_i32_0 : i32, i32, i32
  }
  func.func @transform_2(%arg0: i32, %arg1: i32) -> (i32, i32) {
    %mul3A = arith.constant 10 : i32
    %mul3A_0 = arith.muli %arg0, %mul3A : i32
    %add3A = arith.addi %mul3A_0, %arg1 : i32
    %c0_i32 = arith.constant 0 : i32
    %c0_i32_1 = arith.constant 0 : i32
    return %add3A, %c0_i32 : i32, i32
  }
}

module attributes {stable_mosaic.version = 14 : i64} {
  func.func @_stage_c_body(%arg0: i32, %arg1: memref<6x1000x128xf32, #tpu.memory_space<vmem>>, %arg2: memref<6x1000x128xf32, #tpu.memory_space<vmem>>, %arg3: memref<3x1000x128xf32, #tpu.memory_space<vmem>>, %arg4: memref<7x128x128xf32, #tpu.memory_space<vmem>>, %arg5: memref<1x4x128xf32, #tpu.memory_space<vmem>>, %arg6: memref<3x1000x128xf32, #tpu.memory_space<vmem>>, %arg7: memref<1000x128xf32, #tpu.memory_space<vmem>>) attributes {dimension_semantics = [#tpu.dimension_semantics<arbitrary>], iteration_bounds = array<i64: 10>, scalar_prefetch = 0 : i64, scratch_operands = 0 : i64, tpu.core_type = #tpu.core_type<tc>, window_params = [{transform_indices = @transform_0, window_bounds = array<i64: 6, 1000, 128>}, {transform_indices = @transform_1, window_bounds = array<i64: 6, 1000, 128>}, {transform_indices = @transform_2, window_bounds = array<i64: 3, 1000, 128>}, {pipeline_mode = #tpu.pipeline_mode<synchronous>, transform_indices = @transform_3, window_bounds = array<i64: 7, 128, 128>}, {pipeline_mode = #tpu.pipeline_mode<synchronous>, transform_indices = @transform_4, window_bounds = array<i64: 1, 4, 128>}, {transform_indices = @transform_5, window_bounds = array<i64: 3, 1000, 128>}, {transform_indices = @transform_6, window_bounds = array<i64: 1000, 128>}]} {
    %get3A = arith.constant 0 : index
    %get3A_0 = arith.constant 0 : index
    %get3A_1 = arith.constant 0 : index
    %get3A_2 = vector.load %arg2[%get3A, %get3A_0, %get3A_1] : memref<6x1000x128xf32, #tpu.memory_space<vmem>>, vector<6x1000x1xf32>
    %max3A = arith.constant 1.000000e+00 : f32
    %max3A_3 = vector.broadcast %max3A : f32 to vector<6x1000x1xf32>
    %max3A_4 = arith.maximumf %get3A_2, %max3A_3 : vector<6x1000x1xf32>
    %get3A_5 = arith.constant 0 : index
    %get3A_6 = arith.constant 0 : index
    %get3A_7 = arith.constant 0 : index
    %get3A_8 = vector.load %arg1[%get3A_5, %get3A_6, %get3A_7] : memref<6x1000x128xf32, #tpu.memory_space<vmem>>, vector<1x1000x128xf32>
    %get3A_9 = vector.shape_cast %get3A_8 : vector<1x1000x128xf32> to vector<1000x128xf32>
    %slice3A = vector.extract_strided_slice %max3A_4 {offsets = [0, 0, 0], sizes = [1, 1000, 1], strides = [1, 1, 1]} : vector<6x1000x1xf32> to vector<1x1000x1xf32>
    %squeeze3A = vector.shape_cast %slice3A : vector<1x1000x1xf32> to vector<1000x1xf32>
    %div3A = vector.broadcast %squeeze3A : vector<1000x1xf32> to vector<1000x128xf32>
    %div3A_10 = arith.divf %get3A_9, %div3A : vector<1000x128xf32>
    %get3A_11 = arith.constant 1 : index
    %get3A_12 = arith.constant 0 : index
    %get3A_13 = arith.constant 0 : index
    %get3A_14 = vector.load %arg1[%get3A_11, %get3A_12, %get3A_13] : memref<6x1000x128xf32, #tpu.memory_space<vmem>>, vector<1x1000x128xf32>
    %get3A_15 = vector.shape_cast %get3A_14 : vector<1x1000x128xf32> to vector<1000x128xf32>
    %slice3A_16 = vector.extract_strided_slice %max3A_4 {offsets = [1, 0, 0], sizes = [1, 1000, 1], strides = [1, 1, 1]} : vector<6x1000x1xf32> to vector<1x1000x1xf32>
    %squeeze3A_17 = vector.shape_cast %slice3A_16 : vector<1x1000x1xf32> to vector<1000x1xf32>
    %div3A_18 = vector.broadcast %squeeze3A_17 : vector<1000x1xf32> to vector<1000x128xf32>
    %div3A_19 = arith.divf %get3A_15, %div3A_18 : vector<1000x128xf32>
    %get3A_20 = arith.constant 2 : index
    %get3A_21 = arith.constant 0 : index
    %get3A_22 = arith.constant 0 : index
    %get3A_23 = vector.load %arg1[%get3A_20, %get3A_21, %get3A_22] : memref<6x1000x128xf32, #tpu.memory_space<vmem>>, vector<1x1000x128xf32>
    %get3A_24 = vector.shape_cast %get3A_23 : vector<1x1000x128xf32> to vector<1000x128xf32>
    %get3A_25 = arith.constant 3 : index
    %get3A_26 = arith.constant 0 : index
    %get3A_27 = arith.constant 0 : index
    %get3A_28 = vector.load %arg1[%get3A_25, %get3A_26, %get3A_27] : memref<6x1000x128xf32, #tpu.memory_space<vmem>>, vector<1x1000x128xf32>
    %get3A_29 = vector.shape_cast %get3A_28 : vector<1x1000x128xf32> to vector<1000x128xf32>
    %add3A = arith.addf %get3A_24, %get3A_29 : vector<1000x128xf32>
    %get3A_30 = arith.constant 2 : index
    %get3A_31 = arith.constant 0 : index
    %get3A_32 = arith.constant 0 : index
    %get3A_33 = vector.load %arg2[%get3A_30, %get3A_31, %get3A_32] : memref<6x1000x128xf32, #tpu.memory_space<vmem>>, vector<1x1000x1xf32>
    %get3A_34 = vector.shape_cast %get3A_33 : vector<1x1000x1xf32> to vector<1000x1xf32>
    %get3A_35 = arith.constant 3 : index
    %get3A_36 = arith.constant 0 : index
    %get3A_37 = arith.constant 0 : index
    %get3A_38 = vector.load %arg2[%get3A_35, %get3A_36, %get3A_37] : memref<6x1000x128xf32, #tpu.memory_space<vmem>>, vector<1x1000x1xf32>
    %get3A_39 = vector.shape_cast %get3A_38 : vector<1x1000x1xf32> to vector<1000x1xf32>
    %add3A_40 = arith.addf %get3A_34, %get3A_39 : vector<1000x1xf32>
    %max3A_41 = arith.constant 1.000000e+00 : f32
    %max3A_42 = vector.broadcast %max3A_41 : f32 to vector<1000x1xf32>
    %max3A_43 = arith.maximumf %add3A_40, %max3A_42 : vector<1000x1xf32>
    %div3A_44 = vector.broadcast %max3A_43 : vector<1000x1xf32> to vector<1000x128xf32>
    %div3A_45 = arith.divf %add3A, %div3A_44 : vector<1000x128xf32>
    %get3A_46 = arith.constant 4 : index
    %get3A_47 = arith.constant 0 : index
    %get3A_48 = arith.constant 0 : index
    %get3A_49 = vector.load %arg1[%get3A_46, %get3A_47, %get3A_48] : memref<6x1000x128xf32, #tpu.memory_space<vmem>>, vector<1x1000x128xf32>
    %get3A_50 = vector.shape_cast %get3A_49 : vector<1x1000x128xf32> to vector<1000x128xf32>
    %slice3A_51 = vector.extract_strided_slice %max3A_4 {offsets = [4, 0, 0], sizes = [1, 1000, 1], strides = [1, 1, 1]} : vector<6x1000x1xf32> to vector<1x1000x1xf32>
    %squeeze3A_52 = vector.shape_cast %slice3A_51 : vector<1x1000x1xf32> to vector<1000x1xf32>
    %div3A_53 = vector.broadcast %squeeze3A_52 : vector<1000x1xf32> to vector<1000x128xf32>
    %div3A_54 = arith.divf %get3A_50, %div3A_53 : vector<1000x128xf32>
    %get3A_55 = arith.constant 5 : index
    %get3A_56 = arith.constant 0 : index
    %get3A_57 = arith.constant 0 : index
    %get3A_58 = vector.load %arg1[%get3A_55, %get3A_56, %get3A_57] : memref<6x1000x128xf32, #tpu.memory_space<vmem>>, vector<1x1000x128xf32>
    %get3A_59 = vector.shape_cast %get3A_58 : vector<1x1000x128xf32> to vector<1000x128xf32>
    %slice3A_60 = vector.extract_strided_slice %max3A_4 {offsets = [5, 0, 0], sizes = [1, 1000, 1], strides = [1, 1, 1]} : vector<6x1000x1xf32> to vector<1x1000x1xf32>
    %squeeze3A_61 = vector.shape_cast %slice3A_60 : vector<1x1000x1xf32> to vector<1000x1xf32>
    %div3A_62 = vector.broadcast %squeeze3A_61 : vector<1000x1xf32> to vector<1000x128xf32>
    %div3A_63 = arith.divf %get3A_59, %div3A_62 : vector<1000x128xf32>
    %get3A_64 = arith.constant 0 : index
    %get3A_65 = arith.constant 0 : index
    %get3A_66 = arith.constant 0 : index
    %get3A_67 = vector.load %arg3[%get3A_64, %get3A_65, %get3A_66] : memref<3x1000x128xf32, #tpu.memory_space<vmem>>, vector<1x1000x128xf32>
    %get3A_68 = vector.shape_cast %get3A_67 : vector<1x1000x128xf32> to vector<1000x128xf32>
    %get3A_69 = arith.constant 1 : index
    %get3A_70 = arith.constant 0 : index
    %get3A_71 = arith.constant 0 : index
    %get3A_72 = vector.load %arg3[%get3A_69, %get3A_70, %get3A_71] : memref<3x1000x128xf32, #tpu.memory_space<vmem>>, vector<1x1000x128xf32>
    %get3A_73 = vector.shape_cast %get3A_72 : vector<1x1000x128xf32> to vector<1000x128xf32>
    %get3A_74 = arith.constant 2 : index
    %get3A_75 = arith.constant 0 : index
    %get3A_76 = arith.constant 0 : index
    %get3A_77 = vector.load %arg3[%get3A_74, %get3A_75, %get3A_76] : memref<3x1000x128xf32, #tpu.memory_space<vmem>>, vector<1x1000x128xf32>
    %get3A_78 = vector.shape_cast %get3A_77 : vector<1x1000x128xf32> to vector<1000x128xf32>
    %add3A_79 = arith.addf %div3A_10, %div3A_19 : vector<1000x128xf32>
    %add3A_80 = arith.addf %add3A_79, %div3A_45 : vector<1000x128xf32>
    %get3A_81 = arith.constant 0 : index
    %get3A_82 = arith.constant 0 : index
    %get3A_83 = arith.constant 0 : index
    %get3A_84 = vector.load %arg5[%get3A_81, %get3A_82, %get3A_83] : memref<1x4x128xf32, #tpu.memory_space<vmem>>, vector<1x1x128xf32>
    %get3A_85 = vector.shape_cast %get3A_84 : vector<1x1x128xf32> to vector<128xf32>
    %broadcast_in_dim3A = vector.shape_cast %get3A_85 : vector<128xf32> to vector<1x128xf32>
    %add3A_86 = vector.broadcast %broadcast_in_dim3A : vector<1x128xf32> to vector<1000x128xf32>
    %add3A_87 = arith.addf %add3A_80, %add3A_86 : vector<1000x128xf32>
    %get3A_88 = arith.constant 0 : index
    %get3A_89 = arith.constant 0 : index
    %get3A_90 = arith.constant 0 : index
    %get3A_91 = vector.load %arg4[%get3A_88, %get3A_89, %get3A_90] : memref<7x128x128xf32, #tpu.memory_space<vmem>>, vector<1x128x128xf32>
    %get3A_92 = vector.shape_cast %get3A_91 : vector<1x128x128xf32> to vector<128x128xf32>
    %dot_general3A = arith.constant dense<0.000000e+00> : vector<1000x128xf32>
    %dot_general3A_93 = tpu.matmul %get3A_73, %get3A_92, %dot_general3A {dimension_numbers = #tpu.dot_dimension_numbers<[1], [0], [0], [1], [0, 0, 1, 1], [], []>, transpose_lhs_hint = false} : vector<1000x128xf32>, vector<128x128xf32>, vector<1000x128xf32> -> vector<1000x128xf32>
    %add3A_94 = arith.addf %add3A_87, %dot_general3A_93 : vector<1000x128xf32>
    %max3A_95 = arith.constant 0.000000e+00 : f32
    %max3A_96 = vector.broadcast %max3A_95 : f32 to vector<1000x128xf32>
    %max3A_97 = arith.maximumf %add3A_94, %max3A_96 : vector<1000x128xf32>
    %get3A_98 = arith.constant 0 : index
    %get3A_99 = arith.constant 1 : index
    %get3A_100 = arith.constant 0 : index
    %get3A_101 = vector.load %arg5[%get3A_98, %get3A_99, %get3A_100] : memref<1x4x128xf32, #tpu.memory_space<vmem>>, vector<1x1x128xf32>
    %get3A_102 = vector.shape_cast %get3A_101 : vector<1x1x128xf32> to vector<128xf32>
    %broadcast_in_dim3A_103 = vector.shape_cast %get3A_102 : vector<128xf32> to vector<1x128xf32>
    %add3A_104 = vector.broadcast %broadcast_in_dim3A_103 : vector<1x128xf32> to vector<1000x128xf32>
    %add3A_105 = arith.addf %div3A_54, %add3A_104 : vector<1000x128xf32>
    %get3A_106 = arith.constant 1 : index
    %get3A_107 = arith.constant 0 : index
    %get3A_108 = arith.constant 0 : index
    %get3A_109 = vector.load %arg4[%get3A_106, %get3A_107, %get3A_108] : memref<7x128x128xf32, #tpu.memory_space<vmem>>, vector<1x128x128xf32>
    %get3A_110 = vector.shape_cast %get3A_109 : vector<1x128x128xf32> to vector<128x128xf32>
    %dot_general3A_111 = arith.constant dense<0.000000e+00> : vector<1000x128xf32>
    %dot_general3A_112 = tpu.matmul %get3A_68, %get3A_110, %dot_general3A_111 {dimension_numbers = #tpu.dot_dimension_numbers<[1], [0], [0], [1], [0, 0, 1, 1], [], []>, transpose_lhs_hint = false} : vector<1000x128xf32>, vector<128x128xf32>, vector<1000x128xf32> -> vector<1000x128xf32>
    %add3A_113 = arith.addf %add3A_105, %dot_general3A_112 : vector<1000x128xf32>
    %max3A_114 = arith.constant 0.000000e+00 : f32
    %max3A_115 = vector.broadcast %max3A_114 : f32 to vector<1000x128xf32>
    %max3A_116 = arith.maximumf %add3A_113, %max3A_115 : vector<1000x128xf32>
    %get3A_117 = arith.constant 0 : index
    %get3A_118 = arith.constant 2 : index
    %get3A_119 = arith.constant 0 : index
    %get3A_120 = vector.load %arg5[%get3A_117, %get3A_118, %get3A_119] : memref<1x4x128xf32, #tpu.memory_space<vmem>>, vector<1x1x128xf32>
    %get3A_121 = vector.shape_cast %get3A_120 : vector<1x1x128xf32> to vector<128xf32>
    %broadcast_in_dim3A_122 = vector.shape_cast %get3A_121 : vector<128xf32> to vector<1x128xf32>
    %add3A_123 = vector.broadcast %broadcast_in_dim3A_122 : vector<1x128xf32> to vector<1000x128xf32>
    %add3A_124 = arith.addf %div3A_63, %add3A_123 : vector<1000x128xf32>
    %get3A_125 = arith.constant 2 : index
    %get3A_126 = arith.constant 0 : index
    %get3A_127 = arith.constant 0 : index
    %get3A_128 = vector.load %arg4[%get3A_125, %get3A_126, %get3A_127] : memref<7x128x128xf32, #tpu.memory_space<vmem>>, vector<1x128x128xf32>
    %get3A_129 = vector.shape_cast %get3A_128 : vector<1x128x128xf32> to vector<128x128xf32>
    %dot_general3A_130 = arith.constant dense<0.000000e+00> : vector<1000x128xf32>
    %dot_general3A_131 = tpu.matmul %get3A_78, %get3A_129, %dot_general3A_130 {dimension_numbers = #tpu.dot_dimension_numbers<[1], [0], [0], [1], [0, 0, 1, 1], [], []>, transpose_lhs_hint = false} : vector<1000x128xf32>, vector<128x128xf32>, vector<1000x128xf32> -> vector<1000x128xf32>
    %add3A_132 = arith.addf %add3A_124, %dot_general3A_131 : vector<1000x128xf32>
    %max3A_133 = arith.constant 0.000000e+00 : f32
    %max3A_134 = vector.broadcast %max3A_133 : f32 to vector<1000x128xf32>
    %max3A_135 = arith.maximumf %add3A_132, %max3A_134 : vector<1000x128xf32>
    %get3A_136 = arith.constant 3 : index
    %get3A_137 = arith.constant 0 : index
    %get3A_138 = arith.constant 0 : index
    %get3A_139 = vector.load %arg4[%get3A_136, %get3A_137, %get3A_138] : memref<7x128x128xf32, #tpu.memory_space<vmem>>, vector<1x128x128xf32>
    %get3A_140 = vector.shape_cast %get3A_139 : vector<1x128x128xf32> to vector<128x128xf32>
    %dot_general3A_141 = arith.constant dense<0.000000e+00> : vector<1000x128xf32>
    %dot_general3A_142 = tpu.matmul %max3A_116, %get3A_140, %dot_general3A_141 {dimension_numbers = #tpu.dot_dimension_numbers<[1], [0], [0], [1], [0, 0, 1, 1], [], []>, transpose_lhs_hint = false} : vector<1000x128xf32>, vector<128x128xf32>, vector<1000x128xf32> -> vector<1000x128xf32>
    %swap3A = arith.constant 0 : index
    %swap3A_143 = arith.constant 0 : index
    %swap3A_144 = arith.constant 0 : index
    %swap3A_145 = vector.load %arg6[%swap3A, %swap3A_143, %swap3A_144] : memref<3x1000x128xf32, #tpu.memory_space<vmem>>, vector<1x1000x128xf32>
    %swap3A_146 = vector.shape_cast %swap3A_145 : vector<1x1000x128xf32> to vector<1000x128xf32>
    %swap3A_147 = vector.shape_cast %dot_general3A_142 : vector<1000x128xf32> to vector<1x1000x128xf32>
    tpu.vector_store %arg6[%swap3A, %swap3A_143, %swap3A_144], %swap3A_147 {strides = array<i32>} : memref<3x1000x128xf32, #tpu.memory_space<vmem>>, vector<1x1000x128xf32>,
    %get3A_148 = arith.constant 4 : index
    %get3A_149 = arith.constant 0 : index
    %get3A_150 = arith.constant 0 : index
    %get3A_151 = vector.load %arg4[%get3A_148, %get3A_149, %get3A_150] : memref<7x128x128xf32, #tpu.memory_space<vmem>>, vector<1x128x128xf32>
    %get3A_152 = vector.shape_cast %get3A_151 : vector<1x128x128xf32> to vector<128x128xf32>
    %dot_general3A_153 = arith.constant dense<0.000000e+00> : vector<1000x128xf32>
    %dot_general3A_154 = tpu.matmul %max3A_97, %get3A_152, %dot_general3A_153 {dimension_numbers = #tpu.dot_dimension_numbers<[1], [0], [0], [1], [0, 0, 1, 1], [], []>, transpose_lhs_hint = false} : vector<1000x128xf32>, vector<128x128xf32>, vector<1000x128xf32> -> vector<1000x128xf32>
    %swap3A_155 = arith.constant 1 : index
    %swap3A_156 = arith.constant 0 : index
    %swap3A_157 = arith.constant 0 : index
    %swap3A_158 = vector.load %arg6[%swap3A_155, %swap3A_156, %swap3A_157] : memref<3x1000x128xf32, #tpu.memory_space<vmem>>, vector<1x1000x128xf32>
    %swap3A_159 = vector.shape_cast %swap3A_158 : vector<1x1000x128xf32> to vector<1000x128xf32>
    %swap3A_160 = vector.shape_cast %dot_general3A_154 : vector<1000x128xf32> to vector<1x1000x128xf32>
    tpu.vector_store %arg6[%swap3A_155, %swap3A_156, %swap3A_157], %swap3A_160 {strides = array<i32>} : memref<3x1000x128xf32, #tpu.memory_space<vmem>>, vector<1x1000x128xf32>,
    %get3A_161 = arith.constant 5 : index
    %get3A_162 = arith.constant 0 : index
    %get3A_163 = arith.constant 0 : index
    %get3A_164 = vector.load %arg4[%get3A_161, %get3A_162, %get3A_163] : memref<7x128x128xf32, #tpu.memory_space<vmem>>, vector<1x128x128xf32>
    %get3A_165 = vector.shape_cast %get3A_164 : vector<1x128x128xf32> to vector<128x128xf32>
    %dot_general3A_166 = arith.constant dense<0.000000e+00> : vector<1000x128xf32>
    %dot_general3A_167 = tpu.matmul %max3A_135, %get3A_165, %dot_general3A_166 {dimension_numbers = #tpu.dot_dimension_numbers<[1], [0], [0], [1], [0, 0, 1, 1], [], []>, transpose_lhs_hint = false} : vector<1000x128xf32>, vector<128x128xf32>, vector<1000x128xf32> -> vector<1000x128xf32>
    %swap3A_168 = arith.constant 2 : index
    %swap3A_169 = arith.constant 0 : index
    %swap3A_170 = arith.constant 0 : index
    %swap3A_171 = vector.load %arg6[%swap3A_168, %swap3A_169, %swap3A_170] : memref<3x1000x128xf32, #tpu.memory_space<vmem>>, vector<1x1000x128xf32>
    %swap3A_172 = vector.shape_cast %swap3A_171 : vector<1x1000x128xf32> to vector<1000x128xf32>
    %swap3A_173 = vector.shape_cast %dot_general3A_167 : vector<1000x128xf32> to vector<1x1000x128xf32>
    tpu.vector_store %arg6[%swap3A_168, %swap3A_169, %swap3A_170], %swap3A_173 {strides = array<i32>} : memref<3x1000x128xf32, #tpu.memory_space<vmem>>, vector<1x1000x128xf32>,
    %get3A_174 = arith.constant 6 : index
    %get3A_175 = arith.constant 0 : index
    %get3A_176 = arith.constant 0 : index
    %get3A_177 = vector.load %arg4[%get3A_174, %get3A_175, %get3A_176] : memref<7x128x128xf32, #tpu.memory_space<vmem>>, vector<1x128x128xf32>
    %get3A_178 = vector.shape_cast %get3A_177 : vector<1x128x128xf32> to vector<128x128xf32>
    %dot_general3A_179 = arith.constant dense<0.000000e+00> : vector<1000x128xf32>
    %dot_general3A_180 = tpu.matmul %max3A_97, %get3A_178, %dot_general3A_179 {dimension_numbers = #tpu.dot_dimension_numbers<[1], [0], [0], [1], [0, 0, 1, 1], [], []>, transpose_lhs_hint = false} : vector<1000x128xf32>, vector<128x128xf32>, vector<1000x128xf32> -> vector<1000x128xf32>
    %get3A_181 = arith.constant 0 : index
    %get3A_182 = arith.constant 3 : index
    %get3A_183 = arith.constant 0 : index
    %get3A_184 = vector.load %arg5[%get3A_181, %get3A_182, %get3A_183] : memref<1x4x128xf32, #tpu.memory_space<vmem>>, vector<1x1x128xf32>
    %get3A_185 = vector.shape_cast %get3A_184 : vector<1x1x128xf32> to vector<128xf32>
    %broadcast_in_dim3A_186 = vector.shape_cast %get3A_185 : vector<128xf32> to vector<1x128xf32>
    %add3A_187 = vector.broadcast %broadcast_in_dim3A_186 : vector<1x128xf32> to vector<1000x128xf32>
    %add3A_188 = arith.addf %dot_general3A_180, %add3A_187 : vector<1000x128xf32>
    %swap3A_189 = arith.constant 0 : index
    %swap3A_190 = arith.constant 0 : index
    %swap3A_191 = vector.load %arg7[%swap3A_189, %swap3A_190] : memref<1000x128xf32, #tpu.memory_space<vmem>>, vector<1000x128xf32>
    tpu.vector_store %arg7[%swap3A_189, %swap3A_190], %add3A_188 {strides = array<i32>} : memref<1000x128xf32, #tpu.memory_space<vmem>>, vector<1000x128xf32>,
    return
  }
  func.func @transform_0(%arg0: i32) -> (i32, i32, i32) {
    %c0_i32 = arith.constant 0 : i32
    %c0_i32_0 = arith.constant 0 : i32
    %c0_i32_1 = arith.constant 0 : i32
    return %c0_i32, %arg0, %c0_i32_0 : i32, i32, i32
  }
  func.func @transform_1(%arg0: i32) -> (i32, i32, i32) {
    %c0_i32 = arith.constant 0 : i32
    %c0_i32_0 = arith.constant 0 : i32
    %c0_i32_1 = arith.constant 0 : i32
    return %c0_i32, %arg0, %c0_i32_0 : i32, i32, i32
  }
  func.func @transform_2(%arg0: i32) -> (i32, i32, i32) {
    %c0_i32 = arith.constant 0 : i32
    %c0_i32_0 = arith.constant 0 : i32
    %c0_i32_1 = arith.constant 0 : i32
    return %c0_i32, %arg0, %c0_i32_0 : i32, i32, i32
  }
  func.func @transform_3(%arg0: i32) -> (i32, i32, i32) {
    %c0_i32 = arith.constant 0 : i32
    %c0_i32_0 = arith.constant 0 : i32
    %c0_i32_1 = arith.constant 0 : i32
    %c0_i32_2 = arith.constant 0 : i32
    return %c0_i32, %c0_i32_0, %c0_i32_1 : i32, i32, i32
  }
  func.func @transform_4(%arg0: i32) -> (i32, i32, i32) {
    %c0_i32 = arith.constant 0 : i32
    %c0_i32_0 = arith.constant 0 : i32
    %c0_i32_1 = arith.constant 0 : i32
    %c0_i32_2 = arith.constant 0 : i32
    return %c0_i32, %c0_i32_0, %c0_i32_1 : i32, i32, i32
  }
  func.func @transform_5(%arg0: i32) -> (i32, i32, i32) {
    %c0_i32 = arith.constant 0 : i32
    %c0_i32_0 = arith.constant 0 : i32
    %c0_i32_1 = arith.constant 0 : i32
    return %c0_i32, %arg0, %c0_i32_0 : i32, i32, i32
  }
  func.func @transform_6(%arg0: i32) -> (i32, i32) {
    %c0_i32 = arith.constant 0 : i32
    %c0_i32_0 = arith.constant 0 : i32
    return %arg0, %c0_i32 : i32, i32
  }
}

module attributes {stable_mosaic.version = 14 : i64} {
  func.func @_stage_e_body(%arg0: i32, %arg1: memref<4x1000x128xf32, #tpu.memory_space<vmem>>, %arg2: memref<4x1000x128xf32, #tpu.memory_space<vmem>>, %arg3: memref<1000x128xf32, #tpu.memory_space<vmem>>, %arg4: memref<128x64xf32, #tpu.memory_space<vmem>>, %arg5: memref<1x64xf32, #tpu.memory_space<vmem>>, %arg6: memref<1000x64xf32, #tpu.memory_space<vmem>>) attributes {dimension_semantics = [#tpu.dimension_semantics<arbitrary>], iteration_bounds = array<i64: 10>, scalar_prefetch = 0 : i64, scratch_operands = 0 : i64, tpu.core_type = #tpu.core_type<tc>, window_params = [{transform_indices = @transform_0, window_bounds = array<i64: 4, 1000, 128>}, {transform_indices = @transform_1, window_bounds = array<i64: 4, 1000, 128>}, {transform_indices = @transform_2, window_bounds = array<i64: 1000, 128>}, {pipeline_mode = #tpu.pipeline_mode<synchronous>, transform_indices = @transform_3, window_bounds = array<i64: 128, 64>}, {pipeline_mode = #tpu.pipeline_mode<synchronous>, transform_indices = @transform_4, window_bounds = array<i64: 1, 64>}, {transform_indices = @transform_5, window_bounds = array<i64: 1000, 64>}]} {
    %get3A = arith.constant 0 : index
    %get3A_0 = arith.constant 0 : index
    %get3A_1 = arith.constant 0 : index
    %get3A_2 = vector.load %arg2[%get3A, %get3A_0, %get3A_1] : memref<4x1000x128xf32, #tpu.memory_space<vmem>>, vector<1x1000x1xf32>
    %get3A_3 = vector.shape_cast %get3A_2 : vector<1x1000x1xf32> to vector<1000x1xf32>
    %max3A = arith.constant 1.000000e+00 : f32
    %max3A_4 = vector.broadcast %max3A : f32 to vector<1000x1xf32>
    %max3A_5 = arith.maximumf %get3A_3, %max3A_4 : vector<1000x1xf32>
    %get3A_6 = arith.constant 1 : index
    %get3A_7 = arith.constant 0 : index
    %get3A_8 = arith.constant 0 : index
    %get3A_9 = vector.load %arg2[%get3A_6, %get3A_7, %get3A_8] : memref<4x1000x128xf32, #tpu.memory_space<vmem>>, vector<1x1000x1xf32>
    %get3A_10 = vector.shape_cast %get3A_9 : vector<1x1000x1xf32> to vector<1000x1xf32>
    %max3A_11 = arith.constant 1.000000e+00 : f32
    %max3A_12 = vector.broadcast %max3A_11 : f32 to vector<1000x1xf32>
    %max3A_13 = arith.maximumf %get3A_10, %max3A_12 : vector<1000x1xf32>
    %get3A_14 = arith.constant 2 : index
    %get3A_15 = arith.constant 0 : index
    %get3A_16 = arith.constant 0 : index
    %get3A_17 = vector.load %arg2[%get3A_14, %get3A_15, %get3A_16] : memref<4x1000x128xf32, #tpu.memory_space<vmem>>, vector<1x1000x1xf32>
    %get3A_18 = vector.shape_cast %get3A_17 : vector<1x1000x1xf32> to vector<1000x1xf32>
    %get3A_19 = arith.constant 3 : index
    %get3A_20 = arith.constant 0 : index
    %get3A_21 = arith.constant 0 : index
    %get3A_22 = vector.load %arg2[%get3A_19, %get3A_20, %get3A_21] : memref<4x1000x128xf32, #tpu.memory_space<vmem>>, vector<1x1000x1xf32>
    %get3A_23 = vector.shape_cast %get3A_22 : vector<1x1000x1xf32> to vector<1000x1xf32>
    %add3A = arith.addf %get3A_18, %get3A_23 : vector<1000x1xf32>
    %max3A_24 = arith.constant 1.000000e+00 : f32
    %max3A_25 = vector.broadcast %max3A_24 : f32 to vector<1000x1xf32>
    %max3A_26 = arith.maximumf %add3A, %max3A_25 : vector<1000x1xf32>
    %get3A_27 = arith.constant 0 : index
    %get3A_28 = arith.constant 0 : index
    %get3A_29 = arith.constant 0 : index
    %get3A_30 = vector.load %arg1[%get3A_27, %get3A_28, %get3A_29] : memref<4x1000x128xf32, #tpu.memory_space<vmem>>, vector<1x1000x128xf32>
    %get3A_31 = vector.shape_cast %get3A_30 : vector<1x1000x128xf32> to vector<1000x128xf32>
    %div3A = vector.broadcast %max3A_5 : vector<1000x1xf32> to vector<1000x128xf32>
    %div3A_32 = arith.divf %get3A_31, %div3A : vector<1000x128xf32>
    %get3A_33 = arith.constant 1 : index
    %get3A_34 = arith.constant 0 : index
    %get3A_35 = arith.constant 0 : index
    %get3A_36 = vector.load %arg1[%get3A_33, %get3A_34, %get3A_35] : memref<4x1000x128xf32, #tpu.memory_space<vmem>>, vector<1x1000x128xf32>
    %get3A_37 = vector.shape_cast %get3A_36 : vector<1x1000x128xf32> to vector<1000x128xf32>
    %get3A_38 = arith.constant 2 : index
    %get3A_39 = arith.constant 0 : index
    %get3A_40 = arith.constant 0 : index
    %get3A_41 = vector.load %arg1[%get3A_38, %get3A_39, %get3A_40] : memref<4x1000x128xf32, #tpu.memory_space<vmem>>, vector<1x1000x128xf32>
    %get3A_42 = vector.shape_cast %get3A_41 : vector<1x1000x128xf32> to vector<1000x128xf32>
    %add3A_43 = arith.addf %get3A_37, %get3A_42 : vector<1000x128xf32>
    %div3A_44 = vector.broadcast %max3A_13 : vector<1000x1xf32> to vector<1000x128xf32>
    %div3A_45 = arith.divf %add3A_43, %div3A_44 : vector<1000x128xf32>
    %add3A_46 = arith.addf %div3A_32, %div3A_45 : vector<1000x128xf32>
    %get3A_47 = arith.constant 3 : index
    %get3A_48 = arith.constant 0 : index
    %get3A_49 = arith.constant 0 : index
    %get3A_50 = vector.load %arg1[%get3A_47, %get3A_48, %get3A_49] : memref<4x1000x128xf32, #tpu.memory_space<vmem>>, vector<1x1000x128xf32>
    %get3A_51 = vector.shape_cast %get3A_50 : vector<1x1000x128xf32> to vector<1000x128xf32>
    %div3A_52 = vector.broadcast %max3A_26 : vector<1000x1xf32> to vector<1000x128xf32>
    %div3A_53 = arith.divf %get3A_51, %div3A_52 : vector<1000x128xf32>
    %add3A_54 = arith.addf %add3A_46, %div3A_53 : vector<1000x128xf32>
    %get3A_55 = arith.constant 0 : index
    %get3A_56 = arith.constant 0 : index
    %get3A_57 = vector.load %arg3[%get3A_55, %get3A_56] : memref<1000x128xf32, #tpu.memory_space<vmem>>, vector<1000x128xf32>
    %add3A_58 = arith.addf %add3A_54, %get3A_57 : vector<1000x128xf32>
    %max3A_59 = arith.constant 0.000000e+00 : f32
    %max3A_60 = vector.broadcast %max3A_59 : f32 to vector<1000x128xf32>
    %max3A_61 = arith.maximumf %add3A_58, %max3A_60 : vector<1000x128xf32>
    %get3A_62 = arith.constant 0 : index
    %get3A_63 = arith.constant 0 : index
    %get3A_64 = vector.load %arg4[%get3A_62, %get3A_63] : memref<128x64xf32, #tpu.memory_space<vmem>>, vector<128x64xf32>
    %dot_general3A = arith.constant dense<0.000000e+00> : vector<1000x64xf32>
    %dot_general3A_65 = tpu.matmul %max3A_61, %get3A_64, %dot_general3A {dimension_numbers = #tpu.dot_dimension_numbers<[1], [0], [0], [1], [0, 0, 1, 1], [], []>, transpose_lhs_hint = false} : vector<1000x128xf32>, vector<128x64xf32>, vector<1000x64xf32> -> vector<1000x64xf32>
    %get3A_66 = arith.constant 0 : index
    %get3A_67 = arith.constant 0 : index
    %get3A_68 = vector.load %arg5[%get3A_66, %get3A_67] : memref<1x64xf32, #tpu.memory_space<vmem>>, vector<1x64xf32>
    %add3A_69 = vector.broadcast %get3A_68 : vector<1x64xf32> to vector<1000x64xf32>
    %add3A_70 = arith.addf %dot_general3A_65, %add3A_69 : vector<1000x64xf32>
    %swap3A = arith.constant 0 : index
    %swap3A_71 = arith.constant 0 : index
    %swap3A_72 = vector.load %arg6[%swap3A, %swap3A_71] : memref<1000x64xf32, #tpu.memory_space<vmem>>, vector<1000x64xf32>
    tpu.vector_store %arg6[%swap3A, %swap3A_71], %add3A_70 {strides = array<i32>} : memref<1000x64xf32, #tpu.memory_space<vmem>>, vector<1000x64xf32>,
    return
  }
  func.func @transform_0(%arg0: i32) -> (i32, i32, i32) {
    %c0_i32 = arith.constant 0 : i32
    %c0_i32_0 = arith.constant 0 : i32
    %c0_i32_1 = arith.constant 0 : i32
    return %c0_i32, %arg0, %c0_i32_0 : i32, i32, i32
  }
  func.func @transform_1(%arg0: i32) -> (i32, i32, i32) {
    %c0_i32 = arith.constant 0 : i32
    %c0_i32_0 = arith.constant 0 : i32
    %c0_i32_1 = arith.constant 0 : i32
    return %c0_i32, %arg0, %c0_i32_0 : i32, i32, i32
  }
  func.func @transform_2(%arg0: i32) -> (i32, i32) {
    %c0_i32 = arith.constant 0 : i32
    %c0_i32_0 = arith.constant 0 : i32
    return %arg0, %c0_i32 : i32, i32
  }
  func.func @transform_3(%arg0: i32) -> (i32, i32) {
    %c0_i32 = arith.constant 0 : i32
    %c0_i32_0 = arith.constant 0 : i32
    %c0_i32_1 = arith.constant 0 : i32
    return %c0_i32, %c0_i32_0 : i32, i32
  }
  func.func @transform_4(%arg0: i32) -> (i32, i32) {
    %c0_i32 = arith.constant 0 : i32
    %c0_i32_0 = arith.constant 0 : i32
    %c0_i32_1 = arith.constant 0 : i32
    return %c0_i32, %c0_i32_0 : i32, i32
  }
  func.func @transform_5(%arg0: i32) -> (i32, i32) {
    %c0_i32 = arith.constant 0 : i32
    %c0_i32_0 = arith.constant 0 : i32
    return %arg0, %c0_i32 : i32, i32
  }
}

</mosaic_0001>

<sc_bundles>
// kernel: seg_sums_l0.3.cloned.1.call-start
scs
__scs_entry_jumppad:
0x0: {  	(pc) =	sbr.rel $0x88, $3  }
0x1: {  	(tag) =	ssettag $0x0;
	lr =	simm.s32 $0x1  }
0x2: {  	[smem:$0x3F7F] =	sst lr;
	_ =	strace $0xD0000000  }
0x3: {  	_ = 	snop  }
0x4: {  	_ = 	snop  }
0x5: {  	_ = 	snop  }
0x6: {  	_ = 	snop  }
0x7: {  	_ = 	snop  }
__scs_overlays_trampoline_lowered:
0x8: {  	[smem:$0x3F8E] =	sst s0  }
0x9: {  	[smem:$0x3F8F] =	sst s1  }
0xa: {  	[smem:$0x3F90] =	sst s2  }
0xb: {  	[smem:$0x3F91] =	sst s3  }
0xc: {  	[smem:$0x3F92] =	sst s4  }
0xd: {  	[smem:$0x3F93] =	sst s5  }
0xe: {  	[smem:$0x3F94] =	sst s6  }
0xf: {  	[smem:$0x3F95] =	sst s7  }
0x10: {  	[smem:$0x3F96] =	sst s8  }
0x11: {  	[smem:$0x3F97] =	sst s9;
	s0 =	simm.s32 @!p0 $0x0  }
0x12: {  	s1 =	sld [smem:$0x3F7D];
	s0 =	simm.s32 @p0 $0x1  }
0x13: {  	[smem:$0x3F98] =	sst s0;
	s0 =	simm.s32 @!p1 $0x0  }
0x14: {  	s2 =	sld [smem:$0x3F7C];
	s0 =	simm.s32 @p1 $0x1  }
0x15: {  	[smem:$0x3F99] =	sst s0;
	s0 =	simm.s32 @!p2 $0x0  }
0x16: {  	s3 =	sld [smem:$0x3FDB];
	s0 =	simm.s32 @p2 $0x1  }
0x17: {  	s4 =	simm.s32 $0x1BF5;
	[smem:$0x3F9B] =	sst s0  }
0x18: {  	s0 =	sld [smem:$0x3F7E];
	_ =	swait.ge [sflag:s4], $0x0  }
0x19: {  	s7 =	sld [smem:$0x3F7F]  }
0x1a: {  	s8 =	sadd.s32 $0xFFFFE003, lr  }
0x1b: {  	s9 =	sadd.s32 $0xFFFFFEF7, lr;
	s5 =	simm.s32 $0xFFFFFFFF;
	p2 =	slt.u32 s8, $0xFFFFF086  }
0x1c: {  	p1 =	slt.u32 s9, $0xF7A;
	s5 =	simm.s32 @!p2 $0x0  }
0x1d: {  	s5 =	simm.s32 @p1 $0x1;
	p0 =	seq.s32 s7, s2  }
0x1e: {  	s7 =	smul.u32 @!p0 $0xF7A, s2;
	p2 =	seq.s32 @!p0 s5, $0x0  }
0x1f: {  	s9 =	smul.u32 $0xF7A, s1;
	s8 =	simm.s32 @!p0 $0x1BF5;
	p2 =	por !p2, p0  }
0x20: {  	[sflag:s8] =	ssyncset.s32 @!p0 $0xFFFFF086;
	s6 =	sadd.s32 @!p0 s3, s7;
	s7 =	simm.s32 @!p0 $0x108  }
0x21: {  	s3 =	sadd.s32 s3, s9;
	s6 =	sadd.s32 @!p0 $0x88, s6;
	s7 =	simm.s32 @p2 $0x1082  }
0x22: {  	[simem:s7], [sflag:s8] =	dma.local @!p0 [hbm:s6], $0xF7A  }
0x23: {  	s9 =	sor.u32 $0xD0000000, s2;
	s6 =	simm.s32 $0x108;
	_ =	swait.ge @!p0 [sflag:s8], $0x0  }
0x24: {  	s3 =	sadd.s32 $0x88, s3;
	s6 =	simm.s32 @!p1 $0x1082;
	[sflag:s4] =	ssyncset.s32 $0xFFFFF086  }
0x25: {  	[simem:s6], [sflag:s4] =	dma.local [hbm:s3], $0xF7A  }
0x26: {  	[smem:$0x3F7F] =	sst s1;
	(tag) =	ssettag s2;
	_ =	strace s9  }
0x27: {  	s1 =	sld [smem:$0x3F8F]  }
0x28: {  	s2 =	sld [smem:$0x3F90]  }
0x29: {  	s4 =	sld [smem:$0x3F92]  }
0x2a: {  	p0 =	seq.s32 s5, $0x0;
	s5 =	sld [smem:$0x3F93]  }
0x2b: {  	s6 =	sld [smem:$0x3F94]  }
0x2c: {  	s7 =	sld [smem:$0x3F95]  }
0x2d: {  	s3 =	simm.s32 $0x108;
	s8 =	sld [smem:$0x3F96]  }
0x2e: {  	s3 =	simm.s32 @!p0 $0x1082;
	s9 =	sld [smem:$0x3F97]  }
0x2f: {  	lr =	sadd.s32 s0, s3;
	s0 =	sld [smem:$0x3F8E]  }
0x30: {  	s3 =	sld [smem:$0x3F91]  }
0x31: {  	[smem:$0x3F9A] =	sst s10  }
0x32: {  	s10 =	sld [smem:$0x3F98];
	_ =	sdelay $0x3  }
0x33: {  	p0 =	seq.s32 s10, $0x1;
	s10 =	sld [smem:$0x3F9A];
	_ =	sdelay $0x3  }
0x34: {  	[smem:$0x3F9A] =	sst s10  }
0x35: {  	s10 =	sld [smem:$0x3F99];
	_ =	sdelay $0x3  }
0x36: {  	p1 =	seq.s32 s10, $0x1;
	s10 =	sld [smem:$0x3F9A];
	_ =	sdelay $0x3  }
0x37: {  	[smem:$0x3F9A] =	sst s10  }
0x38: {  	s10 =	sld [smem:$0x3F9B]  }
0x39: {  	_ = 	snop;
	(pc) =	sbr.ind lr, $3  }
0x3a: {  	_ = 	snop  }
0x3b: {  	_ = 	snop  }
0x3c: {  	p2 =	seq.s32 s10, $0x1;
	s10 =	sld [smem:$0x3F9A]  }
0x3d: {  	_ =	shalt  }
0x3e: {  	_ =	shalt  }
0x3f: {  	_ =	shalt  }
0x40: {  	_ =	shalt  }
0x41: {  	_ =	shalt  }
0x42: {  	_ =	shalt  }
0x43: {  	_ =	shalt  }
0x44: {  	_ =	shalt  }
0x45: {  	_ =	shalt  }
0x46: {  	_ =	shalt  }
0x47: {  	_ =	shalt  }
0x48: {  	_ =	shalt  }
0x49: {  	_ =	shalt  }
0x4a: {  	_ =	shalt  }
0x4b: {  	_ =	shalt  }
0x4c: {  	_ =	shalt  }
0x4d: {  	_ =	shalt  }
0x4e: {  	_ =	shalt  }
0x4f: {  	_ =	shalt  }
0x50: {  	_ =	shalt  }
0x51: {  	_ =	shalt  }
0x52: {  	_ =	shalt  }
0x53: {  	_ =	shalt  }
0x54: {  	_ =	shalt  }
0x55: {  	_ =	shalt  }
0x56: {  	_ =	shalt  }
0x57: {  	_ =	shalt  }
0x58: {  	_ =	shalt  }
0x59: {  	_ =	shalt  }
0x5a: {  	_ =	shalt  }
0x5b: {  	_ =	shalt  }
0x5c: {  	_ =	shalt  }
0x5d: {  	_ =	shalt  }
0x5e: {  	_ =	shalt  }
0x5f: {  	_ =	shalt  }
0x60: {  	_ =	shalt  }
0x61: {  	_ =	shalt  }
0x62: {  	_ =	shalt  }
0x63: {  	_ =	shalt  }
0x64: {  	_ =	shalt  }
0x65: {  	_ =	shalt  }
0x66: {  	_ =	shalt  }
0x67: {  	_ =	shalt  }
0x68: {  	_ =	shalt  }
0x69: {  	_ =	shalt  }
0x6a: {  	_ =	shalt  }
0x6b: {  	_ =	shalt  }
0x6c: {  	_ =	shalt  }
0x6d: {  	_ =	shalt  }
0x6e: {  	_ =	shalt  }
0x6f: {  	_ =	shalt  }
0x70: {  	_ =	shalt  }
0x71: {  	_ =	shalt  }
0x72: {  	_ =	shalt  }
0x73: {  	_ =	shalt  }
0x74: {  	_ =	shalt  }
0x75: {  	_ =	shalt  }
0x76: {  	_ =	shalt  }
0x77: {  	_ =	shalt  }
0x78: {  	_ =	shalt  }
0x79: {  	_ =	shalt  }
0x7a: {  	_ =	shalt  }
0x7b: {  	_ =	shalt  }
0x7c: {  	_ =	shalt  }
0x7d: {  	_ =	shalt  }
0x7e: {  	_ =	shalt  }
0x7f: {  	_ =	shalt  }
0x80: {  	_ =	shalt  }
0x81: {  	_ =	shalt  }
0x82: {  	_ =	shalt  }
0x83: {  	_ =	shalt  }
0x84: {  	_ =	shalt  }
0x85: {  	_ =	shalt  }
0x86: {  	_ =	shalt  }
0x87: {  	_ =	shalt  }
.Lfunc_end0:
.L_simem_size_0:
called_computation_lowered:
.L_overlay_start_0:
0x88: {  	s2 =	sld [smem:$0x3FD9]  }
0x89: {  	s3 =	sld [smem:$0x3FFE];
	_ =	sdelay $0x1  }
0x8a: {  	s1 =	srdreg.scid  }
0x8b: {  	s0 =	sand.u32 $0x1, s1  }
0x8c: {  	s16 =	sshll.u32 s0, $0xA;
	s2 =	sadd.s32 s3, s2  }
0x8d: {  	s2 =	sadd.s32 s2, s16  }
0x8e: {  	[smem:$0x3FA6] =	sst s2  }
0x8f: {  	_ = 	snop  }
0x90: {  	(tm) =	ssettm $0x1  }
0x91: {  	s17 =	sld [smem:$0x3FFB];
	_ =	sdelay $0x3  }
0x92: {  	_ =	strace s17  }
0x93: {  	s2 =	sld [smem:$0x3FFC];
	_ =	sdelay $0x3  }
0x94: {  	_ =	strace s2  }
0x95: {  	s2 =	sld [smem:$0x3FFD];
	_ =	sdelay $0x3  }
0x96: {  	_ =	strace s2  }
0x97: {  	_ =	strace $0x8FFFFFFF  }
0x98: {  	s18 =	sld [smem:$0x3FDB];
	_ =	sdelay $0x1  }
0x99: {  	s19 =	simm.s32 $_scs_section_size  }
0x9a: {  	s4 =	simm.s32 $_size__tile_overlayer_lowered;
	s5 =	simm.s32 $_tile_overlayer_lowered  }
0x9b: {  	s22 =	simm.s32 $0x1BFF;
	s21 =	sshll.u32 s5, $0x1;
	s2 =	sadd.s32 s19, s18  }
0x9c: {  	s6 =	simm.s32 $0x0;
	s20 =	sshll.u32 s4, $0x1;
	s4 =	sadd.s32 s21, s2  }
0x9d: {  	[timem:s6], [sflag:s22] =	dma.local [hbm:s4], s20  }
0x9e: {  	_ =	swait.ge [sflag:s22], s20  }
0x9f: {  	s3 =	ssub.s32 $0x0, s20;
	[sflag:s22] =	ssyncset.done $0x0  }
0xa0: {  	[sflag:s22] =	ssyncadd.s32 s3;
	_ =	sdelay $0x1  }
0xa1: {  	s23 =	simm.s32 $0x1B8B  }
0xa2: {  	_ =	swait.ge [sflag:s23], $0x1  }
0xa3: {  	[sflag:s23] =	ssyncset.done $0x0  }
0xa4: {  	s25 =	simm.s32 $0x1B8E;
	s24 =	sld [smem:$0x3FFE];
	[sflag:s23] =	ssyncadd.s32 $0xFFFFFFFF  }
0xa5: {  	s26 =	simm.s32 $execute0_lowered;
	[smem:$0x3FD2] =	sst s25  }
0xa6: {  	s4 =	sshll.u32 s26, $0x1;
	_ =	strace $0x80000046;
	[dreg:$0x1] =	wrdreg $0xFFFFFFFF  }
0xa7: {  	s28 =	simm.s32 $_size_execute0_lowered;
	s2 =	sadd.s32 s2, s4;
	[dreg:$0x0] =	wrdreg $0x0  }
0xa8: {  	s4 =	sshll.u32 s28, $0x1;
	[dreg:$0x2] =	wrdreg s2  }
0xa9: {  	[dreg:$0x3] =	wrdreg s4  }
0xaa: {  	[dreg:$0x4] =	wrdreg $0xC0  }
0xab: {  	_ =	task [dreg:s6], $0x5FFFF  }
0xac: {  	[dreg:$0x1] =	wrdreg $0xFFFFFFFF  }
0xad: {  	[dreg:$0x0] =	wrdreg $0x60  }
0xae: {  	[dreg:$0x2] =	wrdreg s24  }
0xaf: {  	[dreg:$0x3] =	wrdreg $0x48800  }
0xb0: {  	[dreg:$0x4] =	wrdreg $0x9  }
0xb1: {  	_ =	task.clear_ibuf [dreg:s6], $0x5FFFF;
	_ =	strace $0x90000046  }
0xb2: {  	s29 =	simm.s32 $0x9;
	_ =	strace $0x80000048  }
0xb3: {  	_ =	swait.ge [sflag:s29], $0x1  }
0xb4: {  	[sflag:s29] =	ssyncadd.s32 $0xFFFFFFFF  }
0xb5: {  	_ =	strace $0x90000048  }
0xb6: {  	_ =	sfence  }
0xb7: {  	s30 =	sld [smem:$0x0];
	_ =	sdelay $0x2  }
0xb8: {  	s31 =	sshll.u32 s1, $0xD;
	s1 =	sshrl.u32 s1, $0x2  }
0xb9: {  	s3 =	sand.u32 $0x4000, s31;
	s1 =	sadd.s32 s1, s30  }
0xba: {  	s0 =	sor.u32 s3, s0;
	s1 =	sshll.u32 s1, $0x11  }
0xbb: {  	s0 =	sor.u32 s1, s0  }
0xbc: {  	s0 =	sadd.s32 $0x8F2B, s0  }
0xbd: {  	[sflag:s0] =	ssyncadd.remote.s32 $0x1  }
0xbe: {  	_ =	sfence.sel $0xFFFF  }
0xbf: {  	[dreg:$0x0] =	wrdreg $0xFFFFFFFF;
	(pc) =	sbr.abs _section_cstart, $3  }
0xc0: {  	[dreg:$0x1] =	wrdreg $0xFFFFFFFF  }
0xc1: {  	_ =	task.clear_ibuf [dreg:s6], $0x2FFFF;
	_ =	strace $0x9FFFFFFF  }
0xc2: {  	(tm) =	ssettm $0x7FFFFFFF  }
0xc3: {  	_ =	shalt  }
tec
execute0_lowered:
.L_overlay_start_1:
0x0: {  	(tag) =	ssettag $0x1  }
0x1: {  	s0 =	rddreg [dreg:$0x0]  }
0x2: {  	s1 =	rddreg [dreg:$0x1];
	s2 =	simm.s32 $0x0  }
0x3: {  	s3 =	srdreg.scid;
	s8 =	stileid.u32;
	s29 =	simm.s32 $0x200  }
0x4: {  	s30 =	simm.s32 $0x600;
	[smem:$0x7FF] =	sst s2;
	s4 =	sadd.s32 $0x25AE00, s0  }
0x5: {  	s5 =	sadd.s32 $0x165800, s0;
	s6 =	sadd.s32 $0x70200, s0;
	s31 =	smul.u32 $0x280, s8  }
0x6: {  	s3 =	sand.u32 $0x1, s3;
	s8 =	sadd.s32 $0x31E400, s0;
	_ =	strace $0x80000047  }
0x7: {  	s7 =	ssub.s32 $0x2, s3;
	p0 =	seq.s32 s3, $0x1;
	s19 =	sshll.u32 s3, $0x1  }
0x8: {  	s20 =	smul.u32 $0x3, s3;
	p1 =	seq.s32 s3, $0x0;
	s9 =	sshrl.u32 s7, $0x1  }
0x9: {  	[dreg:$0x4] =	wrdreg s19;
	s21 =	sor.u32 $0x10, s31;
	s22 =	sor.u32 $0x20, s31  }
0xa: {  	s10 =	sor.u32 $0x30, s31;
	s11 =	sor.u32 $0x40, s31;
	s12 =	sor.u32 $0x50, s31  }
0xb: {  	s13 =	sor.u32 $0x60, s31;
	s14 =	sor.u32 $0x70, s31;
	s15 =	sadd.s32 $0x80, s31  }
0xc: {  	s23 =	sadd.s32 $0x90, s31;
	s16 =	sadd.s32 $0xA0, s31;
	s17 =	sadd.s32 $0xB0, s31  }
0xd: {  	s18 =	sadd.s32 $0xC0, s31;
	s19 =	sadd.s32 $0xD0, s31;
	s3 =	sadd.s32 $0xE0, s31  }
0xe: {  	s25 =	sadd.s32 $0xF0, s31;
	s24 =	sadd.s32 $0x130, s31;
	[dreg:$0x3] =	wrdreg s31  }
0xf: {  	s26 =	sadd.s32 $0x160, s31;
	s28 =	sadd.s32 $0x260, s31;
	[dreg:$0x5] =	wrdreg s20  }
0x10: {  	v39 =	vlaneseq.u32;
	s9 =	ssub.s32 s7, s9;
	[dreg:$0x6] =	wrdreg s15;
	s20 =	sadd.s32 $0x100, s31  }
0x11: {  	v0 =	vor.u32 s21, v39;
	s21 =	sadd.s32 $0x140, s31;
	v3 =	vor.u32 s11, v39;
	v4 =	vor.u32 s12, v39;
	s11 =	sadd.s32 $0x150, s31;
	s12 =	sadd.s32 $0x170, s31  }
0x12: {  	v5 =	vor.u32 s13, v39;
	v6 =	vor.u32 s14, v39;
	s15 =	sadd.s32 $0x180, s31;
	s13 =	sadd.s32 $0x190, s31;
	s14 =	sadd.s32 $0x1A0, s31  }
0x13: {  	v1 =	vor.u32 s22, v39;
	v7 =	vor.u32 s23, v39;
	v10 =	vor.u32 s18, v39;
	s18 =	sadd.s32 $0x1B0, s31;
	s22 =	sadd.s32 $0x1C0, s31;
	s23 =	sadd.s32 $0x1D0, s31  }
0x14: {  	v12 =	vor.u32 s3, v39;
	v13 =	vor.u32 s25, v39;
	s25 =	sadd.s32 $0x1F0, s31;
	s3 =	sadd.s32 $0x200, s31;
	s7 =	sadd.s32 $0x210, s31  }
0x15: {  	v8 =	vor.u32 s16, v39;
	v16 =	vor.u32 s24, v39;
	s24 =	sadd.s32 $0x230, s31;
	v19 =	vor.u32 s26, v39;
	s26 =	sadd.s32 $0x240, s31;
	s16 =	simm.s32 $0x280  }
0x16: {  	v9 =	vor.u32 s17, v39;
	v11 =	vor.u32 s19, v39;
	s17 =	simm.s32 $0x80;
	s19 =	simm.s32 $0x800;
	v33 =	vor.u32 s28, v39;
	s28 =	simm.s32 $0x580  }
0x17: {  	v2 =	vor.u32 s10, v39;
	s10 =	simm.s32 $0x0;
	s0 =	smax.u32 s9, $0x1;
	[dreg:$0x8] =	wrdreg s20  }
0x18: {  	v40 =	vimm.f32 $0.0e+00;
	v35 =	vor.u32 s31, v39;
	s20 =	sadd.s32 $0x110, s31;
	s9 =	sadd.s32 $0x120, s31;
	v18 =	vor.u32 s11, v39;
	s11 =	sadd.s32 $0x250, s31  }
0x19: {  	v17 =	vor.u32 s21, v39;
	v22 =	vor.u32 s14, v39;
	s14 =	sadd.s32 $0x270, s31;
	v23 =	vor.u32 s18, v39;
	s18 =	simm.s32 $0x4800;
	s21 =	simm.s32 $0x400  }
0x1a: {  	v21 =	vor.u32 s13, v39;
	v24 =	vor.u32 s22, v39;
	v25 =	vor.u32 s23, v39;
	s22 =	simm.s32 $0x1;
	s23 =	simm.s32 $0x480;
	s13 =	rddreg [dreg:$0x6]  }
0x1b: {  	v20 =	vor.u32 s12, v39;
	v27 =	vor.u32 s25, v39;
	v30 =	vor.u32 s24, v39;
	s24 =	simm.s32 $0x100;
	s25 =	simm.s32 $0x500;
	[dreg:$0x9] =	wrdreg s15  }
0x1c: {  	v28 =	vor.u32 s7, v39;
	v31 =	vor.u32 s26, v39;
	s26 =	simm.s32 $0x180;
	s12 =	simm.s32 $0x700;
	v38 =	vor.u32 s15, v39;
	[dreg:$0xa] =	wrdreg s3  }
0x1d: {  	[dreg:$0x7] =	wrdreg s0;
	s0 =	sadd.s32 $0x1E0, s31;
	v14 =	vor.u32 s20, v39;
	v15 =	vor.u32 s9, v39;
	s9 =	sadd.s32 $0x220, s31;
	v32 =	vor.u32 s11, v39  }
0x1e: {  	s20 =	simm.s32 $0x2;
	v34 =	vor.u32 s14, v39;
	v36 =	vor.u32 s13, v39;
	s14 =	rddreg [dreg:$0x8];
	s31 =	simm.s32 $0x680;
	v26 =	vor.u32 s0, v39  }
0x1f: {  	v29 =	vor.u32 s9, v39;
	v37 =	vor.u32 s14, v39;
	s0 =	simm.s32 $0x300;
	v39 =	vor.u32 s3, v39;
	s3 =	simm.s32 $0x380;
	s9 =	simm.s32 $0x780  }
.LBB2_1:
0x20: {  	[dreg:$0xb] =	wrdreg s10;
	s10 =	simm.s32 $0x0  }
.LBB2_2:
0x21: {  	s7 =	simm.s32 $0x0;
	s11 =	simm.s32 $0x200  }
.LBB2_3:
0x22: {  	p2 =	sne.s32 s11, $0xFE00;
	[tilespmem:s7+$0x870] =	vst v40  }
0x23: {  	[tilespmem:s7+$0x800] =	vst v40  }
0x24: {  	[tilespmem:s7+$0x810] =	vst v40  }
.Ltmp0:
0x25: {  	[tilespmem:s7+$0x820] =	vst v40;
	(pc) =	sbr.rel @p2 .LBB2_3-.Ltmp0, $4  }
0x26: {  	[tilespmem:s7+$0x830] =	vst v40  }
0x27: {  	[tilespmem:s7+$0x840] =	vst v40  }
0x28: {  	[tilespmem:s7+$0x850] =	vst v40  }
0x29: {  	[tilespmem:s7+$0x860] =	vst v40;
	s7 =	sshra.s32 s11, $0x2;
	s11 =	sadd.s32 $0x200, s11  }
0x2a: {  	[tilespmem:s7+$0x870] =	vst v40  }
0x2b: {  	[tilespmem:s7+$0x800] =	vst v40  }
0x2c: {  	[tilespmem:s7+$0x810] =	vst v40  }
0x2d: {  	[tilespmem:s7+$0x820] =	vst v40  }
0x2e: {  	[tilespmem:s7+$0x830] =	vst v40  }
0x2f: {  	[tilespmem:s7+$0x840] =	vst v40  }
0x30: {  	[tilespmem:s7+$0x850] =	vst v40  }
0x31: {  	[tilespmem:s7+$0x860] =	vst v40  }
0x32: {  	[tilespmem:$0x4800] =	vst v35  }
0x33: {  	[tilespmem:$0x4810] =	vst v0  }
0x34: {  	[tilespmem:$0x4820] =	vst v1  }
0x35: {  	[tilespmem:$0x4830] =	vst v2  }
0x36: {  	[tilespmem:$0x4840] =	vst v3  }
0x37: {  	[tilespmem:$0x4850] =	vst v4  }
0x38: {  	[tilespmem:$0x4860] =	vst v5  }
0x39: {  	[tilespmem:$0x4870] =	vst v6  }
0x3a: {  	[spmem:s1] =	stream.indirect.scatter [tilespmem:s19], [sflag:$0x2], $0x80, s18, s17, $0xb8;
	[tilespmem:$0x18880] =	vst v63  }
0x3b: {  	_ =	swait.ge [sflag:s20], $0x4000  }
0x3c: {  	[sflag:s20] =	ssyncset.done $0x0  }
0x3d: {  	[sflag:s20] =	ssyncadd.s32 $0xFFFFC000  }
0x3e: {  	[tilespmem:$0x4800] =	vst v36  }
0x3f: {  	[tilespmem:$0x4810] =	vst v7  }
0x40: {  	[tilespmem:$0x4820] =	vst v8  }
0x41: {  	[tilespmem:$0x4830] =	vst v9  }
0x42: {  	[tilespmem:$0x4840] =	vst v10  }
0x43: {  	[tilespmem:$0x4850] =	vst v11  }
0x44: {  	[tilespmem:$0x4860] =	vst v12  }
0x45: {  	[tilespmem:$0x4870] =	vst v13  }
0x46: {  	[spmem:s1] =	stream.indirect.scatter [tilespmem:s19], [sflag:$0x2], $0x80, s18, s17, $0xb8;
	[tilespmem:$0x18880] =	vst v63  }
0x47: {  	_ =	swait.ge [sflag:s20], $0x4000  }
0x48: {  	[sflag:s20] =	ssyncset.done $0x0  }
0x49: {  	[sflag:s20] =	ssyncadd.s32 $0xFFFFC000  }
0x4a: {  	[tilespmem:$0x4800] =	vst v37  }
0x4b: {  	[tilespmem:$0x4810] =	vst v14  }
0x4c: {  	[tilespmem:$0x4820] =	vst v15  }
0x4d: {  	[tilespmem:$0x4830] =	vst v16  }
0x4e: {  	[tilespmem:$0x4840] =	vst v17  }
0x4f: {  	[tilespmem:$0x4850] =	vst v18  }
0x50: {  	[tilespmem:$0x4860] =	vst v19  }
0x51: {  	[tilespmem:$0x4870] =	vst v20  }
0x52: {  	[spmem:s1] =	stream.indirect.scatter [tilespmem:s19], [sflag:$0x2], $0x80, s18, s17, $0xb8;
	[tilespmem:$0x18880] =	vst v63  }
0x53: {  	_ =	swait.ge [sflag:s20], $0x4000  }
0x54: {  	[sflag:s20] =	ssyncset.done $0x0  }
0x55: {  	[sflag:s20] =	ssyncadd.s32 $0xFFFFC000  }
0x56: {  	[tilespmem:$0x4800] =	vst v38  }
0x57: {  	[tilespmem:$0x4810] =	vst v21  }
0x58: {  	[tilespmem:$0x4820] =	vst v22  }
0x59: {  	[tilespmem:$0x4830] =	vst v23  }
0x5a: {  	[tilespmem:$0x4840] =	vst v24  }
0x5b: {  	[tilespmem:$0x4850] =	vst v25  }
0x5c: {  	[tilespmem:$0x4860] =	vst v26  }
0x5d: {  	[tilespmem:$0x4870] =	vst v27  }
0x5e: {  	[spmem:s1] =	stream.indirect.scatter [tilespmem:s19], [sflag:$0x2], $0x80, s18, s17, $0xb8;
	[tilespmem:$0x18880] =	vst v63  }
0x5f: {  	_ =	swait.ge [sflag:s20], $0x4000  }
0x60: {  	s14 =	sadd.s32 $0xFFFFFFFD, s10;
	[sflag:s20] =	ssyncset.done $0x0  }
0x61: {  	s11 =	smin.u32 s10, s14;
	[sflag:s20] =	ssyncadd.s32 $0xFFFFC000  }
0x62: {  	p2 =	seq.s32 s11, $0x0;
	[tilespmem:$0x4800] =	vst v39  }
0x63: {  	p2 =	por !p2, !p0;
	[tilespmem:$0x4810] =	vst v28  }
0x64: {  	s7 =	simm.s32 $0x28;
	p3 =	por !p2, !p2;
	[tilespmem:$0x4820] =	vst v29  }
0x65: {  	s13 =	simm.s32 $0x5;
	p4 =	seq.s32 s11, $0x2;
	s7 =	simm.s32 @!p3 $0x50;
	[tilespmem:$0x4830] =	vst v30  }
0x66: {  	p2 =	sgt.u32 s10, $0x2;
	s14 =	smov.u32 s7;
	s15 =	rddreg [dreg:$0x4];
	[tilespmem:$0x4840] =	vst v31  }
0x67: {  	s13 =	simm.s32 @!p2 $0x0;
	s14 =	simm.s32 @p4 $0x28;
	s15 =	sadd.s32 s15, s11;
	[tilespmem:$0x4850] =	vst v32  }
0x68: {  	s7 =	smov.u32 @p1 s14;
	s14 =	simm.s32 $0x280;
	[tilespmem:$0x4860] =	vst v33;
	s13 =	sadd.s32 s13, s15  }
0x69: {  	s14 =	simm.s32 @!p3 $0x0;
	[tilespmem:$0x4870] =	vst v34;
	s13 =	smul.u32 $0x500, s13  }
0x6a: {  	[spmem:s1] =	stream.indirect.scatter [tilespmem:s19], [sflag:$0x2], $0x80, s18, s17, $0xb8;
	[tilespmem:$0x18880] =	vst v63  }
0x6b: {  	s15 =	stileid.u32;
	s13 =	sadd.s32 s14, s13;
	s14 =	sshrl.u32 s7, $0x3  }
0x6c: {  	s15 =	smul.u32 s15, s7;
	p4 =	sne.s32 s14, $0x1  }
.Ltmp1:
0x6d: {  	_ =	swait.ge [sflag:s20], $0x4000;
	(pc) =	sbr.rel @!p4 .LBB2_7-.Ltmp1, $4  }
0x6e: {  	[sflag:s20] =	ssyncset.done $0x0  }
0x6f: {  	[sflag:s20] =	ssyncadd.s32 $0xFFFFC000;
	s15 =	sadd.s32 s15, s13  }
0x70: {  	[bflag:$0x0] =	sbarrier.arrive $0xFFFF;
	s7 =	sshll.u32 s15, $0x4  }
0x71: {  	p3 =	por $0x0, $0x0;
	s13 =	sadd.s32 $0xFFFFFFFF, s14;
	s14 =	sand.u32 $0x1FFFFF80, s7  }
0x72: {  	s15 =	sadd.s32 s5, s14  }
0x73: {  	[tilespmem:s2], [sflag:$0x2] =	stream.linear.gather [hbm4b:s15+s2], $0x400, $0x38;
	[tilespmem:$0x18880] =	vst v63  }
0x74: {  	_ =	swait.ge [sflag:s20], $0x400  }
0x75: {  	[sflag:s20] =	ssyncset.done $0x0  }
0x76: {  	s15 =	sadd.s32 s6, s14;
	[sflag:s20] =	ssyncadd.s32 $0xFFFFFC00  }
0x77: {  	[tilespmem:s21], [sflag:$0x2] =	stream.linear.gather [hbm4b:s15+s2], $0x400, $0x38;
	[tilespmem:$0x18880] =	vst v63  }
0x78: {  	_ =	swait.ge [sflag:s20], $0x400  }
0x79: {  	[sflag:s20] =	ssyncset.done $0x0  }
0x7a: {  	[sflag:s20] =	ssyncadd.s32 $0xFFFFFC00  }
0x7b: {  	[tilespmem:s19], [sflag:$0x1] =	stream.indirect.gather [hbm4b:s4+s17], $0x80, s2, s17, $0xb8;
	[tilespmem:$0x18880] =	vst v63  }
0x7c: {  	_ =	swait.ge [sflag:s22], $0x4000  }
0x7d: {  	[sflag:s22] =	ssyncset.done $0x0  }
0x7e: {  	[sflag:s22] =	ssyncadd.s32 $0xFFFFC000  }
0x7f: {  	[spmem:s1] =	stream.indirect.scatter.add.f32 [tilespmem:s19], [sflag:$0x2], $0x80, s21, s17, $0xb8;
	[tilespmem:$0x18880] =	vst v63  }
0x80: {  	_ =	swait.ge [sflag:s20], $0x4000  }
0x81: {  	[sflag:s20] =	ssyncset.done $0x0  }
0x82: {  	[sflag:s20] =	ssyncadd.s32 $0xFFFFC000  }
0x83: {  	[tilespmem:s19], [sflag:$0x1] =	stream.indirect.gather [hbm4b:s4+s17], $0x80, s17, s17, $0xb8;
	[tilespmem:$0x18880] =	vst v63  }
0x84: {  	_ =	swait.ge [sflag:s22], $0x4000  }
0x85: {  	[sflag:s22] =	ssyncset.done $0x0  }
0x86: {  	[sflag:s22] =	ssyncadd.s32 $0xFFFFC000  }
0x87: {  	[spmem:s1] =	stream.indirect.scatter.add.f32 [tilespmem:s19], [sflag:$0x2], $0x80, s23, s17, $0xb8;
	[tilespmem:$0x18880] =	vst v63  }
0x88: {  	_ =	swait.ge [sflag:s20], $0x4000  }
0x89: {  	[sflag:s20] =	ssyncset.done $0x0  }
0x8a: {  	[sflag:s20] =	ssyncadd.s32 $0xFFFFC000  }
0x8b: {  	[tilespmem:s19], [sflag:$0x1] =	stream.indirect.gather [hbm4b:s4+s17], $0x80, s24, s17, $0xb8;
	[tilespmem:$0x18880] =	vst v63  }
0x8c: {  	_ =	swait.ge [sflag:s22], $0x4000  }
0x8d: {  	[sflag:s22] =	ssyncset.done $0x0  }
0x8e: {  	[sflag:s22] =	ssyncadd.s32 $0xFFFFC000  }
0x8f: {  	[spmem:s1] =	stream.indirect.scatter.add.f32 [tilespmem:s19], [sflag:$0x2], $0x80, s25, s17, $0xb8;
	[tilespmem:$0x18880] =	vst v63  }
0x90: {  	_ =	swait.ge [sflag:s20], $0x4000  }
0x91: {  	[sflag:s20] =	ssyncset.done $0x0  }
0x92: {  	[sflag:s20] =	ssyncadd.s32 $0xFFFFC000  }
0x93: {  	[tilespmem:s19], [sflag:$0x1] =	stream.indirect.gather [hbm4b:s4+s17], $0x80, s26, s17, $0xb8;
	[tilespmem:$0x18880] =	vst v63  }
0x94: {  	_ =	swait.ge [sflag:s22], $0x4000  }
0x95: {  	[sflag:s22] =	ssyncset.done $0x0  }
0x96: {  	[sflag:s22] =	ssyncadd.s32 $0xFFFFC000  }
0x97: {  	[spmem:s1] =	stream.indirect.scatter.add.f32 [tilespmem:s19], [sflag:$0x2], $0x80, s28, s17, $0xb8;
	[tilespmem:$0x18880] =	vst v63  }
0x98: {  	_ =	swait.ge [sflag:s20], $0x4000  }
0x99: {  	[sflag:s20] =	ssyncset.done $0x0  }
0x9a: {  	[sflag:s20] =	ssyncadd.s32 $0xFFFFC000  }
0x9b: {  	[tilespmem:s19], [sflag:$0x1] =	stream.indirect.gather [hbm4b:s4+s17], $0x80, s29, s17, $0xb8;
	[tilespmem:$0x18880] =	vst v63  }
0x9c: {  	_ =	swait.ge [sflag:s22], $0x4000  }
0x9d: {  	[sflag:s22] =	ssyncset.done $0x0  }
0x9e: {  	[sflag:s22] =	ssyncadd.s32 $0xFFFFC000  }
0x9f: {  	[spmem:s1] =	stream.indirect.scatter.add.f32 [tilespmem:s19], [sflag:$0x2], $0x80, s30, s17, $0xb8;
	[tilespmem:$0x18880] =	vst v63  }
0xa0: {  	_ =	swait.ge [sflag:s20], $0x4000  }
0xa1: {  	[sflag:s20] =	ssyncset.done $0x0  }
0xa2: {  	[sflag:s20] =	ssyncadd.s32 $0xFFFFC000  }
0xa3: {  	[tilespmem:s19], [sflag:$0x1] =	stream.indirect.gather [hbm4b:s4+s17], $0x80, s16, s17, $0xb8;
	[tilespmem:$0x18880] =	vst v63  }
0xa4: {  	_ =	swait.ge [sflag:s22], $0x4000  }
0xa5: {  	[sflag:s22] =	ssyncset.done $0x0  }
0xa6: {  	[sflag:s22] =	ssyncadd.s32 $0xFFFFC000  }
0xa7: {  	[spmem:s1] =	stream.indirect.scatter.add.f32 [tilespmem:s19], [sflag:$0x2], $0x80, s31, s17, $0xb8;
	[tilespmem:$0x18880] =	vst v63  }
0xa8: {  	_ =	swait.ge [sflag:s20], $0x4000  }
0xa9: {  	[sflag:s20] =	ssyncset.done $0x0  }
0xaa: {  	[sflag:s20] =	ssyncadd.s32 $0xFFFFC000  }
0xab: {  	[tilespmem:s19], [sflag:$0x1] =	stream.indirect.gather [hbm4b:s4+s17], $0x80, s0, s17, $0xb8;
	[tilespmem:$0x18880] =	vst v63  }
0xac: {  	_ =	swait.ge [sflag:s22], $0x4000  }
0xad: {  	[sflag:s22] =	ssyncset.done $0x0  }
0xae: {  	[sflag:s22] =	ssyncadd.s32 $0xFFFFC000  }
0xaf: {  	[spmem:s1] =	stream.indirect.scatter.add.f32 [tilespmem:s19], [sflag:$0x2], $0x80, s12, s17, $0xb8;
	[tilespmem:$0x18880] =	vst v63  }
0xb0: {  	_ =	swait.ge [sflag:s20], $0x4000  }
0xb1: {  	[sflag:s20] =	ssyncset.done $0x0  }
0xb2: {  	[sflag:s20] =	ssyncadd.s32 $0xFFFFC000  }
0xb3: {  	[tilespmem:s19], [sflag:$0x1] =	stream.indirect.gather [hbm4b:s4+s17], $0x80, s3, s17, $0xb8;
	[tilespmem:$0x18880] =	vst v63  }
0xb4: {  	p4 =	sne.s32 s13, $0x1;
	_ =	swait.ge [sflag:s22], $0x4000  }
.Ltmp2:
0xb5: {  	[sflag:s22] =	ssyncset.done $0x0;
	(pc) =	sbr.rel @!p4 .LBB2_7-.Ltmp2, $4  }
0xb6: {  	[sflag:s22] =	ssyncadd.s32 $0xFFFFC000  }
0xb7: {  	[spmem:s1] =	stream.indirect.scatter.add.f32 [tilespmem:s19], [sflag:$0x2], $0x80, s9, s17, $0xb8;
	[tilespmem:$0x18880] =	vst v63  }
0xb8: {  	s13 =	sadd.s32 $0xFFFFFFFF, s13;
	s7 =	sadd.s32 $0x80, s7;
	_ =	swait.ge [sflag:s20], $0x4000  }
0xb9: {  	p3 =	por $0x1, $0x1;
	s14 =	sand.u32 $0x1FFFFF80, s7;
	[sflag:s20] =	ssyncset.done $0x0  }
.LBB2_6:
0xba: {  	p4 =	sne.s32 s13, $0x1;
	s15 =	sadd.s32 s5, s14;
	[sflag:s20] =	ssyncadd.s32 $0xFFFFC000  }
0xbb: {  	[tilespmem:s2], [sflag:$0x2] =	stream.linear.gather [hbm4b:s15+s2], $0x400, $0x38;
	[tilespmem:$0x18880] =	vst v63  }
0xbc: {  	s13 =	sadd.s32 $0xFFFFFFFF, s13;
	_ =	swait.ge [sflag:s20], $0x400  }
0xbd: {  	[sflag:s20] =	ssyncset.done $0x0  }
0xbe: {  	s14 =	sadd.s32 s6, s14;
	[sflag:s20] =	ssyncadd.s32 $0xFFFFFC00  }
0xbf: {  	[tilespmem:s21], [sflag:$0x2] =	stream.linear.gather [hbm4b:s14+s2], $0x400, $0x38;
	[tilespmem:$0x18880] =	vst v63  }
0xc0: {  	_ =	swait.ge [sflag:s20], $0x400  }
0xc1: {  	[sflag:s20] =	ssyncset.done $0x0  }
0xc2: {  	[sflag:s20] =	ssyncadd.s32 $0xFFFFFC00  }
0xc3: {  	[tilespmem:s19], [sflag:$0x1] =	stream.indirect.gather [hbm4b:s4+s17], $0x80, s2, s17, $0xb8;
	[tilespmem:$0x18880] =	vst v63  }
0xc4: {  	_ =	swait.ge [sflag:s22], $0x4000  }
0xc5: {  	[sflag:s22] =	ssyncset.done $0x0  }
0xc6: {  	[sflag:s22] =	ssyncadd.s32 $0xFFFFC000  }
0xc7: {  	[spmem:s1] =	stream.indirect.scatter.add.f32 [tilespmem:s19], [sflag:$0x2], $0x80, s21, s17, $0xb8;
	[tilespmem:$0x18880] =	vst v63  }
0xc8: {  	_ =	swait.ge [sflag:s20], $0x4000  }
0xc9: {  	[sflag:s20] =	ssyncset.done $0x0  }
0xca: {  	[sflag:s20] =	ssyncadd.s32 $0xFFFFC000  }
0xcb: {  	[tilespmem:s19], [sflag:$0x1] =	stream.indirect.gather [hbm4b:s4+s17], $0x80, s17, s17, $0xb8;
	[tilespmem:$0x18880] =	vst v63  }
0xcc: {  	_ =	swait.ge [sflag:s22], $0x4000  }
0xcd: {  	[sflag:s22] =	ssyncset.done $0x0  }
0xce: {  	[sflag:s22] =	ssyncadd.s32 $0xFFFFC000  }
0xcf: {  	[spmem:s1] =	stream.indirect.scatter.add.f32 [tilespmem:s19], [sflag:$0x2], $0x80, s23, s17, $0xb8;
	[tilespmem:$0x18880] =	vst v63  }
0xd0: {  	_ =	swait.ge [sflag:s20], $0x4000  }
0xd1: {  	[sflag:s20] =	ssyncset.done $0x0  }
0xd2: {  	[sflag:s20] =	ssyncadd.s32 $0xFFFFC000  }
0xd3: {  	[tilespmem:s19], [sflag:$0x1] =	stream.indirect.gather [hbm4b:s4+s17], $0x80, s24, s17, $0xb8;
	[tilespmem:$0x18880] =	vst v63  }
0xd4: {  	_ =	swait.ge [sflag:s22], $0x4000  }
0xd5: {  	[sflag:s22] =	ssyncset.done $0x0  }
0xd6: {  	[sflag:s22] =	ssyncadd.s32 $0xFFFFC000  }
0xd7: {  	[spmem:s1] =	stream.indirect.scatter.add.f32 [tilespmem:s19], [sflag:$0x2], $0x80, s25, s17, $0xb8;
	[tilespmem:$0x18880] =	vst v63  }
0xd8: {  	_ =	swait.ge [sflag:s20], $0x4000  }
0xd9: {  	[sflag:s20] =	ssyncset.done $0x0  }
0xda: {  	[sflag:s20] =	ssyncadd.s32 $0xFFFFC000  }
0xdb: {  	[tilespmem:s19], [sflag:$0x1] =	stream.indirect.gather [hbm4b:s4+s17], $0x80, s26, s17, $0xb8;
	[tilespmem:$0x18880] =	vst v63  }
0xdc: {  	_ =	swait.ge [sflag:s22], $0x4000  }
0xdd: {  	[sflag:s22] =	ssyncset.done $0x0  }
0xde: {  	[sflag:s22] =	ssyncadd.s32 $0xFFFFC000  }
0xdf: {  	[spmem:s1] =	stream.indirect.scatter.add.f32 [tilespmem:s19], [sflag:$0x2], $0x80, s28, s17, $0xb8;
	[tilespmem:$0x18880] =	vst v63  }
0xe0: {  	_ =	swait.ge [sflag:s20], $0x4000  }
0xe1: {  	[sflag:s20] =	ssyncset.done $0x0  }
0xe2: {  	[sflag:s20] =	ssyncadd.s32 $0xFFFFC000  }
0xe3: {  	[tilespmem:s19], [sflag:$0x1] =	stream.indirect.gather [hbm4b:s4+s17], $0x80, s29, s17, $0xb8;
	[tilespmem:$0x18880] =	vst v63  }
0xe4: {  	_ =	swait.ge [sflag:s22], $0x4000  }
0xe5: {  	[sflag:s22] =	ssyncset.done $0x0  }
0xe6: {  	[sflag:s22] =	ssyncadd.s32 $0xFFFFC000  }
0xe7: {  	[spmem:s1] =	stream.indirect.scatter.add.f32 [tilespmem:s19], [sflag:$0x2], $0x80, s30, s17, $0xb8;
	[tilespmem:$0x18880] =	vst v63  }
0xe8: {  	_ =	swait.ge [sflag:s20], $0x4000  }
0xe9: {  	[sflag:s20] =	ssyncset.done $0x0  }
0xea: {  	[sflag:s20] =	ssyncadd.s32 $0xFFFFC000  }
0xeb: {  	[tilespmem:s19], [sflag:$0x1] =	stream.indirect.gather [hbm4b:s4+s17], $0x80, s16, s17, $0xb8;
	[tilespmem:$0x18880] =	vst v63  }
0xec: {  	_ =	swait.ge [sflag:s22], $0x4000  }
0xed: {  	[sflag:s22] =	ssyncset.done $0x0  }
0xee: {  	[sflag:s22] =	ssyncadd.s32 $0xFFFFC000  }
0xef: {  	[spmem:s1] =	stream.indirect.scatter.add.f32 [tilespmem:s19], [sflag:$0x2], $0x80, s31, s17, $0xb8;
	[tilespmem:$0x18880] =	vst v63  }
0xf0: {  	_ =	swait.ge [sflag:s20], $0x4000  }
0xf1: {  	[sflag:s20] =	ssyncset.done $0x0  }
0xf2: {  	[sflag:s20] =	ssyncadd.s32 $0xFFFFC000  }
0xf3: {  	[tilespmem:s19], [sflag:$0x1] =	stream.indirect.gather [hbm4b:s4+s17], $0x80, s0, s17, $0xb8;
	[tilespmem:$0x18880] =	vst v63  }
0xf4: {  	_ =	swait.ge [sflag:s22], $0x4000  }
0xf5: {  	[sflag:s22] =	ssyncset.done $0x0  }
0xf6: {  	[sflag:s22] =	ssyncadd.s32 $0xFFFFC000  }
0xf7: {  	[spmem:s1] =	stream.indirect.scatter.add.f32 [tilespmem:s19], [sflag:$0x2], $0x80, s12, s17, $0xb8;
	[tilespmem:$0x18880] =	vst v63  }
0xf8: {  	_ =	swait.ge [sflag:s20], $0x4000  }
0xf9: {  	[sflag:s20] =	ssyncset.done $0x0  }
0xfa: {  	[sflag:s20] =	ssyncadd.s32 $0xFFFFC000  }
0xfb: {  	[tilespmem:s19], [sflag:$0x1] =	stream.indirect.gather [hbm4b:s4+s17], $0x80, s3, s17, $0xb8;
	[tilespmem:$0x18880] =	vst v63  }
0xfc: {  	_ =	swait.ge [sflag:s22], $0x4000  }
.Ltmp3:
0xfd: {  	[sflag:s22] =	ssyncset.done $0x0;
	(pc) =	sbr.rel @p4 .LBB2_6-.Ltmp3, $4  }
0xfe: {  	[sflag:s22] =	ssyncadd.s32 $0xFFFFC000  }
0xff: {  	[spmem:s1] =	stream.indirect.scatter.add.f32 [tilespmem:s19], [sflag:$0x2], $0x80, s9, s17, $0xb8;
	[tilespmem:$0x18880] =	vst v63  }
0x100: {  	s7 =	sadd.s32 $0x80, s7;
	_ =	swait.ge [sflag:s20], $0x4000  }
0x101: {  	s14 =	sand.u32 $0x1FFFFF80, s7;
	[sflag:s20] =	ssyncset.done $0x0  }
.LBB2_7:
0x102: {  	s7 =	sadd.s32 s5, s14;
	[sflag:s20] =	ssyncadd.s32 @p3 $0xFFFFC000  }
0x103: {  	[tilespmem:s2], [sflag:$0x2] =	stream.linear.gather [hbm4b:s7+s2], $0x400, $0x38;
	[tilespmem:$0x18880] =	vst v63  }
0x104: {  	_ =	swait.ge [sflag:s20], $0x400  }
0x105: {  	[sflag:s20] =	ssyncset.done $0x0  }
0x106: {  	s13 =	sadd.s32 s6, s14;
	[sflag:s20] =	ssyncadd.s32 $0xFFFFFC00  }
0x107: {  	[tilespmem:s21], [sflag:$0x2] =	stream.linear.gather [hbm4b:s13+s2], $0x400, $0x38;
	[tilespmem:$0x18880] =	vst v63  }
0x108: {  	_ =	swait.ge [sflag:s20], $0x400  }
0x109: {  	[sflag:s20] =	ssyncset.done $0x0  }
0x10a: {  	[sflag:s20] =	ssyncadd.s32 $0xFFFFFC00  }
0x10b: {  	[tilespmem:s19], [sflag:$0x1] =	stream.indirect.gather [hbm4b:s4+s17], $0x80, s2, s17, $0xb8;
	[tilespmem:$0x18880] =	vst v63  }
0x10c: {  	_ =	swait.ge [sflag:s22], $0x4000  }
0x10d: {  	[sflag:s22] =	ssyncset.done $0x0  }
0x10e: {  	[sflag:s22] =	ssyncadd.s32 $0xFFFFC000  }
0x10f: {  	[spmem:s1] =	stream.indirect.scatter.add.f32 [tilespmem:s19], [sflag:$0x2], $0x80, s21, s17, $0xb8;
	[tilespmem:$0x18880] =	vst v63  }
0x110: {  	_ =	swait.ge [sflag:s20], $0x4000  }
0x111: {  	[sflag:s20] =	ssyncset.done $0x0  }
0x112: {  	[sflag:s20] =	ssyncadd.s32 $0xFFFFC000  }
0x113: {  	[tilespmem:s19], [sflag:$0x1] =	stream.indirect.gather [hbm4b:s4+s17], $0x80, s17, s17, $0xb8;
	[tilespmem:$0x18880] =	vst v63  }
0x114: {  	_ =	swait.ge [sflag:s22], $0x4000  }
0x115: {  	[sflag:s22] =	ssyncset.done $0x0  }
0x116: {  	[sflag:s22] =	ssyncadd.s32 $0xFFFFC000  }
0x117: {  	[spmem:s1] =	stream.indirect.scatter.add.f32 [tilespmem:s19], [sflag:$0x2], $0x80, s23, s17, $0xb8;
	[tilespmem:$0x18880] =	vst v63  }
0x118: {  	_ =	swait.ge [sflag:s20], $0x4000  }
0x119: {  	[sflag:s20] =	ssyncset.done $0x0  }
0x11a: {  	[sflag:s20] =	ssyncadd.s32 $0xFFFFC000  }
0x11b: {  	[tilespmem:s19], [sflag:$0x1] =	stream.indirect.gather [hbm4b:s4+s17], $0x80, s24, s17, $0xb8;
	[tilespmem:$0x18880] =	vst v63  }
0x11c: {  	_ =	swait.ge [sflag:s22], $0x4000  }
0x11d: {  	[sflag:s22] =	ssyncset.done $0x0  }
0x11e: {  	[sflag:s22] =	ssyncadd.s32 $0xFFFFC000  }
0x11f: {  	[spmem:s1] =	stream.indirect.scatter.add.f32 [tilespmem:s19], [sflag:$0x2], $0x80, s25, s17, $0xb8;
	[tilespmem:$0x18880] =	vst v63  }
0x120: {  	_ =	swait.ge [sflag:s20], $0x4000  }
0x121: {  	[sflag:s20] =	ssyncset.done $0x0  }
0x122: {  	[sflag:s20] =	ssyncadd.s32 $0xFFFFC000  }
0x123: {  	[tilespmem:s19], [sflag:$0x1] =	stream.indirect.gather [hbm4b:s4+s17], $0x80, s26, s17, $0xb8;
	[tilespmem:$0x18880] =	vst v63  }
0x124: {  	_ =	swait.ge [sflag:s22], $0x4000  }
0x125: {  	[sflag:s22] =	ssyncset.done $0x0  }
0x126: {  	[sflag:s22] =	ssyncadd.s32 $0xFFFFC000  }
0x127: {  	[spmem:s1] =	stream.indirect.scatter.add.f32 [tilespmem:s19], [sflag:$0x2], $0x80, s28, s17, $0xb8;
	[tilespmem:$0x18880] =	vst v63  }
0x128: {  	_ =	swait.ge [sflag:s20], $0x4000  }
0x129: {  	[sflag:s20] =	ssyncset.done $0x0  }
0x12a: {  	[sflag:s20] =	ssyncadd.s32 $0xFFFFC000  }
0x12b: {  	[tilespmem:s19], [sflag:$0x1] =	stream.indirect.gather [hbm4b:s4+s17], $0x80, s29, s17, $0xb8;
	[tilespmem:$0x18880] =	vst v63  }
0x12c: {  	_ =	swait.ge [sflag:s22], $0x4000  }
0x12d: {  	[sflag:s22] =	ssyncset.done $0x0  }
0x12e: {  	[sflag:s22] =	ssyncadd.s32 $0xFFFFC000  }
0x12f: {  	[spmem:s1] =	stream.indirect.scatter.add.f32 [tilespmem:s19], [sflag:$0x2], $0x80, s30, s17, $0xb8;
	[tilespmem:$0x18880] =	vst v63  }
0x130: {  	_ =	swait.ge [sflag:s20], $0x4000  }
0x131: {  	[sflag:s20] =	ssyncset.done $0x0  }
0x132: {  	[sflag:s20] =	ssyncadd.s32 $0xFFFFC000  }
0x133: {  	[tilespmem:s19], [sflag:$0x1] =	stream.indirect.gather [hbm4b:s4+s17], $0x80, s16, s17, $0xb8;
	[tilespmem:$0x18880] =	vst v63  }
0x134: {  	_ =	swait.ge [sflag:s22], $0x4000  }
0x135: {  	[sflag:s22] =	ssyncset.done $0x0  }
0x136: {  	[sflag:s22] =	ssyncadd.s32 $0xFFFFC000  }
0x137: {  	[spmem:s1] =	stream.indirect.scatter.add.f32 [tilespmem:s19], [sflag:$0x2], $0x80, s31, s17, $0xb8;
	[tilespmem:$0x18880] =	vst v63  }
0x138: {  	_ =	swait.ge [sflag:s20], $0x4000  }
0x139: {  	[sflag:s20] =	ssyncset.done $0x0  }
0x13a: {  	[sflag:s20] =	ssyncadd.s32 $0xFFFFC000  }
0x13b: {  	[tilespmem:s19], [sflag:$0x1] =	stream.indirect.gather [hbm4b:s4+s17], $0x80, s0, s17, $0xb8;
	[tilespmem:$0x18880] =	vst v63  }
0x13c: {  	_ =	swait.ge [sflag:s22], $0x4000  }
0x13d: {  	[sflag:s22] =	ssyncset.done $0x0  }
0x13e: {  	[sflag:s22] =	ssyncadd.s32 $0xFFFFC000  }
0x13f: {  	[spmem:s1] =	stream.indirect.scatter.add.f32 [tilespmem:s19], [sflag:$0x2], $0x80, s12, s17, $0xb8;
	[tilespmem:$0x18880] =	vst v63  }
0x140: {  	_ =	swait.ge [sflag:s20], $0x4000  }
0x141: {  	[sflag:s20] =	ssyncset.done $0x0  }
0x142: {  	[sflag:s20] =	ssyncadd.s32 $0xFFFFC000  }
0x143: {  	[tilespmem:s19], [sflag:$0x1] =	stream.indirect.gather [hbm4b:s4+s17], $0x80, s3, s17, $0xb8;
	[tilespmem:$0x18880] =	vst v63  }
0x144: {  	_ =	swait.ge [sflag:s22], $0x4000  }
0x145: {  	[sflag:s22] =	ssyncset.done $0x0  }
0x146: {  	[sflag:s22] =	ssyncadd.s32 $0xFFFFC000  }
0x147: {  	[spmem:s1] =	stream.indirect.scatter.add.f32 [tilespmem:s19], [sflag:$0x2], $0x80, s9, s17, $0xb8;
	[tilespmem:$0x18880] =	vst v63  }
0x148: {  	_ =	swait.ge [sflag:s20], $0x4000  }
0x149: {  	[sflag:s20] =	ssyncset.done $0x0  }
0x14a: {  	[sflag:s20] =	ssyncadd.s32 $0xFFFFC000  }
0x14b: {  	[bflag:$0x0] =	sbarrier.arrive $0xFFFF  }
0x14c: {  	[tilespmem:$0x4800] =	vst v35  }
0x14d: {  	[tilespmem:$0x4810] =	vst v0  }
0x14e: {  	[tilespmem:$0x4820] =	vst v1  }
0x14f: {  	[tilespmem:$0x4830] =	vst v2  }
0x150: {  	[tilespmem:$0x4840] =	vst v3  }
0x151: {  	[tilespmem:$0x4850] =	vst v4  }
0x152: {  	s7 =	simm.s32 $0x6;
	s13 =	rddreg [dreg:$0x5];
	[tilespmem:$0x4860] =	vst v5  }
0x153: {  	s7 =	simm.s32 @!p2 $0x0;
	[tilespmem:$0x4870] =	vst v6;
	s11 =	sadd.s32 s13, s11  }
0x154: {  	[tilespmem:s19], [sflag:$0x2] =	stream.indirect.gather [spmem:s1], $0x80, s18, s17, $0xb8;
	[tilespmem:$0x18880] =	vst v63  }
0x155: {  	s7 =	sadd.s32 s7, s11  }
0x156: {  	_ =	swait.ge [sflag:s20], $0x4000;
	s7 =	smul.u32 $0x2800, s7  }
0x157: {  	s14 =	rddreg [dreg:$0x3]  }
0x158: {  	s11 =	sadd.s32 s14, s7  }
0x159: {  	[sflag:s20] =	ssyncset.done $0x0;
	s11 =	sshll.u32 s11, $0x4  }
0x15a: {  	[sflag:s20] =	ssyncadd.s32 $0xFFFFC000;
	s11 =	sadd.s32 s8, s11  }
0x15b: {  	[hbm4b:s11+s2] =	stream.linear.scatter [tilespmem:s19], [sflag:$0x2], $0x4000, $0x38;
	[tilespmem:$0x18880] =	vst v63  }
0x15c: {  	_ =	swait.ge [sflag:s20], $0x4000  }
0x15d: {  	[sflag:s20] =	ssyncset.done $0x0  }
0x15e: {  	[sflag:s20] =	ssyncadd.s32 $0xFFFFC000  }
0x15f: {  	[tilespmem:$0x4800] =	vst v36  }
0x160: {  	[tilespmem:$0x4810] =	vst v7  }
0x161: {  	[tilespmem:$0x4820] =	vst v8  }
0x162: {  	[tilespmem:$0x4830] =	vst v9  }
0x163: {  	[tilespmem:$0x4840] =	vst v10  }
0x164: {  	[tilespmem:$0x4850] =	vst v11  }
0x165: {  	[tilespmem:$0x4860] =	vst v12  }
0x166: {  	[tilespmem:$0x4870] =	vst v13  }
0x167: {  	[tilespmem:s19], [sflag:$0x2] =	stream.indirect.gather [spmem:s1], $0x80, s18, s17, $0xb8;
	[tilespmem:$0x18880] =	vst v63  }
0x168: {  	_ =	swait.ge [sflag:s20], $0x4000  }
0x169: {  	s15 =	rddreg [dreg:$0x6]  }
0x16a: {  	s11 =	sadd.s32 s15, s7  }
0x16b: {  	[sflag:s20] =	ssyncset.done $0x0;
	s11 =	sshll.u32 s11, $0x4  }
0x16c: {  	[sflag:s20] =	ssyncadd.s32 $0xFFFFC000;
	s11 =	sadd.s32 s8, s11  }
0x16d: {  	[hbm4b:s11+s2] =	stream.linear.scatter [tilespmem:s19], [sflag:$0x2], $0x4000, $0x38;
	[tilespmem:$0x18880] =	vst v63  }
0x16e: {  	_ =	swait.ge [sflag:s20], $0x4000  }
0x16f: {  	[sflag:s20] =	ssyncset.done $0x0  }
0x170: {  	[sflag:s20] =	ssyncadd.s32 $0xFFFFC000  }
0x171: {  	[tilespmem:$0x4800] =	vst v37  }
0x172: {  	[tilespmem:$0x4810] =	vst v14  }
0x173: {  	[tilespmem:$0x4820] =	vst v15  }
0x174: {  	[tilespmem:$0x4830] =	vst v16  }
0x175: {  	[tilespmem:$0x4840] =	vst v17  }
0x176: {  	[tilespmem:$0x4850] =	vst v18  }
0x177: {  	[tilespmem:$0x4860] =	vst v19  }
0x178: {  	[tilespmem:$0x4870] =	vst v20  }
0x179: {  	[tilespmem:s19], [sflag:$0x2] =	stream.indirect.gather [spmem:s1], $0x80, s18, s17, $0xb8;
	[tilespmem:$0x18880] =	vst v63  }
0x17a: {  	_ =	swait.ge [sflag:s20], $0x4000  }
0x17b: {  	s13 =	rddreg [dreg:$0x8]  }
0x17c: {  	s11 =	sadd.s32 s13, s7  }
0x17d: {  	[sflag:s20] =	ssyncset.done $0x0;
	s11 =	sshll.u32 s11, $0x4  }
0x17e: {  	[sflag:s20] =	ssyncadd.s32 $0xFFFFC000;
	s11 =	sadd.s32 s8, s11  }
0x17f: {  	[hbm4b:s11+s2] =	stream.linear.scatter [tilespmem:s19], [sflag:$0x2], $0x4000, $0x38;
	[tilespmem:$0x18880] =	vst v63  }
0x180: {  	_ =	swait.ge [sflag:s20], $0x4000  }
0x181: {  	[sflag:s20] =	ssyncset.done $0x0  }
0x182: {  	[sflag:s20] =	ssyncadd.s32 $0xFFFFC000  }
0x183: {  	[tilespmem:$0x4800] =	vst v38  }
0x184: {  	[tilespmem:$0x4810] =	vst v21  }
0x185: {  	[tilespmem:$0x4820] =	vst v22  }
0x186: {  	[tilespmem:$0x4830] =	vst v23  }
0x187: {  	[tilespmem:$0x4840] =	vst v24  }
0x188: {  	[tilespmem:$0x4850] =	vst v25  }
0x189: {  	[tilespmem:$0x4860] =	vst v26  }
0x18a: {  	[tilespmem:$0x4870] =	vst v27  }
0x18b: {  	[tilespmem:s19], [sflag:$0x2] =	stream.indirect.gather [spmem:s1], $0x80, s18, s17, $0xb8;
	[tilespmem:$0x18880] =	vst v63  }
0x18c: {  	_ =	swait.ge [sflag:s20], $0x4000  }
0x18d: {  	s14 =	rddreg [dreg:$0x9]  }
0x18e: {  	s11 =	sadd.s32 s14, s7  }
0x18f: {  	[sflag:s20] =	ssyncset.done $0x0;
	s11 =	sshll.u32 s11, $0x4  }
0x190: {  	[sflag:s20] =	ssyncadd.s32 $0xFFFFC000;
	s11 =	sadd.s32 s8, s11  }
0x191: {  	[hbm4b:s11+s2] =	stream.linear.scatter [tilespmem:s19], [sflag:$0x2], $0x4000, $0x38;
	[tilespmem:$0x18880] =	vst v63  }
0x192: {  	_ =	swait.ge [sflag:s20], $0x4000  }
0x193: {  	[sflag:s20] =	ssyncset.done $0x0  }
0x194: {  	[sflag:s20] =	ssyncadd.s32 $0xFFFFC000  }
0x195: {  	[tilespmem:$0x4800] =	vst v39  }
0x196: {  	[tilespmem:$0x4810] =	vst v28  }
0x197: {  	[tilespmem:$0x4820] =	vst v29  }
0x198: {  	[tilespmem:$0x4830] =	vst v30  }
0x199: {  	[tilespmem:$0x4840] =	vst v31  }
0x19a: {  	[tilespmem:$0x4850] =	vst v32  }
0x19b: {  	[tilespmem:$0x4860] =	vst v33  }
0x19c: {  	[tilespmem:$0x4870] =	vst v34  }
0x19d: {  	[tilespmem:s19], [sflag:$0x2] =	stream.indirect.gather [spmem:s1], $0x80, s18, s17, $0xb8;
	[tilespmem:$0x18880] =	vst v63  }
0x19e: {  	_ =	swait.ge [sflag:s20], $0x4000  }
0x19f: {  	s15 =	rddreg [dreg:$0xa]  }
0x1a0: {  	s7 =	sadd.s32 s15, s7  }
0x1a1: {  	s10 =	sadd.s32 $0x1, s10;
	[sflag:s20] =	ssyncset.done $0x0;
	s7 =	sshll.u32 s7, $0x4  }
0x1a2: {  	p2 =	sne.s32 s10, $0x6;
	[sflag:s20] =	ssyncadd.s32 $0xFFFFC000;
	s7 =	sadd.s32 s8, s7  }
0x1a3: {  	[hbm4b:s7+s2] =	stream.linear.scatter [tilespmem:s19], [sflag:$0x2], $0x4000, $0x38;
	[tilespmem:$0x18880] =	vst v63  }
.Ltmp4:
0x1a4: {  	_ =	swait.ge [sflag:s20], $0x4000;
	(pc) =	sbr.rel @p2 .LBB2_2-.Ltmp4, $3  }
0x1a5: {  	[sflag:s20] =	ssyncset.done $0x0  }
0x1a6: {  	[sflag:s20] =	ssyncadd.s32 $0xFFFFC000  }
0x1a7: {  	[bflag:$0x0] =	sbarrier.arrive $0xFFFF;
	_ =	sdelay $0x1  }
0x1a8: {  	s10 =	rddreg [dreg:$0xb]  }
0x1a9: {  	s7 =	rddreg [dreg:$0x7];
	s10 =	sadd.s32 $0x1, s10  }
0x1aa: {  	p2 =	sne.s32 s10, s7  }
.Ltmp5:
0x1ab: {  	_ = 	snop;
	(pc) =	sbr.rel @p2 .LBB2_1-.Ltmp5, $1  }
0x1ac: {  	_ =	sdelay $0x3  }
0x1ad: {  	_ =	sfence.sel $0x180000  }
0x1ae: {  	[bflag:$0x0] =	sbarrier.arrive $0xFFFF  }
0x1af: {  	_ =	strace $0x90000047  }
0x1b0: {  	s0 =	stileid.u32;
	[bflag:$0x2] =	sbarrier.arrive $0xFFFF  }
0x1b1: {  	p0 =	sne.s32 s0, $0x0;
	s0 =	rddreg [dreg:$0x2]  }
0x1b2: {  	s0 =	sadd.s32 @!p0 $0x100000, s0  }
0x1b3: {  	[sflag:s0] =	ssyncadd.tile.s32 @!p0 $0x1;
	_ =	shalt  }
.Lfunc_end2:
_tile_overlayer_lowered:
.L_overlay_start_2:
0x1b4: {  	(tag) =	ssettag $0x2  }
0x1b5: {  	s0 =	rddreg [dreg:$0x0];
	s2 =	stileid.u32  }
0x1b6: {  	s1 =	rddreg [dreg:$0x1];
	p0 =	sne.s32 s2, $0x0  }
0x1b7: {  	s3 =	rddreg [dreg:$0x2];
	[bflag:$0x3] =	sbarrier.arrive $0xFFFF;
	s2 =	simm.s32 @!p0 $0x1C02  }
0x1b8: {  	[timem:s3], [sflag:s2] =	dma.local @!p0 [hbm:s0], s1  }
0x1b9: {  	s0 =	simm.s32 @!p0 $0x2  }
0x1ba: {  	_ =	swait.ge @!p0 [sflag:s0], s1  }
0x1bb: {  	s1 =	ssub.s32 @!p0 $0x0, s1;
	[sflag:s0] =	ssyncset.done @!p0 $0x0  }
0x1bc: {  	[sflag:s0] =	ssyncadd.s32 @!p0 s1  }
0x1bd: {  	[bflag:$0x3] =	sbarrier.arrive $0xFFFF  }
0x1be: {  	_ =	shalt  }

// kernel: seg_sums_l1.3.cloned.1.call-start
scs
__scs_entry_jumppad:
0x0: {  	(pc) =	sbr.rel $0x88, $3  }
0x1: {  	(tag) =	ssettag $0x0;
	lr =	simm.s32 $0x1  }
0x2: {  	[smem:$0x3F7F] =	sst lr;
	_ =	strace $0xD0000000  }
0x3: {  	_ = 	snop  }
0x4: {  	_ = 	snop  }
0x5: {  	_ = 	snop  }
0x6: {  	_ = 	snop  }
0x7: {  	_ = 	snop  }
__scs_overlays_trampoline_lowered:
0x8: {  	[smem:$0x3F8E] =	sst s0  }
0x9: {  	[smem:$0x3F8F] =	sst s1  }
0xa: {  	[smem:$0x3F90] =	sst s2  }
0xb: {  	[smem:$0x3F91] =	sst s3  }
0xc: {  	[smem:$0x3F92] =	sst s4  }
0xd: {  	[smem:$0x3F93] =	sst s5  }
0xe: {  	[smem:$0x3F94] =	sst s6  }
0xf: {  	[smem:$0x3F95] =	sst s7  }
0x10: {  	[smem:$0x3F96] =	sst s8  }
0x11: {  	[smem:$0x3F97] =	sst s9;
	s0 =	simm.s32 @!p0 $0x0  }
0x12: {  	s1 =	sld [smem:$0x3F7D];
	s0 =	simm.s32 @p0 $0x1  }
0x13: {  	[smem:$0x3F98] =	sst s0;
	s0 =	simm.s32 @!p1 $0x0  }
0x14: {  	s2 =	sld [smem:$0x3F7C];
	s0 =	simm.s32 @p1 $0x1  }
0x15: {  	[smem:$0x3F99] =	sst s0;
	s0 =	simm.s32 @!p2 $0x0  }
0x16: {  	s3 =	sld [smem:$0x3FDB];
	s0 =	simm.s32 @p2 $0x1  }
0x17: {  	s4 =	simm.s32 $0x1BF5;
	[smem:$0x3F9B] =	sst s0  }
0x18: {  	s0 =	sld [smem:$0x3F7E];
	_ =	swait.ge [sflag:s4], $0x0  }
0x19: {  	s7 =	sld [smem:$0x3F7F]  }
0x1a: {  	s8 =	sadd.s32 $0xFFFFE003, lr  }
0x1b: {  	s9 =	sadd.s32 $0xFFFFFEF7, lr;
	s5 =	simm.s32 $0xFFFFFFFF;
	p2 =	slt.u32 s8, $0xFFFFF086  }
0x1c: {  	p1 =	slt.u32 s9, $0xF7A;
	s5 =	simm.s32 @!p2 $0x0  }
0x1d: {  	s5 =	simm.s32 @p1 $0x1;
	p0 =	seq.s32 s7, s2  }
0x1e: {  	s7 =	smul.u32 @!p0 $0xF7A, s2;
	p2 =	seq.s32 @!p0 s5, $0x0  }
0x1f: {  	s9 =	smul.u32 $0xF7A, s1;
	s8 =	simm.s32 @!p0 $0x1BF5;
	p2 =	por !p2, p0  }
0x20: {  	[sflag:s8] =	ssyncset.s32 @!p0 $0xFFFFF086;
	s6 =	sadd.s32 @!p0 s3, s7;
	s7 =	simm.s32 @!p0 $0x108  }
0x21: {  	s3 =	sadd.s32 s3, s9;
	s6 =	sadd.s32 @!p0 $0x88, s6;
	s7 =	simm.s32 @p2 $0x1082  }
0x22: {  	[simem:s7], [sflag:s8] =	dma.local @!p0 [hbm:s6], $0xF7A  }
0x23: {  	s9 =	sor.u32 $0xD0000000, s2;
	s6 =	simm.s32 $0x108;
	_ =	swait.ge @!p0 [sflag:s8], $0x0  }
0x24: {  	s3 =	sadd.s32 $0x88, s3;
	s6 =	simm.s32 @!p1 $0x1082;
	[sflag:s4] =	ssyncset.s32 $0xFFFFF086  }
0x25: {  	[simem:s6], [sflag:s4] =	dma.local [hbm:s3], $0xF7A  }
0x26: {  	[smem:$0x3F7F] =	sst s1;
	(tag) =	ssettag s2;
	_ =	strace s9  }
0x27: {  	s1 =	sld [smem:$0x3F8F]  }
0x28: {  	s2 =	sld [smem:$0x3F90]  }
0x29: {  	s4 =	sld [smem:$0x3F92]  }
0x2a: {  	p0 =	seq.s32 s5, $0x0;
	s5 =	sld [smem:$0x3F93]  }
0x2b: {  	s6 =	sld [smem:$0x3F94]  }
0x2c: {  	s7 =	sld [smem:$0x3F95]  }
0x2d: {  	s3 =	simm.s32 $0x108;
	s8 =	sld [smem:$0x3F96]  }
0x2e: {  	s3 =	simm.s32 @!p0 $0x1082;
	s9 =	sld [smem:$0x3F97]  }
0x2f: {  	lr =	sadd.s32 s0, s3;
	s0 =	sld [smem:$0x3F8E]  }
0x30: {  	s3 =	sld [smem:$0x3F91]  }
0x31: {  	[smem:$0x3F9A] =	sst s10  }
0x32: {  	s10 =	sld [smem:$0x3F98];
	_ =	sdelay $0x3  }
0x33: {  	p0 =	seq.s32 s10, $0x1;
	s10 =	sld [smem:$0x3F9A];
	_ =	sdelay $0x3  }
0x34: {  	[smem:$0x3F9A] =	sst s10  }
0x35: {  	s10 =	sld [smem:$0x3F99];
	_ =	sdelay $0x3  }
0x36: {  	p1 =	seq.s32 s10, $0x1;
	s10 =	sld [smem:$0x3F9A];
	_ =	sdelay $0x3  }
0x37: {  	[smem:$0x3F9A] =	sst s10  }
0x38: {  	s10 =	sld [smem:$0x3F9B]  }
0x39: {  	_ = 	snop;
	(pc) =	sbr.ind lr, $3  }
0x3a: {  	_ = 	snop  }
0x3b: {  	_ = 	snop  }
0x3c: {  	p2 =	seq.s32 s10, $0x1;
	s10 =	sld [smem:$0x3F9A]  }
0x3d: {  	_ =	shalt  }
0x3e: {  	_ =	shalt  }
0x3f: {  	_ =	shalt  }
0x40: {  	_ =	shalt  }
0x41: {  	_ =	shalt  }
0x42: {  	_ =	shalt  }
0x43: {  	_ =	shalt  }
0x44: {  	_ =	shalt  }
0x45: {  	_ =	shalt  }
0x46: {  	_ =	shalt  }
0x47: {  	_ =	shalt  }
0x48: {  	_ =	shalt  }
0x49: {  	_ =	shalt  }
0x4a: {  	_ =	shalt  }
0x4b: {  	_ =	shalt  }
0x4c: {  	_ =	shalt  }
0x4d: {  	_ =	shalt  }
0x4e: {  	_ =	shalt  }
0x4f: {  	_ =	shalt  }
0x50: {  	_ =	shalt  }
0x51: {  	_ =	shalt  }
0x52: {  	_ =	shalt  }
0x53: {  	_ =	shalt  }
0x54: {  	_ =	shalt  }
0x55: {  	_ =	shalt  }
0x56: {  	_ =	shalt  }
0x57: {  	_ =	shalt  }
0x58: {  	_ =	shalt  }
0x59: {  	_ =	shalt  }
0x5a: {  	_ =	shalt  }
0x5b: {  	_ =	shalt  }
0x5c: {  	_ =	shalt  }
0x5d: {  	_ =	shalt  }
0x5e: {  	_ =	shalt  }
0x5f: {  	_ =	shalt  }
0x60: {  	_ =	shalt  }
0x61: {  	_ =	shalt  }
0x62: {  	_ =	shalt  }
0x63: {  	_ =	shalt  }
0x64: {  	_ =	shalt  }
0x65: {  	_ =	shalt  }
0x66: {  	_ =	shalt  }
0x67: {  	_ =	shalt  }
0x68: {  	_ =	shalt  }
0x69: {  	_ =	shalt  }
0x6a: {  	_ =	shalt  }
0x6b: {  	_ =	shalt  }
0x6c: {  	_ =	shalt  }
0x6d: {  	_ =	shalt  }
0x6e: {  	_ =	shalt  }
0x6f: {  	_ =	shalt  }
0x70: {  	_ =	shalt  }
0x71: {  	_ =	shalt  }
0x72: {  	_ =	shalt  }
0x73: {  	_ =	shalt  }
0x74: {  	_ =	shalt  }
0x75: {  	_ =	shalt  }
0x76: {  	_ =	shalt  }
0x77: {  	_ =	shalt  }
0x78: {  	_ =	shalt  }
0x79: {  	_ =	shalt  }
0x7a: {  	_ =	shalt  }
0x7b: {  	_ =	shalt  }
0x7c: {  	_ =	shalt  }
0x7d: {  	_ =	shalt  }
0x7e: {  	_ =	shalt  }
0x7f: {  	_ =	shalt  }
0x80: {  	_ =	shalt  }
0x81: {  	_ =	shalt  }
0x82: {  	_ =	shalt  }
0x83: {  	_ =	shalt  }
0x84: {  	_ =	shalt  }
0x85: {  	_ =	shalt  }
0x86: {  	_ =	shalt  }
0x87: {  	_ =	shalt  }
.Lfunc_end0:
.L_simem_size_0:
called_computation.1_lowered:
.L_overlay_start_0:
0x88: {  	s2 =	sld [smem:$0x3FD9]  }
0x89: {  	s3 =	sld [smem:$0x3FFE];
	_ =	sdelay $0x1  }
0x8a: {  	s1 =	srdreg.scid  }
0x8b: {  	s0 =	sand.u32 $0x1, s1  }
0x8c: {  	s17 =	sshll.u32 s0, $0xA;
	s2 =	sadd.s32 s3, s2  }
0x8d: {  	s2 =	sadd.s32 s2, s17  }
0x8e: {  	[smem:$0x3FA6] =	sst s2  }
0x8f: {  	_ = 	snop  }
0x90: {  	s2 =	sld [smem:$0x3FD0];
	(tm) =	ssettm $0x1  }
0x91: {  	s18 =	sld [smem:$0x3FFB];
	_ =	sdelay $0x3  }
0x92: {  	_ =	strace s18  }
0x93: {  	s3 =	sld [smem:$0x3FFC];
	_ =	sdelay $0x3  }
0x94: {  	_ =	strace s3  }
0x95: {  	s3 =	sld [smem:$0x3FFD];
	_ =	sdelay $0x3  }
0x96: {  	_ =	strace s3  }
0x97: {  	_ =	strace $0x8FFFFFFF  }
0x98: {  	s19 =	sld [smem:$0x3FDB];
	_ =	sdelay $0x1  }
0x99: {  	s4 =	simm.s32 $_scs_section_size  }
0x9a: {  	s5 =	simm.s32 $_size__tile_overlayer_lowered;
	s6 =	simm.s32 $_tile_overlayer_lowered  }
0x9b: {  	s22 =	simm.s32 $0x1BFF;
	s21 =	sshll.u32 s6, $0x1;
	s3 =	sadd.s32 s4, s19  }
0x9c: {  	s7 =	simm.s32 $0x0;
	s20 =	sshll.u32 s5, $0x1;
	s5 =	sadd.s32 s21, s3  }
0x9d: {  	[timem:s7], [sflag:s22] =	dma.local [hbm:s5], s20  }
0x9e: {  	_ =	swait.ge [sflag:s22], s20  }
0x9f: {  	s4 =	ssub.s32 $0x0, s20;
	[sflag:s22] =	ssyncset.done $0x0  }
0xa0: {  	[sflag:s22] =	ssyncadd.s32 s4;
	_ =	sdelay $0x1  }
0xa1: {  	s23 =	simm.s32 $0x1B8B  }
0xa2: {  	_ =	swait.ge [sflag:s23], $0x1  }
0xa3: {  	[sflag:s23] =	ssyncset.done $0x0  }
0xa4: {  	s25 =	simm.s32 $0x1B8E;
	s24 =	sld [smem:$0x3FFE];
	[sflag:s23] =	ssyncadd.s32 $0xFFFFFFFF  }
0xa5: {  	s26 =	simm.s32 $execute0_lowered;
	[smem:$0x3FD2] =	sst s25  }
0xa6: {  	s5 =	sshll.u32 s26, $0x1;
	_ =	strace $0x80000049;
	[dreg:$0x1] =	wrdreg $0xFFFFFFFF  }
0xa7: {  	s28 =	simm.s32 $_size_execute0_lowered;
	s3 =	sadd.s32 s3, s5;
	[dreg:$0x0] =	wrdreg $0x0  }
0xa8: {  	s5 =	sshll.u32 s28, $0x1;
	[dreg:$0x2] =	wrdreg s3  }
0xa9: {  	[dreg:$0x3] =	wrdreg s5  }
0xaa: {  	[dreg:$0x4] =	wrdreg $0xC0  }
0xab: {  	_ =	task [dreg:s7], $0x5FFFF  }
0xac: {  	[dreg:$0x1] =	wrdreg $0xFFFFFFFF  }
0xad: {  	[dreg:$0x0] =	wrdreg $0x60  }
0xae: {  	[dreg:$0x2] =	wrdreg s24  }
0xaf: {  	[dreg:$0x3] =	wrdreg s2  }
0xb0: {  	[dreg:$0x4] =	wrdreg $0x48800  }
0xb1: {  	[dreg:$0x5] =	wrdreg $0x9  }
0xb2: {  	_ =	task.clear_ibuf [dreg:s7], $0x6FFFF;
	_ =	strace $0x90000049  }
0xb3: {  	s29 =	simm.s32 $0x9;
	_ =	strace $0x8000004B  }
0xb4: {  	_ =	swait.ge [sflag:s29], $0x1  }
0xb5: {  	[sflag:s29] =	ssyncadd.s32 $0xFFFFFFFF  }
0xb6: {  	_ =	strace $0x9000004B  }
0xb7: {  	_ =	sfence  }
0xb8: {  	s30 =	sld [smem:$0x0];
	_ =	sdelay $0x2  }
0xb9: {  	s31 =	sshll.u32 s1, $0xD;
	s1 =	sshrl.u32 s1, $0x2  }
0xba: {  	s3 =	sand.u32 $0x4000, s31;
	s1 =	sadd.s32 s1, s30  }
0xbb: {  	s0 =	sor.u32 s3, s0;
	s1 =	sshll.u32 s1, $0x11  }
0xbc: {  	s0 =	sor.u32 s1, s0  }
0xbd: {  	s0 =	sadd.s32 $0x8F2B, s0  }
0xbe: {  	[sflag:s0] =	ssyncadd.remote.s32 $0x1  }
0xbf: {  	_ =	sfence.sel $0xFFFF  }
0xc0: {  	[dreg:$0x0] =	wrdreg $0xFFFFFFFF;
	(pc) =	sbr.abs _section_cstart, $3  }
0xc1: {  	[dreg:$0x1] =	wrdreg $0xFFFFFFFF  }
0xc2: {  	_ =	task.clear_ibuf [dreg:s7], $0x2FFFF;
	_ =	strace $0x9FFFFFFF  }
0xc3: {  	(tm) =	ssettm $0x7FFFFFFF  }
tec
execute0_lowered:
.L_overlay_start_1:
0x0: {  	(tag) =	ssettag $0x1  }
0x1: {  	s0 =	rddreg [dreg:$0x0]  }
0x2: {  	s2 =	rddreg [dreg:$0x2];
	s3 =	simm.s32 $0x0;
	s1 =	srdreg.scid  }
0x3: {  	s5 =	stileid.u32;
	s29 =	simm.s32 $0x200;
	s30 =	simm.s32 $0x600  }
0x4: {  	[smem:$0x7FF] =	sst s3;
	s7 =	sand.u32 $0x1, s1;
	s6 =	sadd.s32 $0x66200, s0  }
0x5: {  	s31 =	smul.u32 $0x280, s5;
	s19 =	sadd.s32 $0x57200, s0;
	s9 =	sadd.s32 $0xDB600, s0  }
0x6: {  	_ =	strace $0x8000004A;
	s1 =	ssub.s32 $0x2, s7;
	[dreg:$0x5] =	wrdreg s19  }
0x7: {  	p0 =	seq.s32 s7, $0x1;
	s21 =	sshll.u32 s7, $0x1;
	[dreg:$0x4] =	wrdreg s7  }
0x8: {  	p1 =	seq.s32 s7, $0x0;
	s4 =	sshrl.u32 s1, $0x1;
	[dreg:$0x6] =	wrdreg s21  }
0x9: {  	s22 =	sor.u32 $0x10, s31;
	s23 =	sor.u32 $0x20, s31;
	s24 =	sor.u32 $0x30, s31  }
0xa: {  	s8 =	sor.u32 $0x40, s31;
	s10 =	sor.u32 $0x50, s31;
	s11 =	sor.u32 $0x60, s31  }
0xb: {  	s12 =	sor.u32 $0x70, s31;
	s13 =	sadd.s32 $0x80, s31;
	s14 =	sadd.s32 $0x90, s31  }
0xc: {  	s15 =	sadd.s32 $0xA0, s31;
	s16 =	sadd.s32 $0xB0, s31;
	s17 =	sadd.s32 $0xC0, s31  }
0xd: {  	s18 =	sadd.s32 $0xD0, s31;
	s19 =	sadd.s32 $0xE0, s31;
	s25 =	sadd.s32 $0xF0, s31  }
0xe: {  	s26 =	sadd.s32 $0x130, s31;
	s21 =	sadd.s32 $0x140, s31;
	s5 =	sadd.s32 $0x150, s31  }
0xf: {  	s7 =	sadd.s32 $0x200, s31;
	s28 =	sadd.s32 $0x260, s31;
	[dreg:$0x8] =	wrdreg s31  }
0x10: {  	v39 =	vlaneseq.u32;
	s20 =	ssub.s32 s1, s4;
	[dreg:$0x9] =	wrdreg s13;
	s13 =	sadd.s32 $0x100, s31  }
0x11: {  	s4 =	sadd.s32 $0x120, s31;
	v3 =	vor.u32 s8, v39;
	v4 =	vor.u32 s10, v39;
	s8 =	sadd.s32 $0x160, s31;
	s10 =	sadd.s32 $0x170, s31  }
0x12: {  	v5 =	vor.u32 s11, v39;
	v6 =	vor.u32 s12, v39;
	v7 =	vor.u32 s14, v39;
	s14 =	sadd.s32 $0x180, s31;
	s11 =	sadd.s32 $0x190, s31;
	s12 =	sadd.s32 $0x1A0, s31  }
0x13: {  	v0 =	vor.u32 s22, v39;
	v1 =	vor.u32 s23, v39;
	v2 =	vor.u32 s24, v39;
	s22 =	sadd.s32 $0x1B0, s31;
	s23 =	sadd.s32 $0x1C0, s31;
	s24 =	sadd.s32 $0x1D0, s31  }
0x14: {  	v40 =	vimm.f32 $0.0e+00;
	v13 =	vor.u32 s25, v39;
	s25 =	sadd.s32 $0x1F0, s31;
	v16 =	vor.u32 s26, v39;
	s1 =	sadd.s32 $0x210, s31;
	s26 =	sadd.s32 $0x230, s31  }
0x15: {  	v8 =	vor.u32 s15, v39;
	v9 =	vor.u32 s16, v39;
	v10 =	vor.u32 s17, v39;
	s15 =	sadd.s32 $0x250, s31;
	s16 =	simm.s32 $0x280;
	s17 =	simm.s32 $0x80  }
0x16: {  	v11 =	vor.u32 s18, v39;
	v12 =	vor.u32 s19, v39;
	v17 =	vor.u32 s21, v39;
	s18 =	simm.s32 $0x4800;
	s19 =	simm.s32 $0x800;
	s21 =	simm.s32 $0x400  }
0x17: {  	v35 =	vor.u32 s31, v39;
	v18 =	vor.u32 s5, v39;
	v33 =	vor.u32 s28, v39;
	s28 =	simm.s32 $0x580;
	s0 =	smax.u32 s20, $0x1;
	s20 =	sadd.s32 $0x110, s31  }
0x18: {  	v15 =	vor.u32 s4, v39;
	s4 =	sadd.s32 $0x220, s31;
	v19 =	vor.u32 s8, v39;
	s8 =	sadd.s32 $0x240, s31;
	v22 =	vor.u32 s12, v39;
	s12 =	sadd.s32 $0x270, s31  }
0x19: {  	v23 =	vor.u32 s22, v39;
	v24 =	vor.u32 s23, v39;
	v25 =	vor.u32 s24, v39;
	s22 =	simm.s32 $0x1;
	s23 =	simm.s32 $0x480;
	s24 =	simm.s32 $0x100  }
0x1a: {  	v27 =	vor.u32 s25, v39;
	v30 =	vor.u32 s26, v39;
	s25 =	simm.s32 $0x500;
	s26 =	simm.s32 $0x180;
	v32 =	vor.u32 s15, v39;
	s15 =	rddreg [dreg:$0x9]  }
0x1b: {  	v20 =	vor.u32 s10, v39;
	v21 =	vor.u32 s11, v39;
	v28 =	vor.u32 s1, v39;
	s1 =	simm.s32 $0x380;
	[dreg:$0x7] =	wrdreg s0;
	s0 =	sadd.s32 $0x1E0, s31  }
0x1c: {  	v37 =	vor.u32 s13, v39;
	v14 =	vor.u32 s20, v39;
	s20 =	simm.s32 $0x2;
	v36 =	vor.u32 s15, v39;
	s15 =	smov.u32 s13;
	s31 =	simm.s32 $0x680  }
0x1d: {  	v38 =	vor.u32 s14, v39;
	v29 =	vor.u32 s4, v39;
	v34 =	vor.u32 s12, v39;
	s12 =	simm.s32 $0x700;
	s13 =	smov.u32 s14;
	s14 =	smov.u32 s7  }
0x1e: {  	v31 =	vor.u32 s8, v39;
	s4 =	simm.s32 $0x780;
	v26 =	vor.u32 s0, v39;
	s0 =	simm.s32 $0x300;
	v39 =	vor.u32 s7, v39;
	s7 =	simm.s32 $0x0  }
.LBB2_1:
0x1f: {  	[dreg:$0xa] =	wrdreg s7;
	p3 =	por $0x1, $0x1;
	s5 =	simm.s32 $0x0  }
.LBB2_2:
0x20: {  	p2 =	por p3, p3;
	s8 =	simm.s32 $0x0;
	s10 =	simm.s32 $0x200  }
.LBB2_3:
0x21: {  	p3 =	sne.s32 s10, $0xFE00;
	[tilespmem:s8+$0x870] =	vst v40  }
0x22: {  	[tilespmem:s8+$0x800] =	vst v40  }
0x23: {  	[tilespmem:s8+$0x810] =	vst v40  }
.Ltmp0:
0x24: {  	[tilespmem:s8+$0x820] =	vst v40;
	(pc) =	sbr.rel @p3 .LBB2_3-.Ltmp0, $4  }
0x25: {  	[tilespmem:s8+$0x830] =	vst v40  }
0x26: {  	[tilespmem:s8+$0x840] =	vst v40  }
0x27: {  	[tilespmem:s8+$0x850] =	vst v40  }
0x28: {  	[tilespmem:s8+$0x860] =	vst v40;
	s8 =	sshra.s32 s10, $0x2;
	s10 =	sadd.s32 $0x200, s10  }
0x29: {  	[tilespmem:s8+$0x870] =	vst v40  }
0x2a: {  	[tilespmem:s8+$0x800] =	vst v40  }
0x2b: {  	[tilespmem:s8+$0x810] =	vst v40  }
0x2c: {  	[tilespmem:s8+$0x820] =	vst v40  }
0x2d: {  	[tilespmem:s8+$0x830] =	vst v40  }
0x2e: {  	[tilespmem:s8+$0x840] =	vst v40  }
0x2f: {  	[tilespmem:s8+$0x850] =	vst v40  }
0x30: {  	[tilespmem:s8+$0x860] =	vst v40  }
0x31: {  	[tilespmem:$0x4800] =	vst v35  }
0x32: {  	[tilespmem:$0x4810] =	vst v0  }
0x33: {  	[tilespmem:$0x4820] =	vst v1  }
0x34: {  	[tilespmem:$0x4830] =	vst v2  }
0x35: {  	[tilespmem:$0x4840] =	vst v3  }
0x36: {  	[tilespmem:$0x4850] =	vst v4  }
0x37: {  	[tilespmem:$0x4860] =	vst v5  }
0x38: {  	[tilespmem:$0x4870] =	vst v6  }
0x39: {  	[spmem:s2] =	stream.indirect.scatter [tilespmem:s19], [sflag:$0x2], $0x80, s18, s17, $0xb8;
	[tilespmem:$0x18880] =	vst v63  }
0x3a: {  	_ =	swait.ge [sflag:s20], $0x4000  }
0x3b: {  	[sflag:s20] =	ssyncset.done $0x0  }
0x3c: {  	[sflag:s20] =	ssyncadd.s32 $0xFFFFC000  }
0x3d: {  	[tilespmem:$0x4800] =	vst v36  }
0x3e: {  	[tilespmem:$0x4810] =	vst v7  }
0x3f: {  	[tilespmem:$0x4820] =	vst v8  }
0x40: {  	[tilespmem:$0x4830] =	vst v9  }
0x41: {  	[tilespmem:$0x4840] =	vst v10  }
0x42: {  	[tilespmem:$0x4850] =	vst v11  }
0x43: {  	[tilespmem:$0x4860] =	vst v12  }
0x44: {  	[tilespmem:$0x4870] =	vst v13  }
0x45: {  	[spmem:s2] =	stream.indirect.scatter [tilespmem:s19], [sflag:$0x2], $0x80, s18, s17, $0xb8;
	[tilespmem:$0x18880] =	vst v63  }
0x46: {  	_ =	swait.ge [sflag:s20], $0x4000  }
0x47: {  	[sflag:s20] =	ssyncset.done $0x0  }
0x48: {  	[sflag:s20] =	ssyncadd.s32 $0xFFFFC000  }
0x49: {  	[tilespmem:$0x4800] =	vst v37  }
0x4a: {  	[tilespmem:$0x4810] =	vst v14  }
0x4b: {  	[tilespmem:$0x4820] =	vst v15  }
0x4c: {  	[tilespmem:$0x4830] =	vst v16  }
0x4d: {  	[tilespmem:$0x4840] =	vst v17  }
0x4e: {  	[tilespmem:$0x4850] =	vst v18  }
0x4f: {  	[tilespmem:$0x4860] =	vst v19  }
0x50: {  	[tilespmem:$0x4870] =	vst v20  }
0x51: {  	[spmem:s2] =	stream.indirect.scatter [tilespmem:s19], [sflag:$0x2], $0x80, s18, s17, $0xb8;
	[tilespmem:$0x18880] =	vst v63  }
0x52: {  	_ =	swait.ge [sflag:s20], $0x4000  }
0x53: {  	[sflag:s20] =	ssyncset.done $0x0  }
0x54: {  	[sflag:s20] =	ssyncadd.s32 $0xFFFFC000  }
0x55: {  	[tilespmem:$0x4800] =	vst v38  }
0x56: {  	[tilespmem:$0x4810] =	vst v21  }
0x57: {  	[tilespmem:$0x4820] =	vst v22  }
0x58: {  	[tilespmem:$0x4830] =	vst v23  }
0x59: {  	[tilespmem:$0x4840] =	vst v24  }
0x5a: {  	[tilespmem:$0x4850] =	vst v25  }
0x5b: {  	[tilespmem:$0x4860] =	vst v26  }
0x5c: {  	[tilespmem:$0x4870] =	vst v27  }
0x5d: {  	[spmem:s2] =	stream.indirect.scatter [tilespmem:s19], [sflag:$0x2], $0x80, s18, s17, $0xb8;
	[tilespmem:$0x18880] =	vst v63  }
0x5e: {  	_ =	swait.ge [sflag:s20], $0x4000  }
0x5f: {  	[sflag:s20] =	ssyncset.done $0x0  }
0x60: {  	[sflag:s20] =	ssyncadd.s32 $0xFFFFC000  }
0x61: {  	[tilespmem:$0x4800] =	vst v39  }
0x62: {  	[tilespmem:$0x4810] =	vst v28  }
0x63: {  	p3 =	por !p2, !p0;
	[tilespmem:$0x4820] =	vst v29  }
0x64: {  	s11 =	simm.s32 $0x28;
	p3 =	por !p3, !p3;
	[tilespmem:$0x4830] =	vst v30  }
0x65: {  	s7 =	sand.u32 $0x1, s5;
	s11 =	simm.s32 @!p3 $0x50;
	[tilespmem:$0x4840] =	vst v31  }
0x66: {  	p4 =	seq.s32 s7, $0x1;
	s8 =	smov.u32 s11;
	[tilespmem:$0x4850] =	vst v32  }
0x67: {  	s8 =	simm.s32 @p4 $0x28;
	s7 =	rddreg [dreg:$0x4];
	[tilespmem:$0x4860] =	vst v33  }
0x68: {  	s10 =	stileid.u32;
	s11 =	smov.u32 @p1 s8;
	s8 =	sadd.s32 s7, s5;
	[tilespmem:$0x4870] =	vst v34  }
0x69: {  	[spmem:s2] =	stream.indirect.scatter [tilespmem:s19], [sflag:$0x2], $0x80, s18, s17, $0xb8;
	[tilespmem:$0x18880] =	vst v63  }
0x6a: {  	s7 =	simm.s32 $0x280;
	s8 =	smul.u32 $0x500, s8;
	_ =	swait.ge [sflag:s20], $0x4000  }
0x6b: {  	s10 =	smul.u32 s10, s11;
	s7 =	simm.s32 @!p3 $0x0;
	[sflag:s20] =	ssyncset.done $0x0  }
0x6c: {  	s7 =	sadd.s32 s8, s7;
	[sflag:s20] =	ssyncadd.s32 $0xFFFFC000  }
0x6d: {  	s7 =	sadd.s32 s10, s7;
	[bflag:$0x0] =	sbarrier.arrive $0xFFFF  }
0x6e: {  	s7 =	sshll.u32 s7, $0x4;
	s10 =	rddreg [dreg:$0x1]  }
0x6f: {  	s8 =	sadd.s32 s7, s10  }
0x70: {  	[tilespmem:s3], [sflag:$0x2] =	stream.linear.gather [hbm4b:s8+s3], $0x400, $0x38;
	[tilespmem:$0x18880] =	vst v63  }
0x71: {  	_ =	swait.ge [sflag:s20], $0x400  }
0x72: {  	[sflag:s20] =	ssyncset.done $0x0;
	s10 =	rddreg [dreg:$0x5]  }
0x73: {  	s10 =	sadd.s32 s7, s10;
	[sflag:s20] =	ssyncadd.s32 $0xFFFFFC00  }
0x74: {  	[tilespmem:s21], [sflag:$0x2] =	stream.linear.gather [hbm4b:s10+s3], $0x400, $0x38;
	[tilespmem:$0x18880] =	vst v63  }
0x75: {  	_ =	swait.ge [sflag:s20], $0x400  }
0x76: {  	[sflag:s20] =	ssyncset.done $0x0  }
0x77: {  	[sflag:s20] =	ssyncadd.s32 $0xFFFFFC00  }
0x78: {  	[tilespmem:s19], [sflag:$0x1] =	stream.indirect.gather [hbm4b:s6+s17], $0x80, s3, s17, $0xb8;
	[tilespmem:$0x18880] =	vst v63  }
0x79: {  	_ =	swait.ge [sflag:s22], $0x4000  }
0x7a: {  	[sflag:s22] =	ssyncset.done $0x0  }
0x7b: {  	[sflag:s22] =	ssyncadd.s32 $0xFFFFC000  }
0x7c: {  	[spmem:s2] =	stream.indirect.scatter.add.f32 [tilespmem:s19], [sflag:$0x2], $0x80, s21, s17, $0xb8;
	[tilespmem:$0x18880] =	vst v63  }
0x7d: {  	_ =	swait.ge [sflag:s20], $0x4000  }
0x7e: {  	[sflag:s20] =	ssyncset.done $0x0  }
0x7f: {  	[sflag:s20] =	ssyncadd.s32 $0xFFFFC000  }
0x80: {  	[tilespmem:s19], [sflag:$0x1] =	stream.indirect.gather [hbm4b:s6+s17], $0x80, s17, s17, $0xb8;
	[tilespmem:$0x18880] =	vst v63  }
0x81: {  	_ =	swait.ge [sflag:s22], $0x4000  }
0x82: {  	[sflag:s22] =	ssyncset.done $0x0  }
0x83: {  	[sflag:s22] =	ssyncadd.s32 $0xFFFFC000  }
0x84: {  	[spmem:s2] =	stream.indirect.scatter.add.f32 [tilespmem:s19], [sflag:$0x2], $0x80, s23, s17, $0xb8;
	[tilespmem:$0x18880] =	vst v63  }
0x85: {  	_ =	swait.ge [sflag:s20], $0x4000  }
0x86: {  	[sflag:s20] =	ssyncset.done $0x0  }
0x87: {  	[sflag:s20] =	ssyncadd.s32 $0xFFFFC000  }
0x88: {  	[tilespmem:s19], [sflag:$0x1] =	stream.indirect.gather [hbm4b:s6+s17], $0x80, s24, s17, $0xb8;
	[tilespmem:$0x18880] =	vst v63  }
0x89: {  	_ =	swait.ge [sflag:s22], $0x4000  }
0x8a: {  	[sflag:s22] =	ssyncset.done $0x0  }
0x8b: {  	[sflag:s22] =	ssyncadd.s32 $0xFFFFC000  }
0x8c: {  	[spmem:s2] =	stream.indirect.scatter.add.f32 [tilespmem:s19], [sflag:$0x2], $0x80, s25, s17, $0xb8;
	[tilespmem:$0x18880] =	vst v63  }
0x8d: {  	_ =	swait.ge [sflag:s20], $0x4000  }
0x8e: {  	[sflag:s20] =	ssyncset.done $0x0  }
0x8f: {  	[sflag:s20] =	ssyncadd.s32 $0xFFFFC000  }
0x90: {  	[tilespmem:s19], [sflag:$0x1] =	stream.indirect.gather [hbm4b:s6+s17], $0x80, s26, s17, $0xb8;
	[tilespmem:$0x18880] =	vst v63  }
0x91: {  	_ =	swait.ge [sflag:s22], $0x4000  }
0x92: {  	[sflag:s22] =	ssyncset.done $0x0  }
0x93: {  	[sflag:s22] =	ssyncadd.s32 $0xFFFFC000  }
0x94: {  	[spmem:s2] =	stream.indirect.scatter.add.f32 [tilespmem:s19], [sflag:$0x2], $0x80, s28, s17, $0xb8;
	[tilespmem:$0x18880] =	vst v63  }
0x95: {  	_ =	swait.ge [sflag:s20], $0x4000  }
0x96: {  	[sflag:s20] =	ssyncset.done $0x0  }
0x97: {  	[sflag:s20] =	ssyncadd.s32 $0xFFFFC000  }
0x98: {  	[tilespmem:s19], [sflag:$0x1] =	stream.indirect.gather [hbm4b:s6+s17], $0x80, s29, s17, $0xb8;
	[tilespmem:$0x18880] =	vst v63  }
0x99: {  	_ =	swait.ge [sflag:s22], $0x4000  }
0x9a: {  	[sflag:s22] =	ssyncset.done $0x0  }
0x9b: {  	[sflag:s22] =	ssyncadd.s32 $0xFFFFC000  }
0x9c: {  	[spmem:s2] =	stream.indirect.scatter.add.f32 [tilespmem:s19], [sflag:$0x2], $0x80, s30, s17, $0xb8;
	[tilespmem:$0x18880] =	vst v63  }
0x9d: {  	_ =	swait.ge [sflag:s20], $0x4000  }
0x9e: {  	[sflag:s20] =	ssyncset.done $0x0  }
0x9f: {  	[sflag:s20] =	ssyncadd.s32 $0xFFFFC000  }
0xa0: {  	[tilespmem:s19], [sflag:$0x1] =	stream.indirect.gather [hbm4b:s6+s17], $0x80, s16, s17, $0xb8;
	[tilespmem:$0x18880] =	vst v63  }
0xa1: {  	_ =	swait.ge [sflag:s22], $0x4000  }
0xa2: {  	[sflag:s22] =	ssyncset.done $0x0  }
0xa3: {  	[sflag:s22] =	ssyncadd.s32 $0xFFFFC000  }
0xa4: {  	[spmem:s2] =	stream.indirect.scatter.add.f32 [tilespmem:s19], [sflag:$0x2], $0x80, s31, s17, $0xb8;
	[tilespmem:$0x18880] =	vst v63  }
0xa5: {  	_ =	swait.ge [sflag:s20], $0x4000  }
0xa6: {  	[sflag:s20] =	ssyncset.done $0x0  }
0xa7: {  	[sflag:s20] =	ssyncadd.s32 $0xFFFFC000  }
0xa8: {  	[tilespmem:s19], [sflag:$0x1] =	stream.indirect.gather [hbm4b:s6+s17], $0x80, s0, s17, $0xb8;
	[tilespmem:$0x18880] =	vst v63  }
0xa9: {  	_ =	swait.ge [sflag:s22], $0x4000  }
0xaa: {  	[sflag:s22] =	ssyncset.done $0x0  }
0xab: {  	[sflag:s22] =	ssyncadd.s32 $0xFFFFC000  }
0xac: {  	[spmem:s2] =	stream.indirect.scatter.add.f32 [tilespmem:s19], [sflag:$0x2], $0x80, s12, s17, $0xb8;
	[tilespmem:$0x18880] =	vst v63  }
0xad: {  	_ =	swait.ge [sflag:s20], $0x4000  }
0xae: {  	[sflag:s20] =	ssyncset.done $0x0  }
0xaf: {  	s11 =	sshrl.u32 s11, $0x3;
	[sflag:s20] =	ssyncadd.s32 $0xFFFFC000  }
0xb0: {  	[tilespmem:s19], [sflag:$0x1] =	stream.indirect.gather [hbm4b:s6+s17], $0x80, s1, s17, $0xb8;
	[tilespmem:$0x18880] =	vst v63  }
0xb1: {  	p3 =	sne.s32 s11, $0x1;
	_ =	swait.ge [sflag:s22], $0x4000  }
.Ltmp1:
0xb2: {  	[sflag:s22] =	ssyncset.done $0x0;
	(pc) =	sbr.rel @!p3 .LBB2_6-.Ltmp1, $4  }
0xb3: {  	[sflag:s22] =	ssyncadd.s32 $0xFFFFC000  }
0xb4: {  	[spmem:s2] =	stream.indirect.scatter.add.f32 [tilespmem:s19], [sflag:$0x2], $0x80, s4, s17, $0xb8;
	[tilespmem:$0x18880] =	vst v63  }
0xb5: {  	_ =	swait.ge [sflag:s20], $0x4000  }
0xb6: {  	s11 =	sadd.s32 $0xFFFFFFFF, s11;
	[sflag:s20] =	ssyncset.done $0x0  }
.LBB2_5:
0xb7: {  	[sflag:s20] =	ssyncadd.s32 $0xFFFFC000;
	s10 =	sadd.s32 $0x80, s10;
	s8 =	sadd.s32 $0x80, s8  }
0xb8: {  	[tilespmem:s3], [sflag:$0x2] =	stream.linear.gather [hbm4b:s8+s3], $0x400, $0x38;
	[tilespmem:$0x18880] =	vst v63  }
0xb9: {  	p3 =	sne.s32 s11, $0x1;
	s11 =	sadd.s32 $0xFFFFFFFF, s11;
	_ =	swait.ge [sflag:s20], $0x400  }
0xba: {  	[sflag:s20] =	ssyncset.done $0x0  }
0xbb: {  	[sflag:s20] =	ssyncadd.s32 $0xFFFFFC00  }
0xbc: {  	[tilespmem:s21], [sflag:$0x2] =	stream.linear.gather [hbm4b:s10+s3], $0x400, $0x38;
	[tilespmem:$0x18880] =	vst v63  }
0xbd: {  	_ =	swait.ge [sflag:s20], $0x400  }
0xbe: {  	[sflag:s20] =	ssyncset.done $0x0  }
0xbf: {  	[sflag:s20] =	ssyncadd.s32 $0xFFFFFC00  }
0xc0: {  	[tilespmem:s19], [sflag:$0x1] =	stream.indirect.gather [hbm4b:s6+s17], $0x80, s3, s17, $0xb8;
	[tilespmem:$0x18880] =	vst v63  }
0xc1: {  	_ =	swait.ge [sflag:s22], $0x4000  }
0xc2: {  	[sflag:s22] =	ssyncset.done $0x0  }
0xc3: {  	[sflag:s22] =	ssyncadd.s32 $0xFFFFC000  }
0xc4: {  	[spmem:s2] =	stream.indirect.scatter.add.f32 [tilespmem:s19], [sflag:$0x2], $0x80, s21, s17, $0xb8;
	[tilespmem:$0x18880] =	vst v63  }
0xc5: {  	_ =	swait.ge [sflag:s20], $0x4000  }
0xc6: {  	[sflag:s20] =	ssyncset.done $0x0  }
0xc7: {  	[sflag:s20] =	ssyncadd.s32 $0xFFFFC000  }
0xc8: {  	[tilespmem:s19], [sflag:$0x1] =	stream.indirect.gather [hbm4b:s6+s17], $0x80, s17, s17, $0xb8;
	[tilespmem:$0x18880] =	vst v63  }
0xc9: {  	_ =	swait.ge [sflag:s22], $0x4000  }
0xca: {  	[sflag:s22] =	ssyncset.done $0x0  }
0xcb: {  	[sflag:s22] =	ssyncadd.s32 $0xFFFFC000  }
0xcc: {  	[spmem:s2] =	stream.indirect.scatter.add.f32 [tilespmem:s19], [sflag:$0x2], $0x80, s23, s17, $0xb8;
	[tilespmem:$0x18880] =	vst v63  }
0xcd: {  	_ =	swait.ge [sflag:s20], $0x4000  }
0xce: {  	[sflag:s20] =	ssyncset.done $0x0  }
0xcf: {  	[sflag:s20] =	ssyncadd.s32 $0xFFFFC000  }
0xd0: {  	[tilespmem:s19], [sflag:$0x1] =	stream.indirect.gather [hbm4b:s6+s17], $0x80, s24, s17, $0xb8;
	[tilespmem:$0x18880] =	vst v63  }
0xd1: {  	_ =	swait.ge [sflag:s22], $0x4000  }
0xd2: {  	[sflag:s22] =	ssyncset.done $0x0  }
0xd3: {  	[sflag:s22] =	ssyncadd.s32 $0xFFFFC000  }
0xd4: {  	[spmem:s2] =	stream.indirect.scatter.add.f32 [tilespmem:s19], [sflag:$0x2], $0x80, s25, s17, $0xb8;
	[tilespmem:$0x18880] =	vst v63  }
0xd5: {  	_ =	swait.ge [sflag:s20], $0x4000  }
0xd6: {  	[sflag:s20] =	ssyncset.done $0x0  }
0xd7: {  	[sflag:s20] =	ssyncadd.s32 $0xFFFFC000  }
0xd8: {  	[tilespmem:s19], [sflag:$0x1] =	stream.indirect.gather [hbm4b:s6+s17], $0x80, s26, s17, $0xb8;
	[tilespmem:$0x18880] =	vst v63  }
0xd9: {  	_ =	swait.ge [sflag:s22], $0x4000  }
0xda: {  	[sflag:s22] =	ssyncset.done $0x0  }
0xdb: {  	[sflag:s22] =	ssyncadd.s32 $0xFFFFC000  }
0xdc: {  	[spmem:s2] =	stream.indirect.scatter.add.f32 [tilespmem:s19], [sflag:$0x2], $0x80, s28, s17, $0xb8;
	[tilespmem:$0x18880] =	vst v63  }
0xdd: {  	_ =	swait.ge [sflag:s20], $0x4000  }
0xde: {  	[sflag:s20] =	ssyncset.done $0x0  }
0xdf: {  	[sflag:s20] =	ssyncadd.s32 $0xFFFFC000  }
0xe0: {  	[tilespmem:s19], [sflag:$0x1] =	stream.indirect.gather [hbm4b:s6+s17], $0x80, s29, s17, $0xb8;
	[tilespmem:$0x18880] =	vst v63  }
0xe1: {  	_ =	swait.ge [sflag:s22], $0x4000  }
0xe2: {  	[sflag:s22] =	ssyncset.done $0x0  }
0xe3: {  	[sflag:s22] =	ssyncadd.s32 $0xFFFFC000  }
0xe4: {  	[spmem:s2] =	stream.indirect.scatter.add.f32 [tilespmem:s19], [sflag:$0x2], $0x80, s30, s17, $0xb8;
	[tilespmem:$0x18880] =	vst v63  }
0xe5: {  	_ =	swait.ge [sflag:s20], $0x4000  }
0xe6: {  	[sflag:s20] =	ssyncset.done $0x0  }
0xe7: {  	[sflag:s20] =	ssyncadd.s32 $0xFFFFC000  }
0xe8: {  	[tilespmem:s19], [sflag:$0x1] =	stream.indirect.gather [hbm4b:s6+s17], $0x80, s16, s17, $0xb8;
	[tilespmem:$0x18880] =	vst v63  }
0xe9: {  	_ =	swait.ge [sflag:s22], $0x4000  }
0xea: {  	[sflag:s22] =	ssyncset.done $0x0  }
0xeb: {  	[sflag:s22] =	ssyncadd.s32 $0xFFFFC000  }
0xec: {  	[spmem:s2] =	stream.indirect.scatter.add.f32 [tilespmem:s19], [sflag:$0x2], $0x80, s31, s17, $0xb8;
	[tilespmem:$0x18880] =	vst v63  }
0xed: {  	_ =	swait.ge [sflag:s20], $0x4000  }
0xee: {  	[sflag:s20] =	ssyncset.done $0x0  }
0xef: {  	[sflag:s20] =	ssyncadd.s32 $0xFFFFC000  }
0xf0: {  	[tilespmem:s19], [sflag:$0x1] =	stream.indirect.gather [hbm4b:s6+s17], $0x80, s0, s17, $0xb8;
	[tilespmem:$0x18880] =	vst v63  }
0xf1: {  	_ =	swait.ge [sflag:s22], $0x4000  }
0xf2: {  	[sflag:s22] =	ssyncset.done $0x0  }
0xf3: {  	[sflag:s22] =	ssyncadd.s32 $0xFFFFC000  }
0xf4: {  	[spmem:s2] =	stream.indirect.scatter.add.f32 [tilespmem:s19], [sflag:$0x2], $0x80, s12, s17, $0xb8;
	[tilespmem:$0x18880] =	vst v63  }
0xf5: {  	_ =	swait.ge [sflag:s20], $0x4000  }
0xf6: {  	[sflag:s20] =	ssyncset.done $0x0  }
0xf7: {  	[sflag:s20] =	ssyncadd.s32 $0xFFFFC000  }
0xf8: {  	[tilespmem:s19], [sflag:$0x1] =	stream.indirect.gather [hbm4b:s6+s17], $0x80, s1, s17, $0xb8;
	[tilespmem:$0x18880] =	vst v63  }
0xf9: {  	_ =	swait.ge [sflag:s22], $0x4000  }
.Ltmp2:
0xfa: {  	[sflag:s22] =	ssyncset.done $0x0;
	(pc) =	sbr.rel @p3 .LBB2_5-.Ltmp2, $4  }
0xfb: {  	[sflag:s22] =	ssyncadd.s32 $0xFFFFC000  }
0xfc: {  	[spmem:s2] =	stream.indirect.scatter.add.f32 [tilespmem:s19], [sflag:$0x2], $0x80, s4, s17, $0xb8;
	[tilespmem:$0x18880] =	vst v63  }
0xfd: {  	_ =	swait.ge [sflag:s20], $0x4000  }
0xfe: {  	[sflag:s20] =	ssyncset.done $0x0  }
.LBB2_6:
0xff: {  	[sflag:s20] =	ssyncadd.s32 $0xFFFFC000  }
0x100: {  	[bflag:$0x0] =	sbarrier.arrive $0xFFFF  }
0x101: {  	[tilespmem:$0x4800] =	vst v35  }
0x102: {  	[tilespmem:$0x4810] =	vst v0  }
0x103: {  	[tilespmem:$0x4820] =	vst v1  }
0x104: {  	[tilespmem:$0x4830] =	vst v2  }
0x105: {  	[tilespmem:$0x4840] =	vst v3  }
0x106: {  	[tilespmem:$0x4850] =	vst v4  }
0x107: {  	s7 =	rddreg [dreg:$0x6];
	[tilespmem:$0x4860] =	vst v5  }
0x108: {  	[tilespmem:$0x4870] =	vst v6;
	s5 =	sor.u32 s7, s5  }
0x109: {  	[tilespmem:s19], [sflag:$0x2] =	stream.indirect.gather [spmem:s2], $0x80, s18, s17, $0xb8;
	[tilespmem:$0x18880] =	vst v63  }
0x10a: {  	s5 =	smul.u32 $0x2800, s5;
	_ =	swait.ge [sflag:s20], $0x4000  }
0x10b: {  	s11 =	rddreg [dreg:$0x8]  }
0x10c: {  	s7 =	sadd.s32 s11, s5  }
0x10d: {  	[sflag:s20] =	ssyncset.done $0x0;
	s7 =	sshll.u32 s7, $0x4  }
0x10e: {  	[sflag:s20] =	ssyncadd.s32 $0xFFFFC000;
	s7 =	sadd.s32 s9, s7  }
0x10f: {  	[hbm4b:s7+s3] =	stream.linear.scatter [tilespmem:s19], [sflag:$0x2], $0x4000, $0x38;
	[tilespmem:$0x18880] =	vst v63  }
0x110: {  	_ =	swait.ge [sflag:s20], $0x4000  }
0x111: {  	[sflag:s20] =	ssyncset.done $0x0  }
0x112: {  	[sflag:s20] =	ssyncadd.s32 $0xFFFFC000  }
0x113: {  	[tilespmem:$0x4800] =	vst v36  }
0x114: {  	[tilespmem:$0x4810] =	vst v7  }
0x115: {  	[tilespmem:$0x4820] =	vst v8  }
0x116: {  	[tilespmem:$0x4830] =	vst v9  }
0x117: {  	[tilespmem:$0x4840] =	vst v10  }
0x118: {  	[tilespmem:$0x4850] =	vst v11  }
0x119: {  	[tilespmem:$0x4860] =	vst v12  }
0x11a: {  	[tilespmem:$0x4870] =	vst v13  }
0x11b: {  	[tilespmem:s19], [sflag:$0x2] =	stream.indirect.gather [spmem:s2], $0x80, s18, s17, $0xb8;
	[tilespmem:$0x18880] =	vst v63  }
0x11c: {  	_ =	swait.ge [sflag:s20], $0x4000  }
0x11d: {  	s8 =	rddreg [dreg:$0x9]  }
0x11e: {  	s7 =	sadd.s32 s8, s5  }
0x11f: {  	[sflag:s20] =	ssyncset.done $0x0;
	s7 =	sshll.u32 s7, $0x4  }
0x120: {  	[sflag:s20] =	ssyncadd.s32 $0xFFFFC000;
	s7 =	sadd.s32 s9, s7  }
0x121: {  	[hbm4b:s7+s3] =	stream.linear.scatter [tilespmem:s19], [sflag:$0x2], $0x4000, $0x38;
	[tilespmem:$0x18880] =	vst v63  }
0x122: {  	_ =	swait.ge [sflag:s20], $0x4000  }
0x123: {  	[sflag:s20] =	ssyncset.done $0x0  }
0x124: {  	[sflag:s20] =	ssyncadd.s32 $0xFFFFC000  }
0x125: {  	[tilespmem:$0x4800] =	vst v37  }
0x126: {  	[tilespmem:$0x4810] =	vst v14  }
0x127: {  	[tilespmem:$0x4820] =	vst v15  }
0x128: {  	[tilespmem:$0x4830] =	vst v16  }
0x129: {  	[tilespmem:$0x4840] =	vst v17  }
0x12a: {  	[tilespmem:$0x4850] =	vst v18  }
0x12b: {  	[tilespmem:$0x4860] =	vst v19  }
0x12c: {  	[tilespmem:$0x4870] =	vst v20  }
0x12d: {  	[tilespmem:s19], [sflag:$0x2] =	stream.indirect.gather [spmem:s2], $0x80, s18, s17, $0xb8;
	[tilespmem:$0x18880] =	vst v63  }
0x12e: {  	s10 =	sadd.s32 s15, s5;
	_ =	swait.ge [sflag:s20], $0x4000  }
0x12f: {  	s7 =	sshll.u32 s10, $0x4;
	[sflag:s20] =	ssyncset.done $0x0  }
0x130: {  	s7 =	sadd.s32 s9, s7;
	[sflag:s20] =	ssyncadd.s32 $0xFFFFC000  }
0x131: {  	[hbm4b:s7+s3] =	stream.linear.scatter [tilespmem:s19], [sflag:$0x2], $0x4000, $0x38;
	[tilespmem:$0x18880] =	vst v63  }
0x132: {  	_ =	swait.ge [sflag:s20], $0x4000  }
0x133: {  	[sflag:s20] =	ssyncset.done $0x0  }
0x134: {  	[sflag:s20] =	ssyncadd.s32 $0xFFFFC000  }
0x135: {  	[tilespmem:$0x4800] =	vst v38  }
0x136: {  	[tilespmem:$0x4810] =	vst v21  }
0x137: {  	[tilespmem:$0x4820] =	vst v22  }
0x138: {  	[tilespmem:$0x4830] =	vst v23  }
0x139: {  	[tilespmem:$0x4840] =	vst v24  }
0x13a: {  	[tilespmem:$0x4850] =	vst v25  }
0x13b: {  	[tilespmem:$0x4860] =	vst v26  }
0x13c: {  	[tilespmem:$0x4870] =	vst v27  }
0x13d: {  	[tilespmem:s19], [sflag:$0x2] =	stream.indirect.gather [spmem:s2], $0x80, s18, s17, $0xb8;
	[tilespmem:$0x18880] =	vst v63  }
0x13e: {  	s11 =	sadd.s32 s13, s5;
	_ =	swait.ge [sflag:s20], $0x4000  }
0x13f: {  	s7 =	sshll.u32 s11, $0x4;
	[sflag:s20] =	ssyncset.done $0x0  }
0x140: {  	s7 =	sadd.s32 s9, s7;
	[sflag:s20] =	ssyncadd.s32 $0xFFFFC000  }
0x141: {  	[hbm4b:s7+s3] =	stream.linear.scatter [tilespmem:s19], [sflag:$0x2], $0x4000, $0x38;
	[tilespmem:$0x18880] =	vst v63  }
0x142: {  	_ =	swait.ge [sflag:s20], $0x4000  }
0x143: {  	[sflag:s20] =	ssyncset.done $0x0  }
0x144: {  	[sflag:s20] =	ssyncadd.s32 $0xFFFFC000  }
0x145: {  	[tilespmem:$0x4800] =	vst v39  }
0x146: {  	[tilespmem:$0x4810] =	vst v28  }
0x147: {  	[tilespmem:$0x4820] =	vst v29  }
0x148: {  	[tilespmem:$0x4830] =	vst v30  }
0x149: {  	[tilespmem:$0x4840] =	vst v31  }
0x14a: {  	[tilespmem:$0x4850] =	vst v32  }
0x14b: {  	[tilespmem:$0x4860] =	vst v33  }
0x14c: {  	[tilespmem:$0x4870] =	vst v34  }
0x14d: {  	[tilespmem:s19], [sflag:$0x2] =	stream.indirect.gather [spmem:s2], $0x80, s18, s17, $0xb8;
	[tilespmem:$0x18880] =	vst v63  }
0x14e: {  	s5 =	sadd.s32 s14, s5;
	_ =	swait.ge [sflag:s20], $0x4000  }
0x14f: {  	s5 =	sshll.u32 s5, $0x4;
	[sflag:s20] =	ssyncset.done $0x0  }
0x150: {  	s5 =	sadd.s32 s9, s5;
	[sflag:s20] =	ssyncadd.s32 $0xFFFFC000  }
0x151: {  	[hbm4b:s5+s3] =	stream.linear.scatter [tilespmem:s19], [sflag:$0x2], $0x4000, $0x38;
	[tilespmem:$0x18880] =	vst v63  }
.Ltmp3:
0x152: {  	_ =	swait.ge [sflag:s20], $0x4000;
	(pc) =	sbr.rel @p2 .LBB2_2-.Ltmp3, $4  }
0x153: {  	[sflag:s20] =	ssyncset.done $0x0  }
0x154: {  	[sflag:s20] =	ssyncadd.s32 $0xFFFFC000  }
0x155: {  	[bflag:$0x0] =	sbarrier.arrive $0xFFFF  }
0x156: {  	p3 =	por $0x0, $0x0;
	s5 =	simm.s32 $0x1  }
0x157: {  	s7 =	rddreg [dreg:$0xa]  }
0x158: {  	s5 =	rddreg [dreg:$0x7];
	s7 =	sadd.s32 $0x1, s7  }
0x159: {  	p2 =	sne.s32 s7, s5  }
.Ltmp4:
0x15a: {  	_ = 	snop;
	(pc) =	sbr.rel @p2 .LBB2_1-.Ltmp4, $1  }
0x15b: {  	_ =	sdelay $0x3  }
0x15c: {  	_ =	sfence.sel $0x180000  }
0x15d: {  	[bflag:$0x0] =	sbarrier.arrive $0xFFFF  }
0x15e: {  	_ =	strace $0x9000004A  }
0x15f: {  	s0 =	stileid.u32;
	[bflag:$0x2] =	sbarrier.arrive $0xFFFF  }
0x160: {  	p0 =	sne.s32 s0, $0x0;
	s0 =	rddreg [dreg:$0x3]  }
0x161: {  	s0 =	sadd.s32 @!p0 $0x100000, s0  }
0x162: {  	[sflag:s0] =	ssyncadd.tile.s32 @!p0 $0x1;
	_ =	shalt  }
.Lfunc_end2:
_tile_overlayer_lowered:
.L_overlay_start_2:
0x163: {  	(tag) =	ssettag $0x2  }
0x164: {  	s0 =	rddreg [dreg:$0x0];
	s2 =	stileid.u32  }
0x165: {  	s1 =	rddreg [dreg:$0x1];
	p0 =	sne.s32 s2, $0x0  }
0x166: {  	s3 =	rddreg [dreg:$0x2];
	[bflag:$0x3] =	sbarrier.arrive $0xFFFF;
	s2 =	simm.s32 @!p0 $0x1C02  }
0x167: {  	[timem:s3], [sflag:s2] =	dma.local @!p0 [hbm:s0], s1  }
0x168: {  	s0 =	simm.s32 @!p0 $0x2  }
0x169: {  	_ =	swait.ge @!p0 [sflag:s0], s1  }
0x16a: {  	s1 =	ssub.s32 @!p0 $0x0, s1;
	[sflag:s0] =	ssyncset.done @!p0 $0x0  }
0x16b: {  	[sflag:s0] =	ssyncadd.s32 @!p0 s1  }
0x16c: {  	[bflag:$0x3] =	sbarrier.arrive $0xFFFF  }
0x16d: {  	_ =	shalt  }

</sc_bundles>
